<compile_context>
chip_gen: v7x
topology: tpu7x:2x2x1
jax: 0.10.2.dev20260603
libtpu: 0.0.44.dev20260713+nightly
codegen_flags: <defaults>
</compile_context>

<pallas_src>
import jax
import jax.numpy as jnp
import numpy as np
from jax import lax
from jax.experimental import pallas as pl
from jax.experimental.pallas import tpu as pltpu
from jax.experimental.pallas import tpu_sc as plsc

N_BINS = 15
N = 4194304
N_SC = 3145728
N_TC = N - N_SC
L = 16
NC = 2
NS = 16
NW = NC * NS
W = N_SC // NW
CHUNK = 16384
NBUF = 2
N_CHUNKS = W // CHUNK
TC_BLK = 65536
TC_R = TC_BLK // 128
TC_STEPS = N_TC // TC_BLK
TC_ROW0 = N_SC // 128 // TC_R
BOUNDS = [float(x) for x in np.linspace(0.0, 1.0, 16, dtype=np.float32)]
VECS = CHUNK // L
HIST = L * N_BINS
NTAB = 8
UN = 16
PACK_SHIFT = 17
HIST_PAD = 256


def _sc_body(conf_hbm, pred_hbm, lab_hbm, out_i_hbm, out_c_hbm,
             conf_v, pred_v, lab_v, hist_i, hist_c, sems):
  wid = lax.axis_index("s") * NC + lax.axis_index("c")
  base = wid * W

  lane = jnp.arange(L, dtype=jnp.int32)
  lane_k = [lane + jnp.int32(k * HIST) for k in range(NTAB)]
  zero_i = jnp.zeros((L,), jnp.int32)
  zero_f = jnp.zeros((L,), jnp.float32)
  for b in range(NTAB * N_BINS):
    hist_i[pl.ds(b * L, L)] = zero_i
    hist_c[pl.ds(b * L, L)] = zero_f

  def copies(slot, ci):
    off = base + ci * CHUNK
    sl = pl.ds(off, CHUNK)
    return (
        pltpu.make_async_copy(conf_hbm.at[sl], conf_v.at[slot], sems.at[slot]),
        pltpu.make_async_copy(pred_hbm.at[sl], pred_v.at[slot], sems.at[slot]),
        pltpu.make_async_copy(lab_hbm.at[sl], lab_v.at[slot], sems.at[slot]),
    )

  for slot in range(NBUF):
    for cp in copies(slot, slot):
      cp.start()

  zero_f16 = jnp.zeros((L,), jnp.float32)
  max_bin = jnp.full((L,), N_BINS - 1, jnp.int32)
  pack0 = jnp.full((L,), 1 << PACK_SHIFT, jnp.int32)
  pack1 = jnp.full((L,), (1 << PACK_SHIFT) + 1, jnp.int32)
  nbins_f = jnp.full((L,), float(N_BINS), jnp.float32)

  def process(slot):
    @plsc.parallel_loop(0, VECS // UN, unroll=1)
    def vec_group(g):
      s0 = g * (L * UN)
      cs, ps, ys = [], [], []
      for k in range(UN):
        s = s0 + k * L
        cs.append(conf_v[slot, pl.ds(s, L)])
        ps.append(pred_v[slot, pl.ds(s, L)])
        ys.append(lab_v[slot, pl.ds(s, L)])
      addrs, packs, valids = [], [], []
      for k in range(UN):
        ti = (cs[k] * nbins_f).astype(jnp.int32)
        bin_ = jnp.minimum(ti, max_bin)
        valids.append(cs[k] > zero_f16)
        addrs.append(lane_k[k % NTAB] + (bin_ << 4))
        packs.append(jnp.where(ps[k] == ys[k], pack1, pack0))
      for k in range(UN):
        plsc.addupdate_scatter(hist_i, [addrs[k]], packs[k], mask=valids[k])
        plsc.addupdate_scatter(hist_c, [addrs[k]], cs[k], mask=valids[k])

  def round_body(k, _):
    ci0 = k * NBUF
    for slot in range(NBUF):
      ci = ci0 + slot
      for cp in copies(slot, ci):
        cp.wait()
      nxt = ci + NBUF

      @pl.when(nxt < N_CHUNKS)
      def _():
        for cp in copies(slot, nxt):
          cp.start()

      process(slot)
    return ()

  lax.fori_loop(0, N_CHUNKS // NBUF, round_body, ())

  for pos in range(N_BINS):
    ai = hist_i[pl.ds(pos * L, L)]
    ac = hist_c[pl.ds(pos * L, L)]
    for k in range(1, NTAB):
      ai = ai + hist_i[pl.ds(k * HIST + pos * L, L)]
      ac = ac + hist_c[pl.ds(k * HIST + pos * L, L)]
    hist_i[pl.ds(pos * L, L)] = ai
    hist_c[pl.ds(pos * L, L)] = ac

  pltpu.sync_copy(hist_i.at[pl.ds(0, HIST_PAD)], out_i_hbm.at[wid])
  pltpu.sync_copy(hist_c.at[pl.ds(0, HIST_PAD)], out_c_hbm.at[wid])


def _tc_hist_body(c_ref, p_ref, y_ref, out_ref):
  i = pl.program_id(0)
  c = c_ref[...]
  acc = (p_ref[...] == y_ref[...]).astype(jnp.float32)
  zero = jnp.zeros_like(c)
  xn, xs, xa = [], [], []
  for b in BOUNDS:
    m = c > b
    xn.append(jnp.sum(jnp.where(m, 1.0, 0.0)))
    xs.append(jnp.sum(jnp.where(m, c, zero)))
    xa.append(jnp.sum(jnp.where(m, acc, zero)))
  rows = jnp.stack([jnp.stack(xn), jnp.stack(xs), jnp.stack(xa)])

  @pl.when(i == 0)
  def _():
    out_ref[...] = jnp.zeros(out_ref.shape, out_ref.dtype)

  out_ref[...] += rows


def _combine_body(pi_ref, pc_ref, tc_ref, out_ref):
  vi = pi_ref[...]
  counts = (vi >> PACK_SHIFT).astype(jnp.float32)
  accs = (vi & jnp.int32((1 << PACK_SHIFT) - 1)).astype(jnp.float32)
  confs = pc_ref[...]
  cw = jnp.sum(counts, axis=0)
  aw = jnp.sum(accs, axis=0)
  sw = jnp.sum(confs, axis=0)
  tc = tc_ref[...]
  tc_cnt = tc[0, :N_BINS] - tc[0, 1:N_BINS + 1]
  tc_csum = tc[1, :N_BINS] - tc[1, 1:N_BINS + 1]
  tc_acc = tc[2, :N_BINS] - tc[2, 1:N_BINS + 1]
  cnt = jnp.stack([jnp.sum(cw[b * L:(b + 1) * L]) for b in range(N_BINS)]) + tc_cnt
  acc = jnp.stack([jnp.sum(aw[b * L:(b + 1) * L]) for b in range(N_BINS)]) + tc_acc
  csum = jnp.stack([jnp.sum(sw[b * L:(b + 1) * L]) for b in range(N_BINS)]) + tc_csum
  safe = jnp.maximum(cnt, 1.0)
  prop = cnt * jnp.float32(1.0 / N)
  contrib = jnp.abs(csum / safe - acc / safe) * prop
  contrib = jnp.where(prop > 0.0, contrib, 0.0)
  out_ref[0] = jnp.sum(contrib)


@jax.jit
def kernel(confidences, predictions, labels):
  mesh = plsc.VectorSubcoreMesh(core_axis_name="c", subcore_axis_name="s")
  sc = pl.kernel(
      _sc_body,
      out_type=(
          jax.ShapeDtypeStruct((NW, HIST_PAD), jnp.int32),
          jax.ShapeDtypeStruct((NW, HIST_PAD), jnp.float32),
      ),
      mesh=mesh,
      compiler_params=pltpu.CompilerParams(needs_layout_passes=False),
      scratch_types=[
          pltpu.VMEM((NBUF, CHUNK), jnp.float32),
          pltpu.VMEM((NBUF, CHUNK), jnp.int32),
          pltpu.VMEM((NBUF, CHUNK), jnp.int32),
          pltpu.VMEM((NTAB * HIST + HIST_PAD - HIST,), jnp.int32),
          pltpu.VMEM((NTAB * HIST + HIST_PAD - HIST,), jnp.float32),
          pltpu.SemaphoreType.DMA((NBUF,)),
      ],
  )
  part_i, part_c = sc(confidences, predictions, labels)
  c2 = confidences.reshape(N // 128, 128)
  p2 = predictions.reshape(N // 128, 128)
  y2 = labels.reshape(N // 128, 128)
  blk = lambda i: (TC_ROW0 + i, 0)
  tc_sums = pl.pallas_call(
      _tc_hist_body,
      grid=(TC_STEPS,),
      in_specs=[
          pl.BlockSpec((TC_R, 128), blk),
          pl.BlockSpec((TC_R, 128), blk),
          pl.BlockSpec((TC_R, 128), blk),
      ],
      out_specs=pl.BlockSpec((3, 16), lambda i: (0, 0)),
      out_shape=jax.ShapeDtypeStruct((3, 16), jnp.float32),
  )(c2, p2, y2)
  ece = pl.pallas_call(
      _combine_body,
      out_shape=jax.ShapeDtypeStruct((1,), jnp.float32),
      out_specs=pl.BlockSpec(memory_space=pltpu.SMEM),
  )(part_i, part_c, tc_sums)
  return ece

# --- scband reference (transcript-rebuilt; emitter-appended) ---
"""Pipeline reference for scband-eceloss-83373905150588 (READ-ONLY COPY).

The authoritative reference and input builder live on the scoring server;
editing this copy changes nothing except your own understanding.
"""

import jax, jax.numpy as jnp
import numpy as np

N_BINS = 15
N = 4194304
NUM_CLASSES = 1000

def setup_inputs(seed: int = 0) -> dict:
    key = jax.random.key(seed)
    k1, k2, k3 = jax.random.split(key, 3)
    confidences = jax.random.uniform(k1, (N,), dtype=jnp.float32)
    predictions = jax.random.randint(k2, (N,), 0, NUM_CLASSES, dtype=jnp.int32)
    labels = jax.random.randint(k3, (N,), 0, NUM_CLASSES, dtype=jnp.int32)
    return {"confidences": confidences, "predictions": predictions, "labels": labels}

def reference(confidences, predictions, labels):
    bin_boundaries = jnp.linspace(0.0, 1.0, N_BINS + 1)
    bin_lowers = bin_boundaries[:-1]
    bin_uppers = bin_boundaries[1:]
    accuracies = (predictions == labels).astype(jnp.float32)
    ece = jnp.zeros((1,), dtype=jnp.float32)
    for i in range(N_BINS):
        lo = bin_lowers[i]
        hi = bin_uppers[i]
        in_bin = (confidences > lo) & (confidences <= hi)
        in_bin_f = in_bin.astype(jnp.float32)
        prop_in_bin = jnp.mean(in_bin_f)
        cnt = jnp.sum(in_bin_f)
        safe_cnt = jnp.maximum(cnt, 1.0)
        accuracy_in_bin = jnp.sum(accuracies * in_bin_f) / safe_cnt
        avg_confidence_in_bin = jnp.sum(confidences * in_bin_f) / safe_cnt
        contrib = jnp.abs(avg_confidence_in_bin - accuracy_in_bin) * prop_in_bin
        ece = ece + jnp.where(prop_in_bin > 0.0, contrib, 0.0)
    return ece

if __name__ == "__main__":
    import jax
    _d = setup_inputs()
    print(jax.jit(kernel)(*tuple(_d.values())))

</pallas_src>

<mosaic_0001>
#map = affine_map<(d0, d1) -> (0)>
#map1 = affine_map<(d0, d1) -> (0, 0)>
module attributes {stable_mosaic.version = 14 : i64} {
  func.func @_sc_body(%arg0: i32, %arg1: i32, %arg2: memref<4194304xf32, #tpu.memory_space<hbm>>, %arg3: memref<4194304xi32, #tpu.memory_space<hbm>>, %arg4: memref<4194304xi32, #tpu.memory_space<hbm>>, %arg5: memref<32x256xi32, #tpu.memory_space<hbm>>, %arg6: memref<32x256xf32, #tpu.memory_space<hbm>>, %arg7: memref<2x16384xf32, #tpu.memory_space<vmem>>, %arg8: memref<2x16384xi32, #tpu.memory_space<vmem>>, %arg9: memref<2x16384xi32, #tpu.memory_space<vmem>>, %arg10: memref<1936xi32, #tpu.memory_space<vmem>>, %arg11: memref<1936xf32, #tpu.memory_space<vmem>>, %arg12: memref<2x!tpu.dma_semaphore, #tpu.memory_space<semaphore_mem>>) attributes {dimension_semantics = [#tpu.dimension_semantics<core_parallel>, #tpu.dimension_semantics<subcore_parallel>], iteration_bounds = array<i64: 2, 16>, scalar_prefetch = 0 : i64, scratch_operands = 6 : i64, tpu.core_type = #tpu.core_type<sc_vector_subcore>, window_params = [{transform_indices = #map}, {transform_indices = #map}, {transform_indices = #map}, {transform_indices = #map1}, {transform_indices = #map1}]} {
    %mul3A = arith.constant 2 : i32
    %mul3A_0 = arith.muli %arg1, %mul3A : i32
    %add3A = arith.addi %mul3A_0, %arg0 : i32
    %mul3A_1 = arith.constant 98304 : i32
    %mul3A_2 = arith.muli %add3A, %mul3A_1 : i32
    %iota3A = tpu.iota {dimensions = array<i32: 0>} : vector<16xi32>
    %add3A_3 = arith.constant 0 : i32
    %add3A_4 = vector.broadcast %add3A_3 : i32 to vector<16xi32>
    %add3A_5 = arith.addi %iota3A, %add3A_4 : vector<16xi32>
    %add3A_6 = arith.constant 240 : i32
    %add3A_7 = vector.broadcast %add3A_6 : i32 to vector<16xi32>
    %add3A_8 = arith.addi %iota3A, %add3A_7 : vector<16xi32>
    %add3A_9 = arith.constant 480 : i32
    %add3A_10 = vector.broadcast %add3A_9 : i32 to vector<16xi32>
    %add3A_11 = arith.addi %iota3A, %add3A_10 : vector<16xi32>
    %add3A_12 = arith.constant 720 : i32
    %add3A_13 = vector.broadcast %add3A_12 : i32 to vector<16xi32>
    %add3A_14 = arith.addi %iota3A, %add3A_13 : vector<16xi32>
    %add3A_15 = arith.constant 960 : i32
    %add3A_16 = vector.broadcast %add3A_15 : i32 to vector<16xi32>
    %add3A_17 = arith.addi %iota3A, %add3A_16 : vector<16xi32>
    %add3A_18 = arith.constant 1200 : i32
    %add3A_19 = vector.broadcast %add3A_18 : i32 to vector<16xi32>
    %add3A_20 = arith.addi %iota3A, %add3A_19 : vector<16xi32>
    %add3A_21 = arith.constant 1440 : i32
    %add3A_22 = vector.broadcast %add3A_21 : i32 to vector<16xi32>
    %add3A_23 = arith.addi %iota3A, %add3A_22 : vector<16xi32>
    %add3A_24 = arith.constant 1680 : i32
    %add3A_25 = vector.broadcast %add3A_24 : i32 to vector<16xi32>
    %add3A_26 = arith.addi %iota3A, %add3A_25 : vector<16xi32>
    %broadcast_in_dim3A = arith.constant 0 : i32
    %broadcast_in_dim3A_27 = vector.broadcast %broadcast_in_dim3A : i32 to vector<16xi32>
    %broadcast_in_dim3A_28 = arith.constant 0.000000e+00 : f32
    %broadcast_in_dim3A_29 = vector.broadcast %broadcast_in_dim3A_28 : f32 to vector<16xf32>
    %swap3A = arith.constant 0 : index
    %swap3A_30 = tpu.vector_load %arg10[%swap3A] {strides = array<i32>} : memref<1936xi32, #tpu.memory_space<vmem>>, vector<16xi32>,
    tpu.vector_store %arg10[%swap3A], %broadcast_in_dim3A_27 {strides = array<i32>} : memref<1936xi32, #tpu.memory_space<vmem>>, vector<16xi32>,
    %swap3A_31 = arith.constant 0 : index
    %swap3A_32 = tpu.vector_load %arg11[%swap3A_31] {strides = array<i32>} : memref<1936xf32, #tpu.memory_space<vmem>>, vector<16xf32>,
    tpu.vector_store %arg11[%swap3A_31], %broadcast_in_dim3A_29 {strides = array<i32>} : memref<1936xf32, #tpu.memory_space<vmem>>, vector<16xf32>,
    %swap3A_33 = arith.constant 16 : index
    %swap3A_34 = tpu.vector_load %arg10[%swap3A_33] {strides = array<i32>} : memref<1936xi32, #tpu.memory_space<vmem>>, vector<16xi32>,
    tpu.vector_store %arg10[%swap3A_33], %broadcast_in_dim3A_27 {strides = array<i32>} : memref<1936xi32, #tpu.memory_space<vmem>>, vector<16xi32>,
    %swap3A_35 = arith.constant 16 : index
    %swap3A_36 = tpu.vector_load %arg11[%swap3A_35] {strides = array<i32>} : memref<1936xf32, #tpu.memory_space<vmem>>, vector<16xf32>,
    tpu.vector_store %arg11[%swap3A_35], %broadcast_in_dim3A_29 {strides = array<i32>} : memref<1936xf32, #tpu.memory_space<vmem>>, vector<16xf32>,
    %swap3A_37 = arith.constant 32 : index
    %swap3A_38 = tpu.vector_load %arg10[%swap3A_37] {strides = array<i32>} : memref<1936xi32, #tpu.memory_space<vmem>>, vector<16xi32>,
    tpu.vector_store %arg10[%swap3A_37], %broadcast_in_dim3A_27 {strides = array<i32>} : memref<1936xi32, #tpu.memory_space<vmem>>, vector<16xi32>,
    %swap3A_39 = arith.constant 32 : index
    %swap3A_40 = tpu.vector_load %arg11[%swap3A_39] {strides = array<i32>} : memref<1936xf32, #tpu.memory_space<vmem>>, vector<16xf32>,
    tpu.vector_store %arg11[%swap3A_39], %broadcast_in_dim3A_29 {strides = array<i32>} : memref<1936xf32, #tpu.memory_space<vmem>>, vector<16xf32>,
    %swap3A_41 = arith.constant 48 : index
    %swap3A_42 = tpu.vector_load %arg10[%swap3A_41] {strides = array<i32>} : memref<1936xi32, #tpu.memory_space<vmem>>, vector<16xi32>,
    tpu.vector_store %arg10[%swap3A_41], %broadcast_in_dim3A_27 {strides = array<i32>} : memref<1936xi32, #tpu.memory_space<vmem>>, vector<16xi32>,
    %swap3A_43 = arith.constant 48 : index
    %swap3A_44 = tpu.vector_load %arg11[%swap3A_43] {strides = array<i32>} : memref<1936xf32, #tpu.memory_space<vmem>>, vector<16xf32>,
    tpu.vector_store %arg11[%swap3A_43], %broadcast_in_dim3A_29 {strides = array<i32>} : memref<1936xf32, #tpu.memory_space<vmem>>, vector<16xf32>,
    %swap3A_45 = arith.constant 64 : index
    %swap3A_46 = tpu.vector_load %arg10[%swap3A_45] {strides = array<i32>} : memref<1936xi32, #tpu.memory_space<vmem>>, vector<16xi32>,
    tpu.vector_store %arg10[%swap3A_45], %broadcast_in_dim3A_27 {strides = array<i32>} : memref<1936xi32, #tpu.memory_space<vmem>>, vector<16xi32>,
    %swap3A_47 = arith.constant 64 : index
    %swap3A_48 = tpu.vector_load %arg11[%swap3A_47] {strides = array<i32>} : memref<1936xf32, #tpu.memory_space<vmem>>, vector<16xf32>,
    tpu.vector_store %arg11[%swap3A_47], %broadcast_in_dim3A_29 {strides = array<i32>} : memref<1936xf32, #tpu.memory_space<vmem>>, vector<16xf32>,
    %swap3A_49 = arith.constant 80 : index
    %swap3A_50 = tpu.vector_load %arg10[%swap3A_49] {strides = array<i32>} : memref<1936xi32, #tpu.memory_space<vmem>>, vector<16xi32>,
    tpu.vector_store %arg10[%swap3A_49], %broadcast_in_dim3A_27 {strides = array<i32>} : memref<1936xi32, #tpu.memory_space<vmem>>, vector<16xi32>,
    %swap3A_51 = arith.constant 80 : index
    %swap3A_52 = tpu.vector_load %arg11[%swap3A_51] {strides = array<i32>} : memref<1936xf32, #tpu.memory_space<vmem>>, vector<16xf32>,
    tpu.vector_store %arg11[%swap3A_51], %broadcast_in_dim3A_29 {strides = array<i32>} : memref<1936xf32, #tpu.memory_space<vmem>>, vector<16xf32>,
    %swap3A_53 = arith.constant 96 : index
    %swap3A_54 = tpu.vector_load %arg10[%swap3A_53] {strides = array<i32>} : memref<1936xi32, #tpu.memory_space<vmem>>, vector<16xi32>,
    tpu.vector_store %arg10[%swap3A_53], %broadcast_in_dim3A_27 {strides = array<i32>} : memref<1936xi32, #tpu.memory_space<vmem>>, vector<16xi32>,
    %swap3A_55 = arith.constant 96 : index
    %swap3A_56 = tpu.vector_load %arg11[%swap3A_55] {strides = array<i32>} : memref<1936xf32, #tpu.memory_space<vmem>>, vector<16xf32>,
    tpu.vector_store %arg11[%swap3A_55], %broadcast_in_dim3A_29 {strides = array<i32>} : memref<1936xf32, #tpu.memory_space<vmem>>, vector<16xf32>,
    %swap3A_57 = arith.constant 112 : index
    %swap3A_58 = tpu.vector_load %arg10[%swap3A_57] {strides = array<i32>} : memref<1936xi32, #tpu.memory_space<vmem>>, vector<16xi32>,
    tpu.vector_store %arg10[%swap3A_57], %broadcast_in_dim3A_27 {strides = array<i32>} : memref<1936xi32, #tpu.memory_space<vmem>>, vector<16xi32>,
    %swap3A_59 = arith.constant 112 : index
    %swap3A_60 = tpu.vector_load %arg11[%swap3A_59] {strides = array<i32>} : memref<1936xf32, #tpu.memory_space<vmem>>, vector<16xf32>,
    tpu.vector_store %arg11[%swap3A_59], %broadcast_in_dim3A_29 {strides = array<i32>} : memref<1936xf32, #tpu.memory_space<vmem>>, vector<16xf32>,
    %swap3A_61 = arith.constant 128 : index
    %swap3A_62 = tpu.vector_load %arg10[%swap3A_61] {strides = array<i32>} : memref<1936xi32, #tpu.memory_space<vmem>>, vector<16xi32>,
    tpu.vector_store %arg10[%swap3A_61], %broadcast_in_dim3A_27 {strides = array<i32>} : memref<1936xi32, #tpu.memory_space<vmem>>, vector<16xi32>,
    %swap3A_63 = arith.constant 128 : index
    %swap3A_64 = tpu.vector_load %arg11[%swap3A_63] {strides = array<i32>} : memref<1936xf32, #tpu.memory_space<vmem>>, vector<16xf32>,
    tpu.vector_store %arg11[%swap3A_63], %broadcast_in_dim3A_29 {strides = array<i32>} : memref<1936xf32, #tpu.memory_space<vmem>>, vector<16xf32>,
    %swap3A_65 = arith.constant 144 : index
    %swap3A_66 = tpu.vector_load %arg10[%swap3A_65] {strides = array<i32>} : memref<1936xi32, #tpu.memory_space<vmem>>, vector<16xi32>,
    tpu.vector_store %arg10[%swap3A_65], %broadcast_in_dim3A_27 {strides = array<i32>} : memref<1936xi32, #tpu.memory_space<vmem>>, vector<16xi32>,
    %swap3A_67 = arith.constant 144 : index
    %swap3A_68 = tpu.vector_load %arg11[%swap3A_67] {strides = array<i32>} : memref<1936xf32, #tpu.memory_space<vmem>>, vector<16xf32>,
    tpu.vector_store %arg11[%swap3A_67], %broadcast_in_dim3A_29 {strides = array<i32>} : memref<1936xf32, #tpu.memory_space<vmem>>, vector<16xf32>,
    %swap3A_69 = arith.constant 160 : index
    %swap3A_70 = tpu.vector_load %arg10[%swap3A_69] {strides = array<i32>} : memref<1936xi32, #tpu.memory_space<vmem>>, vector<16xi32>,
    tpu.vector_store %arg10[%swap3A_69], %broadcast_in_dim3A_27 {strides = array<i32>} : memref<1936xi32, #tpu.memory_space<vmem>>, vector<16xi32>,
    %swap3A_71 = arith.constant 160 : index
    %swap3A_72 = tpu.vector_load %arg11[%swap3A_71] {strides = array<i32>} : memref<1936xf32, #tpu.memory_space<vmem>>, vector<16xf32>,
    tpu.vector_store %arg11[%swap3A_71], %broadcast_in_dim3A_29 {strides = array<i32>} : memref<1936xf32, #tpu.memory_space<vmem>>, vector<16xf32>,
    %swap3A_73 = arith.constant 176 : index
    %swap3A_74 = tpu.vector_load %arg10[%swap3A_73] {strides = array<i32>} : memref<1936xi32, #tpu.memory_space<vmem>>, vector<16xi32>,
    tpu.vector_store %arg10[%swap3A_73], %broadcast_in_dim3A_27 {strides = array<i32>} : memref<1936xi32, #tpu.memory_space<vmem>>, vector<16xi32>,
    %swap3A_75 = arith.constant 176 : index
    %swap3A_76 = tpu.vector_load %arg11[%swap3A_75] {strides = array<i32>} : memref<1936xf32, #tpu.memory_space<vmem>>, vector<16xf32>,
    tpu.vector_store %arg11[%swap3A_75], %broadcast_in_dim3A_29 {strides = array<i32>} : memref<1936xf32, #tpu.memory_space<vmem>>, vector<16xf32>,
    %swap3A_77 = arith.constant 192 : index
    %swap3A_78 = tpu.vector_load %arg10[%swap3A_77] {strides = array<i32>} : memref<1936xi32, #tpu.memory_space<vmem>>, vector<16xi32>,
    tpu.vector_store %arg10[%swap3A_77], %broadcast_in_dim3A_27 {strides = array<i32>} : memref<1936xi32, #tpu.memory_space<vmem>>, vector<16xi32>,
    %swap3A_79 = arith.constant 192 : index
    %swap3A_80 = tpu.vector_load %arg11[%swap3A_79] {strides = array<i32>} : memref<1936xf32, #tpu.memory_space<vmem>>, vector<16xf32>,
    tpu.vector_store %arg11[%swap3A_79], %broadcast_in_dim3A_29 {strides = array<i32>} : memref<1936xf32, #tpu.memory_space<vmem>>, vector<16xf32>,
    %swap3A_81 = arith.constant 208 : index
    %swap3A_82 = tpu.vector_load %arg10[%swap3A_81] {strides = array<i32>} : memref<1936xi32, #tpu.memory_space<vmem>>, vector<16xi32>,
    tpu.vector_store %arg10[%swap3A_81], %broadcast_in_dim3A_27 {strides = array<i32>} : memref<1936xi32, #tpu.memory_space<vmem>>, vector<16xi32>,
    %swap3A_83 = arith.constant 208 : index
    %swap3A_84 = tpu.vector_load %arg11[%swap3A_83] {strides = array<i32>} : memref<1936xf32, #tpu.memory_space<vmem>>, vector<16xf32>,
    tpu.vector_store %arg11[%swap3A_83], %broadcast_in_dim3A_29 {strides = array<i32>} : memref<1936xf32, #tpu.memory_space<vmem>>, vector<16xf32>,
    %swap3A_85 = arith.constant 224 : index
    %swap3A_86 = tpu.vector_load %arg10[%swap3A_85] {strides = array<i32>} : memref<1936xi32, #tpu.memory_space<vmem>>, vector<16xi32>,
    tpu.vector_store %arg10[%swap3A_85], %broadcast_in_dim3A_27 {strides = array<i32>} : memref<1936xi32, #tpu.memory_space<vmem>>, vector<16xi32>,
    %swap3A_87 = arith.constant 224 : index
    %swap3A_88 = tpu.vector_load %arg11[%swap3A_87] {strides = array<i32>} : memref<1936xf32, #tpu.memory_space<vmem>>, vector<16xf32>,
    tpu.vector_store %arg11[%swap3A_87], %broadcast_in_dim3A_29 {strides = array<i32>} : memref<1936xf32, #tpu.memory_space<vmem>>, vector<16xf32>,
    %swap3A_89 = arith.constant 240 : index
    %swap3A_90 = tpu.vector_load %arg10[%swap3A_89] {strides = array<i32>} : memref<1936xi32, #tpu.memory_space<vmem>>, vector<16xi32>,
    tpu.vector_store %arg10[%swap3A_89], %broadcast_in_dim3A_27 {strides = array<i32>} : memref<1936xi32, #tpu.memory_space<vmem>>, vector<16xi32>,
    %swap3A_91 = arith.constant 240 : index
    %swap3A_92 = tpu.vector_load %arg11[%swap3A_91] {strides = array<i32>} : memref<1936xf32, #tpu.memory_space<vmem>>, vector<16xf32>,
    tpu.vector_store %arg11[%swap3A_91], %broadcast_in_dim3A_29 {strides = array<i32>} : memref<1936xf32, #tpu.memory_space<vmem>>, vector<16xf32>,
    %swap3A_93 = arith.constant 256 : index
    %swap3A_94 = tpu.vector_load %arg10[%swap3A_93] {strides = array<i32>} : memref<1936xi32, #tpu.memory_space<vmem>>, vector<16xi32>,
    tpu.vector_store %arg10[%swap3A_93], %broadcast_in_dim3A_27 {strides = array<i32>} : memref<1936xi32, #tpu.memory_space<vmem>>, vector<16xi32>,
    %swap3A_95 = arith.constant 256 : index
    %swap3A_96 = tpu.vector_load %arg11[%swap3A_95] {strides = array<i32>} : memref<1936xf32, #tpu.memory_space<vmem>>, vector<16xf32>,
    tpu.vector_store %arg11[%swap3A_95], %broadcast_in_dim3A_29 {strides = array<i32>} : memref<1936xf32, #tpu.memory_space<vmem>>, vector<16xf32>,
    %swap3A_97 = arith.constant 272 : index
    %swap3A_98 = tpu.vector_load %arg10[%swap3A_97] {strides = array<i32>} : memref<1936xi32, #tpu.memory_space<vmem>>, vector<16xi32>,
    tpu.vector_store %arg10[%swap3A_97], %broadcast_in_dim3A_27 {strides = array<i32>} : memref<1936xi32, #tpu.memory_space<vmem>>, vector<16xi32>,
    %swap3A_99 = arith.constant 272 : index
    %swap3A_100 = tpu.vector_load %arg11[%swap3A_99] {strides = array<i32>} : memref<1936xf32, #tpu.memory_space<vmem>>, vector<16xf32>,
    tpu.vector_store %arg11[%swap3A_99], %broadcast_in_dim3A_29 {strides = array<i32>} : memref<1936xf32, #tpu.memory_space<vmem>>, vector<16xf32>,
    %swap3A_101 = arith.constant 288 : index
    %swap3A_102 = tpu.vector_load %arg10[%swap3A_101] {strides = array<i32>} : memref<1936xi32, #tpu.memory_space<vmem>>, vector<16xi32>,
    tpu.vector_store %arg10[%swap3A_101], %broadcast_in_dim3A_27 {strides = array<i32>} : memref<1936xi32, #tpu.memory_space<vmem>>, vector<16xi32>,
    %swap3A_103 = arith.constant 288 : index
    %swap3A_104 = tpu.vector_load %arg11[%swap3A_103] {strides = array<i32>} : memref<1936xf32, #tpu.memory_space<vmem>>, vector<16xf32>,
    tpu.vector_store %arg11[%swap3A_103], %broadcast_in_dim3A_29 {strides = array<i32>} : memref<1936xf32, #tpu.memory_space<vmem>>, vector<16xf32>,
    %swap3A_105 = arith.constant 304 : index
    %swap3A_106 = tpu.vector_load %arg10[%swap3A_105] {strides = array<i32>} : memref<1936xi32, #tpu.memory_space<vmem>>, vector<16xi32>,
    tpu.vector_store %arg10[%swap3A_105], %broadcast_in_dim3A_27 {strides = array<i32>} : memref<1936xi32, #tpu.memory_space<vmem>>, vector<16xi32>,
    %swap3A_107 = arith.constant 304 : index
    %swap3A_108 = tpu.vector_load %arg11[%swap3A_107] {strides = array<i32>} : memref<1936xf32, #tpu.memory_space<vmem>>, vector<16xf32>,
    tpu.vector_store %arg11[%swap3A_107], %broadcast_in_dim3A_29 {strides = array<i32>} : memref<1936xf32, #tpu.memory_space<vmem>>, vector<16xf32>,
    %swap3A_109 = arith.constant 320 : index
    %swap3A_110 = tpu.vector_load %arg10[%swap3A_109] {strides = array<i32>} : memref<1936xi32, #tpu.memory_space<vmem>>, vector<16xi32>,
    tpu.vector_store %arg10[%swap3A_109], %broadcast_in_dim3A_27 {strides = array<i32>} : memref<1936xi32, #tpu.memory_space<vmem>>, vector<16xi32>,
    %swap3A_111 = arith.constant 320 : index
    %swap3A_112 = tpu.vector_load %arg11[%swap3A_111] {strides = array<i32>} : memref<1936xf32, #tpu.memory_space<vmem>>, vector<16xf32>,
    tpu.vector_store %arg11[%swap3A_111], %broadcast_in_dim3A_29 {strides = array<i32>} : memref<1936xf32, #tpu.memory_space<vmem>>, vector<16xf32>,
    %swap3A_113 = arith.constant 336 : index
    %swap3A_114 = tpu.vector_load %arg10[%swap3A_113] {strides = array<i32>} : memref<1936xi32, #tpu.memory_space<vmem>>, vector<16xi32>,
    tpu.vector_store %arg10[%swap3A_113], %broadcast_in_dim3A_27 {strides = array<i32>} : memref<1936xi32, #tpu.memory_space<vmem>>, vector<16xi32>,
    %swap3A_115 = arith.constant 336 : index
    %swap3A_116 = tpu.vector_load %arg11[%swap3A_115] {strides = array<i32>} : memref<1936xf32, #tpu.memory_space<vmem>>, vector<16xf32>,
    tpu.vector_store %arg11[%swap3A_115], %broadcast_in_dim3A_29 {strides = array<i32>} : memref<1936xf32, #tpu.memory_space<vmem>>, vector<16xf32>,
    %swap3A_117 = arith.constant 352 : index
    %swap3A_118 = tpu.vector_load %arg10[%swap3A_117] {strides = array<i32>} : memref<1936xi32, #tpu.memory_space<vmem>>, vector<16xi32>,
    tpu.vector_store %arg10[%swap3A_117], %broadcast_in_dim3A_27 {strides = array<i32>} : memref<1936xi32, #tpu.memory_space<vmem>>, vector<16xi32>,
    %swap3A_119 = arith.constant 352 : index
    %swap3A_120 = tpu.vector_load %arg11[%swap3A_119] {strides = array<i32>} : memref<1936xf32, #tpu.memory_space<vmem>>, vector<16xf32>,
    tpu.vector_store %arg11[%swap3A_119], %broadcast_in_dim3A_29 {strides = array<i32>} : memref<1936xf32, #tpu.memory_space<vmem>>, vector<16xf32>,
    %swap3A_121 = arith.constant 368 : index
    %swap3A_122 = tpu.vector_load %arg10[%swap3A_121] {strides = array<i32>} : memref<1936xi32, #tpu.memory_space<vmem>>, vector<16xi32>,
    tpu.vector_store %arg10[%swap3A_121], %broadcast_in_dim3A_27 {strides = array<i32>} : memref<1936xi32, #tpu.memory_space<vmem>>, vector<16xi32>,
    %swap3A_123 = arith.constant 368 : index
    %swap3A_124 = tpu.vector_load %arg11[%swap3A_123] {strides = array<i32>} : memref<1936xf32, #tpu.memory_space<vmem>>, vector<16xf32>,
    tpu.vector_store %arg11[%swap3A_123], %broadcast_in_dim3A_29 {strides = array<i32>} : memref<1936xf32, #tpu.memory_space<vmem>>, vector<16xf32>,
    %swap3A_125 = arith.constant 384 : index
    %swap3A_126 = tpu.vector_load %arg10[%swap3A_125] {strides = array<i32>} : memref<1936xi32, #tpu.memory_space<vmem>>, vector<16xi32>,
    tpu.vector_store %arg10[%swap3A_125], %broadcast_in_dim3A_27 {strides = array<i32>} : memref<1936xi32, #tpu.memory_space<vmem>>, vector<16xi32>,
    %swap3A_127 = arith.constant 384 : index
    %swap3A_128 = tpu.vector_load %arg11[%swap3A_127] {strides = array<i32>} : memref<1936xf32, #tpu.memory_space<vmem>>, vector<16xf32>,
    tpu.vector_store %arg11[%swap3A_127], %broadcast_in_dim3A_29 {strides = array<i32>} : memref<1936xf32, #tpu.memory_space<vmem>>, vector<16xf32>,
    %swap3A_129 = arith.constant 400 : index
    %swap3A_130 = tpu.vector_load %arg10[%swap3A_129] {strides = array<i32>} : memref<1936xi32, #tpu.memory_space<vmem>>, vector<16xi32>,
    tpu.vector_store %arg10[%swap3A_129], %broadcast_in_dim3A_27 {strides = array<i32>} : memref<1936xi32, #tpu.memory_space<vmem>>, vector<16xi32>,
    %swap3A_131 = arith.constant 400 : index
    %swap3A_132 = tpu.vector_load %arg11[%swap3A_131] {strides = array<i32>} : memref<1936xf32, #tpu.memory_space<vmem>>, vector<16xf32>,
    tpu.vector_store %arg11[%swap3A_131], %broadcast_in_dim3A_29 {strides = array<i32>} : memref<1936xf32, #tpu.memory_space<vmem>>, vector<16xf32>,
    %swap3A_133 = arith.constant 416 : index
    %swap3A_134 = tpu.vector_load %arg10[%swap3A_133] {strides = array<i32>} : memref<1936xi32, #tpu.memory_space<vmem>>, vector<16xi32>,
    tpu.vector_store %arg10[%swap3A_133], %broadcast_in_dim3A_27 {strides = array<i32>} : memref<1936xi32, #tpu.memory_space<vmem>>, vector<16xi32>,
    %swap3A_135 = arith.constant 416 : index
    %swap3A_136 = tpu.vector_load %arg11[%swap3A_135] {strides = array<i32>} : memref<1936xf32, #tpu.memory_space<vmem>>, vector<16xf32>,
    tpu.vector_store %arg11[%swap3A_135], %broadcast_in_dim3A_29 {strides = array<i32>} : memref<1936xf32, #tpu.memory_space<vmem>>, vector<16xf32>,
    %swap3A_137 = arith.constant 432 : index
    %swap3A_138 = tpu.vector_load %arg10[%swap3A_137] {strides = array<i32>} : memref<1936xi32, #tpu.memory_space<vmem>>, vector<16xi32>,
    tpu.vector_store %arg10[%swap3A_137], %broadcast_in_dim3A_27 {strides = array<i32>} : memref<1936xi32, #tpu.memory_space<vmem>>, vector<16xi32>,
    %swap3A_139 = arith.constant 432 : index
    %swap3A_140 = tpu.vector_load %arg11[%swap3A_139] {strides = array<i32>} : memref<1936xf32, #tpu.memory_space<vmem>>, vector<16xf32>,
    tpu.vector_store %arg11[%swap3A_139], %broadcast_in_dim3A_29 {strides = array<i32>} : memref<1936xf32, #tpu.memory_space<vmem>>, vector<16xf32>,
    %swap3A_141 = arith.constant 448 : index
    %swap3A_142 = tpu.vector_load %arg10[%swap3A_141] {strides = array<i32>} : memref<1936xi32, #tpu.memory_space<vmem>>, vector<16xi32>,
    tpu.vector_store %arg10[%swap3A_141], %broadcast_in_dim3A_27 {strides = array<i32>} : memref<1936xi32, #tpu.memory_space<vmem>>, vector<16xi32>,
    %swap3A_143 = arith.constant 448 : index
    %swap3A_144 = tpu.vector_load %arg11[%swap3A_143] {strides = array<i32>} : memref<1936xf32, #tpu.memory_space<vmem>>, vector<16xf32>,
    tpu.vector_store %arg11[%swap3A_143], %broadcast_in_dim3A_29 {strides = array<i32>} : memref<1936xf32, #tpu.memory_space<vmem>>, vector<16xf32>,
    %swap3A_145 = arith.constant 464 : index
    %swap3A_146 = tpu.vector_load %arg10[%swap3A_145] {strides = array<i32>} : memref<1936xi32, #tpu.memory_space<vmem>>, vector<16xi32>,
    tpu.vector_store %arg10[%swap3A_145], %broadcast_in_dim3A_27 {strides = array<i32>} : memref<1936xi32, #tpu.memory_space<vmem>>, vector<16xi32>,
    %swap3A_147 = arith.constant 464 : index
    %swap3A_148 = tpu.vector_load %arg11[%swap3A_147] {strides = array<i32>} : memref<1936xf32, #tpu.memory_space<vmem>>, vector<16xf32>,
    tpu.vector_store %arg11[%swap3A_147], %broadcast_in_dim3A_29 {strides = array<i32>} : memref<1936xf32, #tpu.memory_space<vmem>>, vector<16xf32>,
    %swap3A_149 = arith.constant 480 : index
    %swap3A_150 = tpu.vector_load %arg10[%swap3A_149] {strides = array<i32>} : memref<1936xi32, #tpu.memory_space<vmem>>, vector<16xi32>,
    tpu.vector_store %arg10[%swap3A_149], %broadcast_in_dim3A_27 {strides = array<i32>} : memref<1936xi32, #tpu.memory_space<vmem>>, vector<16xi32>,
    %swap3A_151 = arith.constant 480 : index
    %swap3A_152 = tpu.vector_load %arg11[%swap3A_151] {strides = array<i32>} : memref<1936xf32, #tpu.memory_space<vmem>>, vector<16xf32>,
    tpu.vector_store %arg11[%swap3A_151], %broadcast_in_dim3A_29 {strides = array<i32>} : memref<1936xf32, #tpu.memory_space<vmem>>, vector<16xf32>,
    %swap3A_153 = arith.constant 496 : index
    %swap3A_154 = tpu.vector_load %arg10[%swap3A_153] {strides = array<i32>} : memref<1936xi32, #tpu.memory_space<vmem>>, vector<16xi32>,
    tpu.vector_store %arg10[%swap3A_153], %broadcast_in_dim3A_27 {strides = array<i32>} : memref<1936xi32, #tpu.memory_space<vmem>>, vector<16xi32>,
    %swap3A_155 = arith.constant 496 : index
    %swap3A_156 = tpu.vector_load %arg11[%swap3A_155] {strides = array<i32>} : memref<1936xf32, #tpu.memory_space<vmem>>, vector<16xf32>,
    tpu.vector_store %arg11[%swap3A_155], %broadcast_in_dim3A_29 {strides = array<i32>} : memref<1936xf32, #tpu.memory_space<vmem>>, vector<16xf32>,
    %swap3A_157 = arith.constant 512 : index
    %swap3A_158 = tpu.vector_load %arg10[%swap3A_157] {strides = array<i32>} : memref<1936xi32, #tpu.memory_space<vmem>>, vector<16xi32>,
    tpu.vector_store %arg10[%swap3A_157], %broadcast_in_dim3A_27 {strides = array<i32>} : memref<1936xi32, #tpu.memory_space<vmem>>, vector<16xi32>,
    %swap3A_159 = arith.constant 512 : index
    %swap3A_160 = tpu.vector_load %arg11[%swap3A_159] {strides = array<i32>} : memref<1936xf32, #tpu.memory_space<vmem>>, vector<16xf32>,
    tpu.vector_store %arg11[%swap3A_159], %broadcast_in_dim3A_29 {strides = array<i32>} : memref<1936xf32, #tpu.memory_space<vmem>>, vector<16xf32>,
    %swap3A_161 = arith.constant 528 : index
    %swap3A_162 = tpu.vector_load %arg10[%swap3A_161] {strides = array<i32>} : memref<1936xi32, #tpu.memory_space<vmem>>, vector<16xi32>,
    tpu.vector_store %arg10[%swap3A_161], %broadcast_in_dim3A_27 {strides = array<i32>} : memref<1936xi32, #tpu.memory_space<vmem>>, vector<16xi32>,
    %swap3A_163 = arith.constant 528 : index
    %swap3A_164 = tpu.vector_load %arg11[%swap3A_163] {strides = array<i32>} : memref<1936xf32, #tpu.memory_space<vmem>>, vector<16xf32>,
    tpu.vector_store %arg11[%swap3A_163], %broadcast_in_dim3A_29 {strides = array<i32>} : memref<1936xf32, #tpu.memory_space<vmem>>, vector<16xf32>,
    %swap3A_165 = arith.constant 544 : index
    %swap3A_166 = tpu.vector_load %arg10[%swap3A_165] {strides = array<i32>} : memref<1936xi32, #tpu.memory_space<vmem>>, vector<16xi32>,
    tpu.vector_store %arg10[%swap3A_165], %broadcast_in_dim3A_27 {strides = array<i32>} : memref<1936xi32, #tpu.memory_space<vmem>>, vector<16xi32>,
    %swap3A_167 = arith.constant 544 : index
    %swap3A_168 = tpu.vector_load %arg11[%swap3A_167] {strides = array<i32>} : memref<1936xf32, #tpu.memory_space<vmem>>, vector<16xf32>,
    tpu.vector_store %arg11[%swap3A_167], %broadcast_in_dim3A_29 {strides = array<i32>} : memref<1936xf32, #tpu.memory_space<vmem>>, vector<16xf32>,
    %swap3A_169 = arith.constant 560 : index
    %swap3A_170 = tpu.vector_load %arg10[%swap3A_169] {strides = array<i32>} : memref<1936xi32, #tpu.memory_space<vmem>>, vector<16xi32>,
    tpu.vector_store %arg10[%swap3A_169], %broadcast_in_dim3A_27 {strides = array<i32>} : memref<1936xi32, #tpu.memory_space<vmem>>, vector<16xi32>,
    %swap3A_171 = arith.constant 560 : index
    %swap3A_172 = tpu.vector_load %arg11[%swap3A_171] {strides = array<i32>} : memref<1936xf32, #tpu.memory_space<vmem>>, vector<16xf32>,
    tpu.vector_store %arg11[%swap3A_171], %broadcast_in_dim3A_29 {strides = array<i32>} : memref<1936xf32, #tpu.memory_space<vmem>>, vector<16xf32>,
    %swap3A_173 = arith.constant 576 : index
    %swap3A_174 = tpu.vector_load %arg10[%swap3A_173] {strides = array<i32>} : memref<1936xi32, #tpu.memory_space<vmem>>, vector<16xi32>,
    tpu.vector_store %arg10[%swap3A_173], %broadcast_in_dim3A_27 {strides = array<i32>} : memref<1936xi32, #tpu.memory_space<vmem>>, vector<16xi32>,
    %swap3A_175 = arith.constant 576 : index
    %swap3A_176 = tpu.vector_load %arg11[%swap3A_175] {strides = array<i32>} : memref<1936xf32, #tpu.memory_space<vmem>>, vector<16xf32>,
    tpu.vector_store %arg11[%swap3A_175], %broadcast_in_dim3A_29 {strides = array<i32>} : memref<1936xf32, #tpu.memory_space<vmem>>, vector<16xf32>,
    %swap3A_177 = arith.constant 592 : index
    %swap3A_178 = tpu.vector_load %arg10[%swap3A_177] {strides = array<i32>} : memref<1936xi32, #tpu.memory_space<vmem>>, vector<16xi32>,
    tpu.vector_store %arg10[%swap3A_177], %broadcast_in_dim3A_27 {strides = array<i32>} : memref<1936xi32, #tpu.memory_space<vmem>>, vector<16xi32>,
    %swap3A_179 = arith.constant 592 : index
    %swap3A_180 = tpu.vector_load %arg11[%swap3A_179] {strides = array<i32>} : memref<1936xf32, #tpu.memory_space<vmem>>, vector<16xf32>,
    tpu.vector_store %arg11[%swap3A_179], %broadcast_in_dim3A_29 {strides = array<i32>} : memref<1936xf32, #tpu.memory_space<vmem>>, vector<16xf32>,
    %swap3A_181 = arith.constant 608 : index
    %swap3A_182 = tpu.vector_load %arg10[%swap3A_181] {strides = array<i32>} : memref<1936xi32, #tpu.memory_space<vmem>>, vector<16xi32>,
    tpu.vector_store %arg10[%swap3A_181], %broadcast_in_dim3A_27 {strides = array<i32>} : memref<1936xi32, #tpu.memory_space<vmem>>, vector<16xi32>,
    %swap3A_183 = arith.constant 608 : index
    %swap3A_184 = tpu.vector_load %arg11[%swap3A_183] {strides = array<i32>} : memref<1936xf32, #tpu.memory_space<vmem>>, vector<16xf32>,
    tpu.vector_store %arg11[%swap3A_183], %broadcast_in_dim3A_29 {strides = array<i32>} : memref<1936xf32, #tpu.memory_space<vmem>>, vector<16xf32>,
    %swap3A_185 = arith.constant 624 : index
    %swap3A_186 = tpu.vector_load %arg10[%swap3A_185] {strides = array<i32>} : memref<1936xi32, #tpu.memory_space<vmem>>, vector<16xi32>,
    tpu.vector_store %arg10[%swap3A_185], %broadcast_in_dim3A_27 {strides = array<i32>} : memref<1936xi32, #tpu.memory_space<vmem>>, vector<16xi32>,
    %swap3A_187 = arith.constant 624 : index
    %swap3A_188 = tpu.vector_load %arg11[%swap3A_187] {strides = array<i32>} : memref<1936xf32, #tpu.memory_space<vmem>>, vector<16xf32>,
    tpu.vector_store %arg11[%swap3A_187], %broadcast_in_dim3A_29 {strides = array<i32>} : memref<1936xf32, #tpu.memory_space<vmem>>, vector<16xf32>,
    %swap3A_189 = arith.constant 640 : index
    %swap3A_190 = tpu.vector_load %arg10[%swap3A_189] {strides = array<i32>} : memref<1936xi32, #tpu.memory_space<vmem>>, vector<16xi32>,
    tpu.vector_store %arg10[%swap3A_189], %broadcast_in_dim3A_27 {strides = array<i32>} : memref<1936xi32, #tpu.memory_space<vmem>>, vector<16xi32>,
    %swap3A_191 = arith.constant 640 : index
    %swap3A_192 = tpu.vector_load %arg11[%swap3A_191] {strides = array<i32>} : memref<1936xf32, #tpu.memory_space<vmem>>, vector<16xf32>,
    tpu.vector_store %arg11[%swap3A_191], %broadcast_in_dim3A_29 {strides = array<i32>} : memref<1936xf32, #tpu.memory_space<vmem>>, vector<16xf32>,
    %swap3A_193 = arith.constant 656 : index
    %swap3A_194 = tpu.vector_load %arg10[%swap3A_193] {strides = array<i32>} : memref<1936xi32, #tpu.memory_space<vmem>>, vector<16xi32>,
    tpu.vector_store %arg10[%swap3A_193], %broadcast_in_dim3A_27 {strides = array<i32>} : memref<1936xi32, #tpu.memory_space<vmem>>, vector<16xi32>,
    %swap3A_195 = arith.constant 656 : index
    %swap3A_196 = tpu.vector_load %arg11[%swap3A_195] {strides = array<i32>} : memref<1936xf32, #tpu.memory_space<vmem>>, vector<16xf32>,
    tpu.vector_store %arg11[%swap3A_195], %broadcast_in_dim3A_29 {strides = array<i32>} : memref<1936xf32, #tpu.memory_space<vmem>>, vector<16xf32>,
    %swap3A_197 = arith.constant 672 : index
    %swap3A_198 = tpu.vector_load %arg10[%swap3A_197] {strides = array<i32>} : memref<1936xi32, #tpu.memory_space<vmem>>, vector<16xi32>,
    tpu.vector_store %arg10[%swap3A_197], %broadcast_in_dim3A_27 {strides = array<i32>} : memref<1936xi32, #tpu.memory_space<vmem>>, vector<16xi32>,
    %swap3A_199 = arith.constant 672 : index
    %swap3A_200 = tpu.vector_load %arg11[%swap3A_199] {strides = array<i32>} : memref<1936xf32, #tpu.memory_space<vmem>>, vector<16xf32>,
    tpu.vector_store %arg11[%swap3A_199], %broadcast_in_dim3A_29 {strides = array<i32>} : memref<1936xf32, #tpu.memory_space<vmem>>, vector<16xf32>,
    %swap3A_201 = arith.constant 688 : index
    %swap3A_202 = tpu.vector_load %arg10[%swap3A_201] {strides = array<i32>} : memref<1936xi32, #tpu.memory_space<vmem>>, vector<16xi32>,
    tpu.vector_store %arg10[%swap3A_201], %broadcast_in_dim3A_27 {strides = array<i32>} : memref<1936xi32, #tpu.memory_space<vmem>>, vector<16xi32>,
    %swap3A_203 = arith.constant 688 : index
    %swap3A_204 = tpu.vector_load %arg11[%swap3A_203] {strides = array<i32>} : memref<1936xf32, #tpu.memory_space<vmem>>, vector<16xf32>,
    tpu.vector_store %arg11[%swap3A_203], %broadcast_in_dim3A_29 {strides = array<i32>} : memref<1936xf32, #tpu.memory_space<vmem>>, vector<16xf32>,
    %swap3A_205 = arith.constant 704 : index
    %swap3A_206 = tpu.vector_load %arg10[%swap3A_205] {strides = array<i32>} : memref<1936xi32, #tpu.memory_space<vmem>>, vector<16xi32>,
    tpu.vector_store %arg10[%swap3A_205], %broadcast_in_dim3A_27 {strides = array<i32>} : memref<1936xi32, #tpu.memory_space<vmem>>, vector<16xi32>,
    %swap3A_207 = arith.constant 704 : index
    %swap3A_208 = tpu.vector_load %arg11[%swap3A_207] {strides = array<i32>} : memref<1936xf32, #tpu.memory_space<vmem>>, vector<16xf32>,
    tpu.vector_store %arg11[%swap3A_207], %broadcast_in_dim3A_29 {strides = array<i32>} : memref<1936xf32, #tpu.memory_space<vmem>>, vector<16xf32>,
    %swap3A_209 = arith.constant 720 : index
    %swap3A_210 = tpu.vector_load %arg10[%swap3A_209] {strides = array<i32>} : memref<1936xi32, #tpu.memory_space<vmem>>, vector<16xi32>,
    tpu.vector_store %arg10[%swap3A_209], %broadcast_in_dim3A_27 {strides = array<i32>} : memref<1936xi32, #tpu.memory_space<vmem>>, vector<16xi32>,
    %swap3A_211 = arith.constant 720 : index
    %swap3A_212 = tpu.vector_load %arg11[%swap3A_211] {strides = array<i32>} : memref<1936xf32, #tpu.memory_space<vmem>>, vector<16xf32>,
    tpu.vector_store %arg11[%swap3A_211], %broadcast_in_dim3A_29 {strides = array<i32>} : memref<1936xf32, #tpu.memory_space<vmem>>, vector<16xf32>,
    %swap3A_213 = arith.constant 736 : index
    %swap3A_214 = tpu.vector_load %arg10[%swap3A_213] {strides = array<i32>} : memref<1936xi32, #tpu.memory_space<vmem>>, vector<16xi32>,
    tpu.vector_store %arg10[%swap3A_213], %broadcast_in_dim3A_27 {strides = array<i32>} : memref<1936xi32, #tpu.memory_space<vmem>>, vector<16xi32>,
    %swap3A_215 = arith.constant 736 : index
    %swap3A_216 = tpu.vector_load %arg11[%swap3A_215] {strides = array<i32>} : memref<1936xf32, #tpu.memory_space<vmem>>, vector<16xf32>,
    tpu.vector_store %arg11[%swap3A_215], %broadcast_in_dim3A_29 {strides = array<i32>} : memref<1936xf32, #tpu.memory_space<vmem>>, vector<16xf32>,
    %swap3A_217 = arith.constant 752 : index
    %swap3A_218 = tpu.vector_load %arg10[%swap3A_217] {strides = array<i32>} : memref<1936xi32, #tpu.memory_space<vmem>>, vector<16xi32>,
    tpu.vector_store %arg10[%swap3A_217], %broadcast_in_dim3A_27 {strides = array<i32>} : memref<1936xi32, #tpu.memory_space<vmem>>, vector<16xi32>,
    %swap3A_219 = arith.constant 752 : index
    %swap3A_220 = tpu.vector_load %arg11[%swap3A_219] {strides = array<i32>} : memref<1936xf32, #tpu.memory_space<vmem>>, vector<16xf32>,
    tpu.vector_store %arg11[%swap3A_219], %broadcast_in_dim3A_29 {strides = array<i32>} : memref<1936xf32, #tpu.memory_space<vmem>>, vector<16xf32>,
    %swap3A_221 = arith.constant 768 : index
    %swap3A_222 = tpu.vector_load %arg10[%swap3A_221] {strides = array<i32>} : memref<1936xi32, #tpu.memory_space<vmem>>, vector<16xi32>,
    tpu.vector_store %arg10[%swap3A_221], %broadcast_in_dim3A_27 {strides = array<i32>} : memref<1936xi32, #tpu.memory_space<vmem>>, vector<16xi32>,
    %swap3A_223 = arith.constant 768 : index
    %swap3A_224 = tpu.vector_load %arg11[%swap3A_223] {strides = array<i32>} : memref<1936xf32, #tpu.memory_space<vmem>>, vector<16xf32>,
    tpu.vector_store %arg11[%swap3A_223], %broadcast_in_dim3A_29 {strides = array<i32>} : memref<1936xf32, #tpu.memory_space<vmem>>, vector<16xf32>,
    %swap3A_225 = arith.constant 784 : index
    %swap3A_226 = tpu.vector_load %arg10[%swap3A_225] {strides = array<i32>} : memref<1936xi32, #tpu.memory_space<vmem>>, vector<16xi32>,
    tpu.vector_store %arg10[%swap3A_225], %broadcast_in_dim3A_27 {strides = array<i32>} : memref<1936xi32, #tpu.memory_space<vmem>>, vector<16xi32>,
    %swap3A_227 = arith.constant 784 : index
    %swap3A_228 = tpu.vector_load %arg11[%swap3A_227] {strides = array<i32>} : memref<1936xf32, #tpu.memory_space<vmem>>, vector<16xf32>,
    tpu.vector_store %arg11[%swap3A_227], %broadcast_in_dim3A_29 {strides = array<i32>} : memref<1936xf32, #tpu.memory_space<vmem>>, vector<16xf32>,
    %swap3A_229 = arith.constant 800 : index
    %swap3A_230 = tpu.vector_load %arg10[%swap3A_229] {strides = array<i32>} : memref<1936xi32, #tpu.memory_space<vmem>>, vector<16xi32>,
    tpu.vector_store %arg10[%swap3A_229], %broadcast_in_dim3A_27 {strides = array<i32>} : memref<1936xi32, #tpu.memory_space<vmem>>, vector<16xi32>,
    %swap3A_231 = arith.constant 800 : index
    %swap3A_232 = tpu.vector_load %arg11[%swap3A_231] {strides = array<i32>} : memref<1936xf32, #tpu.memory_space<vmem>>, vector<16xf32>,
    tpu.vector_store %arg11[%swap3A_231], %broadcast_in_dim3A_29 {strides = array<i32>} : memref<1936xf32, #tpu.memory_space<vmem>>, vector<16xf32>,
    %swap3A_233 = arith.constant 816 : index
    %swap3A_234 = tpu.vector_load %arg10[%swap3A_233] {strides = array<i32>} : memref<1936xi32, #tpu.memory_space<vmem>>, vector<16xi32>,
    tpu.vector_store %arg10[%swap3A_233], %broadcast_in_dim3A_27 {strides = array<i32>} : memref<1936xi32, #tpu.memory_space<vmem>>, vector<16xi32>,
    %swap3A_235 = arith.constant 816 : index
    %swap3A_236 = tpu.vector_load %arg11[%swap3A_235] {strides = array<i32>} : memref<1936xf32, #tpu.memory_space<vmem>>, vector<16xf32>,
    tpu.vector_store %arg11[%swap3A_235], %broadcast_in_dim3A_29 {strides = array<i32>} : memref<1936xf32, #tpu.memory_space<vmem>>, vector<16xf32>,
    %swap3A_237 = arith.constant 832 : index
    %swap3A_238 = tpu.vector_load %arg10[%swap3A_237] {strides = array<i32>} : memref<1936xi32, #tpu.memory_space<vmem>>, vector<16xi32>,
    tpu.vector_store %arg10[%swap3A_237], %broadcast_in_dim3A_27 {strides = array<i32>} : memref<1936xi32, #tpu.memory_space<vmem>>, vector<16xi32>,
    %swap3A_239 = arith.constant 832 : index
    %swap3A_240 = tpu.vector_load %arg11[%swap3A_239] {strides = array<i32>} : memref<1936xf32, #tpu.memory_space<vmem>>, vector<16xf32>,
    tpu.vector_store %arg11[%swap3A_239], %broadcast_in_dim3A_29 {strides = array<i32>} : memref<1936xf32, #tpu.memory_space<vmem>>, vector<16xf32>,
    %swap3A_241 = arith.constant 848 : index
    %swap3A_242 = tpu.vector_load %arg10[%swap3A_241] {strides = array<i32>} : memref<1936xi32, #tpu.memory_space<vmem>>, vector<16xi32>,
    tpu.vector_store %arg10[%swap3A_241], %broadcast_in_dim3A_27 {strides = array<i32>} : memref<1936xi32, #tpu.memory_space<vmem>>, vector<16xi32>,
    %swap3A_243 = arith.constant 848 : index
    %swap3A_244 = tpu.vector_load %arg11[%swap3A_243] {strides = array<i32>} : memref<1936xf32, #tpu.memory_space<vmem>>, vector<16xf32>,
    tpu.vector_store %arg11[%swap3A_243], %broadcast_in_dim3A_29 {strides = array<i32>} : memref<1936xf32, #tpu.memory_space<vmem>>, vector<16xf32>,
    %swap3A_245 = arith.constant 864 : index
    %swap3A_246 = tpu.vector_load %arg10[%swap3A_245] {strides = array<i32>} : memref<1936xi32, #tpu.memory_space<vmem>>, vector<16xi32>,
    tpu.vector_store %arg10[%swap3A_245], %broadcast_in_dim3A_27 {strides = array<i32>} : memref<1936xi32, #tpu.memory_space<vmem>>, vector<16xi32>,
    %swap3A_247 = arith.constant 864 : index
    %swap3A_248 = tpu.vector_load %arg11[%swap3A_247] {strides = array<i32>} : memref<1936xf32, #tpu.memory_space<vmem>>, vector<16xf32>,
    tpu.vector_store %arg11[%swap3A_247], %broadcast_in_dim3A_29 {strides = array<i32>} : memref<1936xf32, #tpu.memory_space<vmem>>, vector<16xf32>,
    %swap3A_249 = arith.constant 880 : index
    %swap3A_250 = tpu.vector_load %arg10[%swap3A_249] {strides = array<i32>} : memref<1936xi32, #tpu.memory_space<vmem>>, vector<16xi32>,
    tpu.vector_store %arg10[%swap3A_249], %broadcast_in_dim3A_27 {strides = array<i32>} : memref<1936xi32, #tpu.memory_space<vmem>>, vector<16xi32>,
    %swap3A_251 = arith.constant 880 : index
    %swap3A_252 = tpu.vector_load %arg11[%swap3A_251] {strides = array<i32>} : memref<1936xf32, #tpu.memory_space<vmem>>, vector<16xf32>,
    tpu.vector_store %arg11[%swap3A_251], %broadcast_in_dim3A_29 {strides = array<i32>} : memref<1936xf32, #tpu.memory_space<vmem>>, vector<16xf32>,
    %swap3A_253 = arith.constant 896 : index
    %swap3A_254 = tpu.vector_load %arg10[%swap3A_253] {strides = array<i32>} : memref<1936xi32, #tpu.memory_space<vmem>>, vector<16xi32>,
    tpu.vector_store %arg10[%swap3A_253], %broadcast_in_dim3A_27 {strides = array<i32>} : memref<1936xi32, #tpu.memory_space<vmem>>, vector<16xi32>,
    %swap3A_255 = arith.constant 896 : index
    %swap3A_256 = tpu.vector_load %arg11[%swap3A_255] {strides = array<i32>} : memref<1936xf32, #tpu.memory_space<vmem>>, vector<16xf32>,
    tpu.vector_store %arg11[%swap3A_255], %broadcast_in_dim3A_29 {strides = array<i32>} : memref<1936xf32, #tpu.memory_space<vmem>>, vector<16xf32>,
    %swap3A_257 = arith.constant 912 : index
    %swap3A_258 = tpu.vector_load %arg10[%swap3A_257] {strides = array<i32>} : memref<1936xi32, #tpu.memory_space<vmem>>, vector<16xi32>,
    tpu.vector_store %arg10[%swap3A_257], %broadcast_in_dim3A_27 {strides = array<i32>} : memref<1936xi32, #tpu.memory_space<vmem>>, vector<16xi32>,
    %swap3A_259 = arith.constant 912 : index
    %swap3A_260 = tpu.vector_load %arg11[%swap3A_259] {strides = array<i32>} : memref<1936xf32, #tpu.memory_space<vmem>>, vector<16xf32>,
    tpu.vector_store %arg11[%swap3A_259], %broadcast_in_dim3A_29 {strides = array<i32>} : memref<1936xf32, #tpu.memory_space<vmem>>, vector<16xf32>,
    %swap3A_261 = arith.constant 928 : index
    %swap3A_262 = tpu.vector_load %arg10[%swap3A_261] {strides = array<i32>} : memref<1936xi32, #tpu.memory_space<vmem>>, vector<16xi32>,
    tpu.vector_store %arg10[%swap3A_261], %broadcast_in_dim3A_27 {strides = array<i32>} : memref<1936xi32, #tpu.memory_space<vmem>>, vector<16xi32>,
    %swap3A_263 = arith.constant 928 : index
    %swap3A_264 = tpu.vector_load %arg11[%swap3A_263] {strides = array<i32>} : memref<1936xf32, #tpu.memory_space<vmem>>, vector<16xf32>,
    tpu.vector_store %arg11[%swap3A_263], %broadcast_in_dim3A_29 {strides = array<i32>} : memref<1936xf32, #tpu.memory_space<vmem>>, vector<16xf32>,
    %swap3A_265 = arith.constant 944 : index
    %swap3A_266 = tpu.vector_load %arg10[%swap3A_265] {strides = array<i32>} : memref<1936xi32, #tpu.memory_space<vmem>>, vector<16xi32>,
    tpu.vector_store %arg10[%swap3A_265], %broadcast_in_dim3A_27 {strides = array<i32>} : memref<1936xi32, #tpu.memory_space<vmem>>, vector<16xi32>,
    %swap3A_267 = arith.constant 944 : index
    %swap3A_268 = tpu.vector_load %arg11[%swap3A_267] {strides = array<i32>} : memref<1936xf32, #tpu.memory_space<vmem>>, vector<16xf32>,
    tpu.vector_store %arg11[%swap3A_267], %broadcast_in_dim3A_29 {strides = array<i32>} : memref<1936xf32, #tpu.memory_space<vmem>>, vector<16xf32>,
    %swap3A_269 = arith.constant 960 : index
    %swap3A_270 = tpu.vector_load %arg10[%swap3A_269] {strides = array<i32>} : memref<1936xi32, #tpu.memory_space<vmem>>, vector<16xi32>,
    tpu.vector_store %arg10[%swap3A_269], %broadcast_in_dim3A_27 {strides = array<i32>} : memref<1936xi32, #tpu.memory_space<vmem>>, vector<16xi32>,
    %swap3A_271 = arith.constant 960 : index
    %swap3A_272 = tpu.vector_load %arg11[%swap3A_271] {strides = array<i32>} : memref<1936xf32, #tpu.memory_space<vmem>>, vector<16xf32>,
    tpu.vector_store %arg11[%swap3A_271], %broadcast_in_dim3A_29 {strides = array<i32>} : memref<1936xf32, #tpu.memory_space<vmem>>, vector<16xf32>,
    %swap3A_273 = arith.constant 976 : index
    %swap3A_274 = tpu.vector_load %arg10[%swap3A_273] {strides = array<i32>} : memref<1936xi32, #tpu.memory_space<vmem>>, vector<16xi32>,
    tpu.vector_store %arg10[%swap3A_273], %broadcast_in_dim3A_27 {strides = array<i32>} : memref<1936xi32, #tpu.memory_space<vmem>>, vector<16xi32>,
    %swap3A_275 = arith.constant 976 : index
    %swap3A_276 = tpu.vector_load %arg11[%swap3A_275] {strides = array<i32>} : memref<1936xf32, #tpu.memory_space<vmem>>, vector<16xf32>,
    tpu.vector_store %arg11[%swap3A_275], %broadcast_in_dim3A_29 {strides = array<i32>} : memref<1936xf32, #tpu.memory_space<vmem>>, vector<16xf32>,
    %swap3A_277 = arith.constant 992 : index
    %swap3A_278 = tpu.vector_load %arg10[%swap3A_277] {strides = array<i32>} : memref<1936xi32, #tpu.memory_space<vmem>>, vector<16xi32>,
    tpu.vector_store %arg10[%swap3A_277], %broadcast_in_dim3A_27 {strides = array<i32>} : memref<1936xi32, #tpu.memory_space<vmem>>, vector<16xi32>,
    %swap3A_279 = arith.constant 992 : index
    %swap3A_280 = tpu.vector_load %arg11[%swap3A_279] {strides = array<i32>} : memref<1936xf32, #tpu.memory_space<vmem>>, vector<16xf32>,
    tpu.vector_store %arg11[%swap3A_279], %broadcast_in_dim3A_29 {strides = array<i32>} : memref<1936xf32, #tpu.memory_space<vmem>>, vector<16xf32>,
    %swap3A_281 = arith.constant 1008 : index
    %swap3A_282 = tpu.vector_load %arg10[%swap3A_281] {strides = array<i32>} : memref<1936xi32, #tpu.memory_space<vmem>>, vector<16xi32>,
    tpu.vector_store %arg10[%swap3A_281], %broadcast_in_dim3A_27 {strides = array<i32>} : memref<1936xi32, #tpu.memory_space<vmem>>, vector<16xi32>,
    %swap3A_283 = arith.constant 1008 : index
    %swap3A_284 = tpu.vector_load %arg11[%swap3A_283] {strides = array<i32>} : memref<1936xf32, #tpu.memory_space<vmem>>, vector<16xf32>,
    tpu.vector_store %arg11[%swap3A_283], %broadcast_in_dim3A_29 {strides = array<i32>} : memref<1936xf32, #tpu.memory_space<vmem>>, vector<16xf32>,
    %swap3A_285 = arith.constant 1024 : index
    %swap3A_286 = tpu.vector_load %arg10[%swap3A_285] {strides = array<i32>} : memref<1936xi32, #tpu.memory_space<vmem>>, vector<16xi32>,
    tpu.vector_store %arg10[%swap3A_285], %broadcast_in_dim3A_27 {strides = array<i32>} : memref<1936xi32, #tpu.memory_space<vmem>>, vector<16xi32>,
    %swap3A_287 = arith.constant 1024 : index
    %swap3A_288 = tpu.vector_load %arg11[%swap3A_287] {strides = array<i32>} : memref<1936xf32, #tpu.memory_space<vmem>>, vector<16xf32>,
    tpu.vector_store %arg11[%swap3A_287], %broadcast_in_dim3A_29 {strides = array<i32>} : memref<1936xf32, #tpu.memory_space<vmem>>, vector<16xf32>,
    %swap3A_289 = arith.constant 1040 : index
    %swap3A_290 = tpu.vector_load %arg10[%swap3A_289] {strides = array<i32>} : memref<1936xi32, #tpu.memory_space<vmem>>, vector<16xi32>,
    tpu.vector_store %arg10[%swap3A_289], %broadcast_in_dim3A_27 {strides = array<i32>} : memref<1936xi32, #tpu.memory_space<vmem>>, vector<16xi32>,
    %swap3A_291 = arith.constant 1040 : index
    %swap3A_292 = tpu.vector_load %arg11[%swap3A_291] {strides = array<i32>} : memref<1936xf32, #tpu.memory_space<vmem>>, vector<16xf32>,
    tpu.vector_store %arg11[%swap3A_291], %broadcast_in_dim3A_29 {strides = array<i32>} : memref<1936xf32, #tpu.memory_space<vmem>>, vector<16xf32>,
    %swap3A_293 = arith.constant 1056 : index
    %swap3A_294 = tpu.vector_load %arg10[%swap3A_293] {strides = array<i32>} : memref<1936xi32, #tpu.memory_space<vmem>>, vector<16xi32>,
    tpu.vector_store %arg10[%swap3A_293], %broadcast_in_dim3A_27 {strides = array<i32>} : memref<1936xi32, #tpu.memory_space<vmem>>, vector<16xi32>,
    %swap3A_295 = arith.constant 1056 : index
    %swap3A_296 = tpu.vector_load %arg11[%swap3A_295] {strides = array<i32>} : memref<1936xf32, #tpu.memory_space<vmem>>, vector<16xf32>,
    tpu.vector_store %arg11[%swap3A_295], %broadcast_in_dim3A_29 {strides = array<i32>} : memref<1936xf32, #tpu.memory_space<vmem>>, vector<16xf32>,
    %swap3A_297 = arith.constant 1072 : index
    %swap3A_298 = tpu.vector_load %arg10[%swap3A_297] {strides = array<i32>} : memref<1936xi32, #tpu.memory_space<vmem>>, vector<16xi32>,
    tpu.vector_store %arg10[%swap3A_297], %broadcast_in_dim3A_27 {strides = array<i32>} : memref<1936xi32, #tpu.memory_space<vmem>>, vector<16xi32>,
    %swap3A_299 = arith.constant 1072 : index
    %swap3A_300 = tpu.vector_load %arg11[%swap3A_299] {strides = array<i32>} : memref<1936xf32, #tpu.memory_space<vmem>>, vector<16xf32>,
    tpu.vector_store %arg11[%swap3A_299], %broadcast_in_dim3A_29 {strides = array<i32>} : memref<1936xf32, #tpu.memory_space<vmem>>, vector<16xf32>,
    %swap3A_301 = arith.constant 1088 : index
    %swap3A_302 = tpu.vector_load %arg10[%swap3A_301] {strides = array<i32>} : memref<1936xi32, #tpu.memory_space<vmem>>, vector<16xi32>,
    tpu.vector_store %arg10[%swap3A_301], %broadcast_in_dim3A_27 {strides = array<i32>} : memref<1936xi32, #tpu.memory_space<vmem>>, vector<16xi32>,
    %swap3A_303 = arith.constant 1088 : index
    %swap3A_304 = tpu.vector_load %arg11[%swap3A_303] {strides = array<i32>} : memref<1936xf32, #tpu.memory_space<vmem>>, vector<16xf32>,
    tpu.vector_store %arg11[%swap3A_303], %broadcast_in_dim3A_29 {strides = array<i32>} : memref<1936xf32, #tpu.memory_space<vmem>>, vector<16xf32>,
    %swap3A_305 = arith.constant 1104 : index
    %swap3A_306 = tpu.vector_load %arg10[%swap3A_305] {strides = array<i32>} : memref<1936xi32, #tpu.memory_space<vmem>>, vector<16xi32>,
    tpu.vector_store %arg10[%swap3A_305], %broadcast_in_dim3A_27 {strides = array<i32>} : memref<1936xi32, #tpu.memory_space<vmem>>, vector<16xi32>,
    %swap3A_307 = arith.constant 1104 : index
    %swap3A_308 = tpu.vector_load %arg11[%swap3A_307] {strides = array<i32>} : memref<1936xf32, #tpu.memory_space<vmem>>, vector<16xf32>,
    tpu.vector_store %arg11[%swap3A_307], %broadcast_in_dim3A_29 {strides = array<i32>} : memref<1936xf32, #tpu.memory_space<vmem>>, vector<16xf32>,
    %swap3A_309 = arith.constant 1120 : index
    %swap3A_310 = tpu.vector_load %arg10[%swap3A_309] {strides = array<i32>} : memref<1936xi32, #tpu.memory_space<vmem>>, vector<16xi32>,
    tpu.vector_store %arg10[%swap3A_309], %broadcast_in_dim3A_27 {strides = array<i32>} : memref<1936xi32, #tpu.memory_space<vmem>>, vector<16xi32>,
    %swap3A_311 = arith.constant 1120 : index
    %swap3A_312 = tpu.vector_load %arg11[%swap3A_311] {strides = array<i32>} : memref<1936xf32, #tpu.memory_space<vmem>>, vector<16xf32>,
    tpu.vector_store %arg11[%swap3A_311], %broadcast_in_dim3A_29 {strides = array<i32>} : memref<1936xf32, #tpu.memory_space<vmem>>, vector<16xf32>,
    %swap3A_313 = arith.constant 1136 : index
    %swap3A_314 = tpu.vector_load %arg10[%swap3A_313] {strides = array<i32>} : memref<1936xi32, #tpu.memory_space<vmem>>, vector<16xi32>,
    tpu.vector_store %arg10[%swap3A_313], %broadcast_in_dim3A_27 {strides = array<i32>} : memref<1936xi32, #tpu.memory_space<vmem>>, vector<16xi32>,
    %swap3A_315 = arith.constant 1136 : index
    %swap3A_316 = tpu.vector_load %arg11[%swap3A_315] {strides = array<i32>} : memref<1936xf32, #tpu.memory_space<vmem>>, vector<16xf32>,
    tpu.vector_store %arg11[%swap3A_315], %broadcast_in_dim3A_29 {strides = array<i32>} : memref<1936xf32, #tpu.memory_space<vmem>>, vector<16xf32>,
    %swap3A_317 = arith.constant 1152 : index
    %swap3A_318 = tpu.vector_load %arg10[%swap3A_317] {strides = array<i32>} : memref<1936xi32, #tpu.memory_space<vmem>>, vector<16xi32>,
    tpu.vector_store %arg10[%swap3A_317], %broadcast_in_dim3A_27 {strides = array<i32>} : memref<1936xi32, #tpu.memory_space<vmem>>, vector<16xi32>,
    %swap3A_319 = arith.constant 1152 : index
    %swap3A_320 = tpu.vector_load %arg11[%swap3A_319] {strides = array<i32>} : memref<1936xf32, #tpu.memory_space<vmem>>, vector<16xf32>,
    tpu.vector_store %arg11[%swap3A_319], %broadcast_in_dim3A_29 {strides = array<i32>} : memref<1936xf32, #tpu.memory_space<vmem>>, vector<16xf32>,
    %swap3A_321 = arith.constant 1168 : index
    %swap3A_322 = tpu.vector_load %arg10[%swap3A_321] {strides = array<i32>} : memref<1936xi32, #tpu.memory_space<vmem>>, vector<16xi32>,
    tpu.vector_store %arg10[%swap3A_321], %broadcast_in_dim3A_27 {strides = array<i32>} : memref<1936xi32, #tpu.memory_space<vmem>>, vector<16xi32>,
    %swap3A_323 = arith.constant 1168 : index
    %swap3A_324 = tpu.vector_load %arg11[%swap3A_323] {strides = array<i32>} : memref<1936xf32, #tpu.memory_space<vmem>>, vector<16xf32>,
    tpu.vector_store %arg11[%swap3A_323], %broadcast_in_dim3A_29 {strides = array<i32>} : memref<1936xf32, #tpu.memory_space<vmem>>, vector<16xf32>,
    %swap3A_325 = arith.constant 1184 : index
    %swap3A_326 = tpu.vector_load %arg10[%swap3A_325] {strides = array<i32>} : memref<1936xi32, #tpu.memory_space<vmem>>, vector<16xi32>,
    tpu.vector_store %arg10[%swap3A_325], %broadcast_in_dim3A_27 {strides = array<i32>} : memref<1936xi32, #tpu.memory_space<vmem>>, vector<16xi32>,
    %swap3A_327 = arith.constant 1184 : index
    %swap3A_328 = tpu.vector_load %arg11[%swap3A_327] {strides = array<i32>} : memref<1936xf32, #tpu.memory_space<vmem>>, vector<16xf32>,
    tpu.vector_store %arg11[%swap3A_327], %broadcast_in_dim3A_29 {strides = array<i32>} : memref<1936xf32, #tpu.memory_space<vmem>>, vector<16xf32>,
    %swap3A_329 = arith.constant 1200 : index
    %swap3A_330 = tpu.vector_load %arg10[%swap3A_329] {strides = array<i32>} : memref<1936xi32, #tpu.memory_space<vmem>>, vector<16xi32>,
    tpu.vector_store %arg10[%swap3A_329], %broadcast_in_dim3A_27 {strides = array<i32>} : memref<1936xi32, #tpu.memory_space<vmem>>, vector<16xi32>,
    %swap3A_331 = arith.constant 1200 : index
    %swap3A_332 = tpu.vector_load %arg11[%swap3A_331] {strides = array<i32>} : memref<1936xf32, #tpu.memory_space<vmem>>, vector<16xf32>,
    tpu.vector_store %arg11[%swap3A_331], %broadcast_in_dim3A_29 {strides = array<i32>} : memref<1936xf32, #tpu.memory_space<vmem>>, vector<16xf32>,
    %swap3A_333 = arith.constant 1216 : index
    %swap3A_334 = tpu.vector_load %arg10[%swap3A_333] {strides = array<i32>} : memref<1936xi32, #tpu.memory_space<vmem>>, vector<16xi32>,
    tpu.vector_store %arg10[%swap3A_333], %broadcast_in_dim3A_27 {strides = array<i32>} : memref<1936xi32, #tpu.memory_space<vmem>>, vector<16xi32>,
    %swap3A_335 = arith.constant 1216 : index
    %swap3A_336 = tpu.vector_load %arg11[%swap3A_335] {strides = array<i32>} : memref<1936xf32, #tpu.memory_space<vmem>>, vector<16xf32>,
    tpu.vector_store %arg11[%swap3A_335], %broadcast_in_dim3A_29 {strides = array<i32>} : memref<1936xf32, #tpu.memory_space<vmem>>, vector<16xf32>,
    %swap3A_337 = arith.constant 1232 : index
    %swap3A_338 = tpu.vector_load %arg10[%swap3A_337] {strides = array<i32>} : memref<1936xi32, #tpu.memory_space<vmem>>, vector<16xi32>,
    tpu.vector_store %arg10[%swap3A_337], %broadcast_in_dim3A_27 {strides = array<i32>} : memref<1936xi32, #tpu.memory_space<vmem>>, vector<16xi32>,
    %swap3A_339 = arith.constant 1232 : index
    %swap3A_340 = tpu.vector_load %arg11[%swap3A_339] {strides = array<i32>} : memref<1936xf32, #tpu.memory_space<vmem>>, vector<16xf32>,
    tpu.vector_store %arg11[%swap3A_339], %broadcast_in_dim3A_29 {strides = array<i32>} : memref<1936xf32, #tpu.memory_space<vmem>>, vector<16xf32>,
    %swap3A_341 = arith.constant 1248 : index
    %swap3A_342 = tpu.vector_load %arg10[%swap3A_341] {strides = array<i32>} : memref<1936xi32, #tpu.memory_space<vmem>>, vector<16xi32>,
    tpu.vector_store %arg10[%swap3A_341], %broadcast_in_dim3A_27 {strides = array<i32>} : memref<1936xi32, #tpu.memory_space<vmem>>, vector<16xi32>,
    %swap3A_343 = arith.constant 1248 : index
    %swap3A_344 = tpu.vector_load %arg11[%swap3A_343] {strides = array<i32>} : memref<1936xf32, #tpu.memory_space<vmem>>, vector<16xf32>,
    tpu.vector_store %arg11[%swap3A_343], %broadcast_in_dim3A_29 {strides = array<i32>} : memref<1936xf32, #tpu.memory_space<vmem>>, vector<16xf32>,
    %swap3A_345 = arith.constant 1264 : index
    %swap3A_346 = tpu.vector_load %arg10[%swap3A_345] {strides = array<i32>} : memref<1936xi32, #tpu.memory_space<vmem>>, vector<16xi32>,
    tpu.vector_store %arg10[%swap3A_345], %broadcast_in_dim3A_27 {strides = array<i32>} : memref<1936xi32, #tpu.memory_space<vmem>>, vector<16xi32>,
    %swap3A_347 = arith.constant 1264 : index
    %swap3A_348 = tpu.vector_load %arg11[%swap3A_347] {strides = array<i32>} : memref<1936xf32, #tpu.memory_space<vmem>>, vector<16xf32>,
    tpu.vector_store %arg11[%swap3A_347], %broadcast_in_dim3A_29 {strides = array<i32>} : memref<1936xf32, #tpu.memory_space<vmem>>, vector<16xf32>,
    %swap3A_349 = arith.constant 1280 : index
    %swap3A_350 = tpu.vector_load %arg10[%swap3A_349] {strides = array<i32>} : memref<1936xi32, #tpu.memory_space<vmem>>, vector<16xi32>,
    tpu.vector_store %arg10[%swap3A_349], %broadcast_in_dim3A_27 {strides = array<i32>} : memref<1936xi32, #tpu.memory_space<vmem>>, vector<16xi32>,
    %swap3A_351 = arith.constant 1280 : index
    %swap3A_352 = tpu.vector_load %arg11[%swap3A_351] {strides = array<i32>} : memref<1936xf32, #tpu.memory_space<vmem>>, vector<16xf32>,
    tpu.vector_store %arg11[%swap3A_351], %broadcast_in_dim3A_29 {strides = array<i32>} : memref<1936xf32, #tpu.memory_space<vmem>>, vector<16xf32>,
    %swap3A_353 = arith.constant 1296 : index
    %swap3A_354 = tpu.vector_load %arg10[%swap3A_353] {strides = array<i32>} : memref<1936xi32, #tpu.memory_space<vmem>>, vector<16xi32>,
    tpu.vector_store %arg10[%swap3A_353], %broadcast_in_dim3A_27 {strides = array<i32>} : memref<1936xi32, #tpu.memory_space<vmem>>, vector<16xi32>,
    %swap3A_355 = arith.constant 1296 : index
    %swap3A_356 = tpu.vector_load %arg11[%swap3A_355] {strides = array<i32>} : memref<1936xf32, #tpu.memory_space<vmem>>, vector<16xf32>,
    tpu.vector_store %arg11[%swap3A_355], %broadcast_in_dim3A_29 {strides = array<i32>} : memref<1936xf32, #tpu.memory_space<vmem>>, vector<16xf32>,
    %swap3A_357 = arith.constant 1312 : index
    %swap3A_358 = tpu.vector_load %arg10[%swap3A_357] {strides = array<i32>} : memref<1936xi32, #tpu.memory_space<vmem>>, vector<16xi32>,
    tpu.vector_store %arg10[%swap3A_357], %broadcast_in_dim3A_27 {strides = array<i32>} : memref<1936xi32, #tpu.memory_space<vmem>>, vector<16xi32>,
    %swap3A_359 = arith.constant 1312 : index
    %swap3A_360 = tpu.vector_load %arg11[%swap3A_359] {strides = array<i32>} : memref<1936xf32, #tpu.memory_space<vmem>>, vector<16xf32>,
    tpu.vector_store %arg11[%swap3A_359], %broadcast_in_dim3A_29 {strides = array<i32>} : memref<1936xf32, #tpu.memory_space<vmem>>, vector<16xf32>,
    %swap3A_361 = arith.constant 1328 : index
    %swap3A_362 = tpu.vector_load %arg10[%swap3A_361] {strides = array<i32>} : memref<1936xi32, #tpu.memory_space<vmem>>, vector<16xi32>,
    tpu.vector_store %arg10[%swap3A_361], %broadcast_in_dim3A_27 {strides = array<i32>} : memref<1936xi32, #tpu.memory_space<vmem>>, vector<16xi32>,
    %swap3A_363 = arith.constant 1328 : index
    %swap3A_364 = tpu.vector_load %arg11[%swap3A_363] {strides = array<i32>} : memref<1936xf32, #tpu.memory_space<vmem>>, vector<16xf32>,
    tpu.vector_store %arg11[%swap3A_363], %broadcast_in_dim3A_29 {strides = array<i32>} : memref<1936xf32, #tpu.memory_space<vmem>>, vector<16xf32>,
    %swap3A_365 = arith.constant 1344 : index
    %swap3A_366 = tpu.vector_load %arg10[%swap3A_365] {strides = array<i32>} : memref<1936xi32, #tpu.memory_space<vmem>>, vector<16xi32>,
    tpu.vector_store %arg10[%swap3A_365], %broadcast_in_dim3A_27 {strides = array<i32>} : memref<1936xi32, #tpu.memory_space<vmem>>, vector<16xi32>,
    %swap3A_367 = arith.constant 1344 : index
    %swap3A_368 = tpu.vector_load %arg11[%swap3A_367] {strides = array<i32>} : memref<1936xf32, #tpu.memory_space<vmem>>, vector<16xf32>,
    tpu.vector_store %arg11[%swap3A_367], %broadcast_in_dim3A_29 {strides = array<i32>} : memref<1936xf32, #tpu.memory_space<vmem>>, vector<16xf32>,
    %swap3A_369 = arith.constant 1360 : index
    %swap3A_370 = tpu.vector_load %arg10[%swap3A_369] {strides = array<i32>} : memref<1936xi32, #tpu.memory_space<vmem>>, vector<16xi32>,
    tpu.vector_store %arg10[%swap3A_369], %broadcast_in_dim3A_27 {strides = array<i32>} : memref<1936xi32, #tpu.memory_space<vmem>>, vector<16xi32>,
    %swap3A_371 = arith.constant 1360 : index
    %swap3A_372 = tpu.vector_load %arg11[%swap3A_371] {strides = array<i32>} : memref<1936xf32, #tpu.memory_space<vmem>>, vector<16xf32>,
    tpu.vector_store %arg11[%swap3A_371], %broadcast_in_dim3A_29 {strides = array<i32>} : memref<1936xf32, #tpu.memory_space<vmem>>, vector<16xf32>,
    %swap3A_373 = arith.constant 1376 : index
    %swap3A_374 = tpu.vector_load %arg10[%swap3A_373] {strides = array<i32>} : memref<1936xi32, #tpu.memory_space<vmem>>, vector<16xi32>,
    tpu.vector_store %arg10[%swap3A_373], %broadcast_in_dim3A_27 {strides = array<i32>} : memref<1936xi32, #tpu.memory_space<vmem>>, vector<16xi32>,
    %swap3A_375 = arith.constant 1376 : index
    %swap3A_376 = tpu.vector_load %arg11[%swap3A_375] {strides = array<i32>} : memref<1936xf32, #tpu.memory_space<vmem>>, vector<16xf32>,
    tpu.vector_store %arg11[%swap3A_375], %broadcast_in_dim3A_29 {strides = array<i32>} : memref<1936xf32, #tpu.memory_space<vmem>>, vector<16xf32>,
    %swap3A_377 = arith.constant 1392 : index
    %swap3A_378 = tpu.vector_load %arg10[%swap3A_377] {strides = array<i32>} : memref<1936xi32, #tpu.memory_space<vmem>>, vector<16xi32>,
    tpu.vector_store %arg10[%swap3A_377], %broadcast_in_dim3A_27 {strides = array<i32>} : memref<1936xi32, #tpu.memory_space<vmem>>, vector<16xi32>,
    %swap3A_379 = arith.constant 1392 : index
    %swap3A_380 = tpu.vector_load %arg11[%swap3A_379] {strides = array<i32>} : memref<1936xf32, #tpu.memory_space<vmem>>, vector<16xf32>,
    tpu.vector_store %arg11[%swap3A_379], %broadcast_in_dim3A_29 {strides = array<i32>} : memref<1936xf32, #tpu.memory_space<vmem>>, vector<16xf32>,
    %swap3A_381 = arith.constant 1408 : index
    %swap3A_382 = tpu.vector_load %arg10[%swap3A_381] {strides = array<i32>} : memref<1936xi32, #tpu.memory_space<vmem>>, vector<16xi32>,
    tpu.vector_store %arg10[%swap3A_381], %broadcast_in_dim3A_27 {strides = array<i32>} : memref<1936xi32, #tpu.memory_space<vmem>>, vector<16xi32>,
    %swap3A_383 = arith.constant 1408 : index
    %swap3A_384 = tpu.vector_load %arg11[%swap3A_383] {strides = array<i32>} : memref<1936xf32, #tpu.memory_space<vmem>>, vector<16xf32>,
    tpu.vector_store %arg11[%swap3A_383], %broadcast_in_dim3A_29 {strides = array<i32>} : memref<1936xf32, #tpu.memory_space<vmem>>, vector<16xf32>,
    %swap3A_385 = arith.constant 1424 : index
    %swap3A_386 = tpu.vector_load %arg10[%swap3A_385] {strides = array<i32>} : memref<1936xi32, #tpu.memory_space<vmem>>, vector<16xi32>,
    tpu.vector_store %arg10[%swap3A_385], %broadcast_in_dim3A_27 {strides = array<i32>} : memref<1936xi32, #tpu.memory_space<vmem>>, vector<16xi32>,
    %swap3A_387 = arith.constant 1424 : index
    %swap3A_388 = tpu.vector_load %arg11[%swap3A_387] {strides = array<i32>} : memref<1936xf32, #tpu.memory_space<vmem>>, vector<16xf32>,
    tpu.vector_store %arg11[%swap3A_387], %broadcast_in_dim3A_29 {strides = array<i32>} : memref<1936xf32, #tpu.memory_space<vmem>>, vector<16xf32>,
    %swap3A_389 = arith.constant 1440 : index
    %swap3A_390 = tpu.vector_load %arg10[%swap3A_389] {strides = array<i32>} : memref<1936xi32, #tpu.memory_space<vmem>>, vector<16xi32>,
    tpu.vector_store %arg10[%swap3A_389], %broadcast_in_dim3A_27 {strides = array<i32>} : memref<1936xi32, #tpu.memory_space<vmem>>, vector<16xi32>,
    %swap3A_391 = arith.constant 1440 : index
    %swap3A_392 = tpu.vector_load %arg11[%swap3A_391] {strides = array<i32>} : memref<1936xf32, #tpu.memory_space<vmem>>, vector<16xf32>,
    tpu.vector_store %arg11[%swap3A_391], %broadcast_in_dim3A_29 {strides = array<i32>} : memref<1936xf32, #tpu.memory_space<vmem>>, vector<16xf32>,
    %swap3A_393 = arith.constant 1456 : index
    %swap3A_394 = tpu.vector_load %arg10[%swap3A_393] {strides = array<i32>} : memref<1936xi32, #tpu.memory_space<vmem>>, vector<16xi32>,
    tpu.vector_store %arg10[%swap3A_393], %broadcast_in_dim3A_27 {strides = array<i32>} : memref<1936xi32, #tpu.memory_space<vmem>>, vector<16xi32>,
    %swap3A_395 = arith.constant 1456 : index
    %swap3A_396 = tpu.vector_load %arg11[%swap3A_395] {strides = array<i32>} : memref<1936xf32, #tpu.memory_space<vmem>>, vector<16xf32>,
    tpu.vector_store %arg11[%swap3A_395], %broadcast_in_dim3A_29 {strides = array<i32>} : memref<1936xf32, #tpu.memory_space<vmem>>, vector<16xf32>,
    %swap3A_397 = arith.constant 1472 : index
    %swap3A_398 = tpu.vector_load %arg10[%swap3A_397] {strides = array<i32>} : memref<1936xi32, #tpu.memory_space<vmem>>, vector<16xi32>,
    tpu.vector_store %arg10[%swap3A_397], %broadcast_in_dim3A_27 {strides = array<i32>} : memref<1936xi32, #tpu.memory_space<vmem>>, vector<16xi32>,
    %swap3A_399 = arith.constant 1472 : index
    %swap3A_400 = tpu.vector_load %arg11[%swap3A_399] {strides = array<i32>} : memref<1936xf32, #tpu.memory_space<vmem>>, vector<16xf32>,
    tpu.vector_store %arg11[%swap3A_399], %broadcast_in_dim3A_29 {strides = array<i32>} : memref<1936xf32, #tpu.memory_space<vmem>>, vector<16xf32>,
    %swap3A_401 = arith.constant 1488 : index
    %swap3A_402 = tpu.vector_load %arg10[%swap3A_401] {strides = array<i32>} : memref<1936xi32, #tpu.memory_space<vmem>>, vector<16xi32>,
    tpu.vector_store %arg10[%swap3A_401], %broadcast_in_dim3A_27 {strides = array<i32>} : memref<1936xi32, #tpu.memory_space<vmem>>, vector<16xi32>,
    %swap3A_403 = arith.constant 1488 : index
    %swap3A_404 = tpu.vector_load %arg11[%swap3A_403] {strides = array<i32>} : memref<1936xf32, #tpu.memory_space<vmem>>, vector<16xf32>,
    tpu.vector_store %arg11[%swap3A_403], %broadcast_in_dim3A_29 {strides = array<i32>} : memref<1936xf32, #tpu.memory_space<vmem>>, vector<16xf32>,
    %swap3A_405 = arith.constant 1504 : index
    %swap3A_406 = tpu.vector_load %arg10[%swap3A_405] {strides = array<i32>} : memref<1936xi32, #tpu.memory_space<vmem>>, vector<16xi32>,
    tpu.vector_store %arg10[%swap3A_405], %broadcast_in_dim3A_27 {strides = array<i32>} : memref<1936xi32, #tpu.memory_space<vmem>>, vector<16xi32>,
    %swap3A_407 = arith.constant 1504 : index
    %swap3A_408 = tpu.vector_load %arg11[%swap3A_407] {strides = array<i32>} : memref<1936xf32, #tpu.memory_space<vmem>>, vector<16xf32>,
    tpu.vector_store %arg11[%swap3A_407], %broadcast_in_dim3A_29 {strides = array<i32>} : memref<1936xf32, #tpu.memory_space<vmem>>, vector<16xf32>,
    %swap3A_409 = arith.constant 1520 : index
    %swap3A_410 = tpu.vector_load %arg10[%swap3A_409] {strides = array<i32>} : memref<1936xi32, #tpu.memory_space<vmem>>, vector<16xi32>,
    tpu.vector_store %arg10[%swap3A_409], %broadcast_in_dim3A_27 {strides = array<i32>} : memref<1936xi32, #tpu.memory_space<vmem>>, vector<16xi32>,
    %swap3A_411 = arith.constant 1520 : index
    %swap3A_412 = tpu.vector_load %arg11[%swap3A_411] {strides = array<i32>} : memref<1936xf32, #tpu.memory_space<vmem>>, vector<16xf32>,
    tpu.vector_store %arg11[%swap3A_411], %broadcast_in_dim3A_29 {strides = array<i32>} : memref<1936xf32, #tpu.memory_space<vmem>>, vector<16xf32>,
    %swap3A_413 = arith.constant 1536 : index
    %swap3A_414 = tpu.vector_load %arg10[%swap3A_413] {strides = array<i32>} : memref<1936xi32, #tpu.memory_space<vmem>>, vector<16xi32>,
    tpu.vector_store %arg10[%swap3A_413], %broadcast_in_dim3A_27 {strides = array<i32>} : memref<1936xi32, #tpu.memory_space<vmem>>, vector<16xi32>,
    %swap3A_415 = arith.constant 1536 : index
    %swap3A_416 = tpu.vector_load %arg11[%swap3A_415] {strides = array<i32>} : memref<1936xf32, #tpu.memory_space<vmem>>, vector<16xf32>,
    tpu.vector_store %arg11[%swap3A_415], %broadcast_in_dim3A_29 {strides = array<i32>} : memref<1936xf32, #tpu.memory_space<vmem>>, vector<16xf32>,
    %swap3A_417 = arith.constant 1552 : index
    %swap3A_418 = tpu.vector_load %arg10[%swap3A_417] {strides = array<i32>} : memref<1936xi32, #tpu.memory_space<vmem>>, vector<16xi32>,
    tpu.vector_store %arg10[%swap3A_417], %broadcast_in_dim3A_27 {strides = array<i32>} : memref<1936xi32, #tpu.memory_space<vmem>>, vector<16xi32>,
    %swap3A_419 = arith.constant 1552 : index
    %swap3A_420 = tpu.vector_load %arg11[%swap3A_419] {strides = array<i32>} : memref<1936xf32, #tpu.memory_space<vmem>>, vector<16xf32>,
    tpu.vector_store %arg11[%swap3A_419], %broadcast_in_dim3A_29 {strides = array<i32>} : memref<1936xf32, #tpu.memory_space<vmem>>, vector<16xf32>,
    %swap3A_421 = arith.constant 1568 : index
    %swap3A_422 = tpu.vector_load %arg10[%swap3A_421] {strides = array<i32>} : memref<1936xi32, #tpu.memory_space<vmem>>, vector<16xi32>,
    tpu.vector_store %arg10[%swap3A_421], %broadcast_in_dim3A_27 {strides = array<i32>} : memref<1936xi32, #tpu.memory_space<vmem>>, vector<16xi32>,
    %swap3A_423 = arith.constant 1568 : index
    %swap3A_424 = tpu.vector_load %arg11[%swap3A_423] {strides = array<i32>} : memref<1936xf32, #tpu.memory_space<vmem>>, vector<16xf32>,
    tpu.vector_store %arg11[%swap3A_423], %broadcast_in_dim3A_29 {strides = array<i32>} : memref<1936xf32, #tpu.memory_space<vmem>>, vector<16xf32>,
    %swap3A_425 = arith.constant 1584 : index
    %swap3A_426 = tpu.vector_load %arg10[%swap3A_425] {strides = array<i32>} : memref<1936xi32, #tpu.memory_space<vmem>>, vector<16xi32>,
    tpu.vector_store %arg10[%swap3A_425], %broadcast_in_dim3A_27 {strides = array<i32>} : memref<1936xi32, #tpu.memory_space<vmem>>, vector<16xi32>,
    %swap3A_427 = arith.constant 1584 : index
    %swap3A_428 = tpu.vector_load %arg11[%swap3A_427] {strides = array<i32>} : memref<1936xf32, #tpu.memory_space<vmem>>, vector<16xf32>,
    tpu.vector_store %arg11[%swap3A_427], %broadcast_in_dim3A_29 {strides = array<i32>} : memref<1936xf32, #tpu.memory_space<vmem>>, vector<16xf32>,
    %swap3A_429 = arith.constant 1600 : index
    %swap3A_430 = tpu.vector_load %arg10[%swap3A_429] {strides = array<i32>} : memref<1936xi32, #tpu.memory_space<vmem>>, vector<16xi32>,
    tpu.vector_store %arg10[%swap3A_429], %broadcast_in_dim3A_27 {strides = array<i32>} : memref<1936xi32, #tpu.memory_space<vmem>>, vector<16xi32>,
    %swap3A_431 = arith.constant 1600 : index
    %swap3A_432 = tpu.vector_load %arg11[%swap3A_431] {strides = array<i32>} : memref<1936xf32, #tpu.memory_space<vmem>>, vector<16xf32>,
    tpu.vector_store %arg11[%swap3A_431], %broadcast_in_dim3A_29 {strides = array<i32>} : memref<1936xf32, #tpu.memory_space<vmem>>, vector<16xf32>,
    %swap3A_433 = arith.constant 1616 : index
    %swap3A_434 = tpu.vector_load %arg10[%swap3A_433] {strides = array<i32>} : memref<1936xi32, #tpu.memory_space<vmem>>, vector<16xi32>,
    tpu.vector_store %arg10[%swap3A_433], %broadcast_in_dim3A_27 {strides = array<i32>} : memref<1936xi32, #tpu.memory_space<vmem>>, vector<16xi32>,
    %swap3A_435 = arith.constant 1616 : index
    %swap3A_436 = tpu.vector_load %arg11[%swap3A_435] {strides = array<i32>} : memref<1936xf32, #tpu.memory_space<vmem>>, vector<16xf32>,
    tpu.vector_store %arg11[%swap3A_435], %broadcast_in_dim3A_29 {strides = array<i32>} : memref<1936xf32, #tpu.memory_space<vmem>>, vector<16xf32>,
    %swap3A_437 = arith.constant 1632 : index
    %swap3A_438 = tpu.vector_load %arg10[%swap3A_437] {strides = array<i32>} : memref<1936xi32, #tpu.memory_space<vmem>>, vector<16xi32>,
    tpu.vector_store %arg10[%swap3A_437], %broadcast_in_dim3A_27 {strides = array<i32>} : memref<1936xi32, #tpu.memory_space<vmem>>, vector<16xi32>,
    %swap3A_439 = arith.constant 1632 : index
    %swap3A_440 = tpu.vector_load %arg11[%swap3A_439] {strides = array<i32>} : memref<1936xf32, #tpu.memory_space<vmem>>, vector<16xf32>,
    tpu.vector_store %arg11[%swap3A_439], %broadcast_in_dim3A_29 {strides = array<i32>} : memref<1936xf32, #tpu.memory_space<vmem>>, vector<16xf32>,
    %swap3A_441 = arith.constant 1648 : index
    %swap3A_442 = tpu.vector_load %arg10[%swap3A_441] {strides = array<i32>} : memref<1936xi32, #tpu.memory_space<vmem>>, vector<16xi32>,
    tpu.vector_store %arg10[%swap3A_441], %broadcast_in_dim3A_27 {strides = array<i32>} : memref<1936xi32, #tpu.memory_space<vmem>>, vector<16xi32>,
    %swap3A_443 = arith.constant 1648 : index
    %swap3A_444 = tpu.vector_load %arg11[%swap3A_443] {strides = array<i32>} : memref<1936xf32, #tpu.memory_space<vmem>>, vector<16xf32>,
    tpu.vector_store %arg11[%swap3A_443], %broadcast_in_dim3A_29 {strides = array<i32>} : memref<1936xf32, #tpu.memory_space<vmem>>, vector<16xf32>,
    %swap3A_445 = arith.constant 1664 : index
    %swap3A_446 = tpu.vector_load %arg10[%swap3A_445] {strides = array<i32>} : memref<1936xi32, #tpu.memory_space<vmem>>, vector<16xi32>,
    tpu.vector_store %arg10[%swap3A_445], %broadcast_in_dim3A_27 {strides = array<i32>} : memref<1936xi32, #tpu.memory_space<vmem>>, vector<16xi32>,
    %swap3A_447 = arith.constant 1664 : index
    %swap3A_448 = tpu.vector_load %arg11[%swap3A_447] {strides = array<i32>} : memref<1936xf32, #tpu.memory_space<vmem>>, vector<16xf32>,
    tpu.vector_store %arg11[%swap3A_447], %broadcast_in_dim3A_29 {strides = array<i32>} : memref<1936xf32, #tpu.memory_space<vmem>>, vector<16xf32>,
    %swap3A_449 = arith.constant 1680 : index
    %swap3A_450 = tpu.vector_load %arg10[%swap3A_449] {strides = array<i32>} : memref<1936xi32, #tpu.memory_space<vmem>>, vector<16xi32>,
    tpu.vector_store %arg10[%swap3A_449], %broadcast_in_dim3A_27 {strides = array<i32>} : memref<1936xi32, #tpu.memory_space<vmem>>, vector<16xi32>,
    %swap3A_451 = arith.constant 1680 : index
    %swap3A_452 = tpu.vector_load %arg11[%swap3A_451] {strides = array<i32>} : memref<1936xf32, #tpu.memory_space<vmem>>, vector<16xf32>,
    tpu.vector_store %arg11[%swap3A_451], %broadcast_in_dim3A_29 {strides = array<i32>} : memref<1936xf32, #tpu.memory_space<vmem>>, vector<16xf32>,
    %swap3A_453 = arith.constant 1696 : index
    %swap3A_454 = tpu.vector_load %arg10[%swap3A_453] {strides = array<i32>} : memref<1936xi32, #tpu.memory_space<vmem>>, vector<16xi32>,
    tpu.vector_store %arg10[%swap3A_453], %broadcast_in_dim3A_27 {strides = array<i32>} : memref<1936xi32, #tpu.memory_space<vmem>>, vector<16xi32>,
    %swap3A_455 = arith.constant 1696 : index
    %swap3A_456 = tpu.vector_load %arg11[%swap3A_455] {strides = array<i32>} : memref<1936xf32, #tpu.memory_space<vmem>>, vector<16xf32>,
    tpu.vector_store %arg11[%swap3A_455], %broadcast_in_dim3A_29 {strides = array<i32>} : memref<1936xf32, #tpu.memory_space<vmem>>, vector<16xf32>,
    %swap3A_457 = arith.constant 1712 : index
    %swap3A_458 = tpu.vector_load %arg10[%swap3A_457] {strides = array<i32>} : memref<1936xi32, #tpu.memory_space<vmem>>, vector<16xi32>,
    tpu.vector_store %arg10[%swap3A_457], %broadcast_in_dim3A_27 {strides = array<i32>} : memref<1936xi32, #tpu.memory_space<vmem>>, vector<16xi32>,
    %swap3A_459 = arith.constant 1712 : index
    %swap3A_460 = tpu.vector_load %arg11[%swap3A_459] {strides = array<i32>} : memref<1936xf32, #tpu.memory_space<vmem>>, vector<16xf32>,
    tpu.vector_store %arg11[%swap3A_459], %broadcast_in_dim3A_29 {strides = array<i32>} : memref<1936xf32, #tpu.memory_space<vmem>>, vector<16xf32>,
    %swap3A_461 = arith.constant 1728 : index
    %swap3A_462 = tpu.vector_load %arg10[%swap3A_461] {strides = array<i32>} : memref<1936xi32, #tpu.memory_space<vmem>>, vector<16xi32>,
    tpu.vector_store %arg10[%swap3A_461], %broadcast_in_dim3A_27 {strides = array<i32>} : memref<1936xi32, #tpu.memory_space<vmem>>, vector<16xi32>,
    %swap3A_463 = arith.constant 1728 : index
    %swap3A_464 = tpu.vector_load %arg11[%swap3A_463] {strides = array<i32>} : memref<1936xf32, #tpu.memory_space<vmem>>, vector<16xf32>,
    tpu.vector_store %arg11[%swap3A_463], %broadcast_in_dim3A_29 {strides = array<i32>} : memref<1936xf32, #tpu.memory_space<vmem>>, vector<16xf32>,
    %swap3A_465 = arith.constant 1744 : index
    %swap3A_466 = tpu.vector_load %arg10[%swap3A_465] {strides = array<i32>} : memref<1936xi32, #tpu.memory_space<vmem>>, vector<16xi32>,
    tpu.vector_store %arg10[%swap3A_465], %broadcast_in_dim3A_27 {strides = array<i32>} : memref<1936xi32, #tpu.memory_space<vmem>>, vector<16xi32>,
    %swap3A_467 = arith.constant 1744 : index
    %swap3A_468 = tpu.vector_load %arg11[%swap3A_467] {strides = array<i32>} : memref<1936xf32, #tpu.memory_space<vmem>>, vector<16xf32>,
    tpu.vector_store %arg11[%swap3A_467], %broadcast_in_dim3A_29 {strides = array<i32>} : memref<1936xf32, #tpu.memory_space<vmem>>, vector<16xf32>,
    %swap3A_469 = arith.constant 1760 : index
    %swap3A_470 = tpu.vector_load %arg10[%swap3A_469] {strides = array<i32>} : memref<1936xi32, #tpu.memory_space<vmem>>, vector<16xi32>,
    tpu.vector_store %arg10[%swap3A_469], %broadcast_in_dim3A_27 {strides = array<i32>} : memref<1936xi32, #tpu.memory_space<vmem>>, vector<16xi32>,
    %swap3A_471 = arith.constant 1760 : index
    %swap3A_472 = tpu.vector_load %arg11[%swap3A_471] {strides = array<i32>} : memref<1936xf32, #tpu.memory_space<vmem>>, vector<16xf32>,
    tpu.vector_store %arg11[%swap3A_471], %broadcast_in_dim3A_29 {strides = array<i32>} : memref<1936xf32, #tpu.memory_space<vmem>>, vector<16xf32>,
    %swap3A_473 = arith.constant 1776 : index
    %swap3A_474 = tpu.vector_load %arg10[%swap3A_473] {strides = array<i32>} : memref<1936xi32, #tpu.memory_space<vmem>>, vector<16xi32>,
    tpu.vector_store %arg10[%swap3A_473], %broadcast_in_dim3A_27 {strides = array<i32>} : memref<1936xi32, #tpu.memory_space<vmem>>, vector<16xi32>,
    %swap3A_475 = arith.constant 1776 : index
    %swap3A_476 = tpu.vector_load %arg11[%swap3A_475] {strides = array<i32>} : memref<1936xf32, #tpu.memory_space<vmem>>, vector<16xf32>,
    tpu.vector_store %arg11[%swap3A_475], %broadcast_in_dim3A_29 {strides = array<i32>} : memref<1936xf32, #tpu.memory_space<vmem>>, vector<16xf32>,
    %swap3A_477 = arith.constant 1792 : index
    %swap3A_478 = tpu.vector_load %arg10[%swap3A_477] {strides = array<i32>} : memref<1936xi32, #tpu.memory_space<vmem>>, vector<16xi32>,
    tpu.vector_store %arg10[%swap3A_477], %broadcast_in_dim3A_27 {strides = array<i32>} : memref<1936xi32, #tpu.memory_space<vmem>>, vector<16xi32>,
    %swap3A_479 = arith.constant 1792 : index
    %swap3A_480 = tpu.vector_load %arg11[%swap3A_479] {strides = array<i32>} : memref<1936xf32, #tpu.memory_space<vmem>>, vector<16xf32>,
    tpu.vector_store %arg11[%swap3A_479], %broadcast_in_dim3A_29 {strides = array<i32>} : memref<1936xf32, #tpu.memory_space<vmem>>, vector<16xf32>,
    %swap3A_481 = arith.constant 1808 : index
    %swap3A_482 = tpu.vector_load %arg10[%swap3A_481] {strides = array<i32>} : memref<1936xi32, #tpu.memory_space<vmem>>, vector<16xi32>,
    tpu.vector_store %arg10[%swap3A_481], %broadcast_in_dim3A_27 {strides = array<i32>} : memref<1936xi32, #tpu.memory_space<vmem>>, vector<16xi32>,
    %swap3A_483 = arith.constant 1808 : index
    %swap3A_484 = tpu.vector_load %arg11[%swap3A_483] {strides = array<i32>} : memref<1936xf32, #tpu.memory_space<vmem>>, vector<16xf32>,
    tpu.vector_store %arg11[%swap3A_483], %broadcast_in_dim3A_29 {strides = array<i32>} : memref<1936xf32, #tpu.memory_space<vmem>>, vector<16xf32>,
    %swap3A_485 = arith.constant 1824 : index
    %swap3A_486 = tpu.vector_load %arg10[%swap3A_485] {strides = array<i32>} : memref<1936xi32, #tpu.memory_space<vmem>>, vector<16xi32>,
    tpu.vector_store %arg10[%swap3A_485], %broadcast_in_dim3A_27 {strides = array<i32>} : memref<1936xi32, #tpu.memory_space<vmem>>, vector<16xi32>,
    %swap3A_487 = arith.constant 1824 : index
    %swap3A_488 = tpu.vector_load %arg11[%swap3A_487] {strides = array<i32>} : memref<1936xf32, #tpu.memory_space<vmem>>, vector<16xf32>,
    tpu.vector_store %arg11[%swap3A_487], %broadcast_in_dim3A_29 {strides = array<i32>} : memref<1936xf32, #tpu.memory_space<vmem>>, vector<16xf32>,
    %swap3A_489 = arith.constant 1840 : index
    %swap3A_490 = tpu.vector_load %arg10[%swap3A_489] {strides = array<i32>} : memref<1936xi32, #tpu.memory_space<vmem>>, vector<16xi32>,
    tpu.vector_store %arg10[%swap3A_489], %broadcast_in_dim3A_27 {strides = array<i32>} : memref<1936xi32, #tpu.memory_space<vmem>>, vector<16xi32>,
    %swap3A_491 = arith.constant 1840 : index
    %swap3A_492 = tpu.vector_load %arg11[%swap3A_491] {strides = array<i32>} : memref<1936xf32, #tpu.memory_space<vmem>>, vector<16xf32>,
    tpu.vector_store %arg11[%swap3A_491], %broadcast_in_dim3A_29 {strides = array<i32>} : memref<1936xf32, #tpu.memory_space<vmem>>, vector<16xf32>,
    %swap3A_493 = arith.constant 1856 : index
    %swap3A_494 = tpu.vector_load %arg10[%swap3A_493] {strides = array<i32>} : memref<1936xi32, #tpu.memory_space<vmem>>, vector<16xi32>,
    tpu.vector_store %arg10[%swap3A_493], %broadcast_in_dim3A_27 {strides = array<i32>} : memref<1936xi32, #tpu.memory_space<vmem>>, vector<16xi32>,
    %swap3A_495 = arith.constant 1856 : index
    %swap3A_496 = tpu.vector_load %arg11[%swap3A_495] {strides = array<i32>} : memref<1936xf32, #tpu.memory_space<vmem>>, vector<16xf32>,
    tpu.vector_store %arg11[%swap3A_495], %broadcast_in_dim3A_29 {strides = array<i32>} : memref<1936xf32, #tpu.memory_space<vmem>>, vector<16xf32>,
    %swap3A_497 = arith.constant 1872 : index
    %swap3A_498 = tpu.vector_load %arg10[%swap3A_497] {strides = array<i32>} : memref<1936xi32, #tpu.memory_space<vmem>>, vector<16xi32>,
    tpu.vector_store %arg10[%swap3A_497], %broadcast_in_dim3A_27 {strides = array<i32>} : memref<1936xi32, #tpu.memory_space<vmem>>, vector<16xi32>,
    %swap3A_499 = arith.constant 1872 : index
    %swap3A_500 = tpu.vector_load %arg11[%swap3A_499] {strides = array<i32>} : memref<1936xf32, #tpu.memory_space<vmem>>, vector<16xf32>,
    tpu.vector_store %arg11[%swap3A_499], %broadcast_in_dim3A_29 {strides = array<i32>} : memref<1936xf32, #tpu.memory_space<vmem>>, vector<16xf32>,
    %swap3A_501 = arith.constant 1888 : index
    %swap3A_502 = tpu.vector_load %arg10[%swap3A_501] {strides = array<i32>} : memref<1936xi32, #tpu.memory_space<vmem>>, vector<16xi32>,
    tpu.vector_store %arg10[%swap3A_501], %broadcast_in_dim3A_27 {strides = array<i32>} : memref<1936xi32, #tpu.memory_space<vmem>>, vector<16xi32>,
    %swap3A_503 = arith.constant 1888 : index
    %swap3A_504 = tpu.vector_load %arg11[%swap3A_503] {strides = array<i32>} : memref<1936xf32, #tpu.memory_space<vmem>>, vector<16xf32>,
    tpu.vector_store %arg11[%swap3A_503], %broadcast_in_dim3A_29 {strides = array<i32>} : memref<1936xf32, #tpu.memory_space<vmem>>, vector<16xf32>,
    %swap3A_505 = arith.constant 1904 : index
    %swap3A_506 = tpu.vector_load %arg10[%swap3A_505] {strides = array<i32>} : memref<1936xi32, #tpu.memory_space<vmem>>, vector<16xi32>,
    tpu.vector_store %arg10[%swap3A_505], %broadcast_in_dim3A_27 {strides = array<i32>} : memref<1936xi32, #tpu.memory_space<vmem>>, vector<16xi32>,
    %swap3A_507 = arith.constant 1904 : index
    %swap3A_508 = tpu.vector_load %arg11[%swap3A_507] {strides = array<i32>} : memref<1936xf32, #tpu.memory_space<vmem>>, vector<16xf32>,
    tpu.vector_store %arg11[%swap3A_507], %broadcast_in_dim3A_29 {strides = array<i32>} : memref<1936xf32, #tpu.memory_space<vmem>>, vector<16xf32>,
    %add3A_509 = arith.constant 0 : i32
    %add3A_510 = arith.addi %mul3A_2, %add3A_509 : i32
    %dma_start3A = arith.constant 0 : i32
    %dma_start3A_511 = arith.constant 0 : i32
    %dma_start3A_512 = arith.constant 0 : i32
    %dma_start3A_513 = tpu.memref_slice %arg7[%dma_start3A, %dma_start3A_512] : memref<2x16384xf32, #tpu.memory_space<vmem>> -> memref<1x16384xf32, #tpu.memory_space<vmem>>
    %dma_start3A_514 = tpu.memref_squeeze %dma_start3A_513 : memref<1x16384xf32, #tpu.memory_space<vmem>> -> memref<16384xf32, #tpu.memory_space<vmem>>
    %dma_start3A_515 = tpu.memref_slice %arg2[%add3A_510] : memref<4194304xf32, #tpu.memory_space<hbm>> -> memref<16384xf32, #tpu.memory_space<hbm>>
    %dma_start3A_516 = tpu.memref_slice %arg12[%dma_start3A_511] : memref<2x!tpu.dma_semaphore, #tpu.memory_space<semaphore_mem>> -> memref<1x!tpu.dma_semaphore, #tpu.memory_space<semaphore_mem>>
    %dma_start3A_517 = tpu.memref_squeeze %dma_start3A_516 : memref<1x!tpu.dma_semaphore, #tpu.memory_space<semaphore_mem>> -> memref<!tpu.dma_semaphore, #tpu.memory_space<semaphore_mem>>
    %dma_start3A_518 = arith.constant 0 : i32
    %dma_start3A_519 = tpu.memref_slice %arg7[%dma_start3A, %dma_start3A_518] : memref<2x16384xf32, #tpu.memory_space<vmem>> -> memref<1x16384xf32, #tpu.memory_space<vmem>>
    %dma_start3A_520 = tpu.memref_squeeze %dma_start3A_519 : memref<1x16384xf32, #tpu.memory_space<vmem>> -> memref<16384xf32, #tpu.memory_space<vmem>>
    %dma_start3A_521 = tpu.memref_slice %arg2[%add3A_510] : memref<4194304xf32, #tpu.memory_space<hbm>> -> memref<16384xf32, #tpu.memory_space<hbm>>
    tpu.enqueue_dma source(%dma_start3A_521 : memref<16384xf32, #tpu.memory_space<hbm>>) target(%dma_start3A_520 : memref<16384xf32, #tpu.memory_space<vmem>>) target_semaphore(%dma_start3A_517 : memref<!tpu.dma_semaphore, #tpu.memory_space<semaphore_mem>>)
    %dma_start3A_522 = arith.constant 0 : i32
    %dma_start3A_523 = arith.constant 0 : i32
    %dma_start3A_524 = arith.constant 0 : i32
    %dma_start3A_525 = tpu.memref_slice %arg8[%dma_start3A_522, %dma_start3A_524] : memref<2x16384xi32, #tpu.memory_space<vmem>> -> memref<1x16384xi32, #tpu.memory_space<vmem>>
    %dma_start3A_526 = tpu.memref_squeeze %dma_start3A_525 : memref<1x16384xi32, #tpu.memory_space<vmem>> -> memref<16384xi32, #tpu.memory_space<vmem>>
    %dma_start3A_527 = tpu.memref_slice %arg3[%add3A_510] : memref<4194304xi32, #tpu.memory_space<hbm>> -> memref<16384xi32, #tpu.memory_space<hbm>>
    %dma_start3A_528 = tpu.memref_slice %arg12[%dma_start3A_523] : memref<2x!tpu.dma_semaphore, #tpu.memory_space<semaphore_mem>> -> memref<1x!tpu.dma_semaphore, #tpu.memory_space<semaphore_mem>>
    %dma_start3A_529 = tpu.memref_squeeze %dma_start3A_528 : memref<1x!tpu.dma_semaphore, #tpu.memory_space<semaphore_mem>> -> memref<!tpu.dma_semaphore, #tpu.memory_space<semaphore_mem>>
    %dma_start3A_530 = arith.constant 0 : i32
    %dma_start3A_531 = tpu.memref_slice %arg8[%dma_start3A_522, %dma_start3A_530] : memref<2x16384xi32, #tpu.memory_space<vmem>> -> memref<1x16384xi32, #tpu.memory_space<vmem>>
    %dma_start3A_532 = tpu.memref_squeeze %dma_start3A_531 : memref<1x16384xi32, #tpu.memory_space<vmem>> -> memref<16384xi32, #tpu.memory_space<vmem>>
    %dma_start3A_533 = tpu.memref_slice %arg3[%add3A_510] : memref<4194304xi32, #tpu.memory_space<hbm>> -> memref<16384xi32, #tpu.memory_space<hbm>>
    tpu.enqueue_dma source(%dma_start3A_533 : memref<16384xi32, #tpu.memory_space<hbm>>) target(%dma_start3A_532 : memref<16384xi32, #tpu.memory_space<vmem>>) target_semaphore(%dma_start3A_529 : memref<!tpu.dma_semaphore, #tpu.memory_space<semaphore_mem>>)
    %dma_start3A_534 = arith.constant 0 : i32
    %dma_start3A_535 = arith.constant 0 : i32
    %dma_start3A_536 = arith.constant 0 : i32
    %dma_start3A_537 = tpu.memref_slice %arg9[%dma_start3A_534, %dma_start3A_536] : memref<2x16384xi32, #tpu.memory_space<vmem>> -> memref<1x16384xi32, #tpu.memory_space<vmem>>
    %dma_start3A_538 = tpu.memref_squeeze %dma_start3A_537 : memref<1x16384xi32, #tpu.memory_space<vmem>> -> memref<16384xi32, #tpu.memory_space<vmem>>
    %dma_start3A_539 = tpu.memref_slice %arg4[%add3A_510] : memref<4194304xi32, #tpu.memory_space<hbm>> -> memref<16384xi32, #tpu.memory_space<hbm>>
    %dma_start3A_540 = tpu.memref_slice %arg12[%dma_start3A_535] : memref<2x!tpu.dma_semaphore, #tpu.memory_space<semaphore_mem>> -> memref<1x!tpu.dma_semaphore, #tpu.memory_space<semaphore_mem>>
    %dma_start3A_541 = tpu.memref_squeeze %dma_start3A_540 : memref<1x!tpu.dma_semaphore, #tpu.memory_space<semaphore_mem>> -> memref<!tpu.dma_semaphore, #tpu.memory_space<semaphore_mem>>
    %dma_start3A_542 = arith.constant 0 : i32
    %dma_start3A_543 = tpu.memref_slice %arg9[%dma_start3A_534, %dma_start3A_542] : memref<2x16384xi32, #tpu.memory_space<vmem>> -> memref<1x16384xi32, #tpu.memory_space<vmem>>
    %dma_start3A_544 = tpu.memref_squeeze %dma_start3A_543 : memref<1x16384xi32, #tpu.memory_space<vmem>> -> memref<16384xi32, #tpu.memory_space<vmem>>
    %dma_start3A_545 = tpu.memref_slice %arg4[%add3A_510] : memref<4194304xi32, #tpu.memory_space<hbm>> -> memref<16384xi32, #tpu.memory_space<hbm>>
    tpu.enqueue_dma source(%dma_start3A_545 : memref<16384xi32, #tpu.memory_space<hbm>>) target(%dma_start3A_544 : memref<16384xi32, #tpu.memory_space<vmem>>) target_semaphore(%dma_start3A_541 : memref<!tpu.dma_semaphore, #tpu.memory_space<semaphore_mem>>)
    %add3A_546 = arith.constant 16384 : i32
    %add3A_547 = arith.addi %mul3A_2, %add3A_546 : i32
    %dma_start3A_548 = arith.constant 1 : i32
    %dma_start3A_549 = arith.constant 1 : i32
    %dma_start3A_550 = arith.constant 0 : i32
    %dma_start3A_551 = tpu.memref_slice %arg7[%dma_start3A_548, %dma_start3A_550] : memref<2x16384xf32, #tpu.memory_space<vmem>> -> memref<1x16384xf32, #tpu.memory_space<vmem>>
    %dma_start3A_552 = tpu.memref_squeeze %dma_start3A_551 : memref<1x16384xf32, #tpu.memory_space<vmem>> -> memref<16384xf32, #tpu.memory_space<vmem>>
    %dma_start3A_553 = tpu.memref_slice %arg2[%add3A_547] : memref<4194304xf32, #tpu.memory_space<hbm>> -> memref<16384xf32, #tpu.memory_space<hbm>>
    %dma_start3A_554 = tpu.memref_slice %arg12[%dma_start3A_549] : memref<2x!tpu.dma_semaphore, #tpu.memory_space<semaphore_mem>> -> memref<1x!tpu.dma_semaphore, #tpu.memory_space<semaphore_mem>>
    %dma_start3A_555 = tpu.memref_squeeze %dma_start3A_554 : memref<1x!tpu.dma_semaphore, #tpu.memory_space<semaphore_mem>> -> memref<!tpu.dma_semaphore, #tpu.memory_space<semaphore_mem>>
    %dma_start3A_556 = arith.constant 0 : i32
    %dma_start3A_557 = tpu.memref_slice %arg7[%dma_start3A_548, %dma_start3A_556] : memref<2x16384xf32, #tpu.memory_space<vmem>> -> memref<1x16384xf32, #tpu.memory_space<vmem>>
    %dma_start3A_558 = tpu.memref_squeeze %dma_start3A_557 : memref<1x16384xf32, #tpu.memory_space<vmem>> -> memref<16384xf32, #tpu.memory_space<vmem>>
    %dma_start3A_559 = tpu.memref_slice %arg2[%add3A_547] : memref<4194304xf32, #tpu.memory_space<hbm>> -> memref<16384xf32, #tpu.memory_space<hbm>>
    tpu.enqueue_dma source(%dma_start3A_559 : memref<16384xf32, #tpu.memory_space<hbm>>) target(%dma_start3A_558 : memref<16384xf32, #tpu.memory_space<vmem>>) target_semaphore(%dma_start3A_555 : memref<!tpu.dma_semaphore, #tpu.memory_space<semaphore_mem>>)
    %dma_start3A_560 = arith.constant 1 : i32
    %dma_start3A_561 = arith.constant 1 : i32
    %dma_start3A_562 = arith.constant 0 : i32
    %dma_start3A_563 = tpu.memref_slice %arg8[%dma_start3A_560, %dma_start3A_562] : memref<2x16384xi32, #tpu.memory_space<vmem>> -> memref<1x16384xi32, #tpu.memory_space<vmem>>
    %dma_start3A_564 = tpu.memref_squeeze %dma_start3A_563 : memref<1x16384xi32, #tpu.memory_space<vmem>> -> memref<16384xi32, #tpu.memory_space<vmem>>
    %dma_start3A_565 = tpu.memref_slice %arg3[%add3A_547] : memref<4194304xi32, #tpu.memory_space<hbm>> -> memref<16384xi32, #tpu.memory_space<hbm>>
    %dma_start3A_566 = tpu.memref_slice %arg12[%dma_start3A_561] : memref<2x!tpu.dma_semaphore, #tpu.memory_space<semaphore_mem>> -> memref<1x!tpu.dma_semaphore, #tpu.memory_space<semaphore_mem>>
    %dma_start3A_567 = tpu.memref_squeeze %dma_start3A_566 : memref<1x!tpu.dma_semaphore, #tpu.memory_space<semaphore_mem>> -> memref<!tpu.dma_semaphore, #tpu.memory_space<semaphore_mem>>
    %dma_start3A_568 = arith.constant 0 : i32
    %dma_start3A_569 = tpu.memref_slice %arg8[%dma_start3A_560, %dma_start3A_568] : memref<2x16384xi32, #tpu.memory_space<vmem>> -> memref<1x16384xi32, #tpu.memory_space<vmem>>
    %dma_start3A_570 = tpu.memref_squeeze %dma_start3A_569 : memref<1x16384xi32, #tpu.memory_space<vmem>> -> memref<16384xi32, #tpu.memory_space<vmem>>
    %dma_start3A_571 = tpu.memref_slice %arg3[%add3A_547] : memref<4194304xi32, #tpu.memory_space<hbm>> -> memref<16384xi32, #tpu.memory_space<hbm>>
    tpu.enqueue_dma source(%dma_start3A_571 : memref<16384xi32, #tpu.memory_space<hbm>>) target(%dma_start3A_570 : memref<16384xi32, #tpu.memory_space<vmem>>) target_semaphore(%dma_start3A_567 : memref<!tpu.dma_semaphore, #tpu.memory_space<semaphore_mem>>)
    %dma_start3A_572 = arith.constant 1 : i32
    %dma_start3A_573 = arith.constant 1 : i32
    %dma_start3A_574 = arith.constant 0 : i32
    %dma_start3A_575 = tpu.memref_slice %arg9[%dma_start3A_572, %dma_start3A_574] : memref<2x16384xi32, #tpu.memory_space<vmem>> -> memref<1x16384xi32, #tpu.memory_space<vmem>>
    %dma_start3A_576 = tpu.memref_squeeze %dma_start3A_575 : memref<1x16384xi32, #tpu.memory_space<vmem>> -> memref<16384xi32, #tpu.memory_space<vmem>>
    %dma_start3A_577 = tpu.memref_slice %arg4[%add3A_547] : memref<4194304xi32, #tpu.memory_space<hbm>> -> memref<16384xi32, #tpu.memory_space<hbm>>
    %dma_start3A_578 = tpu.memref_slice %arg12[%dma_start3A_573] : memref<2x!tpu.dma_semaphore, #tpu.memory_space<semaphore_mem>> -> memref<1x!tpu.dma_semaphore, #tpu.memory_space<semaphore_mem>>
    %dma_start3A_579 = tpu.memref_squeeze %dma_start3A_578 : memref<1x!tpu.dma_semaphore, #tpu.memory_space<semaphore_mem>> -> memref<!tpu.dma_semaphore, #tpu.memory_space<semaphore_mem>>
    %dma_start3A_580 = arith.constant 0 : i32
    %dma_start3A_581 = tpu.memref_slice %arg9[%dma_start3A_572, %dma_start3A_580] : memref<2x16384xi32, #tpu.memory_space<vmem>> -> memref<1x16384xi32, #tpu.memory_space<vmem>>
    %dma_start3A_582 = tpu.memref_squeeze %dma_start3A_581 : memref<1x16384xi32, #tpu.memory_space<vmem>> -> memref<16384xi32, #tpu.memory_space<vmem>>
    %dma_start3A_583 = tpu.memref_slice %arg4[%add3A_547] : memref<4194304xi32, #tpu.memory_space<hbm>> -> memref<16384xi32, #tpu.memory_space<hbm>>
    tpu.enqueue_dma source(%dma_start3A_583 : memref<16384xi32, #tpu.memory_space<hbm>>) target(%dma_start3A_582 : memref<16384xi32, #tpu.memory_space<vmem>>) target_semaphore(%dma_start3A_579 : memref<!tpu.dma_semaphore, #tpu.memory_space<semaphore_mem>>)
    %broadcast_in_dim3A_584 = arith.constant 0.000000e+00 : f32
    %broadcast_in_dim3A_585 = vector.broadcast %broadcast_in_dim3A_584 : f32 to vector<16xf32>
    %broadcast_in_dim3A_586 = arith.constant 14 : i32
    %broadcast_in_dim3A_587 = vector.broadcast %broadcast_in_dim3A_586 : i32 to vector<16xi32>
    %broadcast_in_dim3A_588 = arith.constant 131072 : i32
    %broadcast_in_dim3A_589 = vector.broadcast %broadcast_in_dim3A_588 : i32 to vector<16xi32>
    %broadcast_in_dim3A_590 = arith.constant 131073 : i32
    %broadcast_in_dim3A_591 = vector.broadcast %broadcast_in_dim3A_590 : i32 to vector<16xi32>
    %broadcast_in_dim3A_592 = arith.constant 1.500000e+01 : f32
    %broadcast_in_dim3A_593 = vector.broadcast %broadcast_in_dim3A_592 : f32 to vector<16xf32>
    %scan3A = arith.constant 0 : i32
    %scan3A_594 = arith.constant 3 : i32
    %scan3A_595 = arith.addi %scan3A, %scan3A_594 : i32
    %scan3A_596 = arith.constant 1 : i32
    scf.for %scan3A_1347 = %scan3A to %scan3A_595 step %scan3A_596  : i32 {
      %mul3A_1348 = arith.constant 2 : i32
      %mul3A_1349 = arith.muli %scan3A_1347, %mul3A_1348 : i32
      %add3A_1350 = arith.constant 0 : i32
      %add3A_1351 = arith.addi %mul3A_1349, %add3A_1350 : i32
      %mul3A_1352 = arith.constant 16384 : i32
      %mul3A_1353 = arith.muli %add3A_1351, %mul3A_1352 : i32
      %add3A_1354 = arith.addi %mul3A_2, %mul3A_1353 : i32
      %dma_wait3A = arith.constant 0 : i32
      %dma_wait3A_1355 = arith.constant 0 : i32
      %dma_wait3A_1356 = arith.constant 0 : i32
      %dma_wait3A_1357 = tpu.memref_slice %arg7[%dma_wait3A, %dma_wait3A_1356] : memref<2x16384xf32, #tpu.memory_space<vmem>> -> memref<1x16384xf32, #tpu.memory_space<vmem>>
      %dma_wait3A_1358 = tpu.memref_squeeze %dma_wait3A_1357 : memref<1x16384xf32, #tpu.memory_space<vmem>> -> memref<16384xf32, #tpu.memory_space<vmem>>
      %dma_wait3A_1359 = tpu.memref_slice %arg2[%add3A_1354] : memref<4194304xf32, #tpu.memory_space<hbm>> -> memref<16384xf32, #tpu.memory_space<hbm>>
      %dma_wait3A_1360 = tpu.memref_slice %arg12[%dma_wait3A_1355] : memref<2x!tpu.dma_semaphore, #tpu.memory_space<semaphore_mem>> -> memref<1x!tpu.dma_semaphore, #tpu.memory_space<semaphore_mem>>
      %dma_wait3A_1361 = tpu.memref_squeeze %dma_wait3A_1360 : memref<1x!tpu.dma_semaphore, #tpu.memory_space<semaphore_mem>> -> memref<!tpu.dma_semaphore, #tpu.memory_space<semaphore_mem>>
      %dma_wait3A_1362 = arith.constant 0 : i32
      %dma_wait3A_1363 = tpu.memref_slice %arg7[%dma_wait3A, %dma_wait3A_1362] : memref<2x16384xf32, #tpu.memory_space<vmem>> -> memref<1x16384xf32, #tpu.memory_space<vmem>>
      %dma_wait3A_1364 = tpu.memref_squeeze %dma_wait3A_1363 : memref<1x16384xf32, #tpu.memory_space<vmem>> -> memref<16384xf32, #tpu.memory_space<vmem>>
      %dma_wait3A_1365 = tpu.memref_slice %arg2[%add3A_1354] : memref<4194304xf32, #tpu.memory_space<hbm>> -> memref<16384xf32, #tpu.memory_space<hbm>>
      tpu.wait_dma2 semaphore(%dma_wait3A_1361 : memref<!tpu.dma_semaphore, #tpu.memory_space<semaphore_mem>>) src(%dma_wait3A_1365 : memref<16384xf32, #tpu.memory_space<hbm>>) dst(%dma_wait3A_1364 : memref<16384xf32, #tpu.memory_space<vmem>>)
      %dma_wait3A_1366 = arith.constant 0 : i32
      %dma_wait3A_1367 = arith.constant 0 : i32
      %dma_wait3A_1368 = arith.constant 0 : i32
      %dma_wait3A_1369 = tpu.memref_slice %arg8[%dma_wait3A_1366, %dma_wait3A_1368] : memref<2x16384xi32, #tpu.memory_space<vmem>> -> memref<1x16384xi32, #tpu.memory_space<vmem>>
      %dma_wait3A_1370 = tpu.memref_squeeze %dma_wait3A_1369 : memref<1x16384xi32, #tpu.memory_space<vmem>> -> memref<16384xi32, #tpu.memory_space<vmem>>
      %dma_wait3A_1371 = tpu.memref_slice %arg3[%add3A_1354] : memref<4194304xi32, #tpu.memory_space<hbm>> -> memref<16384xi32, #tpu.memory_space<hbm>>
      %dma_wait3A_1372 = tpu.memref_slice %arg12[%dma_wait3A_1367] : memref<2x!tpu.dma_semaphore, #tpu.memory_space<semaphore_mem>> -> memref<1x!tpu.dma_semaphore, #tpu.memory_space<semaphore_mem>>
      %dma_wait3A_1373 = tpu.memref_squeeze %dma_wait3A_1372 : memref<1x!tpu.dma_semaphore, #tpu.memory_space<semaphore_mem>> -> memref<!tpu.dma_semaphore, #tpu.memory_space<semaphore_mem>>
      %dma_wait3A_1374 = arith.constant 0 : i32
      %dma_wait3A_1375 = tpu.memref_slice %arg8[%dma_wait3A_1366, %dma_wait3A_1374] : memref<2x16384xi32, #tpu.memory_space<vmem>> -> memref<1x16384xi32, #tpu.memory_space<vmem>>
      %dma_wait3A_1376 = tpu.memref_squeeze %dma_wait3A_1375 : memref<1x16384xi32, #tpu.memory_space<vmem>> -> memref<16384xi32, #tpu.memory_space<vmem>>
      %dma_wait3A_1377 = tpu.memref_slice %arg3[%add3A_1354] : memref<4194304xi32, #tpu.memory_space<hbm>> -> memref<16384xi32, #tpu.memory_space<hbm>>
      tpu.wait_dma2 semaphore(%dma_wait3A_1373 : memref<!tpu.dma_semaphore, #tpu.memory_space<semaphore_mem>>) src(%dma_wait3A_1377 : memref<16384xi32, #tpu.memory_space<hbm>>) dst(%dma_wait3A_1376 : memref<16384xi32, #tpu.memory_space<vmem>>)
      %dma_wait3A_1378 = arith.constant 0 : i32
      %dma_wait3A_1379 = arith.constant 0 : i32
      %dma_wait3A_1380 = arith.constant 0 : i32
      %dma_wait3A_1381 = tpu.memref_slice %arg9[%dma_wait3A_1378, %dma_wait3A_1380] : memref<2x16384xi32, #tpu.memory_space<vmem>> -> memref<1x16384xi32, #tpu.memory_space<vmem>>
      %dma_wait3A_1382 = tpu.memref_squeeze %dma_wait3A_1381 : memref<1x16384xi32, #tpu.memory_space<vmem>> -> memref<16384xi32, #tpu.memory_space<vmem>>
      %dma_wait3A_1383 = tpu.memref_slice %arg4[%add3A_1354] : memref<4194304xi32, #tpu.memory_space<hbm>> -> memref<16384xi32, #tpu.memory_space<hbm>>
      %dma_wait3A_1384 = tpu.memref_slice %arg12[%dma_wait3A_1379] : memref<2x!tpu.dma_semaphore, #tpu.memory_space<semaphore_mem>> -> memref<1x!tpu.dma_semaphore, #tpu.memory_space<semaphore_mem>>
      %dma_wait3A_1385 = tpu.memref_squeeze %dma_wait3A_1384 : memref<1x!tpu.dma_semaphore, #tpu.memory_space<semaphore_mem>> -> memref<!tpu.dma_semaphore, #tpu.memory_space<semaphore_mem>>
      %dma_wait3A_1386 = arith.constant 0 : i32
      %dma_wait3A_1387 = tpu.memref_slice %arg9[%dma_wait3A_1378, %dma_wait3A_1386] : memref<2x16384xi32, #tpu.memory_space<vmem>> -> memref<1x16384xi32, #tpu.memory_space<vmem>>
      %dma_wait3A_1388 = tpu.memref_squeeze %dma_wait3A_1387 : memref<1x16384xi32, #tpu.memory_space<vmem>> -> memref<16384xi32, #tpu.memory_space<vmem>>
      %dma_wait3A_1389 = tpu.memref_slice %arg4[%add3A_1354] : memref<4194304xi32, #tpu.memory_space<hbm>> -> memref<16384xi32, #tpu.memory_space<hbm>>
      tpu.wait_dma2 semaphore(%dma_wait3A_1385 : memref<!tpu.dma_semaphore, #tpu.memory_space<semaphore_mem>>) src(%dma_wait3A_1389 : memref<16384xi32, #tpu.memory_space<hbm>>) dst(%dma_wait3A_1388 : memref<16384xi32, #tpu.memory_space<vmem>>)
      %add3A_1390 = arith.constant 2 : i32
      %add3A_1391 = arith.addi %add3A_1351, %add3A_1390 : i32
      %lt3A = arith.constant 6 : i32
      %lt3A_1392 = arith.cmpi slt, %add3A_1391, %lt3A : i32
      %convert_element_type3A = arith.extui %lt3A_1392 : i1 to i32
      %cond3A = arith.constant 0 : i32
      %cond3A_1393 = arith.cmpi ne, %convert_element_type3A, %cond3A : i32
      scf.if %cond3A_1393 {
        %mul3A_1447 = arith.constant 16384 : i32
        %mul3A_1448 = arith.muli %add3A_1391, %mul3A_1447 : i32
        %add3A_1449 = arith.addi %mul3A_2, %mul3A_1448 : i32
        %dma_start3A_1450 = arith.constant 0 : i32
        %dma_start3A_1451 = arith.constant 0 : i32
        %dma_start3A_1452 = arith.constant 0 : i32
        %dma_start3A_1453 = tpu.memref_slice %arg7[%dma_start3A_1450, %dma_start3A_1452] : memref<2x16384xf32, #tpu.memory_space<vmem>> -> memref<1x16384xf32, #tpu.memory_space<vmem>>
        %dma_start3A_1454 = tpu.memref_squeeze %dma_start3A_1453 : memref<1x16384xf32, #tpu.memory_space<vmem>> -> memref<16384xf32, #tpu.memory_space<vmem>>
        %dma_start3A_1455 = tpu.memref_slice %arg2[%add3A_1449] : memref<4194304xf32, #tpu.memory_space<hbm>> -> memref<16384xf32, #tpu.memory_space<hbm>>
        %dma_start3A_1456 = tpu.memref_slice %arg12[%dma_start3A_1451] : memref<2x!tpu.dma_semaphore, #tpu.memory_space<semaphore_mem>> -> memref<1x!tpu.dma_semaphore, #tpu.memory_space<semaphore_mem>>
        %dma_start3A_1457 = tpu.memref_squeeze %dma_start3A_1456 : memref<1x!tpu.dma_semaphore, #tpu.memory_space<semaphore_mem>> -> memref<!tpu.dma_semaphore, #tpu.memory_space<semaphore_mem>>
        %dma_start3A_1458 = arith.constant 0 : i32
        %dma_start3A_1459 = tpu.memref_slice %arg7[%dma_start3A_1450, %dma_start3A_1458] : memref<2x16384xf32, #tpu.memory_space<vmem>> -> memref<1x16384xf32, #tpu.memory_space<vmem>>
        %dma_start3A_1460 = tpu.memref_squeeze %dma_start3A_1459 : memref<1x16384xf32, #tpu.memory_space<vmem>> -> memref<16384xf32, #tpu.memory_space<vmem>>
        %dma_start3A_1461 = tpu.memref_slice %arg2[%add3A_1449] : memref<4194304xf32, #tpu.memory_space<hbm>> -> memref<16384xf32, #tpu.memory_space<hbm>>
        tpu.enqueue_dma source(%dma_start3A_1461 : memref<16384xf32, #tpu.memory_space<hbm>>) target(%dma_start3A_1460 : memref<16384xf32, #tpu.memory_space<vmem>>) target_semaphore(%dma_start3A_1457 : memref<!tpu.dma_semaphore, #tpu.memory_space<semaphore_mem>>)
        %dma_start3A_1462 = arith.constant 0 : i32
        %dma_start3A_1463 = arith.constant 0 : i32
        %dma_start3A_1464 = arith.constant 0 : i32
        %dma_start3A_1465 = tpu.memref_slice %arg8[%dma_start3A_1462, %dma_start3A_1464] : memref<2x16384xi32, #tpu.memory_space<vmem>> -> memref<1x16384xi32, #tpu.memory_space<vmem>>
        %dma_start3A_1466 = tpu.memref_squeeze %dma_start3A_1465 : memref<1x16384xi32, #tpu.memory_space<vmem>> -> memref<16384xi32, #tpu.memory_space<vmem>>
        %dma_start3A_1467 = tpu.memref_slice %arg3[%add3A_1449] : memref<4194304xi32, #tpu.memory_space<hbm>> -> memref<16384xi32, #tpu.memory_space<hbm>>
        %dma_start3A_1468 = tpu.memref_slice %arg12[%dma_start3A_1463] : memref<2x!tpu.dma_semaphore, #tpu.memory_space<semaphore_mem>> -> memref<1x!tpu.dma_semaphore, #tpu.memory_space<semaphore_mem>>
        %dma_start3A_1469 = tpu.memref_squeeze %dma_start3A_1468 : memref<1x!tpu.dma_semaphore, #tpu.memory_space<semaphore_mem>> -> memref<!tpu.dma_semaphore, #tpu.memory_space<semaphore_mem>>
        %dma_start3A_1470 = arith.constant 0 : i32
        %dma_start3A_1471 = tpu.memref_slice %arg8[%dma_start3A_1462, %dma_start3A_1470] : memref<2x16384xi32, #tpu.memory_space<vmem>> -> memref<1x16384xi32, #tpu.memory_space<vmem>>
        %dma_start3A_1472 = tpu.memref_squeeze %dma_start3A_1471 : memref<1x16384xi32, #tpu.memory_space<vmem>> -> memref<16384xi32, #tpu.memory_space<vmem>>
        %dma_start3A_1473 = tpu.memref_slice %arg3[%add3A_1449] : memref<4194304xi32, #tpu.memory_space<hbm>> -> memref<16384xi32, #tpu.memory_space<hbm>>
        tpu.enqueue_dma source(%dma_start3A_1473 : memref<16384xi32, #tpu.memory_space<hbm>>) target(%dma_start3A_1472 : memref<16384xi32, #tpu.memory_space<vmem>>) target_semaphore(%dma_start3A_1469 : memref<!tpu.dma_semaphore, #tpu.memory_space<semaphore_mem>>)
        %dma_start3A_1474 = arith.constant 0 : i32
        %dma_start3A_1475 = arith.constant 0 : i32
        %dma_start3A_1476 = arith.constant 0 : i32
        %dma_start3A_1477 = tpu.memref_slice %arg9[%dma_start3A_1474, %dma_start3A_1476] : memref<2x16384xi32, #tpu.memory_space<vmem>> -> memref<1x16384xi32, #tpu.memory_space<vmem>>
        %dma_start3A_1478 = tpu.memref_squeeze %dma_start3A_1477 : memref<1x16384xi32, #tpu.memory_space<vmem>> -> memref<16384xi32, #tpu.memory_space<vmem>>
        %dma_start3A_1479 = tpu.memref_slice %arg4[%add3A_1449] : memref<4194304xi32, #tpu.memory_space<hbm>> -> memref<16384xi32, #tpu.memory_space<hbm>>
        %dma_start3A_1480 = tpu.memref_slice %arg12[%dma_start3A_1475] : memref<2x!tpu.dma_semaphore, #tpu.memory_space<semaphore_mem>> -> memref<1x!tpu.dma_semaphore, #tpu.memory_space<semaphore_mem>>
        %dma_start3A_1481 = tpu.memref_squeeze %dma_start3A_1480 : memref<1x!tpu.dma_semaphore, #tpu.memory_space<semaphore_mem>> -> memref<!tpu.dma_semaphore, #tpu.memory_space<semaphore_mem>>
        %dma_start3A_1482 = arith.constant 0 : i32
        %dma_start3A_1483 = tpu.memref_slice %arg9[%dma_start3A_1474, %dma_start3A_1482] : memref<2x16384xi32, #tpu.memory_space<vmem>> -> memref<1x16384xi32, #tpu.memory_space<vmem>>
        %dma_start3A_1484 = tpu.memref_squeeze %dma_start3A_1483 : memref<1x16384xi32, #tpu.memory_space<vmem>> -> memref<16384xi32, #tpu.memory_space<vmem>>
        %dma_start3A_1485 = tpu.memref_slice %arg4[%add3A_1449] : memref<4194304xi32, #tpu.memory_space<hbm>> -> memref<16384xi32, #tpu.memory_space<hbm>>
        tpu.enqueue_dma source(%dma_start3A_1485 : memref<16384xi32, #tpu.memory_space<hbm>>) target(%dma_start3A_1484 : memref<16384xi32, #tpu.memory_space<vmem>>) target_semaphore(%dma_start3A_1481 : memref<!tpu.dma_semaphore, #tpu.memory_space<semaphore_mem>>)
      } else {
      }
      %parallel_loop3A = arith.constant 0 : i32
      %parallel_loop3A_1394 = arith.constant 64 : i32
      %parallel_loop3A_1395 = arith.constant 1 : i32
      scf.for %parallel_loop3A_1447 = %parallel_loop3A to %parallel_loop3A_1394 step %parallel_loop3A_1395  : i32 {
        %parallel_loop3A_1448 = arith.constant 256 : i32
        %parallel_loop3A_1449 = arith.muli %parallel_loop3A_1447, %parallel_loop3A_1448 : i32
        %parallel_loop3A_1450 = arith.constant 0 : i32
        %parallel_loop3A_1451 = arith.addi %parallel_loop3A_1449, %parallel_loop3A_1450 : i32
        %parallel_loop3A_1452 = arith.constant 0 : i32
        %parallel_loop3A_1453 = arith.index_cast %parallel_loop3A_1452 : i32 to index
        %parallel_loop3A_1454 = arith.index_cast %parallel_loop3A_1451 : i32 to index
        %parallel_loop3A_1455 = tpu.vector_load %arg7[%parallel_loop3A_1453, %parallel_loop3A_1454] {strides = array<i32>} : memref<2x16384xf32, #tpu.memory_space<vmem>>, vector<16xf32>,
        %parallel_loop3A_1456 = arith.constant 0 : i32
        %parallel_loop3A_1457 = arith.index_cast %parallel_loop3A_1456 : i32 to index
        %parallel_loop3A_1458 = arith.index_cast %parallel_loop3A_1451 : i32 to index
        %parallel_loop3A_1459 = tpu.vector_load %arg8[%parallel_loop3A_1457, %parallel_loop3A_1458] {strides = array<i32>} : memref<2x16384xi32, #tpu.memory_space<vmem>>, vector<16xi32>,
        %parallel_loop3A_1460 = arith.constant 0 : i32
        %parallel_loop3A_1461 = arith.index_cast %parallel_loop3A_1460 : i32 to index
        %parallel_loop3A_1462 = arith.index_cast %parallel_loop3A_1451 : i32 to index
        %parallel_loop3A_1463 = tpu.vector_load %arg9[%parallel_loop3A_1461, %parallel_loop3A_1462] {strides = array<i32>} : memref<2x16384xi32, #tpu.memory_space<vmem>>, vector<16xi32>,
        %parallel_loop3A_1464 = arith.constant 16 : i32
        %parallel_loop3A_1465 = arith.addi %parallel_loop3A_1449, %parallel_loop3A_1464 : i32
        %parallel_loop3A_1466 = arith.constant 0 : i32
        %parallel_loop3A_1467 = arith.index_cast %parallel_loop3A_1466 : i32 to index
        %parallel_loop3A_1468 = arith.index_cast %parallel_loop3A_1465 : i32 to index
        %parallel_loop3A_1469 = tpu.vector_load %arg7[%parallel_loop3A_1467, %parallel_loop3A_1468] {strides = array<i32>} : memref<2x16384xf32, #tpu.memory_space<vmem>>, vector<16xf32>,
        %parallel_loop3A_1470 = arith.constant 0 : i32
        %parallel_loop3A_1471 = arith.index_cast %parallel_loop3A_1470 : i32 to index
        %parallel_loop3A_1472 = arith.index_cast %parallel_loop3A_1465 : i32 to index
        %parallel_loop3A_1473 = tpu.vector_load %arg8[%parallel_loop3A_1471, %parallel_loop3A_1472] {strides = array<i32>} : memref<2x16384xi32, #tpu.memory_space<vmem>>, vector<16xi32>,
        %parallel_loop3A_1474 = arith.constant 0 : i32
        %parallel_loop3A_1475 = arith.index_cast %parallel_loop3A_1474 : i32 to index
        %parallel_loop3A_1476 = arith.index_cast %parallel_loop3A_1465 : i32 to index
        %parallel_loop3A_1477 = tpu.vector_load %arg9[%parallel_loop3A_1475, %parallel_loop3A_1476] {strides = array<i32>} : memref<2x16384xi32, #tpu.memory_space<vmem>>, vector<16xi32>,
        %parallel_loop3A_1478 = arith.constant 32 : i32
        %parallel_loop3A_1479 = arith.addi %parallel_loop3A_1449, %parallel_loop3A_1478 : i32
        %parallel_loop3A_1480 = arith.constant 0 : i32
        %parallel_loop3A_1481 = arith.index_cast %parallel_loop3A_1480 : i32 to index
        %parallel_loop3A_1482 = arith.index_cast %parallel_loop3A_1479 : i32 to index
        %parallel_loop3A_1483 = tpu.vector_load %arg7[%parallel_loop3A_1481, %parallel_loop3A_1482] {strides = array<i32>} : memref<2x16384xf32, #tpu.memory_space<vmem>>, vector<16xf32>,
        %parallel_loop3A_1484 = arith.constant 0 : i32
        %parallel_loop3A_1485 = arith.index_cast %parallel_loop3A_1484 : i32 to index
        %parallel_loop3A_1486 = arith.index_cast %parallel_loop3A_1479 : i32 to index
        %parallel_loop3A_1487 = tpu.vector_load %arg8[%parallel_loop3A_1485, %parallel_loop3A_1486] {strides = array<i32>} : memref<2x16384xi32, #tpu.memory_space<vmem>>, vector<16xi32>,
        %parallel_loop3A_1488 = arith.constant 0 : i32
        %parallel_loop3A_1489 = arith.index_cast %parallel_loop3A_1488 : i32 to index
        %parallel_loop3A_1490 = arith.index_cast %parallel_loop3A_1479 : i32 to index
        %parallel_loop3A_1491 = tpu.vector_load %arg9[%parallel_loop3A_1489, %parallel_loop3A_1490] {strides = array<i32>} : memref<2x16384xi32, #tpu.memory_space<vmem>>, vector<16xi32>,
        %parallel_loop3A_1492 = arith.constant 48 : i32
        %parallel_loop3A_1493 = arith.addi %parallel_loop3A_1449, %parallel_loop3A_1492 : i32
        %parallel_loop3A_1494 = arith.constant 0 : i32
        %parallel_loop3A_1495 = arith.index_cast %parallel_loop3A_1494 : i32 to index
        %parallel_loop3A_1496 = arith.index_cast %parallel_loop3A_1493 : i32 to index
        %parallel_loop3A_1497 = tpu.vector_load %arg7[%parallel_loop3A_1495, %parallel_loop3A_1496] {strides = array<i32>} : memref<2x16384xf32, #tpu.memory_space<vmem>>, vector<16xf32>,
        %parallel_loop3A_1498 = arith.constant 0 : i32
        %parallel_loop3A_1499 = arith.index_cast %parallel_loop3A_1498 : i32 to index
        %parallel_loop3A_1500 = arith.index_cast %parallel_loop3A_1493 : i32 to index
        %parallel_loop3A_1501 = tpu.vector_load %arg8[%parallel_loop3A_1499, %parallel_loop3A_1500] {strides = array<i32>} : memref<2x16384xi32, #tpu.memory_space<vmem>>, vector<16xi32>,
        %parallel_loop3A_1502 = arith.constant 0 : i32
        %parallel_loop3A_1503 = arith.index_cast %parallel_loop3A_1502 : i32 to index
        %parallel_loop3A_1504 = arith.index_cast %parallel_loop3A_1493 : i32 to index
        %parallel_loop3A_1505 = tpu.vector_load %arg9[%parallel_loop3A_1503, %parallel_loop3A_1504] {strides = array<i32>} : memref<2x16384xi32, #tpu.memory_space<vmem>>, vector<16xi32>,
        %parallel_loop3A_1506 = arith.constant 64 : i32
        %parallel_loop3A_1507 = arith.addi %parallel_loop3A_1449, %parallel_loop3A_1506 : i32
        %parallel_loop3A_1508 = arith.constant 0 : i32
        %parallel_loop3A_1509 = arith.index_cast %parallel_loop3A_1508 : i32 to index
        %parallel_loop3A_1510 = arith.index_cast %parallel_loop3A_1507 : i32 to index
        %parallel_loop3A_1511 = tpu.vector_load %arg7[%parallel_loop3A_1509, %parallel_loop3A_1510] {strides = array<i32>} : memref<2x16384xf32, #tpu.memory_space<vmem>>, vector<16xf32>,
        %parallel_loop3A_1512 = arith.constant 0 : i32
        %parallel_loop3A_1513 = arith.index_cast %parallel_loop3A_1512 : i32 to index
        %parallel_loop3A_1514 = arith.index_cast %parallel_loop3A_1507 : i32 to index
        %parallel_loop3A_1515 = tpu.vector_load %arg8[%parallel_loop3A_1513, %parallel_loop3A_1514] {strides = array<i32>} : memref<2x16384xi32, #tpu.memory_space<vmem>>, vector<16xi32>,
        %parallel_loop3A_1516 = arith.constant 0 : i32
        %parallel_loop3A_1517 = arith.index_cast %parallel_loop3A_1516 : i32 to index
        %parallel_loop3A_1518 = arith.index_cast %parallel_loop3A_1507 : i32 to index
        %parallel_loop3A_1519 = tpu.vector_load %arg9[%parallel_loop3A_1517, %parallel_loop3A_1518] {strides = array<i32>} : memref<2x16384xi32, #tpu.memory_space<vmem>>, vector<16xi32>,
        %parallel_loop3A_1520 = arith.constant 80 : i32
        %parallel_loop3A_1521 = arith.addi %parallel_loop3A_1449, %parallel_loop3A_1520 : i32
        %parallel_loop3A_1522 = arith.constant 0 : i32
        %parallel_loop3A_1523 = arith.index_cast %parallel_loop3A_1522 : i32 to index
        %parallel_loop3A_1524 = arith.index_cast %parallel_loop3A_1521 : i32 to index
        %parallel_loop3A_1525 = tpu.vector_load %arg7[%parallel_loop3A_1523, %parallel_loop3A_1524] {strides = array<i32>} : memref<2x16384xf32, #tpu.memory_space<vmem>>, vector<16xf32>,
        %parallel_loop3A_1526 = arith.constant 0 : i32
        %parallel_loop3A_1527 = arith.index_cast %parallel_loop3A_1526 : i32 to index
        %parallel_loop3A_1528 = arith.index_cast %parallel_loop3A_1521 : i32 to index
        %parallel_loop3A_1529 = tpu.vector_load %arg8[%parallel_loop3A_1527, %parallel_loop3A_1528] {strides = array<i32>} : memref<2x16384xi32, #tpu.memory_space<vmem>>, vector<16xi32>,
        %parallel_loop3A_1530 = arith.constant 0 : i32
        %parallel_loop3A_1531 = arith.index_cast %parallel_loop3A_1530 : i32 to index
        %parallel_loop3A_1532 = arith.index_cast %parallel_loop3A_1521 : i32 to index
        %parallel_loop3A_1533 = tpu.vector_load %arg9[%parallel_loop3A_1531, %parallel_loop3A_1532] {strides = array<i32>} : memref<2x16384xi32, #tpu.memory_space<vmem>>, vector<16xi32>,
        %parallel_loop3A_1534 = arith.constant 96 : i32
        %parallel_loop3A_1535 = arith.addi %parallel_loop3A_1449, %parallel_loop3A_1534 : i32
        %parallel_loop3A_1536 = arith.constant 0 : i32
        %parallel_loop3A_1537 = arith.index_cast %parallel_loop3A_1536 : i32 to index
        %parallel_loop3A_1538 = arith.index_cast %parallel_loop3A_1535 : i32 to index
        %parallel_loop3A_1539 = tpu.vector_load %arg7[%parallel_loop3A_1537, %parallel_loop3A_1538] {strides = array<i32>} : memref<2x16384xf32, #tpu.memory_space<vmem>>, vector<16xf32>,
        %parallel_loop3A_1540 = arith.constant 0 : i32
        %parallel_loop3A_1541 = arith.index_cast %parallel_loop3A_1540 : i32 to index
        %parallel_loop3A_1542 = arith.index_cast %parallel_loop3A_1535 : i32 to index
        %parallel_loop3A_1543 = tpu.vector_load %arg8[%parallel_loop3A_1541, %parallel_loop3A_1542] {strides = array<i32>} : memref<2x16384xi32, #tpu.memory_space<vmem>>, vector<16xi32>,
        %parallel_loop3A_1544 = arith.constant 0 : i32
        %parallel_loop3A_1545 = arith.index_cast %parallel_loop3A_1544 : i32 to index
        %parallel_loop3A_1546 = arith.index_cast %parallel_loop3A_1535 : i32 to index
        %parallel_loop3A_1547 = tpu.vector_load %arg9[%parallel_loop3A_1545, %parallel_loop3A_1546] {strides = array<i32>} : memref<2x16384xi32, #tpu.memory_space<vmem>>, vector<16xi32>,
        %parallel_loop3A_1548 = arith.constant 112 : i32
        %parallel_loop3A_1549 = arith.addi %parallel_loop3A_1449, %parallel_loop3A_1548 : i32
        %parallel_loop3A_1550 = arith.constant 0 : i32
        %parallel_loop3A_1551 = arith.index_cast %parallel_loop3A_1550 : i32 to index
        %parallel_loop3A_1552 = arith.index_cast %parallel_loop3A_1549 : i32 to index
        %parallel_loop3A_1553 = tpu.vector_load %arg7[%parallel_loop3A_1551, %parallel_loop3A_1552] {strides = array<i32>} : memref<2x16384xf32, #tpu.memory_space<vmem>>, vector<16xf32>,
        %parallel_loop3A_1554 = arith.constant 0 : i32
        %parallel_loop3A_1555 = arith.index_cast %parallel_loop3A_1554 : i32 to index
        %parallel_loop3A_1556 = arith.index_cast %parallel_loop3A_1549 : i32 to index
        %parallel_loop3A_1557 = tpu.vector_load %arg8[%parallel_loop3A_1555, %parallel_loop3A_1556] {strides = array<i32>} : memref<2x16384xi32, #tpu.memory_space<vmem>>, vector<16xi32>,
        %parallel_loop3A_1558 = arith.constant 0 : i32
        %parallel_loop3A_1559 = arith.index_cast %parallel_loop3A_1558 : i32 to index
        %parallel_loop3A_1560 = arith.index_cast %parallel_loop3A_1549 : i32 to index
        %parallel_loop3A_1561 = tpu.vector_load %arg9[%parallel_loop3A_1559, %parallel_loop3A_1560] {strides = array<i32>} : memref<2x16384xi32, #tpu.memory_space<vmem>>, vector<16xi32>,
        %parallel_loop3A_1562 = arith.constant 128 : i32
        %parallel_loop3A_1563 = arith.addi %parallel_loop3A_1449, %parallel_loop3A_1562 : i32
        %parallel_loop3A_1564 = arith.constant 0 : i32
        %parallel_loop3A_1565 = arith.index_cast %parallel_loop3A_1564 : i32 to index
        %parallel_loop3A_1566 = arith.index_cast %parallel_loop3A_1563 : i32 to index
        %parallel_loop3A_1567 = tpu.vector_load %arg7[%parallel_loop3A_1565, %parallel_loop3A_1566] {strides = array<i32>} : memref<2x16384xf32, #tpu.memory_space<vmem>>, vector<16xf32>,
        %parallel_loop3A_1568 = arith.constant 0 : i32
        %parallel_loop3A_1569 = arith.index_cast %parallel_loop3A_1568 : i32 to index
        %parallel_loop3A_1570 = arith.index_cast %parallel_loop3A_1563 : i32 to index
        %parallel_loop3A_1571 = tpu.vector_load %arg8[%parallel_loop3A_1569, %parallel_loop3A_1570] {strides = array<i32>} : memref<2x16384xi32, #tpu.memory_space<vmem>>, vector<16xi32>,
        %parallel_loop3A_1572 = arith.constant 0 : i32
        %parallel_loop3A_1573 = arith.index_cast %parallel_loop3A_1572 : i32 to index
        %parallel_loop3A_1574 = arith.index_cast %parallel_loop3A_1563 : i32 to index
        %parallel_loop3A_1575 = tpu.vector_load %arg9[%parallel_loop3A_1573, %parallel_loop3A_1574] {strides = array<i32>} : memref<2x16384xi32, #tpu.memory_space<vmem>>, vector<16xi32>,
        %parallel_loop3A_1576 = arith.constant 144 : i32
        %parallel_loop3A_1577 = arith.addi %parallel_loop3A_1449, %parallel_loop3A_1576 : i32
        %parallel_loop3A_1578 = arith.constant 0 : i32
        %parallel_loop3A_1579 = arith.index_cast %parallel_loop3A_1578 : i32 to index
        %parallel_loop3A_1580 = arith.index_cast %parallel_loop3A_1577 : i32 to index
        %parallel_loop3A_1581 = tpu.vector_load %arg7[%parallel_loop3A_1579, %parallel_loop3A_1580] {strides = array<i32>} : memref<2x16384xf32, #tpu.memory_space<vmem>>, vector<16xf32>,
        %parallel_loop3A_1582 = arith.constant 0 : i32
        %parallel_loop3A_1583 = arith.index_cast %parallel_loop3A_1582 : i32 to index
        %parallel_loop3A_1584 = arith.index_cast %parallel_loop3A_1577 : i32 to index
        %parallel_loop3A_1585 = tpu.vector_load %arg8[%parallel_loop3A_1583, %parallel_loop3A_1584] {strides = array<i32>} : memref<2x16384xi32, #tpu.memory_space<vmem>>, vector<16xi32>,
        %parallel_loop3A_1586 = arith.constant 0 : i32
        %parallel_loop3A_1587 = arith.index_cast %parallel_loop3A_1586 : i32 to index
        %parallel_loop3A_1588 = arith.index_cast %parallel_loop3A_1577 : i32 to index
        %parallel_loop3A_1589 = tpu.vector_load %arg9[%parallel_loop3A_1587, %parallel_loop3A_1588] {strides = array<i32>} : memref<2x16384xi32, #tpu.memory_space<vmem>>, vector<16xi32>,
        %parallel_loop3A_1590 = arith.constant 160 : i32
        %parallel_loop3A_1591 = arith.addi %parallel_loop3A_1449, %parallel_loop3A_1590 : i32
        %parallel_loop3A_1592 = arith.constant 0 : i32
        %parallel_loop3A_1593 = arith.index_cast %parallel_loop3A_1592 : i32 to index
        %parallel_loop3A_1594 = arith.index_cast %parallel_loop3A_1591 : i32 to index
        %parallel_loop3A_1595 = tpu.vector_load %arg7[%parallel_loop3A_1593, %parallel_loop3A_1594] {strides = array<i32>} : memref<2x16384xf32, #tpu.memory_space<vmem>>, vector<16xf32>,
        %parallel_loop3A_1596 = arith.constant 0 : i32
        %parallel_loop3A_1597 = arith.index_cast %parallel_loop3A_1596 : i32 to index
        %parallel_loop3A_1598 = arith.index_cast %parallel_loop3A_1591 : i32 to index
        %parallel_loop3A_1599 = tpu.vector_load %arg8[%parallel_loop3A_1597, %parallel_loop3A_1598] {strides = array<i32>} : memref<2x16384xi32, #tpu.memory_space<vmem>>, vector<16xi32>,
        %parallel_loop3A_1600 = arith.constant 0 : i32
        %parallel_loop3A_1601 = arith.index_cast %parallel_loop3A_1600 : i32 to index
        %parallel_loop3A_1602 = arith.index_cast %parallel_loop3A_1591 : i32 to index
        %parallel_loop3A_1603 = tpu.vector_load %arg9[%parallel_loop3A_1601, %parallel_loop3A_1602] {strides = array<i32>} : memref<2x16384xi32, #tpu.memory_space<vmem>>, vector<16xi32>,
        %parallel_loop3A_1604 = arith.constant 176 : i32
        %parallel_loop3A_1605 = arith.addi %parallel_loop3A_1449, %parallel_loop3A_1604 : i32
        %parallel_loop3A_1606 = arith.constant 0 : i32
        %parallel_loop3A_1607 = arith.index_cast %parallel_loop3A_1606 : i32 to index
        %parallel_loop3A_1608 = arith.index_cast %parallel_loop3A_1605 : i32 to index
        %parallel_loop3A_1609 = tpu.vector_load %arg7[%parallel_loop3A_1607, %parallel_loop3A_1608] {strides = array<i32>} : memref<2x16384xf32, #tpu.memory_space<vmem>>, vector<16xf32>,
        %parallel_loop3A_1610 = arith.constant 0 : i32
        %parallel_loop3A_1611 = arith.index_cast %parallel_loop3A_1610 : i32 to index
        %parallel_loop3A_1612 = arith.index_cast %parallel_loop3A_1605 : i32 to index
        %parallel_loop3A_1613 = tpu.vector_load %arg8[%parallel_loop3A_1611, %parallel_loop3A_1612] {strides = array<i32>} : memref<2x16384xi32, #tpu.memory_space<vmem>>, vector<16xi32>,
        %parallel_loop3A_1614 = arith.constant 0 : i32
        %parallel_loop3A_1615 = arith.index_cast %parallel_loop3A_1614 : i32 to index
        %parallel_loop3A_1616 = arith.index_cast %parallel_loop3A_1605 : i32 to index
        %parallel_loop3A_1617 = tpu.vector_load %arg9[%parallel_loop3A_1615, %parallel_loop3A_1616] {strides = array<i32>} : memref<2x16384xi32, #tpu.memory_space<vmem>>, vector<16xi32>,
        %parallel_loop3A_1618 = arith.constant 192 : i32
        %parallel_loop3A_1619 = arith.addi %parallel_loop3A_1449, %parallel_loop3A_1618 : i32
        %parallel_loop3A_1620 = arith.constant 0 : i32
        %parallel_loop3A_1621 = arith.index_cast %parallel_loop3A_1620 : i32 to index
        %parallel_loop3A_1622 = arith.index_cast %parallel_loop3A_1619 : i32 to index
        %parallel_loop3A_1623 = tpu.vector_load %arg7[%parallel_loop3A_1621, %parallel_loop3A_1622] {strides = array<i32>} : memref<2x16384xf32, #tpu.memory_space<vmem>>, vector<16xf32>,
        %parallel_loop3A_1624 = arith.constant 0 : i32
        %parallel_loop3A_1625 = arith.index_cast %parallel_loop3A_1624 : i32 to index
        %parallel_loop3A_1626 = arith.index_cast %parallel_loop3A_1619 : i32 to index
        %parallel_loop3A_1627 = tpu.vector_load %arg8[%parallel_loop3A_1625, %parallel_loop3A_1626] {strides = array<i32>} : memref<2x16384xi32, #tpu.memory_space<vmem>>, vector<16xi32>,
        %parallel_loop3A_1628 = arith.constant 0 : i32
        %parallel_loop3A_1629 = arith.index_cast %parallel_loop3A_1628 : i32 to index
        %parallel_loop3A_1630 = arith.index_cast %parallel_loop3A_1619 : i32 to index
        %parallel_loop3A_1631 = tpu.vector_load %arg9[%parallel_loop3A_1629, %parallel_loop3A_1630] {strides = array<i32>} : memref<2x16384xi32, #tpu.memory_space<vmem>>, vector<16xi32>,
        %parallel_loop3A_1632 = arith.constant 208 : i32
        %parallel_loop3A_1633 = arith.addi %parallel_loop3A_1449, %parallel_loop3A_1632 : i32
        %parallel_loop3A_1634 = arith.constant 0 : i32
        %parallel_loop3A_1635 = arith.index_cast %parallel_loop3A_1634 : i32 to index
        %parallel_loop3A_1636 = arith.index_cast %parallel_loop3A_1633 : i32 to index
        %parallel_loop3A_1637 = tpu.vector_load %arg7[%parallel_loop3A_1635, %parallel_loop3A_1636] {strides = array<i32>} : memref<2x16384xf32, #tpu.memory_space<vmem>>, vector<16xf32>,
        %parallel_loop3A_1638 = arith.constant 0 : i32
        %parallel_loop3A_1639 = arith.index_cast %parallel_loop3A_1638 : i32 to index
        %parallel_loop3A_1640 = arith.index_cast %parallel_loop3A_1633 : i32 to index
        %parallel_loop3A_1641 = tpu.vector_load %arg8[%parallel_loop3A_1639, %parallel_loop3A_1640] {strides = array<i32>} : memref<2x16384xi32, #tpu.memory_space<vmem>>, vector<16xi32>,
        %parallel_loop3A_1642 = arith.constant 0 : i32
        %parallel_loop3A_1643 = arith.index_cast %parallel_loop3A_1642 : i32 to index
        %parallel_loop3A_1644 = arith.index_cast %parallel_loop3A_1633 : i32 to index
        %parallel_loop3A_1645 = tpu.vector_load %arg9[%parallel_loop3A_1643, %parallel_loop3A_1644] {strides = array<i32>} : memref<2x16384xi32, #tpu.memory_space<vmem>>, vector<16xi32>,
        %parallel_loop3A_1646 = arith.constant 224 : i32
        %parallel_loop3A_1647 = arith.addi %parallel_loop3A_1449, %parallel_loop3A_1646 : i32
        %parallel_loop3A_1648 = arith.constant 0 : i32
        %parallel_loop3A_1649 = arith.index_cast %parallel_loop3A_1648 : i32 to index
        %parallel_loop3A_1650 = arith.index_cast %parallel_loop3A_1647 : i32 to index
        %parallel_loop3A_1651 = tpu.vector_load %arg7[%parallel_loop3A_1649, %parallel_loop3A_1650] {strides = array<i32>} : memref<2x16384xf32, #tpu.memory_space<vmem>>, vector<16xf32>,
        %parallel_loop3A_1652 = arith.constant 0 : i32
        %parallel_loop3A_1653 = arith.index_cast %parallel_loop3A_1652 : i32 to index
        %parallel_loop3A_1654 = arith.index_cast %parallel_loop3A_1647 : i32 to index
        %parallel_loop3A_1655 = tpu.vector_load %arg8[%parallel_loop3A_1653, %parallel_loop3A_1654] {strides = array<i32>} : memref<2x16384xi32, #tpu.memory_space<vmem>>, vector<16xi32>,
        %parallel_loop3A_1656 = arith.constant 0 : i32
        %parallel_loop3A_1657 = arith.index_cast %parallel_loop3A_1656 : i32 to index
        %parallel_loop3A_1658 = arith.index_cast %parallel_loop3A_1647 : i32 to index
        %parallel_loop3A_1659 = tpu.vector_load %arg9[%parallel_loop3A_1657, %parallel_loop3A_1658] {strides = array<i32>} : memref<2x16384xi32, #tpu.memory_space<vmem>>, vector<16xi32>,
        %parallel_loop3A_1660 = arith.constant 240 : i32
        %parallel_loop3A_1661 = arith.addi %parallel_loop3A_1449, %parallel_loop3A_1660 : i32
        %parallel_loop3A_1662 = arith.constant 0 : i32
        %parallel_loop3A_1663 = arith.index_cast %parallel_loop3A_1662 : i32 to index
        %parallel_loop3A_1664 = arith.index_cast %parallel_loop3A_1661 : i32 to index
        %parallel_loop3A_1665 = tpu.vector_load %arg7[%parallel_loop3A_1663, %parallel_loop3A_1664] {strides = array<i32>} : memref<2x16384xf32, #tpu.memory_space<vmem>>, vector<16xf32>,
        %parallel_loop3A_1666 = arith.constant 0 : i32
        %parallel_loop3A_1667 = arith.index_cast %parallel_loop3A_1666 : i32 to index
        %parallel_loop3A_1668 = arith.index_cast %parallel_loop3A_1661 : i32 to index
        %parallel_loop3A_1669 = tpu.vector_load %arg8[%parallel_loop3A_1667, %parallel_loop3A_1668] {strides = array<i32>} : memref<2x16384xi32, #tpu.memory_space<vmem>>, vector<16xi32>,
        %parallel_loop3A_1670 = arith.constant 0 : i32
        %parallel_loop3A_1671 = arith.index_cast %parallel_loop3A_1670 : i32 to index
        %parallel_loop3A_1672 = arith.index_cast %parallel_loop3A_1661 : i32 to index
        %parallel_loop3A_1673 = tpu.vector_load %arg9[%parallel_loop3A_1671, %parallel_loop3A_1672] {strides = array<i32>} : memref<2x16384xi32, #tpu.memory_space<vmem>>, vector<16xi32>,
        %parallel_loop3A_1674 = arith.mulf %parallel_loop3A_1455, %broadcast_in_dim3A_593 : vector<16xf32>
        %parallel_loop3A_1675 = arith.fptosi %parallel_loop3A_1674 : vector<16xf32> to vector<16xi32>
        %parallel_loop3A_1676 = arith.minsi %parallel_loop3A_1675, %broadcast_in_dim3A_587 : vector<16xi32>
        %parallel_loop3A_1677 = arith.cmpf ogt, %parallel_loop3A_1455, %broadcast_in_dim3A_585 : vector<16xf32>
        %parallel_loop3A_1678 = arith.constant 4 : i32
        %parallel_loop3A_1679 = vector.broadcast %parallel_loop3A_1678 : i32 to vector<16xi32>
        %parallel_loop3A_1680 = arith.shli %parallel_loop3A_1676, %parallel_loop3A_1679 : vector<16xi32>
        %parallel_loop3A_1681 = arith.addi %add3A_5, %parallel_loop3A_1680 : vector<16xi32>
        %parallel_loop3A_1682 = arith.cmpi eq, %parallel_loop3A_1459, %parallel_loop3A_1463 : vector<16xi32>
        %parallel_loop3A_1683 = arith.select %parallel_loop3A_1682, %broadcast_in_dim3A_591, %broadcast_in_dim3A_589 : vector<16xi1>, vector<16xi32>
        %parallel_loop3A_1684 = arith.mulf %parallel_loop3A_1469, %broadcast_in_dim3A_593 : vector<16xf32>
        %parallel_loop3A_1685 = arith.fptosi %parallel_loop3A_1684 : vector<16xf32> to vector<16xi32>
        %parallel_loop3A_1686 = arith.minsi %parallel_loop3A_1685, %broadcast_in_dim3A_587 : vector<16xi32>
        %parallel_loop3A_1687 = arith.cmpf ogt, %parallel_loop3A_1469, %broadcast_in_dim3A_585 : vector<16xf32>
        %parallel_loop3A_1688 = arith.constant 4 : i32
        %parallel_loop3A_1689 = vector.broadcast %parallel_loop3A_1688 : i32 to vector<16xi32>
        %parallel_loop3A_1690 = arith.shli %parallel_loop3A_1686, %parallel_loop3A_1689 : vector<16xi32>
        %parallel_loop3A_1691 = arith.addi %add3A_8, %parallel_loop3A_1690 : vector<16xi32>
        %parallel_loop3A_1692 = arith.cmpi eq, %parallel_loop3A_1473, %parallel_loop3A_1477 : vector<16xi32>
        %parallel_loop3A_1693 = arith.select %parallel_loop3A_1692, %broadcast_in_dim3A_591, %broadcast_in_dim3A_589 : vector<16xi1>, vector<16xi32>
        %parallel_loop3A_1694 = arith.mulf %parallel_loop3A_1483, %broadcast_in_dim3A_593 : vector<16xf32>
        %parallel_loop3A_1695 = arith.fptosi %parallel_loop3A_1694 : vector<16xf32> to vector<16xi32>
        %parallel_loop3A_1696 = arith.minsi %parallel_loop3A_1695, %broadcast_in_dim3A_587 : vector<16xi32>
        %parallel_loop3A_1697 = arith.cmpf ogt, %parallel_loop3A_1483, %broadcast_in_dim3A_585 : vector<16xf32>
        %parallel_loop3A_1698 = arith.constant 4 : i32
        %parallel_loop3A_1699 = vector.broadcast %parallel_loop3A_1698 : i32 to vector<16xi32>
        %parallel_loop3A_1700 = arith.shli %parallel_loop3A_1696, %parallel_loop3A_1699 : vector<16xi32>
        %parallel_loop3A_1701 = arith.addi %add3A_11, %parallel_loop3A_1700 : vector<16xi32>
        %parallel_loop3A_1702 = arith.cmpi eq, %parallel_loop3A_1487, %parallel_loop3A_1491 : vector<16xi32>
        %parallel_loop3A_1703 = arith.select %parallel_loop3A_1702, %broadcast_in_dim3A_591, %broadcast_in_dim3A_589 : vector<16xi1>, vector<16xi32>
        %parallel_loop3A_1704 = arith.mulf %parallel_loop3A_1497, %broadcast_in_dim3A_593 : vector<16xf32>
        %parallel_loop3A_1705 = arith.fptosi %parallel_loop3A_1704 : vector<16xf32> to vector<16xi32>
        %parallel_loop3A_1706 = arith.minsi %parallel_loop3A_1705, %broadcast_in_dim3A_587 : vector<16xi32>
        %parallel_loop3A_1707 = arith.cmpf ogt, %parallel_loop3A_1497, %broadcast_in_dim3A_585 : vector<16xf32>
        %parallel_loop3A_1708 = arith.constant 4 : i32
        %parallel_loop3A_1709 = vector.broadcast %parallel_loop3A_1708 : i32 to vector<16xi32>
        %parallel_loop3A_1710 = arith.shli %parallel_loop3A_1706, %parallel_loop3A_1709 : vector<16xi32>
        %parallel_loop3A_1711 = arith.addi %add3A_14, %parallel_loop3A_1710 : vector<16xi32>
        %parallel_loop3A_1712 = arith.cmpi eq, %parallel_loop3A_1501, %parallel_loop3A_1505 : vector<16xi32>
        %parallel_loop3A_1713 = arith.select %parallel_loop3A_1712, %broadcast_in_dim3A_591, %broadcast_in_dim3A_589 : vector<16xi1>, vector<16xi32>
        %parallel_loop3A_1714 = arith.mulf %parallel_loop3A_1511, %broadcast_in_dim3A_593 : vector<16xf32>
        %parallel_loop3A_1715 = arith.fptosi %parallel_loop3A_1714 : vector<16xf32> to vector<16xi32>
        %parallel_loop3A_1716 = arith.minsi %parallel_loop3A_1715, %broadcast_in_dim3A_587 : vector<16xi32>
        %parallel_loop3A_1717 = arith.cmpf ogt, %parallel_loop3A_1511, %broadcast_in_dim3A_585 : vector<16xf32>
        %parallel_loop3A_1718 = arith.constant 4 : i32
        %parallel_loop3A_1719 = vector.broadcast %parallel_loop3A_1718 : i32 to vector<16xi32>
        %parallel_loop3A_1720 = arith.shli %parallel_loop3A_1716, %parallel_loop3A_1719 : vector<16xi32>
        %parallel_loop3A_1721 = arith.addi %add3A_17, %parallel_loop3A_1720 : vector<16xi32>
        %parallel_loop3A_1722 = arith.cmpi eq, %parallel_loop3A_1515, %parallel_loop3A_1519 : vector<16xi32>
        %parallel_loop3A_1723 = arith.select %parallel_loop3A_1722, %broadcast_in_dim3A_591, %broadcast_in_dim3A_589 : vector<16xi1>, vector<16xi32>
        %parallel_loop3A_1724 = arith.mulf %parallel_loop3A_1525, %broadcast_in_dim3A_593 : vector<16xf32>
        %parallel_loop3A_1725 = arith.fptosi %parallel_loop3A_1724 : vector<16xf32> to vector<16xi32>
        %parallel_loop3A_1726 = arith.minsi %parallel_loop3A_1725, %broadcast_in_dim3A_587 : vector<16xi32>
        %parallel_loop3A_1727 = arith.cmpf ogt, %parallel_loop3A_1525, %broadcast_in_dim3A_585 : vector<16xf32>
        %parallel_loop3A_1728 = arith.constant 4 : i32
        %parallel_loop3A_1729 = vector.broadcast %parallel_loop3A_1728 : i32 to vector<16xi32>
        %parallel_loop3A_1730 = arith.shli %parallel_loop3A_1726, %parallel_loop3A_1729 : vector<16xi32>
        %parallel_loop3A_1731 = arith.addi %add3A_20, %parallel_loop3A_1730 : vector<16xi32>
        %parallel_loop3A_1732 = arith.cmpi eq, %parallel_loop3A_1529, %parallel_loop3A_1533 : vector<16xi32>
        %parallel_loop3A_1733 = arith.select %parallel_loop3A_1732, %broadcast_in_dim3A_591, %broadcast_in_dim3A_589 : vector<16xi1>, vector<16xi32>
        %parallel_loop3A_1734 = arith.mulf %parallel_loop3A_1539, %broadcast_in_dim3A_593 : vector<16xf32>
        %parallel_loop3A_1735 = arith.fptosi %parallel_loop3A_1734 : vector<16xf32> to vector<16xi32>
        %parallel_loop3A_1736 = arith.minsi %parallel_loop3A_1735, %broadcast_in_dim3A_587 : vector<16xi32>
        %parallel_loop3A_1737 = arith.cmpf ogt, %parallel_loop3A_1539, %broadcast_in_dim3A_585 : vector<16xf32>
        %parallel_loop3A_1738 = arith.constant 4 : i32
        %parallel_loop3A_1739 = vector.broadcast %parallel_loop3A_1738 : i32 to vector<16xi32>
        %parallel_loop3A_1740 = arith.shli %parallel_loop3A_1736, %parallel_loop3A_1739 : vector<16xi32>
        %parallel_loop3A_1741 = arith.addi %add3A_23, %parallel_loop3A_1740 : vector<16xi32>
        %parallel_loop3A_1742 = arith.cmpi eq, %parallel_loop3A_1543, %parallel_loop3A_1547 : vector<16xi32>
        %parallel_loop3A_1743 = arith.select %parallel_loop3A_1742, %broadcast_in_dim3A_591, %broadcast_in_dim3A_589 : vector<16xi1>, vector<16xi32>
        %parallel_loop3A_1744 = arith.mulf %parallel_loop3A_1553, %broadcast_in_dim3A_593 : vector<16xf32>
        %parallel_loop3A_1745 = arith.fptosi %parallel_loop3A_1744 : vector<16xf32> to vector<16xi32>
        %parallel_loop3A_1746 = arith.minsi %parallel_loop3A_1745, %broadcast_in_dim3A_587 : vector<16xi32>
        %parallel_loop3A_1747 = arith.cmpf ogt, %parallel_loop3A_1553, %broadcast_in_dim3A_585 : vector<16xf32>
        %parallel_loop3A_1748 = arith.constant 4 : i32
        %parallel_loop3A_1749 = vector.broadcast %parallel_loop3A_1748 : i32 to vector<16xi32>
        %parallel_loop3A_1750 = arith.shli %parallel_loop3A_1746, %parallel_loop3A_1749 : vector<16xi32>
        %parallel_loop3A_1751 = arith.addi %add3A_26, %parallel_loop3A_1750 : vector<16xi32>
        %parallel_loop3A_1752 = arith.cmpi eq, %parallel_loop3A_1557, %parallel_loop3A_1561 : vector<16xi32>
        %parallel_loop3A_1753 = arith.select %parallel_loop3A_1752, %broadcast_in_dim3A_591, %broadcast_in_dim3A_589 : vector<16xi1>, vector<16xi32>
        %parallel_loop3A_1754 = arith.mulf %parallel_loop3A_1567, %broadcast_in_dim3A_593 : vector<16xf32>
        %parallel_loop3A_1755 = arith.fptosi %parallel_loop3A_1754 : vector<16xf32> to vector<16xi32>
        %parallel_loop3A_1756 = arith.minsi %parallel_loop3A_1755, %broadcast_in_dim3A_587 : vector<16xi32>
        %parallel_loop3A_1757 = arith.cmpf ogt, %parallel_loop3A_1567, %broadcast_in_dim3A_585 : vector<16xf32>
        %parallel_loop3A_1758 = arith.constant 4 : i32
        %parallel_loop3A_1759 = vector.broadcast %parallel_loop3A_1758 : i32 to vector<16xi32>
        %parallel_loop3A_1760 = arith.shli %parallel_loop3A_1756, %parallel_loop3A_1759 : vector<16xi32>
        %parallel_loop3A_1761 = arith.addi %add3A_5, %parallel_loop3A_1760 : vector<16xi32>
        %parallel_loop3A_1762 = arith.cmpi eq, %parallel_loop3A_1571, %parallel_loop3A_1575 : vector<16xi32>
        %parallel_loop3A_1763 = arith.select %parallel_loop3A_1762, %broadcast_in_dim3A_591, %broadcast_in_dim3A_589 : vector<16xi1>, vector<16xi32>
        %parallel_loop3A_1764 = arith.mulf %parallel_loop3A_1581, %broadcast_in_dim3A_593 : vector<16xf32>
        %parallel_loop3A_1765 = arith.fptosi %parallel_loop3A_1764 : vector<16xf32> to vector<16xi32>
        %parallel_loop3A_1766 = arith.minsi %parallel_loop3A_1765, %broadcast_in_dim3A_587 : vector<16xi32>
        %parallel_loop3A_1767 = arith.cmpf ogt, %parallel_loop3A_1581, %broadcast_in_dim3A_585 : vector<16xf32>
        %parallel_loop3A_1768 = arith.constant 4 : i32
        %parallel_loop3A_1769 = vector.broadcast %parallel_loop3A_1768 : i32 to vector<16xi32>
        %parallel_loop3A_1770 = arith.shli %parallel_loop3A_1766, %parallel_loop3A_1769 : vector<16xi32>
        %parallel_loop3A_1771 = arith.addi %add3A_8, %parallel_loop3A_1770 : vector<16xi32>
        %parallel_loop3A_1772 = arith.cmpi eq, %parallel_loop3A_1585, %parallel_loop3A_1589 : vector<16xi32>
        %parallel_loop3A_1773 = arith.select %parallel_loop3A_1772, %broadcast_in_dim3A_591, %broadcast_in_dim3A_589 : vector<16xi1>, vector<16xi32>
        %parallel_loop3A_1774 = arith.mulf %parallel_loop3A_1595, %broadcast_in_dim3A_593 : vector<16xf32>
        %parallel_loop3A_1775 = arith.fptosi %parallel_loop3A_1774 : vector<16xf32> to vector<16xi32>
        %parallel_loop3A_1776 = arith.minsi %parallel_loop3A_1775, %broadcast_in_dim3A_587 : vector<16xi32>
        %parallel_loop3A_1777 = arith.cmpf ogt, %parallel_loop3A_1595, %broadcast_in_dim3A_585 : vector<16xf32>
        %parallel_loop3A_1778 = arith.constant 4 : i32
        %parallel_loop3A_1779 = vector.broadcast %parallel_loop3A_1778 : i32 to vector<16xi32>
        %parallel_loop3A_1780 = arith.shli %parallel_loop3A_1776, %parallel_loop3A_1779 : vector<16xi32>
        %parallel_loop3A_1781 = arith.addi %add3A_11, %parallel_loop3A_1780 : vector<16xi32>
        %parallel_loop3A_1782 = arith.cmpi eq, %parallel_loop3A_1599, %parallel_loop3A_1603 : vector<16xi32>
        %parallel_loop3A_1783 = arith.select %parallel_loop3A_1782, %broadcast_in_dim3A_591, %broadcast_in_dim3A_589 : vector<16xi1>, vector<16xi32>
        %parallel_loop3A_1784 = arith.mulf %parallel_loop3A_1609, %broadcast_in_dim3A_593 : vector<16xf32>
        %parallel_loop3A_1785 = arith.fptosi %parallel_loop3A_1784 : vector<16xf32> to vector<16xi32>
        %parallel_loop3A_1786 = arith.minsi %parallel_loop3A_1785, %broadcast_in_dim3A_587 : vector<16xi32>
        %parallel_loop3A_1787 = arith.cmpf ogt, %parallel_loop3A_1609, %broadcast_in_dim3A_585 : vector<16xf32>
        %parallel_loop3A_1788 = arith.constant 4 : i32
        %parallel_loop3A_1789 = vector.broadcast %parallel_loop3A_1788 : i32 to vector<16xi32>
        %parallel_loop3A_1790 = arith.shli %parallel_loop3A_1786, %parallel_loop3A_1789 : vector<16xi32>
        %parallel_loop3A_1791 = arith.addi %add3A_14, %parallel_loop3A_1790 : vector<16xi32>
        %parallel_loop3A_1792 = arith.cmpi eq, %parallel_loop3A_1613, %parallel_loop3A_1617 : vector<16xi32>
        %parallel_loop3A_1793 = arith.select %parallel_loop3A_1792, %broadcast_in_dim3A_591, %broadcast_in_dim3A_589 : vector<16xi1>, vector<16xi32>
        %parallel_loop3A_1794 = arith.mulf %parallel_loop3A_1623, %broadcast_in_dim3A_593 : vector<16xf32>
        %parallel_loop3A_1795 = arith.fptosi %parallel_loop3A_1794 : vector<16xf32> to vector<16xi32>
        %parallel_loop3A_1796 = arith.minsi %parallel_loop3A_1795, %broadcast_in_dim3A_587 : vector<16xi32>
        %parallel_loop3A_1797 = arith.cmpf ogt, %parallel_loop3A_1623, %broadcast_in_dim3A_585 : vector<16xf32>
        %parallel_loop3A_1798 = arith.constant 4 : i32
        %parallel_loop3A_1799 = vector.broadcast %parallel_loop3A_1798 : i32 to vector<16xi32>
        %parallel_loop3A_1800 = arith.shli %parallel_loop3A_1796, %parallel_loop3A_1799 : vector<16xi32>
        %parallel_loop3A_1801 = arith.addi %add3A_17, %parallel_loop3A_1800 : vector<16xi32>
        %parallel_loop3A_1802 = arith.cmpi eq, %parallel_loop3A_1627, %parallel_loop3A_1631 : vector<16xi32>
        %parallel_loop3A_1803 = arith.select %parallel_loop3A_1802, %broadcast_in_dim3A_591, %broadcast_in_dim3A_589 : vector<16xi1>, vector<16xi32>
        %parallel_loop3A_1804 = arith.mulf %parallel_loop3A_1637, %broadcast_in_dim3A_593 : vector<16xf32>
        %parallel_loop3A_1805 = arith.fptosi %parallel_loop3A_1804 : vector<16xf32> to vector<16xi32>
        %parallel_loop3A_1806 = arith.minsi %parallel_loop3A_1805, %broadcast_in_dim3A_587 : vector<16xi32>
        %parallel_loop3A_1807 = arith.cmpf ogt, %parallel_loop3A_1637, %broadcast_in_dim3A_585 : vector<16xf32>
        %parallel_loop3A_1808 = arith.constant 4 : i32
        %parallel_loop3A_1809 = vector.broadcast %parallel_loop3A_1808 : i32 to vector<16xi32>
        %parallel_loop3A_1810 = arith.shli %parallel_loop3A_1806, %parallel_loop3A_1809 : vector<16xi32>
        %parallel_loop3A_1811 = arith.addi %add3A_20, %parallel_loop3A_1810 : vector<16xi32>
        %parallel_loop3A_1812 = arith.cmpi eq, %parallel_loop3A_1641, %parallel_loop3A_1645 : vector<16xi32>
        %parallel_loop3A_1813 = arith.select %parallel_loop3A_1812, %broadcast_in_dim3A_591, %broadcast_in_dim3A_589 : vector<16xi1>, vector<16xi32>
        %parallel_loop3A_1814 = arith.mulf %parallel_loop3A_1651, %broadcast_in_dim3A_593 : vector<16xf32>
        %parallel_loop3A_1815 = arith.fptosi %parallel_loop3A_1814 : vector<16xf32> to vector<16xi32>
        %parallel_loop3A_1816 = arith.minsi %parallel_loop3A_1815, %broadcast_in_dim3A_587 : vector<16xi32>
        %parallel_loop3A_1817 = arith.cmpf ogt, %parallel_loop3A_1651, %broadcast_in_dim3A_585 : vector<16xf32>
        %parallel_loop3A_1818 = arith.constant 4 : i32
        %parallel_loop3A_1819 = vector.broadcast %parallel_loop3A_1818 : i32 to vector<16xi32>
        %parallel_loop3A_1820 = arith.shli %parallel_loop3A_1816, %parallel_loop3A_1819 : vector<16xi32>
        %parallel_loop3A_1821 = arith.addi %add3A_23, %parallel_loop3A_1820 : vector<16xi32>
        %parallel_loop3A_1822 = arith.cmpi eq, %parallel_loop3A_1655, %parallel_loop3A_1659 : vector<16xi32>
        %parallel_loop3A_1823 = arith.select %parallel_loop3A_1822, %broadcast_in_dim3A_591, %broadcast_in_dim3A_589 : vector<16xi1>, vector<16xi32>
        %parallel_loop3A_1824 = arith.mulf %parallel_loop3A_1665, %broadcast_in_dim3A_593 : vector<16xf32>
        %parallel_loop3A_1825 = arith.fptosi %parallel_loop3A_1824 : vector<16xf32> to vector<16xi32>
        %parallel_loop3A_1826 = arith.minsi %parallel_loop3A_1825, %broadcast_in_dim3A_587 : vector<16xi32>
        %parallel_loop3A_1827 = arith.cmpf ogt, %parallel_loop3A_1665, %broadcast_in_dim3A_585 : vector<16xf32>
        %parallel_loop3A_1828 = arith.constant 4 : i32
        %parallel_loop3A_1829 = vector.broadcast %parallel_loop3A_1828 : i32 to vector<16xi32>
        %parallel_loop3A_1830 = arith.shli %parallel_loop3A_1826, %parallel_loop3A_1829 : vector<16xi32>
        %parallel_loop3A_1831 = arith.addi %add3A_26, %parallel_loop3A_1830 : vector<16xi32>
        %parallel_loop3A_1832 = arith.cmpi eq, %parallel_loop3A_1669, %parallel_loop3A_1673 : vector<16xi32>
        %parallel_loop3A_1833 = arith.select %parallel_loop3A_1832, %broadcast_in_dim3A_591, %broadcast_in_dim3A_589 : vector<16xi1>, vector<16xi32>
        tpu.vector_store_idx %arg10[%parallel_loop3A_1681], %parallel_loop3A_1683 masked %parallel_loop3A_1677 {add = true} : memref<1936xi32, #tpu.memory_space<vmem>>[vector<16xi32>], vector<16xi32>, vector<16xi1>
        tpu.vector_store_idx %arg11[%parallel_loop3A_1681], %parallel_loop3A_1455 masked %parallel_loop3A_1677 {add = true} : memref<1936xf32, #tpu.memory_space<vmem>>[vector<16xi32>], vector<16xf32>, vector<16xi1>
        tpu.vector_store_idx %arg10[%parallel_loop3A_1691], %parallel_loop3A_1693 masked %parallel_loop3A_1687 {add = true} : memref<1936xi32, #tpu.memory_space<vmem>>[vector<16xi32>], vector<16xi32>, vector<16xi1>
        tpu.vector_store_idx %arg11[%parallel_loop3A_1691], %parallel_loop3A_1469 masked %parallel_loop3A_1687 {add = true} : memref<1936xf32, #tpu.memory_space<vmem>>[vector<16xi32>], vector<16xf32>, vector<16xi1>
        tpu.vector_store_idx %arg10[%parallel_loop3A_1701], %parallel_loop3A_1703 masked %parallel_loop3A_1697 {add = true} : memref<1936xi32, #tpu.memory_space<vmem>>[vector<16xi32>], vector<16xi32>, vector<16xi1>
        tpu.vector_store_idx %arg11[%parallel_loop3A_1701], %parallel_loop3A_1483 masked %parallel_loop3A_1697 {add = true} : memref<1936xf32, #tpu.memory_space<vmem>>[vector<16xi32>], vector<16xf32>, vector<16xi1>
        tpu.vector_store_idx %arg10[%parallel_loop3A_1711], %parallel_loop3A_1713 masked %parallel_loop3A_1707 {add = true} : memref<1936xi32, #tpu.memory_space<vmem>>[vector<16xi32>], vector<16xi32>, vector<16xi1>
        tpu.vector_store_idx %arg11[%parallel_loop3A_1711], %parallel_loop3A_1497 masked %parallel_loop3A_1707 {add = true} : memref<1936xf32, #tpu.memory_space<vmem>>[vector<16xi32>], vector<16xf32>, vector<16xi1>
        tpu.vector_store_idx %arg10[%parallel_loop3A_1721], %parallel_loop3A_1723 masked %parallel_loop3A_1717 {add = true} : memref<1936xi32, #tpu.memory_space<vmem>>[vector<16xi32>], vector<16xi32>, vector<16xi1>
        tpu.vector_store_idx %arg11[%parallel_loop3A_1721], %parallel_loop3A_1511 masked %parallel_loop3A_1717 {add = true} : memref<1936xf32, #tpu.memory_space<vmem>>[vector<16xi32>], vector<16xf32>, vector<16xi1>
        tpu.vector_store_idx %arg10[%parallel_loop3A_1731], %parallel_loop3A_1733 masked %parallel_loop3A_1727 {add = true} : memref<1936xi32, #tpu.memory_space<vmem>>[vector<16xi32>], vector<16xi32>, vector<16xi1>
        tpu.vector_store_idx %arg11[%parallel_loop3A_1731], %parallel_loop3A_1525 masked %parallel_loop3A_1727 {add = true} : memref<1936xf32, #tpu.memory_space<vmem>>[vector<16xi32>], vector<16xf32>, vector<16xi1>
        tpu.vector_store_idx %arg10[%parallel_loop3A_1741], %parallel_loop3A_1743 masked %parallel_loop3A_1737 {add = true} : memref<1936xi32, #tpu.memory_space<vmem>>[vector<16xi32>], vector<16xi32>, vector<16xi1>
        tpu.vector_store_idx %arg11[%parallel_loop3A_1741], %parallel_loop3A_1539 masked %parallel_loop3A_1737 {add = true} : memref<1936xf32, #tpu.memory_space<vmem>>[vector<16xi32>], vector<16xf32>, vector<16xi1>
        tpu.vector_store_idx %arg10[%parallel_loop3A_1751], %parallel_loop3A_1753 masked %parallel_loop3A_1747 {add = true} : memref<1936xi32, #tpu.memory_space<vmem>>[vector<16xi32>], vector<16xi32>, vector<16xi1>
        tpu.vector_store_idx %arg11[%parallel_loop3A_1751], %parallel_loop3A_1553 masked %parallel_loop3A_1747 {add = true} : memref<1936xf32, #tpu.memory_space<vmem>>[vector<16xi32>], vector<16xf32>, vector<16xi1>
        tpu.vector_store_idx %arg10[%parallel_loop3A_1761], %parallel_loop3A_1763 masked %parallel_loop3A_1757 {add = true} : memref<1936xi32, #tpu.memory_space<vmem>>[vector<16xi32>], vector<16xi32>, vector<16xi1>
        tpu.vector_store_idx %arg11[%parallel_loop3A_1761], %parallel_loop3A_1567 masked %parallel_loop3A_1757 {add = true} : memref<1936xf32, #tpu.memory_space<vmem>>[vector<16xi32>], vector<16xf32>, vector<16xi1>
        tpu.vector_store_idx %arg10[%parallel_loop3A_1771], %parallel_loop3A_1773 masked %parallel_loop3A_1767 {add = true} : memref<1936xi32, #tpu.memory_space<vmem>>[vector<16xi32>], vector<16xi32>, vector<16xi1>
        tpu.vector_store_idx %arg11[%parallel_loop3A_1771], %parallel_loop3A_1581 masked %parallel_loop3A_1767 {add = true} : memref<1936xf32, #tpu.memory_space<vmem>>[vector<16xi32>], vector<16xf32>, vector<16xi1>
        tpu.vector_store_idx %arg10[%parallel_loop3A_1781], %parallel_loop3A_1783 masked %parallel_loop3A_1777 {add = true} : memref<1936xi32, #tpu.memory_space<vmem>>[vector<16xi32>], vector<16xi32>, vector<16xi1>
        tpu.vector_store_idx %arg11[%parallel_loop3A_1781], %parallel_loop3A_1595 masked %parallel_loop3A_1777 {add = true} : memref<1936xf32, #tpu.memory_space<vmem>>[vector<16xi32>], vector<16xf32>, vector<16xi1>
        tpu.vector_store_idx %arg10[%parallel_loop3A_1791], %parallel_loop3A_1793 masked %parallel_loop3A_1787 {add = true} : memref<1936xi32, #tpu.memory_space<vmem>>[vector<16xi32>], vector<16xi32>, vector<16xi1>
        tpu.vector_store_idx %arg11[%parallel_loop3A_1791], %parallel_loop3A_1609 masked %parallel_loop3A_1787 {add = true} : memref<1936xf32, #tpu.memory_space<vmem>>[vector<16xi32>], vector<16xf32>, vector<16xi1>
        tpu.vector_store_idx %arg10[%parallel_loop3A_1801], %parallel_loop3A_1803 masked %parallel_loop3A_1797 {add = true} : memref<1936xi32, #tpu.memory_space<vmem>>[vector<16xi32>], vector<16xi32>, vector<16xi1>
        tpu.vector_store_idx %arg11[%parallel_loop3A_1801], %parallel_loop3A_1623 masked %parallel_loop3A_1797 {add = true} : memref<1936xf32, #tpu.memory_space<vmem>>[vector<16xi32>], vector<16xf32>, vector<16xi1>
        tpu.vector_store_idx %arg10[%parallel_loop3A_1811], %parallel_loop3A_1813 masked %parallel_loop3A_1807 {add = true} : memref<1936xi32, #tpu.memory_space<vmem>>[vector<16xi32>], vector<16xi32>, vector<16xi1>
        tpu.vector_store_idx %arg11[%parallel_loop3A_1811], %parallel_loop3A_1637 masked %parallel_loop3A_1807 {add = true} : memref<1936xf32, #tpu.memory_space<vmem>>[vector<16xi32>], vector<16xf32>, vector<16xi1>
        tpu.vector_store_idx %arg10[%parallel_loop3A_1821], %parallel_loop3A_1823 masked %parallel_loop3A_1817 {add = true} : memref<1936xi32, #tpu.memory_space<vmem>>[vector<16xi32>], vector<16xi32>, vector<16xi1>
        tpu.vector_store_idx %arg11[%parallel_loop3A_1821], %parallel_loop3A_1651 masked %parallel_loop3A_1817 {add = true} : memref<1936xf32, #tpu.memory_space<vmem>>[vector<16xi32>], vector<16xf32>, vector<16xi1>
        tpu.vector_store_idx %arg10[%parallel_loop3A_1831], %parallel_loop3A_1833 masked %parallel_loop3A_1827 {add = true} : memref<1936xi32, #tpu.memory_space<vmem>>[vector<16xi32>], vector<16xi32>, vector<16xi1>
        tpu.vector_store_idx %arg11[%parallel_loop3A_1831], %parallel_loop3A_1665 masked %parallel_loop3A_1827 {add = true} : memref<1936xf32, #tpu.memory_space<vmem>>[vector<16xi32>], vector<16xf32>, vector<16xi1>
      } {sc.loop_unroll_factor = 1 : i64, sc.parallel_access}
      %add3A_1396 = arith.constant 1 : i32
      %add3A_1397 = arith.addi %mul3A_1349, %add3A_1396 : i32
      %mul3A_1398 = arith.constant 16384 : i32
      %mul3A_1399 = arith.muli %add3A_1397, %mul3A_1398 : i32
      %add3A_1400 = arith.addi %mul3A_2, %mul3A_1399 : i32
      %dma_wait3A_1401 = arith.constant 1 : i32
      %dma_wait3A_1402 = arith.constant 1 : i32
      %dma_wait3A_1403 = arith.constant 0 : i32
      %dma_wait3A_1404 = tpu.memref_slice %arg7[%dma_wait3A_1401, %dma_wait3A_1403] : memref<2x16384xf32, #tpu.memory_space<vmem>> -> memref<1x16384xf32, #tpu.memory_space<vmem>>
      %dma_wait3A_1405 = tpu.memref_squeeze %dma_wait3A_1404 : memref<1x16384xf32, #tpu.memory_space<vmem>> -> memref<16384xf32, #tpu.memory_space<vmem>>
      %dma_wait3A_1406 = tpu.memref_slice %arg2[%add3A_1400] : memref<4194304xf32, #tpu.memory_space<hbm>> -> memref<16384xf32, #tpu.memory_space<hbm>>
      %dma_wait3A_1407 = tpu.memref_slice %arg12[%dma_wait3A_1402] : memref<2x!tpu.dma_semaphore, #tpu.memory_space<semaphore_mem>> -> memref<1x!tpu.dma_semaphore, #tpu.memory_space<semaphore_mem>>
      %dma_wait3A_1408 = tpu.memref_squeeze %dma_wait3A_1407 : memref<1x!tpu.dma_semaphore, #tpu.memory_space<semaphore_mem>> -> memref<!tpu.dma_semaphore, #tpu.memory_space<semaphore_mem>>
      %dma_wait3A_1409 = arith.constant 0 : i32
      %dma_wait3A_1410 = tpu.memref_slice %arg7[%dma_wait3A_1401, %dma_wait3A_1409] : memref<2x16384xf32, #tpu.memory_space<vmem>> -> memref<1x16384xf32, #tpu.memory_space<vmem>>
      %dma_wait3A_1411 = tpu.memref_squeeze %dma_wait3A_1410 : memref<1x16384xf32, #tpu.memory_space<vmem>> -> memref<16384xf32, #tpu.memory_space<vmem>>
      %dma_wait3A_1412 = tpu.memref_slice %arg2[%add3A_1400] : memref<4194304xf32, #tpu.memory_space<hbm>> -> memref<16384xf32, #tpu.memory_space<hbm>>
      tpu.wait_dma2 semaphore(%dma_wait3A_1408 : memref<!tpu.dma_semaphore, #tpu.memory_space<semaphore_mem>>) src(%dma_wait3A_1412 : memref<16384xf32, #tpu.memory_space<hbm>>) dst(%dma_wait3A_1411 : memref<16384xf32, #tpu.memory_space<vmem>>)
      %dma_wait3A_1413 = arith.constant 1 : i32
      %dma_wait3A_1414 = arith.constant 1 : i32
      %dma_wait3A_1415 = arith.constant 0 : i32
      %dma_wait3A_1416 = tpu.memref_slice %arg8[%dma_wait3A_1413, %dma_wait3A_1415] : memref<2x16384xi32, #tpu.memory_space<vmem>> -> memref<1x16384xi32, #tpu.memory_space<vmem>>
      %dma_wait3A_1417 = tpu.memref_squeeze %dma_wait3A_1416 : memref<1x16384xi32, #tpu.memory_space<vmem>> -> memref<16384xi32, #tpu.memory_space<vmem>>
      %dma_wait3A_1418 = tpu.memref_slice %arg3[%add3A_1400] : memref<4194304xi32, #tpu.memory_space<hbm>> -> memref<16384xi32, #tpu.memory_space<hbm>>
      %dma_wait3A_1419 = tpu.memref_slice %arg12[%dma_wait3A_1414] : memref<2x!tpu.dma_semaphore, #tpu.memory_space<semaphore_mem>> -> memref<1x!tpu.dma_semaphore, #tpu.memory_space<semaphore_mem>>
      %dma_wait3A_1420 = tpu.memref_squeeze %dma_wait3A_1419 : memref<1x!tpu.dma_semaphore, #tpu.memory_space<semaphore_mem>> -> memref<!tpu.dma_semaphore, #tpu.memory_space<semaphore_mem>>
      %dma_wait3A_1421 = arith.constant 0 : i32
      %dma_wait3A_1422 = tpu.memref_slice %arg8[%dma_wait3A_1413, %dma_wait3A_1421] : memref<2x16384xi32, #tpu.memory_space<vmem>> -> memref<1x16384xi32, #tpu.memory_space<vmem>>
      %dma_wait3A_1423 = tpu.memref_squeeze %dma_wait3A_1422 : memref<1x16384xi32, #tpu.memory_space<vmem>> -> memref<16384xi32, #tpu.memory_space<vmem>>
      %dma_wait3A_1424 = tpu.memref_slice %arg3[%add3A_1400] : memref<4194304xi32, #tpu.memory_space<hbm>> -> memref<16384xi32, #tpu.memory_space<hbm>>
      tpu.wait_dma2 semaphore(%dma_wait3A_1420 : memref<!tpu.dma_semaphore, #tpu.memory_space<semaphore_mem>>) src(%dma_wait3A_1424 : memref<16384xi32, #tpu.memory_space<hbm>>) dst(%dma_wait3A_1423 : memref<16384xi32, #tpu.memory_space<vmem>>)
      %dma_wait3A_1425 = arith.constant 1 : i32
      %dma_wait3A_1426 = arith.constant 1 : i32
      %dma_wait3A_1427 = arith.constant 0 : i32
      %dma_wait3A_1428 = tpu.memref_slice %arg9[%dma_wait3A_1425, %dma_wait3A_1427] : memref<2x16384xi32, #tpu.memory_space<vmem>> -> memref<1x16384xi32, #tpu.memory_space<vmem>>
      %dma_wait3A_1429 = tpu.memref_squeeze %dma_wait3A_1428 : memref<1x16384xi32, #tpu.memory_space<vmem>> -> memref<16384xi32, #tpu.memory_space<vmem>>
      %dma_wait3A_1430 = tpu.memref_slice %arg4[%add3A_1400] : memref<4194304xi32, #tpu.memory_space<hbm>> -> memref<16384xi32, #tpu.memory_space<hbm>>
      %dma_wait3A_1431 = tpu.memref_slice %arg12[%dma_wait3A_1426] : memref<2x!tpu.dma_semaphore, #tpu.memory_space<semaphore_mem>> -> memref<1x!tpu.dma_semaphore, #tpu.memory_space<semaphore_mem>>
      %dma_wait3A_1432 = tpu.memref_squeeze %dma_wait3A_1431 : memref<1x!tpu.dma_semaphore, #tpu.memory_space<semaphore_mem>> -> memref<!tpu.dma_semaphore, #tpu.memory_space<semaphore_mem>>
      %dma_wait3A_1433 = arith.constant 0 : i32
      %dma_wait3A_1434 = tpu.memref_slice %arg9[%dma_wait3A_1425, %dma_wait3A_1433] : memref<2x16384xi32, #tpu.memory_space<vmem>> -> memref<1x16384xi32, #tpu.memory_space<vmem>>
      %dma_wait3A_1435 = tpu.memref_squeeze %dma_wait3A_1434 : memref<1x16384xi32, #tpu.memory_space<vmem>> -> memref<16384xi32, #tpu.memory_space<vmem>>
      %dma_wait3A_1436 = tpu.memref_slice %arg4[%add3A_1400] : memref<4194304xi32, #tpu.memory_space<hbm>> -> memref<16384xi32, #tpu.memory_space<hbm>>
      tpu.wait_dma2 semaphore(%dma_wait3A_1432 : memref<!tpu.dma_semaphore, #tpu.memory_space<semaphore_mem>>) src(%dma_wait3A_1436 : memref<16384xi32, #tpu.memory_space<hbm>>) dst(%dma_wait3A_1435 : memref<16384xi32, #tpu.memory_space<vmem>>)
      %add3A_1437 = arith.constant 2 : i32
      %add3A_1438 = arith.addi %add3A_1397, %add3A_1437 : i32
      %lt3A_1439 = arith.constant 6 : i32
      %lt3A_1440 = arith.cmpi slt, %add3A_1438, %lt3A_1439 : i32
      %convert_element_type3A_1441 = arith.extui %lt3A_1440 : i1 to i32
      %cond3A_1442 = arith.constant 0 : i32
      %cond3A_1443 = arith.cmpi ne, %convert_element_type3A_1441, %cond3A_1442 : i32
      scf.if %cond3A_1443 {
        %mul3A_1447 = arith.constant 16384 : i32
        %mul3A_1448 = arith.muli %add3A_1438, %mul3A_1447 : i32
        %add3A_1449 = arith.addi %mul3A_2, %mul3A_1448 : i32
        %dma_start3A_1450 = arith.constant 1 : i32
        %dma_start3A_1451 = arith.constant 1 : i32
        %dma_start3A_1452 = arith.constant 0 : i32
        %dma_start3A_1453 = tpu.memref_slice %arg7[%dma_start3A_1450, %dma_start3A_1452] : memref<2x16384xf32, #tpu.memory_space<vmem>> -> memref<1x16384xf32, #tpu.memory_space<vmem>>
        %dma_start3A_1454 = tpu.memref_squeeze %dma_start3A_1453 : memref<1x16384xf32, #tpu.memory_space<vmem>> -> memref<16384xf32, #tpu.memory_space<vmem>>
        %dma_start3A_1455 = tpu.memref_slice %arg2[%add3A_1449] : memref<4194304xf32, #tpu.memory_space<hbm>> -> memref<16384xf32, #tpu.memory_space<hbm>>
        %dma_start3A_1456 = tpu.memref_slice %arg12[%dma_start3A_1451] : memref<2x!tpu.dma_semaphore, #tpu.memory_space<semaphore_mem>> -> memref<1x!tpu.dma_semaphore, #tpu.memory_space<semaphore_mem>>
        %dma_start3A_1457 = tpu.memref_squeeze %dma_start3A_1456 : memref<1x!tpu.dma_semaphore, #tpu.memory_space<semaphore_mem>> -> memref<!tpu.dma_semaphore, #tpu.memory_space<semaphore_mem>>
        %dma_start3A_1458 = arith.constant 0 : i32
        %dma_start3A_1459 = tpu.memref_slice %arg7[%dma_start3A_1450, %dma_start3A_1458] : memref<2x16384xf32, #tpu.memory_space<vmem>> -> memref<1x16384xf32, #tpu.memory_space<vmem>>
        %dma_start3A_1460 = tpu.memref_squeeze %dma_start3A_1459 : memref<1x16384xf32, #tpu.memory_space<vmem>> -> memref<16384xf32, #tpu.memory_space<vmem>>
        %dma_start3A_1461 = tpu.memref_slice %arg2[%add3A_1449] : memref<4194304xf32, #tpu.memory_space<hbm>> -> memref<16384xf32, #tpu.memory_space<hbm>>
        tpu.enqueue_dma source(%dma_start3A_1461 : memref<16384xf32, #tpu.memory_space<hbm>>) target(%dma_start3A_1460 : memref<16384xf32, #tpu.memory_space<vmem>>) target_semaphore(%dma_start3A_1457 : memref<!tpu.dma_semaphore, #tpu.memory_space<semaphore_mem>>)
        %dma_start3A_1462 = arith.constant 1 : i32
        %dma_start3A_1463 = arith.constant 1 : i32
        %dma_start3A_1464 = arith.constant 0 : i32
        %dma_start3A_1465 = tpu.memref_slice %arg8[%dma_start3A_1462, %dma_start3A_1464] : memref<2x16384xi32, #tpu.memory_space<vmem>> -> memref<1x16384xi32, #tpu.memory_space<vmem>>
        %dma_start3A_1466 = tpu.memref_squeeze %dma_start3A_1465 : memref<1x16384xi32, #tpu.memory_space<vmem>> -> memref<16384xi32, #tpu.memory_space<vmem>>
        %dma_start3A_1467 = tpu.memref_slice %arg3[%add3A_1449] : memref<4194304xi32, #tpu.memory_space<hbm>> -> memref<16384xi32, #tpu.memory_space<hbm>>
        %dma_start3A_1468 = tpu.memref_slice %arg12[%dma_start3A_1463] : memref<2x!tpu.dma_semaphore, #tpu.memory_space<semaphore_mem>> -> memref<1x!tpu.dma_semaphore, #tpu.memory_space<semaphore_mem>>
        %dma_start3A_1469 = tpu.memref_squeeze %dma_start3A_1468 : memref<1x!tpu.dma_semaphore, #tpu.memory_space<semaphore_mem>> -> memref<!tpu.dma_semaphore, #tpu.memory_space<semaphore_mem>>
        %dma_start3A_1470 = arith.constant 0 : i32
        %dma_start3A_1471 = tpu.memref_slice %arg8[%dma_start3A_1462, %dma_start3A_1470] : memref<2x16384xi32, #tpu.memory_space<vmem>> -> memref<1x16384xi32, #tpu.memory_space<vmem>>
        %dma_start3A_1472 = tpu.memref_squeeze %dma_start3A_1471 : memref<1x16384xi32, #tpu.memory_space<vmem>> -> memref<16384xi32, #tpu.memory_space<vmem>>
        %dma_start3A_1473 = tpu.memref_slice %arg3[%add3A_1449] : memref<4194304xi32, #tpu.memory_space<hbm>> -> memref<16384xi32, #tpu.memory_space<hbm>>
        tpu.enqueue_dma source(%dma_start3A_1473 : memref<16384xi32, #tpu.memory_space<hbm>>) target(%dma_start3A_1472 : memref<16384xi32, #tpu.memory_space<vmem>>) target_semaphore(%dma_start3A_1469 : memref<!tpu.dma_semaphore, #tpu.memory_space<semaphore_mem>>)
        %dma_start3A_1474 = arith.constant 1 : i32
        %dma_start3A_1475 = arith.constant 1 : i32
        %dma_start3A_1476 = arith.constant 0 : i32
        %dma_start3A_1477 = tpu.memref_slice %arg9[%dma_start3A_1474, %dma_start3A_1476] : memref<2x16384xi32, #tpu.memory_space<vmem>> -> memref<1x16384xi32, #tpu.memory_space<vmem>>
        %dma_start3A_1478 = tpu.memref_squeeze %dma_start3A_1477 : memref<1x16384xi32, #tpu.memory_space<vmem>> -> memref<16384xi32, #tpu.memory_space<vmem>>
        %dma_start3A_1479 = tpu.memref_slice %arg4[%add3A_1449] : memref<4194304xi32, #tpu.memory_space<hbm>> -> memref<16384xi32, #tpu.memory_space<hbm>>
        %dma_start3A_1480 = tpu.memref_slice %arg12[%dma_start3A_1475] : memref<2x!tpu.dma_semaphore, #tpu.memory_space<semaphore_mem>> -> memref<1x!tpu.dma_semaphore, #tpu.memory_space<semaphore_mem>>
        %dma_start3A_1481 = tpu.memref_squeeze %dma_start3A_1480 : memref<1x!tpu.dma_semaphore, #tpu.memory_space<semaphore_mem>> -> memref<!tpu.dma_semaphore, #tpu.memory_space<semaphore_mem>>
        %dma_start3A_1482 = arith.constant 0 : i32
        %dma_start3A_1483 = tpu.memref_slice %arg9[%dma_start3A_1474, %dma_start3A_1482] : memref<2x16384xi32, #tpu.memory_space<vmem>> -> memref<1x16384xi32, #tpu.memory_space<vmem>>
        %dma_start3A_1484 = tpu.memref_squeeze %dma_start3A_1483 : memref<1x16384xi32, #tpu.memory_space<vmem>> -> memref<16384xi32, #tpu.memory_space<vmem>>
        %dma_start3A_1485 = tpu.memref_slice %arg4[%add3A_1449] : memref<4194304xi32, #tpu.memory_space<hbm>> -> memref<16384xi32, #tpu.memory_space<hbm>>
        tpu.enqueue_dma source(%dma_start3A_1485 : memref<16384xi32, #tpu.memory_space<hbm>>) target(%dma_start3A_1484 : memref<16384xi32, #tpu.memory_space<vmem>>) target_semaphore(%dma_start3A_1481 : memref<!tpu.dma_semaphore, #tpu.memory_space<semaphore_mem>>)
      } else {
      }
      %parallel_loop3A_1444 = arith.constant 0 : i32
      %parallel_loop3A_1445 = arith.constant 64 : i32
      %parallel_loop3A_1446 = arith.constant 1 : i32
      scf.for %parallel_loop3A_1447 = %parallel_loop3A_1444 to %parallel_loop3A_1445 step %parallel_loop3A_1446  : i32 {
        %parallel_loop3A_1448 = arith.constant 256 : i32
        %parallel_loop3A_1449 = arith.muli %parallel_loop3A_1447, %parallel_loop3A_1448 : i32
        %parallel_loop3A_1450 = arith.constant 0 : i32
        %parallel_loop3A_1451 = arith.addi %parallel_loop3A_1449, %parallel_loop3A_1450 : i32
        %parallel_loop3A_1452 = arith.constant 1 : i32
        %parallel_loop3A_1453 = arith.index_cast %parallel_loop3A_1452 : i32 to index
        %parallel_loop3A_1454 = arith.index_cast %parallel_loop3A_1451 : i32 to index
        %parallel_loop3A_1455 = tpu.vector_load %arg7[%parallel_loop3A_1453, %parallel_loop3A_1454] {strides = array<i32>} : memref<2x16384xf32, #tpu.memory_space<vmem>>, vector<16xf32>,
        %parallel_loop3A_1456 = arith.constant 1 : i32
        %parallel_loop3A_1457 = arith.index_cast %parallel_loop3A_1456 : i32 to index
        %parallel_loop3A_1458 = arith.index_cast %parallel_loop3A_1451 : i32 to index
        %parallel_loop3A_1459 = tpu.vector_load %arg8[%parallel_loop3A_1457, %parallel_loop3A_1458] {strides = array<i32>} : memref<2x16384xi32, #tpu.memory_space<vmem>>, vector<16xi32>,
        %parallel_loop3A_1460 = arith.constant 1 : i32
        %parallel_loop3A_1461 = arith.index_cast %parallel_loop3A_1460 : i32 to index
        %parallel_loop3A_1462 = arith.index_cast %parallel_loop3A_1451 : i32 to index
        %parallel_loop3A_1463 = tpu.vector_load %arg9[%parallel_loop3A_1461, %parallel_loop3A_1462] {strides = array<i32>} : memref<2x16384xi32, #tpu.memory_space<vmem>>, vector<16xi32>,
        %parallel_loop3A_1464 = arith.constant 16 : i32
        %parallel_loop3A_1465 = arith.addi %parallel_loop3A_1449, %parallel_loop3A_1464 : i32
        %parallel_loop3A_1466 = arith.constant 1 : i32
        %parallel_loop3A_1467 = arith.index_cast %parallel_loop3A_1466 : i32 to index
        %parallel_loop3A_1468 = arith.index_cast %parallel_loop3A_1465 : i32 to index
        %parallel_loop3A_1469 = tpu.vector_load %arg7[%parallel_loop3A_1467, %parallel_loop3A_1468] {strides = array<i32>} : memref<2x16384xf32, #tpu.memory_space<vmem>>, vector<16xf32>,
        %parallel_loop3A_1470 = arith.constant 1 : i32
        %parallel_loop3A_1471 = arith.index_cast %parallel_loop3A_1470 : i32 to index
        %parallel_loop3A_1472 = arith.index_cast %parallel_loop3A_1465 : i32 to index
        %parallel_loop3A_1473 = tpu.vector_load %arg8[%parallel_loop3A_1471, %parallel_loop3A_1472] {strides = array<i32>} : memref<2x16384xi32, #tpu.memory_space<vmem>>, vector<16xi32>,
        %parallel_loop3A_1474 = arith.constant 1 : i32
        %parallel_loop3A_1475 = arith.index_cast %parallel_loop3A_1474 : i32 to index
        %parallel_loop3A_1476 = arith.index_cast %parallel_loop3A_1465 : i32 to index
        %parallel_loop3A_1477 = tpu.vector_load %arg9[%parallel_loop3A_1475, %parallel_loop3A_1476] {strides = array<i32>} : memref<2x16384xi32, #tpu.memory_space<vmem>>, vector<16xi32>,
        %parallel_loop3A_1478 = arith.constant 32 : i32
        %parallel_loop3A_1479 = arith.addi %parallel_loop3A_1449, %parallel_loop3A_1478 : i32
        %parallel_loop3A_1480 = arith.constant 1 : i32
        %parallel_loop3A_1481 = arith.index_cast %parallel_loop3A_1480 : i32 to index
        %parallel_loop3A_1482 = arith.index_cast %parallel_loop3A_1479 : i32 to index
        %parallel_loop3A_1483 = tpu.vector_load %arg7[%parallel_loop3A_1481, %parallel_loop3A_1482] {strides = array<i32>} : memref<2x16384xf32, #tpu.memory_space<vmem>>, vector<16xf32>,
        %parallel_loop3A_1484 = arith.constant 1 : i32
        %parallel_loop3A_1485 = arith.index_cast %parallel_loop3A_1484 : i32 to index
        %parallel_loop3A_1486 = arith.index_cast %parallel_loop3A_1479 : i32 to index
        %parallel_loop3A_1487 = tpu.vector_load %arg8[%parallel_loop3A_1485, %parallel_loop3A_1486] {strides = array<i32>} : memref<2x16384xi32, #tpu.memory_space<vmem>>, vector<16xi32>,
        %parallel_loop3A_1488 = arith.constant 1 : i32
        %parallel_loop3A_1489 = arith.index_cast %parallel_loop3A_1488 : i32 to index
        %parallel_loop3A_1490 = arith.index_cast %parallel_loop3A_1479 : i32 to index
        %parallel_loop3A_1491 = tpu.vector_load %arg9[%parallel_loop3A_1489, %parallel_loop3A_1490] {strides = array<i32>} : memref<2x16384xi32, #tpu.memory_space<vmem>>, vector<16xi32>,
        %parallel_loop3A_1492 = arith.constant 48 : i32
        %parallel_loop3A_1493 = arith.addi %parallel_loop3A_1449, %parallel_loop3A_1492 : i32
        %parallel_loop3A_1494 = arith.constant 1 : i32
        %parallel_loop3A_1495 = arith.index_cast %parallel_loop3A_1494 : i32 to index
        %parallel_loop3A_1496 = arith.index_cast %parallel_loop3A_1493 : i32 to index
        %parallel_loop3A_1497 = tpu.vector_load %arg7[%parallel_loop3A_1495, %parallel_loop3A_1496] {strides = array<i32>} : memref<2x16384xf32, #tpu.memory_space<vmem>>, vector<16xf32>,
        %parallel_loop3A_1498 = arith.constant 1 : i32
        %parallel_loop3A_1499 = arith.index_cast %parallel_loop3A_1498 : i32 to index
        %parallel_loop3A_1500 = arith.index_cast %parallel_loop3A_1493 : i32 to index
        %parallel_loop3A_1501 = tpu.vector_load %arg8[%parallel_loop3A_1499, %parallel_loop3A_1500] {strides = array<i32>} : memref<2x16384xi32, #tpu.memory_space<vmem>>, vector<16xi32>,
        %parallel_loop3A_1502 = arith.constant 1 : i32
        %parallel_loop3A_1503 = arith.index_cast %parallel_loop3A_1502 : i32 to index
        %parallel_loop3A_1504 = arith.index_cast %parallel_loop3A_1493 : i32 to index
        %parallel_loop3A_1505 = tpu.vector_load %arg9[%parallel_loop3A_1503, %parallel_loop3A_1504] {strides = array<i32>} : memref<2x16384xi32, #tpu.memory_space<vmem>>, vector<16xi32>,
        %parallel_loop3A_1506 = arith.constant 64 : i32
        %parallel_loop3A_1507 = arith.addi %parallel_loop3A_1449, %parallel_loop3A_1506 : i32
        %parallel_loop3A_1508 = arith.constant 1 : i32
        %parallel_loop3A_1509 = arith.index_cast %parallel_loop3A_1508 : i32 to index
        %parallel_loop3A_1510 = arith.index_cast %parallel_loop3A_1507 : i32 to index
        %parallel_loop3A_1511 = tpu.vector_load %arg7[%parallel_loop3A_1509, %parallel_loop3A_1510] {strides = array<i32>} : memref<2x16384xf32, #tpu.memory_space<vmem>>, vector<16xf32>,
        %parallel_loop3A_1512 = arith.constant 1 : i32
        %parallel_loop3A_1513 = arith.index_cast %parallel_loop3A_1512 : i32 to index
        %parallel_loop3A_1514 = arith.index_cast %parallel_loop3A_1507 : i32 to index
        %parallel_loop3A_1515 = tpu.vector_load %arg8[%parallel_loop3A_1513, %parallel_loop3A_1514] {strides = array<i32>} : memref<2x16384xi32, #tpu.memory_space<vmem>>, vector<16xi32>,
        %parallel_loop3A_1516 = arith.constant 1 : i32
        %parallel_loop3A_1517 = arith.index_cast %parallel_loop3A_1516 : i32 to index
        %parallel_loop3A_1518 = arith.index_cast %parallel_loop3A_1507 : i32 to index
        %parallel_loop3A_1519 = tpu.vector_load %arg9[%parallel_loop3A_1517, %parallel_loop3A_1518] {strides = array<i32>} : memref<2x16384xi32, #tpu.memory_space<vmem>>, vector<16xi32>,
        %parallel_loop3A_1520 = arith.constant 80 : i32
        %parallel_loop3A_1521 = arith.addi %parallel_loop3A_1449, %parallel_loop3A_1520 : i32
        %parallel_loop3A_1522 = arith.constant 1 : i32
        %parallel_loop3A_1523 = arith.index_cast %parallel_loop3A_1522 : i32 to index
        %parallel_loop3A_1524 = arith.index_cast %parallel_loop3A_1521 : i32 to index
        %parallel_loop3A_1525 = tpu.vector_load %arg7[%parallel_loop3A_1523, %parallel_loop3A_1524] {strides = array<i32>} : memref<2x16384xf32, #tpu.memory_space<vmem>>, vector<16xf32>,
        %parallel_loop3A_1526 = arith.constant 1 : i32
        %parallel_loop3A_1527 = arith.index_cast %parallel_loop3A_1526 : i32 to index
        %parallel_loop3A_1528 = arith.index_cast %parallel_loop3A_1521 : i32 to index
        %parallel_loop3A_1529 = tpu.vector_load %arg8[%parallel_loop3A_1527, %parallel_loop3A_1528] {strides = array<i32>} : memref<2x16384xi32, #tpu.memory_space<vmem>>, vector<16xi32>,
        %parallel_loop3A_1530 = arith.constant 1 : i32
        %parallel_loop3A_1531 = arith.index_cast %parallel_loop3A_1530 : i32 to index
        %parallel_loop3A_1532 = arith.index_cast %parallel_loop3A_1521 : i32 to index
        %parallel_loop3A_1533 = tpu.vector_load %arg9[%parallel_loop3A_1531, %parallel_loop3A_1532] {strides = array<i32>} : memref<2x16384xi32, #tpu.memory_space<vmem>>, vector<16xi32>,
        %parallel_loop3A_1534 = arith.constant 96 : i32
        %parallel_loop3A_1535 = arith.addi %parallel_loop3A_1449, %parallel_loop3A_1534 : i32
        %parallel_loop3A_1536 = arith.constant 1 : i32
        %parallel_loop3A_1537 = arith.index_cast %parallel_loop3A_1536 : i32 to index
        %parallel_loop3A_1538 = arith.index_cast %parallel_loop3A_1535 : i32 to index
        %parallel_loop3A_1539 = tpu.vector_load %arg7[%parallel_loop3A_1537, %parallel_loop3A_1538] {strides = array<i32>} : memref<2x16384xf32, #tpu.memory_space<vmem>>, vector<16xf32>,
        %parallel_loop3A_1540 = arith.constant 1 : i32
        %parallel_loop3A_1541 = arith.index_cast %parallel_loop3A_1540 : i32 to index
        %parallel_loop3A_1542 = arith.index_cast %parallel_loop3A_1535 : i32 to index
        %parallel_loop3A_1543 = tpu.vector_load %arg8[%parallel_loop3A_1541, %parallel_loop3A_1542] {strides = array<i32>} : memref<2x16384xi32, #tpu.memory_space<vmem>>, vector<16xi32>,
        %parallel_loop3A_1544 = arith.constant 1 : i32
        %parallel_loop3A_1545 = arith.index_cast %parallel_loop3A_1544 : i32 to index
        %parallel_loop3A_1546 = arith.index_cast %parallel_loop3A_1535 : i32 to index
        %parallel_loop3A_1547 = tpu.vector_load %arg9[%parallel_loop3A_1545, %parallel_loop3A_1546] {strides = array<i32>} : memref<2x16384xi32, #tpu.memory_space<vmem>>, vector<16xi32>,
        %parallel_loop3A_1548 = arith.constant 112 : i32
        %parallel_loop3A_1549 = arith.addi %parallel_loop3A_1449, %parallel_loop3A_1548 : i32
        %parallel_loop3A_1550 = arith.constant 1 : i32
        %parallel_loop3A_1551 = arith.index_cast %parallel_loop3A_1550 : i32 to index
        %parallel_loop3A_1552 = arith.index_cast %parallel_loop3A_1549 : i32 to index
        %parallel_loop3A_1553 = tpu.vector_load %arg7[%parallel_loop3A_1551, %parallel_loop3A_1552] {strides = array<i32>} : memref<2x16384xf32, #tpu.memory_space<vmem>>, vector<16xf32>,
        %parallel_loop3A_1554 = arith.constant 1 : i32
        %parallel_loop3A_1555 = arith.index_cast %parallel_loop3A_1554 : i32 to index
        %parallel_loop3A_1556 = arith.index_cast %parallel_loop3A_1549 : i32 to index
        %parallel_loop3A_1557 = tpu.vector_load %arg8[%parallel_loop3A_1555, %parallel_loop3A_1556] {strides = array<i32>} : memref<2x16384xi32, #tpu.memory_space<vmem>>, vector<16xi32>,
        %parallel_loop3A_1558 = arith.constant 1 : i32
        %parallel_loop3A_1559 = arith.index_cast %parallel_loop3A_1558 : i32 to index
        %parallel_loop3A_1560 = arith.index_cast %parallel_loop3A_1549 : i32 to index
        %parallel_loop3A_1561 = tpu.vector_load %arg9[%parallel_loop3A_1559, %parallel_loop3A_1560] {strides = array<i32>} : memref<2x16384xi32, #tpu.memory_space<vmem>>, vector<16xi32>,
        %parallel_loop3A_1562 = arith.constant 128 : i32
        %parallel_loop3A_1563 = arith.addi %parallel_loop3A_1449, %parallel_loop3A_1562 : i32
        %parallel_loop3A_1564 = arith.constant 1 : i32
        %parallel_loop3A_1565 = arith.index_cast %parallel_loop3A_1564 : i32 to index
        %parallel_loop3A_1566 = arith.index_cast %parallel_loop3A_1563 : i32 to index
        %parallel_loop3A_1567 = tpu.vector_load %arg7[%parallel_loop3A_1565, %parallel_loop3A_1566] {strides = array<i32>} : memref<2x16384xf32, #tpu.memory_space<vmem>>, vector<16xf32>,
        %parallel_loop3A_1568 = arith.constant 1 : i32
        %parallel_loop3A_1569 = arith.index_cast %parallel_loop3A_1568 : i32 to index
        %parallel_loop3A_1570 = arith.index_cast %parallel_loop3A_1563 : i32 to index
        %parallel_loop3A_1571 = tpu.vector_load %arg8[%parallel_loop3A_1569, %parallel_loop3A_1570] {strides = array<i32>} : memref<2x16384xi32, #tpu.memory_space<vmem>>, vector<16xi32>,
        %parallel_loop3A_1572 = arith.constant 1 : i32
        %parallel_loop3A_1573 = arith.index_cast %parallel_loop3A_1572 : i32 to index
        %parallel_loop3A_1574 = arith.index_cast %parallel_loop3A_1563 : i32 to index
        %parallel_loop3A_1575 = tpu.vector_load %arg9[%parallel_loop3A_1573, %parallel_loop3A_1574] {strides = array<i32>} : memref<2x16384xi32, #tpu.memory_space<vmem>>, vector<16xi32>,
        %parallel_loop3A_1576 = arith.constant 144 : i32
        %parallel_loop3A_1577 = arith.addi %parallel_loop3A_1449, %parallel_loop3A_1576 : i32
        %parallel_loop3A_1578 = arith.constant 1 : i32
        %parallel_loop3A_1579 = arith.index_cast %parallel_loop3A_1578 : i32 to index
        %parallel_loop3A_1580 = arith.index_cast %parallel_loop3A_1577 : i32 to index
        %parallel_loop3A_1581 = tpu.vector_load %arg7[%parallel_loop3A_1579, %parallel_loop3A_1580] {strides = array<i32>} : memref<2x16384xf32, #tpu.memory_space<vmem>>, vector<16xf32>,
        %parallel_loop3A_1582 = arith.constant 1 : i32
        %parallel_loop3A_1583 = arith.index_cast %parallel_loop3A_1582 : i32 to index
        %parallel_loop3A_1584 = arith.index_cast %parallel_loop3A_1577 : i32 to index
        %parallel_loop3A_1585 = tpu.vector_load %arg8[%parallel_loop3A_1583, %parallel_loop3A_1584] {strides = array<i32>} : memref<2x16384xi32, #tpu.memory_space<vmem>>, vector<16xi32>,
        %parallel_loop3A_1586 = arith.constant 1 : i32
        %parallel_loop3A_1587 = arith.index_cast %parallel_loop3A_1586 : i32 to index
        %parallel_loop3A_1588 = arith.index_cast %parallel_loop3A_1577 : i32 to index
        %parallel_loop3A_1589 = tpu.vector_load %arg9[%parallel_loop3A_1587, %parallel_loop3A_1588] {strides = array<i32>} : memref<2x16384xi32, #tpu.memory_space<vmem>>, vector<16xi32>,
        %parallel_loop3A_1590 = arith.constant 160 : i32
        %parallel_loop3A_1591 = arith.addi %parallel_loop3A_1449, %parallel_loop3A_1590 : i32
        %parallel_loop3A_1592 = arith.constant 1 : i32
        %parallel_loop3A_1593 = arith.index_cast %parallel_loop3A_1592 : i32 to index
        %parallel_loop3A_1594 = arith.index_cast %parallel_loop3A_1591 : i32 to index
        %parallel_loop3A_1595 = tpu.vector_load %arg7[%parallel_loop3A_1593, %parallel_loop3A_1594] {strides = array<i32>} : memref<2x16384xf32, #tpu.memory_space<vmem>>, vector<16xf32>,
        %parallel_loop3A_1596 = arith.constant 1 : i32
        %parallel_loop3A_1597 = arith.index_cast %parallel_loop3A_1596 : i32 to index
        %parallel_loop3A_1598 = arith.index_cast %parallel_loop3A_1591 : i32 to index
        %parallel_loop3A_1599 = tpu.vector_load %arg8[%parallel_loop3A_1597, %parallel_loop3A_1598] {strides = array<i32>} : memref<2x16384xi32, #tpu.memory_space<vmem>>, vector<16xi32>,
        %parallel_loop3A_1600 = arith.constant 1 : i32
        %parallel_loop3A_1601 = arith.index_cast %parallel_loop3A_1600 : i32 to index
        %parallel_loop3A_1602 = arith.index_cast %parallel_loop3A_1591 : i32 to index
        %parallel_loop3A_1603 = tpu.vector_load %arg9[%parallel_loop3A_1601, %parallel_loop3A_1602] {strides = array<i32>} : memref<2x16384xi32, #tpu.memory_space<vmem>>, vector<16xi32>,
        %parallel_loop3A_1604 = arith.constant 176 : i32
        %parallel_loop3A_1605 = arith.addi %parallel_loop3A_1449, %parallel_loop3A_1604 : i32
        %parallel_loop3A_1606 = arith.constant 1 : i32
        %parallel_loop3A_1607 = arith.index_cast %parallel_loop3A_1606 : i32 to index
        %parallel_loop3A_1608 = arith.index_cast %parallel_loop3A_1605 : i32 to index
        %parallel_loop3A_1609 = tpu.vector_load %arg7[%parallel_loop3A_1607, %parallel_loop3A_1608] {strides = array<i32>} : memref<2x16384xf32, #tpu.memory_space<vmem>>, vector<16xf32>,
        %parallel_loop3A_1610 = arith.constant 1 : i32
        %parallel_loop3A_1611 = arith.index_cast %parallel_loop3A_1610 : i32 to index
        %parallel_loop3A_1612 = arith.index_cast %parallel_loop3A_1605 : i32 to index
        %parallel_loop3A_1613 = tpu.vector_load %arg8[%parallel_loop3A_1611, %parallel_loop3A_1612] {strides = array<i32>} : memref<2x16384xi32, #tpu.memory_space<vmem>>, vector<16xi32>,
        %parallel_loop3A_1614 = arith.constant 1 : i32
        %parallel_loop3A_1615 = arith.index_cast %parallel_loop3A_1614 : i32 to index
        %parallel_loop3A_1616 = arith.index_cast %parallel_loop3A_1605 : i32 to index
        %parallel_loop3A_1617 = tpu.vector_load %arg9[%parallel_loop3A_1615, %parallel_loop3A_1616] {strides = array<i32>} : memref<2x16384xi32, #tpu.memory_space<vmem>>, vector<16xi32>,
        %parallel_loop3A_1618 = arith.constant 192 : i32
        %parallel_loop3A_1619 = arith.addi %parallel_loop3A_1449, %parallel_loop3A_1618 : i32
        %parallel_loop3A_1620 = arith.constant 1 : i32
        %parallel_loop3A_1621 = arith.index_cast %parallel_loop3A_1620 : i32 to index
        %parallel_loop3A_1622 = arith.index_cast %parallel_loop3A_1619 : i32 to index
        %parallel_loop3A_1623 = tpu.vector_load %arg7[%parallel_loop3A_1621, %parallel_loop3A_1622] {strides = array<i32>} : memref<2x16384xf32, #tpu.memory_space<vmem>>, vector<16xf32>,
        %parallel_loop3A_1624 = arith.constant 1 : i32
        %parallel_loop3A_1625 = arith.index_cast %parallel_loop3A_1624 : i32 to index
        %parallel_loop3A_1626 = arith.index_cast %parallel_loop3A_1619 : i32 to index
        %parallel_loop3A_1627 = tpu.vector_load %arg8[%parallel_loop3A_1625, %parallel_loop3A_1626] {strides = array<i32>} : memref<2x16384xi32, #tpu.memory_space<vmem>>, vector<16xi32>,
        %parallel_loop3A_1628 = arith.constant 1 : i32
        %parallel_loop3A_1629 = arith.index_cast %parallel_loop3A_1628 : i32 to index
        %parallel_loop3A_1630 = arith.index_cast %parallel_loop3A_1619 : i32 to index
        %parallel_loop3A_1631 = tpu.vector_load %arg9[%parallel_loop3A_1629, %parallel_loop3A_1630] {strides = array<i32>} : memref<2x16384xi32, #tpu.memory_space<vmem>>, vector<16xi32>,
        %parallel_loop3A_1632 = arith.constant 208 : i32
        %parallel_loop3A_1633 = arith.addi %parallel_loop3A_1449, %parallel_loop3A_1632 : i32
        %parallel_loop3A_1634 = arith.constant 1 : i32
        %parallel_loop3A_1635 = arith.index_cast %parallel_loop3A_1634 : i32 to index
        %parallel_loop3A_1636 = arith.index_cast %parallel_loop3A_1633 : i32 to index
        %parallel_loop3A_1637 = tpu.vector_load %arg7[%parallel_loop3A_1635, %parallel_loop3A_1636] {strides = array<i32>} : memref<2x16384xf32, #tpu.memory_space<vmem>>, vector<16xf32>,
        %parallel_loop3A_1638 = arith.constant 1 : i32
        %parallel_loop3A_1639 = arith.index_cast %parallel_loop3A_1638 : i32 to index
        %parallel_loop3A_1640 = arith.index_cast %parallel_loop3A_1633 : i32 to index
        %parallel_loop3A_1641 = tpu.vector_load %arg8[%parallel_loop3A_1639, %parallel_loop3A_1640] {strides = array<i32>} : memref<2x16384xi32, #tpu.memory_space<vmem>>, vector<16xi32>,
        %parallel_loop3A_1642 = arith.constant 1 : i32
        %parallel_loop3A_1643 = arith.index_cast %parallel_loop3A_1642 : i32 to index
        %parallel_loop3A_1644 = arith.index_cast %parallel_loop3A_1633 : i32 to index
        %parallel_loop3A_1645 = tpu.vector_load %arg9[%parallel_loop3A_1643, %parallel_loop3A_1644] {strides = array<i32>} : memref<2x16384xi32, #tpu.memory_space<vmem>>, vector<16xi32>,
        %parallel_loop3A_1646 = arith.constant 224 : i32
        %parallel_loop3A_1647 = arith.addi %parallel_loop3A_1449, %parallel_loop3A_1646 : i32
        %parallel_loop3A_1648 = arith.constant 1 : i32
        %parallel_loop3A_1649 = arith.index_cast %parallel_loop3A_1648 : i32 to index
        %parallel_loop3A_1650 = arith.index_cast %parallel_loop3A_1647 : i32 to index
        %parallel_loop3A_1651 = tpu.vector_load %arg7[%parallel_loop3A_1649, %parallel_loop3A_1650] {strides = array<i32>} : memref<2x16384xf32, #tpu.memory_space<vmem>>, vector<16xf32>,
        %parallel_loop3A_1652 = arith.constant 1 : i32
        %parallel_loop3A_1653 = arith.index_cast %parallel_loop3A_1652 : i32 to index
        %parallel_loop3A_1654 = arith.index_cast %parallel_loop3A_1647 : i32 to index
        %parallel_loop3A_1655 = tpu.vector_load %arg8[%parallel_loop3A_1653, %parallel_loop3A_1654] {strides = array<i32>} : memref<2x16384xi32, #tpu.memory_space<vmem>>, vector<16xi32>,
        %parallel_loop3A_1656 = arith.constant 1 : i32
        %parallel_loop3A_1657 = arith.index_cast %parallel_loop3A_1656 : i32 to index
        %parallel_loop3A_1658 = arith.index_cast %parallel_loop3A_1647 : i32 to index
        %parallel_loop3A_1659 = tpu.vector_load %arg9[%parallel_loop3A_1657, %parallel_loop3A_1658] {strides = array<i32>} : memref<2x16384xi32, #tpu.memory_space<vmem>>, vector<16xi32>,
        %parallel_loop3A_1660 = arith.constant 240 : i32
        %parallel_loop3A_1661 = arith.addi %parallel_loop3A_1449, %parallel_loop3A_1660 : i32
        %parallel_loop3A_1662 = arith.constant 1 : i32
        %parallel_loop3A_1663 = arith.index_cast %parallel_loop3A_1662 : i32 to index
        %parallel_loop3A_1664 = arith.index_cast %parallel_loop3A_1661 : i32 to index
        %parallel_loop3A_1665 = tpu.vector_load %arg7[%parallel_loop3A_1663, %parallel_loop3A_1664] {strides = array<i32>} : memref<2x16384xf32, #tpu.memory_space<vmem>>, vector<16xf32>,
        %parallel_loop3A_1666 = arith.constant 1 : i32
        %parallel_loop3A_1667 = arith.index_cast %parallel_loop3A_1666 : i32 to index
        %parallel_loop3A_1668 = arith.index_cast %parallel_loop3A_1661 : i32 to index
        %parallel_loop3A_1669 = tpu.vector_load %arg8[%parallel_loop3A_1667, %parallel_loop3A_1668] {strides = array<i32>} : memref<2x16384xi32, #tpu.memory_space<vmem>>, vector<16xi32>,
        %parallel_loop3A_1670 = arith.constant 1 : i32
        %parallel_loop3A_1671 = arith.index_cast %parallel_loop3A_1670 : i32 to index
        %parallel_loop3A_1672 = arith.index_cast %parallel_loop3A_1661 : i32 to index
        %parallel_loop3A_1673 = tpu.vector_load %arg9[%parallel_loop3A_1671, %parallel_loop3A_1672] {strides = array<i32>} : memref<2x16384xi32, #tpu.memory_space<vmem>>, vector<16xi32>,
        %parallel_loop3A_1674 = arith.mulf %parallel_loop3A_1455, %broadcast_in_dim3A_593 : vector<16xf32>
        %parallel_loop3A_1675 = arith.fptosi %parallel_loop3A_1674 : vector<16xf32> to vector<16xi32>
        %parallel_loop3A_1676 = arith.minsi %parallel_loop3A_1675, %broadcast_in_dim3A_587 : vector<16xi32>
        %parallel_loop3A_1677 = arith.cmpf ogt, %parallel_loop3A_1455, %broadcast_in_dim3A_585 : vector<16xf32>
        %parallel_loop3A_1678 = arith.constant 4 : i32
        %parallel_loop3A_1679 = vector.broadcast %parallel_loop3A_1678 : i32 to vector<16xi32>
        %parallel_loop3A_1680 = arith.shli %parallel_loop3A_1676, %parallel_loop3A_1679 : vector<16xi32>
        %parallel_loop3A_1681 = arith.addi %add3A_5, %parallel_loop3A_1680 : vector<16xi32>
        %parallel_loop3A_1682 = arith.cmpi eq, %parallel_loop3A_1459, %parallel_loop3A_1463 : vector<16xi32>
        %parallel_loop3A_1683 = arith.select %parallel_loop3A_1682, %broadcast_in_dim3A_591, %broadcast_in_dim3A_589 : vector<16xi1>, vector<16xi32>
        %parallel_loop3A_1684 = arith.mulf %parallel_loop3A_1469, %broadcast_in_dim3A_593 : vector<16xf32>
        %parallel_loop3A_1685 = arith.fptosi %parallel_loop3A_1684 : vector<16xf32> to vector<16xi32>
        %parallel_loop3A_1686 = arith.minsi %parallel_loop3A_1685, %broadcast_in_dim3A_587 : vector<16xi32>
        %parallel_loop3A_1687 = arith.cmpf ogt, %parallel_loop3A_1469, %broadcast_in_dim3A_585 : vector<16xf32>
        %parallel_loop3A_1688 = arith.constant 4 : i32
        %parallel_loop3A_1689 = vector.broadcast %parallel_loop3A_1688 : i32 to vector<16xi32>
        %parallel_loop3A_1690 = arith.shli %parallel_loop3A_1686, %parallel_loop3A_1689 : vector<16xi32>
        %parallel_loop3A_1691 = arith.addi %add3A_8, %parallel_loop3A_1690 : vector<16xi32>
        %parallel_loop3A_1692 = arith.cmpi eq, %parallel_loop3A_1473, %parallel_loop3A_1477 : vector<16xi32>
        %parallel_loop3A_1693 = arith.select %parallel_loop3A_1692, %broadcast_in_dim3A_591, %broadcast_in_dim3A_589 : vector<16xi1>, vector<16xi32>
        %parallel_loop3A_1694 = arith.mulf %parallel_loop3A_1483, %broadcast_in_dim3A_593 : vector<16xf32>
        %parallel_loop3A_1695 = arith.fptosi %parallel_loop3A_1694 : vector<16xf32> to vector<16xi32>
        %parallel_loop3A_1696 = arith.minsi %parallel_loop3A_1695, %broadcast_in_dim3A_587 : vector<16xi32>
        %parallel_loop3A_1697 = arith.cmpf ogt, %parallel_loop3A_1483, %broadcast_in_dim3A_585 : vector<16xf32>
        %parallel_loop3A_1698 = arith.constant 4 : i32
        %parallel_loop3A_1699 = vector.broadcast %parallel_loop3A_1698 : i32 to vector<16xi32>
        %parallel_loop3A_1700 = arith.shli %parallel_loop3A_1696, %parallel_loop3A_1699 : vector<16xi32>
        %parallel_loop3A_1701 = arith.addi %add3A_11, %parallel_loop3A_1700 : vector<16xi32>
        %parallel_loop3A_1702 = arith.cmpi eq, %parallel_loop3A_1487, %parallel_loop3A_1491 : vector<16xi32>
        %parallel_loop3A_1703 = arith.select %parallel_loop3A_1702, %broadcast_in_dim3A_591, %broadcast_in_dim3A_589 : vector<16xi1>, vector<16xi32>
        %parallel_loop3A_1704 = arith.mulf %parallel_loop3A_1497, %broadcast_in_dim3A_593 : vector<16xf32>
        %parallel_loop3A_1705 = arith.fptosi %parallel_loop3A_1704 : vector<16xf32> to vector<16xi32>
        %parallel_loop3A_1706 = arith.minsi %parallel_loop3A_1705, %broadcast_in_dim3A_587 : vector<16xi32>
        %parallel_loop3A_1707 = arith.cmpf ogt, %parallel_loop3A_1497, %broadcast_in_dim3A_585 : vector<16xf32>
        %parallel_loop3A_1708 = arith.constant 4 : i32
        %parallel_loop3A_1709 = vector.broadcast %parallel_loop3A_1708 : i32 to vector<16xi32>
        %parallel_loop3A_1710 = arith.shli %parallel_loop3A_1706, %parallel_loop3A_1709 : vector<16xi32>
        %parallel_loop3A_1711 = arith.addi %add3A_14, %parallel_loop3A_1710 : vector<16xi32>
        %parallel_loop3A_1712 = arith.cmpi eq, %parallel_loop3A_1501, %parallel_loop3A_1505 : vector<16xi32>
        %parallel_loop3A_1713 = arith.select %parallel_loop3A_1712, %broadcast_in_dim3A_591, %broadcast_in_dim3A_589 : vector<16xi1>, vector<16xi32>
        %parallel_loop3A_1714 = arith.mulf %parallel_loop3A_1511, %broadcast_in_dim3A_593 : vector<16xf32>
        %parallel_loop3A_1715 = arith.fptosi %parallel_loop3A_1714 : vector<16xf32> to vector<16xi32>
        %parallel_loop3A_1716 = arith.minsi %parallel_loop3A_1715, %broadcast_in_dim3A_587 : vector<16xi32>
        %parallel_loop3A_1717 = arith.cmpf ogt, %parallel_loop3A_1511, %broadcast_in_dim3A_585 : vector<16xf32>
        %parallel_loop3A_1718 = arith.constant 4 : i32
        %parallel_loop3A_1719 = vector.broadcast %parallel_loop3A_1718 : i32 to vector<16xi32>
        %parallel_loop3A_1720 = arith.shli %parallel_loop3A_1716, %parallel_loop3A_1719 : vector<16xi32>
        %parallel_loop3A_1721 = arith.addi %add3A_17, %parallel_loop3A_1720 : vector<16xi32>
        %parallel_loop3A_1722 = arith.cmpi eq, %parallel_loop3A_1515, %parallel_loop3A_1519 : vector<16xi32>
        %parallel_loop3A_1723 = arith.select %parallel_loop3A_1722, %broadcast_in_dim3A_591, %broadcast_in_dim3A_589 : vector<16xi1>, vector<16xi32>
        %parallel_loop3A_1724 = arith.mulf %parallel_loop3A_1525, %broadcast_in_dim3A_593 : vector<16xf32>
        %parallel_loop3A_1725 = arith.fptosi %parallel_loop3A_1724 : vector<16xf32> to vector<16xi32>
        %parallel_loop3A_1726 = arith.minsi %parallel_loop3A_1725, %broadcast_in_dim3A_587 : vector<16xi32>
        %parallel_loop3A_1727 = arith.cmpf ogt, %parallel_loop3A_1525, %broadcast_in_dim3A_585 : vector<16xf32>
        %parallel_loop3A_1728 = arith.constant 4 : i32
        %parallel_loop3A_1729 = vector.broadcast %parallel_loop3A_1728 : i32 to vector<16xi32>
        %parallel_loop3A_1730 = arith.shli %parallel_loop3A_1726, %parallel_loop3A_1729 : vector<16xi32>
        %parallel_loop3A_1731 = arith.addi %add3A_20, %parallel_loop3A_1730 : vector<16xi32>
        %parallel_loop3A_1732 = arith.cmpi eq, %parallel_loop3A_1529, %parallel_loop3A_1533 : vector<16xi32>
        %parallel_loop3A_1733 = arith.select %parallel_loop3A_1732, %broadcast_in_dim3A_591, %broadcast_in_dim3A_589 : vector<16xi1>, vector<16xi32>
        %parallel_loop3A_1734 = arith.mulf %parallel_loop3A_1539, %broadcast_in_dim3A_593 : vector<16xf32>
        %parallel_loop3A_1735 = arith.fptosi %parallel_loop3A_1734 : vector<16xf32> to vector<16xi32>
        %parallel_loop3A_1736 = arith.minsi %parallel_loop3A_1735, %broadcast_in_dim3A_587 : vector<16xi32>
        %parallel_loop3A_1737 = arith.cmpf ogt, %parallel_loop3A_1539, %broadcast_in_dim3A_585 : vector<16xf32>
        %parallel_loop3A_1738 = arith.constant 4 : i32
        %parallel_loop3A_1739 = vector.broadcast %parallel_loop3A_1738 : i32 to vector<16xi32>
        %parallel_loop3A_1740 = arith.shli %parallel_loop3A_1736, %parallel_loop3A_1739 : vector<16xi32>
        %parallel_loop3A_1741 = arith.addi %add3A_23, %parallel_loop3A_1740 : vector<16xi32>
        %parallel_loop3A_1742 = arith.cmpi eq, %parallel_loop3A_1543, %parallel_loop3A_1547 : vector<16xi32>
        %parallel_loop3A_1743 = arith.select %parallel_loop3A_1742, %broadcast_in_dim3A_591, %broadcast_in_dim3A_589 : vector<16xi1>, vector<16xi32>
        %parallel_loop3A_1744 = arith.mulf %parallel_loop3A_1553, %broadcast_in_dim3A_593 : vector<16xf32>
        %parallel_loop3A_1745 = arith.fptosi %parallel_loop3A_1744 : vector<16xf32> to vector<16xi32>
        %parallel_loop3A_1746 = arith.minsi %parallel_loop3A_1745, %broadcast_in_dim3A_587 : vector<16xi32>
        %parallel_loop3A_1747 = arith.cmpf ogt, %parallel_loop3A_1553, %broadcast_in_dim3A_585 : vector<16xf32>
        %parallel_loop3A_1748 = arith.constant 4 : i32
        %parallel_loop3A_1749 = vector.broadcast %parallel_loop3A_1748 : i32 to vector<16xi32>
        %parallel_loop3A_1750 = arith.shli %parallel_loop3A_1746, %parallel_loop3A_1749 : vector<16xi32>
        %parallel_loop3A_1751 = arith.addi %add3A_26, %parallel_loop3A_1750 : vector<16xi32>
        %parallel_loop3A_1752 = arith.cmpi eq, %parallel_loop3A_1557, %parallel_loop3A_1561 : vector<16xi32>
        %parallel_loop3A_1753 = arith.select %parallel_loop3A_1752, %broadcast_in_dim3A_591, %broadcast_in_dim3A_589 : vector<16xi1>, vector<16xi32>
        %parallel_loop3A_1754 = arith.mulf %parallel_loop3A_1567, %broadcast_in_dim3A_593 : vector<16xf32>
        %parallel_loop3A_1755 = arith.fptosi %parallel_loop3A_1754 : vector<16xf32> to vector<16xi32>
        %parallel_loop3A_1756 = arith.minsi %parallel_loop3A_1755, %broadcast_in_dim3A_587 : vector<16xi32>
        %parallel_loop3A_1757 = arith.cmpf ogt, %parallel_loop3A_1567, %broadcast_in_dim3A_585 : vector<16xf32>
        %parallel_loop3A_1758 = arith.constant 4 : i32
        %parallel_loop3A_1759 = vector.broadcast %parallel_loop3A_1758 : i32 to vector<16xi32>
        %parallel_loop3A_1760 = arith.shli %parallel_loop3A_1756, %parallel_loop3A_1759 : vector<16xi32>
        %parallel_loop3A_1761 = arith.addi %add3A_5, %parallel_loop3A_1760 : vector<16xi32>
        %parallel_loop3A_1762 = arith.cmpi eq, %parallel_loop3A_1571, %parallel_loop3A_1575 : vector<16xi32>
        %parallel_loop3A_1763 = arith.select %parallel_loop3A_1762, %broadcast_in_dim3A_591, %broadcast_in_dim3A_589 : vector<16xi1>, vector<16xi32>
        %parallel_loop3A_1764 = arith.mulf %parallel_loop3A_1581, %broadcast_in_dim3A_593 : vector<16xf32>
        %parallel_loop3A_1765 = arith.fptosi %parallel_loop3A_1764 : vector<16xf32> to vector<16xi32>
        %parallel_loop3A_1766 = arith.minsi %parallel_loop3A_1765, %broadcast_in_dim3A_587 : vector<16xi32>
        %parallel_loop3A_1767 = arith.cmpf ogt, %parallel_loop3A_1581, %broadcast_in_dim3A_585 : vector<16xf32>
        %parallel_loop3A_1768 = arith.constant 4 : i32
        %parallel_loop3A_1769 = vector.broadcast %parallel_loop3A_1768 : i32 to vector<16xi32>
        %parallel_loop3A_1770 = arith.shli %parallel_loop3A_1766, %parallel_loop3A_1769 : vector<16xi32>
        %parallel_loop3A_1771 = arith.addi %add3A_8, %parallel_loop3A_1770 : vector<16xi32>
        %parallel_loop3A_1772 = arith.cmpi eq, %parallel_loop3A_1585, %parallel_loop3A_1589 : vector<16xi32>
        %parallel_loop3A_1773 = arith.select %parallel_loop3A_1772, %broadcast_in_dim3A_591, %broadcast_in_dim3A_589 : vector<16xi1>, vector<16xi32>
        %parallel_loop3A_1774 = arith.mulf %parallel_loop3A_1595, %broadcast_in_dim3A_593 : vector<16xf32>
        %parallel_loop3A_1775 = arith.fptosi %parallel_loop3A_1774 : vector<16xf32> to vector<16xi32>
        %parallel_loop3A_1776 = arith.minsi %parallel_loop3A_1775, %broadcast_in_dim3A_587 : vector<16xi32>
        %parallel_loop3A_1777 = arith.cmpf ogt, %parallel_loop3A_1595, %broadcast_in_dim3A_585 : vector<16xf32>
        %parallel_loop3A_1778 = arith.constant 4 : i32
        %parallel_loop3A_1779 = vector.broadcast %parallel_loop3A_1778 : i32 to vector<16xi32>
        %parallel_loop3A_1780 = arith.shli %parallel_loop3A_1776, %parallel_loop3A_1779 : vector<16xi32>
        %parallel_loop3A_1781 = arith.addi %add3A_11, %parallel_loop3A_1780 : vector<16xi32>
        %parallel_loop3A_1782 = arith.cmpi eq, %parallel_loop3A_1599, %parallel_loop3A_1603 : vector<16xi32>
        %parallel_loop3A_1783 = arith.select %parallel_loop3A_1782, %broadcast_in_dim3A_591, %broadcast_in_dim3A_589 : vector<16xi1>, vector<16xi32>
        %parallel_loop3A_1784 = arith.mulf %parallel_loop3A_1609, %broadcast_in_dim3A_593 : vector<16xf32>
        %parallel_loop3A_1785 = arith.fptosi %parallel_loop3A_1784 : vector<16xf32> to vector<16xi32>
        %parallel_loop3A_1786 = arith.minsi %parallel_loop3A_1785, %broadcast_in_dim3A_587 : vector<16xi32>
        %parallel_loop3A_1787 = arith.cmpf ogt, %parallel_loop3A_1609, %broadcast_in_dim3A_585 : vector<16xf32>
        %parallel_loop3A_1788 = arith.constant 4 : i32
        %parallel_loop3A_1789 = vector.broadcast %parallel_loop3A_1788 : i32 to vector<16xi32>
        %parallel_loop3A_1790 = arith.shli %parallel_loop3A_1786, %parallel_loop3A_1789 : vector<16xi32>
        %parallel_loop3A_1791 = arith.addi %add3A_14, %parallel_loop3A_1790 : vector<16xi32>
        %parallel_loop3A_1792 = arith.cmpi eq, %parallel_loop3A_1613, %parallel_loop3A_1617 : vector<16xi32>
        %parallel_loop3A_1793 = arith.select %parallel_loop3A_1792, %broadcast_in_dim3A_591, %broadcast_in_dim3A_589 : vector<16xi1>, vector<16xi32>
        %parallel_loop3A_1794 = arith.mulf %parallel_loop3A_1623, %broadcast_in_dim3A_593 : vector<16xf32>
        %parallel_loop3A_1795 = arith.fptosi %parallel_loop3A_1794 : vector<16xf32> to vector<16xi32>
        %parallel_loop3A_1796 = arith.minsi %parallel_loop3A_1795, %broadcast_in_dim3A_587 : vector<16xi32>
        %parallel_loop3A_1797 = arith.cmpf ogt, %parallel_loop3A_1623, %broadcast_in_dim3A_585 : vector<16xf32>
        %parallel_loop3A_1798 = arith.constant 4 : i32
        %parallel_loop3A_1799 = vector.broadcast %parallel_loop3A_1798 : i32 to vector<16xi32>
        %parallel_loop3A_1800 = arith.shli %parallel_loop3A_1796, %parallel_loop3A_1799 : vector<16xi32>
        %parallel_loop3A_1801 = arith.addi %add3A_17, %parallel_loop3A_1800 : vector<16xi32>
        %parallel_loop3A_1802 = arith.cmpi eq, %parallel_loop3A_1627, %parallel_loop3A_1631 : vector<16xi32>
        %parallel_loop3A_1803 = arith.select %parallel_loop3A_1802, %broadcast_in_dim3A_591, %broadcast_in_dim3A_589 : vector<16xi1>, vector<16xi32>
        %parallel_loop3A_1804 = arith.mulf %parallel_loop3A_1637, %broadcast_in_dim3A_593 : vector<16xf32>
        %parallel_loop3A_1805 = arith.fptosi %parallel_loop3A_1804 : vector<16xf32> to vector<16xi32>
        %parallel_loop3A_1806 = arith.minsi %parallel_loop3A_1805, %broadcast_in_dim3A_587 : vector<16xi32>
        %parallel_loop3A_1807 = arith.cmpf ogt, %parallel_loop3A_1637, %broadcast_in_dim3A_585 : vector<16xf32>
        %parallel_loop3A_1808 = arith.constant 4 : i32
        %parallel_loop3A_1809 = vector.broadcast %parallel_loop3A_1808 : i32 to vector<16xi32>
        %parallel_loop3A_1810 = arith.shli %parallel_loop3A_1806, %parallel_loop3A_1809 : vector<16xi32>
        %parallel_loop3A_1811 = arith.addi %add3A_20, %parallel_loop3A_1810 : vector<16xi32>
        %parallel_loop3A_1812 = arith.cmpi eq, %parallel_loop3A_1641, %parallel_loop3A_1645 : vector<16xi32>
        %parallel_loop3A_1813 = arith.select %parallel_loop3A_1812, %broadcast_in_dim3A_591, %broadcast_in_dim3A_589 : vector<16xi1>, vector<16xi32>
        %parallel_loop3A_1814 = arith.mulf %parallel_loop3A_1651, %broadcast_in_dim3A_593 : vector<16xf32>
        %parallel_loop3A_1815 = arith.fptosi %parallel_loop3A_1814 : vector<16xf32> to vector<16xi32>
        %parallel_loop3A_1816 = arith.minsi %parallel_loop3A_1815, %broadcast_in_dim3A_587 : vector<16xi32>
        %parallel_loop3A_1817 = arith.cmpf ogt, %parallel_loop3A_1651, %broadcast_in_dim3A_585 : vector<16xf32>
        %parallel_loop3A_1818 = arith.constant 4 : i32
        %parallel_loop3A_1819 = vector.broadcast %parallel_loop3A_1818 : i32 to vector<16xi32>
        %parallel_loop3A_1820 = arith.shli %parallel_loop3A_1816, %parallel_loop3A_1819 : vector<16xi32>
        %parallel_loop3A_1821 = arith.addi %add3A_23, %parallel_loop3A_1820 : vector<16xi32>
        %parallel_loop3A_1822 = arith.cmpi eq, %parallel_loop3A_1655, %parallel_loop3A_1659 : vector<16xi32>
        %parallel_loop3A_1823 = arith.select %parallel_loop3A_1822, %broadcast_in_dim3A_591, %broadcast_in_dim3A_589 : vector<16xi1>, vector<16xi32>
        %parallel_loop3A_1824 = arith.mulf %parallel_loop3A_1665, %broadcast_in_dim3A_593 : vector<16xf32>
        %parallel_loop3A_1825 = arith.fptosi %parallel_loop3A_1824 : vector<16xf32> to vector<16xi32>
        %parallel_loop3A_1826 = arith.minsi %parallel_loop3A_1825, %broadcast_in_dim3A_587 : vector<16xi32>
        %parallel_loop3A_1827 = arith.cmpf ogt, %parallel_loop3A_1665, %broadcast_in_dim3A_585 : vector<16xf32>
        %parallel_loop3A_1828 = arith.constant 4 : i32
        %parallel_loop3A_1829 = vector.broadcast %parallel_loop3A_1828 : i32 to vector<16xi32>
        %parallel_loop3A_1830 = arith.shli %parallel_loop3A_1826, %parallel_loop3A_1829 : vector<16xi32>
        %parallel_loop3A_1831 = arith.addi %add3A_26, %parallel_loop3A_1830 : vector<16xi32>
        %parallel_loop3A_1832 = arith.cmpi eq, %parallel_loop3A_1669, %parallel_loop3A_1673 : vector<16xi32>
        %parallel_loop3A_1833 = arith.select %parallel_loop3A_1832, %broadcast_in_dim3A_591, %broadcast_in_dim3A_589 : vector<16xi1>, vector<16xi32>
        tpu.vector_store_idx %arg10[%parallel_loop3A_1681], %parallel_loop3A_1683 masked %parallel_loop3A_1677 {add = true} : memref<1936xi32, #tpu.memory_space<vmem>>[vector<16xi32>], vector<16xi32>, vector<16xi1>
        tpu.vector_store_idx %arg11[%parallel_loop3A_1681], %parallel_loop3A_1455 masked %parallel_loop3A_1677 {add = true} : memref<1936xf32, #tpu.memory_space<vmem>>[vector<16xi32>], vector<16xf32>, vector<16xi1>
        tpu.vector_store_idx %arg10[%parallel_loop3A_1691], %parallel_loop3A_1693 masked %parallel_loop3A_1687 {add = true} : memref<1936xi32, #tpu.memory_space<vmem>>[vector<16xi32>], vector<16xi32>, vector<16xi1>
        tpu.vector_store_idx %arg11[%parallel_loop3A_1691], %parallel_loop3A_1469 masked %parallel_loop3A_1687 {add = true} : memref<1936xf32, #tpu.memory_space<vmem>>[vector<16xi32>], vector<16xf32>, vector<16xi1>
        tpu.vector_store_idx %arg10[%parallel_loop3A_1701], %parallel_loop3A_1703 masked %parallel_loop3A_1697 {add = true} : memref<1936xi32, #tpu.memory_space<vmem>>[vector<16xi32>], vector<16xi32>, vector<16xi1>
        tpu.vector_store_idx %arg11[%parallel_loop3A_1701], %parallel_loop3A_1483 masked %parallel_loop3A_1697 {add = true} : memref<1936xf32, #tpu.memory_space<vmem>>[vector<16xi32>], vector<16xf32>, vector<16xi1>
        tpu.vector_store_idx %arg10[%parallel_loop3A_1711], %parallel_loop3A_1713 masked %parallel_loop3A_1707 {add = true} : memref<1936xi32, #tpu.memory_space<vmem>>[vector<16xi32>], vector<16xi32>, vector<16xi1>
        tpu.vector_store_idx %arg11[%parallel_loop3A_1711], %parallel_loop3A_1497 masked %parallel_loop3A_1707 {add = true} : memref<1936xf32, #tpu.memory_space<vmem>>[vector<16xi32>], vector<16xf32>, vector<16xi1>
        tpu.vector_store_idx %arg10[%parallel_loop3A_1721], %parallel_loop3A_1723 masked %parallel_loop3A_1717 {add = true} : memref<1936xi32, #tpu.memory_space<vmem>>[vector<16xi32>], vector<16xi32>, vector<16xi1>
        tpu.vector_store_idx %arg11[%parallel_loop3A_1721], %parallel_loop3A_1511 masked %parallel_loop3A_1717 {add = true} : memref<1936xf32, #tpu.memory_space<vmem>>[vector<16xi32>], vector<16xf32>, vector<16xi1>
        tpu.vector_store_idx %arg10[%parallel_loop3A_1731], %parallel_loop3A_1733 masked %parallel_loop3A_1727 {add = true} : memref<1936xi32, #tpu.memory_space<vmem>>[vector<16xi32>], vector<16xi32>, vector<16xi1>
        tpu.vector_store_idx %arg11[%parallel_loop3A_1731], %parallel_loop3A_1525 masked %parallel_loop3A_1727 {add = true} : memref<1936xf32, #tpu.memory_space<vmem>>[vector<16xi32>], vector<16xf32>, vector<16xi1>
        tpu.vector_store_idx %arg10[%parallel_loop3A_1741], %parallel_loop3A_1743 masked %parallel_loop3A_1737 {add = true} : memref<1936xi32, #tpu.memory_space<vmem>>[vector<16xi32>], vector<16xi32>, vector<16xi1>
        tpu.vector_store_idx %arg11[%parallel_loop3A_1741], %parallel_loop3A_1539 masked %parallel_loop3A_1737 {add = true} : memref<1936xf32, #tpu.memory_space<vmem>>[vector<16xi32>], vector<16xf32>, vector<16xi1>
        tpu.vector_store_idx %arg10[%parallel_loop3A_1751], %parallel_loop3A_1753 masked %parallel_loop3A_1747 {add = true} : memref<1936xi32, #tpu.memory_space<vmem>>[vector<16xi32>], vector<16xi32>, vector<16xi1>
        tpu.vector_store_idx %arg11[%parallel_loop3A_1751], %parallel_loop3A_1553 masked %parallel_loop3A_1747 {add = true} : memref<1936xf32, #tpu.memory_space<vmem>>[vector<16xi32>], vector<16xf32>, vector<16xi1>
        tpu.vector_store_idx %arg10[%parallel_loop3A_1761], %parallel_loop3A_1763 masked %parallel_loop3A_1757 {add = true} : memref<1936xi32, #tpu.memory_space<vmem>>[vector<16xi32>], vector<16xi32>, vector<16xi1>
        tpu.vector_store_idx %arg11[%parallel_loop3A_1761], %parallel_loop3A_1567 masked %parallel_loop3A_1757 {add = true} : memref<1936xf32, #tpu.memory_space<vmem>>[vector<16xi32>], vector<16xf32>, vector<16xi1>
        tpu.vector_store_idx %arg10[%parallel_loop3A_1771], %parallel_loop3A_1773 masked %parallel_loop3A_1767 {add = true} : memref<1936xi32, #tpu.memory_space<vmem>>[vector<16xi32>], vector<16xi32>, vector<16xi1>
        tpu.vector_store_idx %arg11[%parallel_loop3A_1771], %parallel_loop3A_1581 masked %parallel_loop3A_1767 {add = true} : memref<1936xf32, #tpu.memory_space<vmem>>[vector<16xi32>], vector<16xf32>, vector<16xi1>
        tpu.vector_store_idx %arg10[%parallel_loop3A_1781], %parallel_loop3A_1783 masked %parallel_loop3A_1777 {add = true} : memref<1936xi32, #tpu.memory_space<vmem>>[vector<16xi32>], vector<16xi32>, vector<16xi1>
        tpu.vector_store_idx %arg11[%parallel_loop3A_1781], %parallel_loop3A_1595 masked %parallel_loop3A_1777 {add = true} : memref<1936xf32, #tpu.memory_space<vmem>>[vector<16xi32>], vector<16xf32>, vector<16xi1>
        tpu.vector_store_idx %arg10[%parallel_loop3A_1791], %parallel_loop3A_1793 masked %parallel_loop3A_1787 {add = true} : memref<1936xi32, #tpu.memory_space<vmem>>[vector<16xi32>], vector<16xi32>, vector<16xi1>
        tpu.vector_store_idx %arg11[%parallel_loop3A_1791], %parallel_loop3A_1609 masked %parallel_loop3A_1787 {add = true} : memref<1936xf32, #tpu.memory_space<vmem>>[vector<16xi32>], vector<16xf32>, vector<16xi1>
        tpu.vector_store_idx %arg10[%parallel_loop3A_1801], %parallel_loop3A_1803 masked %parallel_loop3A_1797 {add = true} : memref<1936xi32, #tpu.memory_space<vmem>>[vector<16xi32>], vector<16xi32>, vector<16xi1>
        tpu.vector_store_idx %arg11[%parallel_loop3A_1801], %parallel_loop3A_1623 masked %parallel_loop3A_1797 {add = true} : memref<1936xf32, #tpu.memory_space<vmem>>[vector<16xi32>], vector<16xf32>, vector<16xi1>
        tpu.vector_store_idx %arg10[%parallel_loop3A_1811], %parallel_loop3A_1813 masked %parallel_loop3A_1807 {add = true} : memref<1936xi32, #tpu.memory_space<vmem>>[vector<16xi32>], vector<16xi32>, vector<16xi1>
        tpu.vector_store_idx %arg11[%parallel_loop3A_1811], %parallel_loop3A_1637 masked %parallel_loop3A_1807 {add = true} : memref<1936xf32, #tpu.memory_space<vmem>>[vector<16xi32>], vector<16xf32>, vector<16xi1>
        tpu.vector_store_idx %arg10[%parallel_loop3A_1821], %parallel_loop3A_1823 masked %parallel_loop3A_1817 {add = true} : memref<1936xi32, #tpu.memory_space<vmem>>[vector<16xi32>], vector<16xi32>, vector<16xi1>
        tpu.vector_store_idx %arg11[%parallel_loop3A_1821], %parallel_loop3A_1651 masked %parallel_loop3A_1817 {add = true} : memref<1936xf32, #tpu.memory_space<vmem>>[vector<16xi32>], vector<16xf32>, vector<16xi1>
        tpu.vector_store_idx %arg10[%parallel_loop3A_1831], %parallel_loop3A_1833 masked %parallel_loop3A_1827 {add = true} : memref<1936xi32, #tpu.memory_space<vmem>>[vector<16xi32>], vector<16xi32>, vector<16xi1>
        tpu.vector_store_idx %arg11[%parallel_loop3A_1831], %parallel_loop3A_1665 masked %parallel_loop3A_1827 {add = true} : memref<1936xf32, #tpu.memory_space<vmem>>[vector<16xi32>], vector<16xf32>, vector<16xi1>
      } {sc.loop_unroll_factor = 1 : i64, sc.parallel_access}
    }
    %scan3A_597 = arith.constant 3 : i32
    %get3A = arith.constant 0 : index
    %get3A_598 = tpu.vector_load %arg10[%get3A] {strides = array<i32>} : memref<1936xi32, #tpu.memory_space<vmem>>, vector<16xi32>,
    %get3A_599 = arith.constant 0 : index
    %get3A_600 = tpu.vector_load %arg11[%get3A_599] {strides = array<i32>} : memref<1936xf32, #tpu.memory_space<vmem>>, vector<16xf32>,
    %get3A_601 = arith.constant 240 : index
    %get3A_602 = tpu.vector_load %arg10[%get3A_601] {strides = array<i32>} : memref<1936xi32, #tpu.memory_space<vmem>>, vector<16xi32>,
    %add3A_603 = arith.addi %get3A_598, %get3A_602 : vector<16xi32>
    %get3A_604 = arith.constant 240 : index
    %get3A_605 = tpu.vector_load %arg11[%get3A_604] {strides = array<i32>} : memref<1936xf32, #tpu.memory_space<vmem>>, vector<16xf32>,
    %add3A_606 = arith.addf %get3A_600, %get3A_605 : vector<16xf32>
    %get3A_607 = arith.constant 480 : index
    %get3A_608 = tpu.vector_load %arg10[%get3A_607] {strides = array<i32>} : memref<1936xi32, #tpu.memory_space<vmem>>, vector<16xi32>,
    %add3A_609 = arith.addi %add3A_603, %get3A_608 : vector<16xi32>
    %get3A_610 = arith.constant 480 : index
    %get3A_611 = tpu.vector_load %arg11[%get3A_610] {strides = array<i32>} : memref<1936xf32, #tpu.memory_space<vmem>>, vector<16xf32>,
    %add3A_612 = arith.addf %add3A_606, %get3A_611 : vector<16xf32>
    %get3A_613 = arith.constant 720 : index
    %get3A_614 = tpu.vector_load %arg10[%get3A_613] {strides = array<i32>} : memref<1936xi32, #tpu.memory_space<vmem>>, vector<16xi32>,
    %add3A_615 = arith.addi %add3A_609, %get3A_614 : vector<16xi32>
    %get3A_616 = arith.constant 720 : index
    %get3A_617 = tpu.vector_load %arg11[%get3A_616] {strides = array<i32>} : memref<1936xf32, #tpu.memory_space<vmem>>, vector<16xf32>,
    %add3A_618 = arith.addf %add3A_612, %get3A_617 : vector<16xf32>
    %get3A_619 = arith.constant 960 : index
    %get3A_620 = tpu.vector_load %arg10[%get3A_619] {strides = array<i32>} : memref<1936xi32, #tpu.memory_space<vmem>>, vector<16xi32>,
    %add3A_621 = arith.addi %add3A_615, %get3A_620 : vector<16xi32>
    %get3A_622 = arith.constant 960 : index
    %get3A_623 = tpu.vector_load %arg11[%get3A_622] {strides = array<i32>} : memref<1936xf32, #tpu.memory_space<vmem>>, vector<16xf32>,
    %add3A_624 = arith.addf %add3A_618, %get3A_623 : vector<16xf32>
    %get3A_625 = arith.constant 1200 : index
    %get3A_626 = tpu.vector_load %arg10[%get3A_625] {strides = array<i32>} : memref<1936xi32, #tpu.memory_space<vmem>>, vector<16xi32>,
    %add3A_627 = arith.addi %add3A_621, %get3A_626 : vector<16xi32>
    %get3A_628 = arith.constant 1200 : index
    %get3A_629 = tpu.vector_load %arg11[%get3A_628] {strides = array<i32>} : memref<1936xf32, #tpu.memory_space<vmem>>, vector<16xf32>,
    %add3A_630 = arith.addf %add3A_624, %get3A_629 : vector<16xf32>
    %get3A_631 = arith.constant 1440 : index
    %get3A_632 = tpu.vector_load %arg10[%get3A_631] {strides = array<i32>} : memref<1936xi32, #tpu.memory_space<vmem>>, vector<16xi32>,
    %add3A_633 = arith.addi %add3A_627, %get3A_632 : vector<16xi32>
    %get3A_634 = arith.constant 1440 : index
    %get3A_635 = tpu.vector_load %arg11[%get3A_634] {strides = array<i32>} : memref<1936xf32, #tpu.memory_space<vmem>>, vector<16xf32>,
    %add3A_636 = arith.addf %add3A_630, %get3A_635 : vector<16xf32>
    %get3A_637 = arith.constant 1680 : index
    %get3A_638 = tpu.vector_load %arg10[%get3A_637] {strides = array<i32>} : memref<1936xi32, #tpu.memory_space<vmem>>, vector<16xi32>,
    %add3A_639 = arith.addi %add3A_633, %get3A_638 : vector<16xi32>
    %get3A_640 = arith.constant 1680 : index
    %get3A_641 = tpu.vector_load %arg11[%get3A_640] {strides = array<i32>} : memref<1936xf32, #tpu.memory_space<vmem>>, vector<16xf32>,
    %add3A_642 = arith.addf %add3A_636, %get3A_641 : vector<16xf32>
    %swap3A_643 = arith.constant 0 : index
    %swap3A_644 = tpu.vector_load %arg10[%swap3A_643] {strides = array<i32>} : memref<1936xi32, #tpu.memory_space<vmem>>, vector<16xi32>,
    tpu.vector_store %arg10[%swap3A_643], %add3A_639 {strides = array<i32>} : memref<1936xi32, #tpu.memory_space<vmem>>, vector<16xi32>,
    %swap3A_645 = arith.constant 0 : index
    %swap3A_646 = tpu.vector_load %arg11[%swap3A_645] {strides = array<i32>} : memref<1936xf32, #tpu.memory_space<vmem>>, vector<16xf32>,
    tpu.vector_store %arg11[%swap3A_645], %add3A_642 {strides = array<i32>} : memref<1936xf32, #tpu.memory_space<vmem>>, vector<16xf32>,
    %get3A_647 = arith.constant 16 : index
    %get3A_648 = tpu.vector_load %arg10[%get3A_647] {strides = array<i32>} : memref<1936xi32, #tpu.memory_space<vmem>>, vector<16xi32>,
    %get3A_649 = arith.constant 16 : index
    %get3A_650 = tpu.vector_load %arg11[%get3A_649] {strides = array<i32>} : memref<1936xf32, #tpu.memory_space<vmem>>, vector<16xf32>,
    %get3A_651 = arith.constant 256 : index
    %get3A_652 = tpu.vector_load %arg10[%get3A_651] {strides = array<i32>} : memref<1936xi32, #tpu.memory_space<vmem>>, vector<16xi32>,
    %add3A_653 = arith.addi %get3A_648, %get3A_652 : vector<16xi32>
    %get3A_654 = arith.constant 256 : index
    %get3A_655 = tpu.vector_load %arg11[%get3A_654] {strides = array<i32>} : memref<1936xf32, #tpu.memory_space<vmem>>, vector<16xf32>,
    %add3A_656 = arith.addf %get3A_650, %get3A_655 : vector<16xf32>
    %get3A_657 = arith.constant 496 : index
    %get3A_658 = tpu.vector_load %arg10[%get3A_657] {strides = array<i32>} : memref<1936xi32, #tpu.memory_space<vmem>>, vector<16xi32>,
    %add3A_659 = arith.addi %add3A_653, %get3A_658 : vector<16xi32>
    %get3A_660 = arith.constant 496 : index
    %get3A_661 = tpu.vector_load %arg11[%get3A_660] {strides = array<i32>} : memref<1936xf32, #tpu.memory_space<vmem>>, vector<16xf32>,
    %add3A_662 = arith.addf %add3A_656, %get3A_661 : vector<16xf32>
    %get3A_663 = arith.constant 736 : index
    %get3A_664 = tpu.vector_load %arg10[%get3A_663] {strides = array<i32>} : memref<1936xi32, #tpu.memory_space<vmem>>, vector<16xi32>,
    %add3A_665 = arith.addi %add3A_659, %get3A_664 : vector<16xi32>
    %get3A_666 = arith.constant 736 : index
    %get3A_667 = tpu.vector_load %arg11[%get3A_666] {strides = array<i32>} : memref<1936xf32, #tpu.memory_space<vmem>>, vector<16xf32>,
    %add3A_668 = arith.addf %add3A_662, %get3A_667 : vector<16xf32>
    %get3A_669 = arith.constant 976 : index
    %get3A_670 = tpu.vector_load %arg10[%get3A_669] {strides = array<i32>} : memref<1936xi32, #tpu.memory_space<vmem>>, vector<16xi32>,
    %add3A_671 = arith.addi %add3A_665, %get3A_670 : vector<16xi32>
    %get3A_672 = arith.constant 976 : index
    %get3A_673 = tpu.vector_load %arg11[%get3A_672] {strides = array<i32>} : memref<1936xf32, #tpu.memory_space<vmem>>, vector<16xf32>,
    %add3A_674 = arith.addf %add3A_668, %get3A_673 : vector<16xf32>
    %get3A_675 = arith.constant 1216 : index
    %get3A_676 = tpu.vector_load %arg10[%get3A_675] {strides = array<i32>} : memref<1936xi32, #tpu.memory_space<vmem>>, vector<16xi32>,
    %add3A_677 = arith.addi %add3A_671, %get3A_676 : vector<16xi32>
    %get3A_678 = arith.constant 1216 : index
    %get3A_679 = tpu.vector_load %arg11[%get3A_678] {strides = array<i32>} : memref<1936xf32, #tpu.memory_space<vmem>>, vector<16xf32>,
    %add3A_680 = arith.addf %add3A_674, %get3A_679 : vector<16xf32>
    %get3A_681 = arith.constant 1456 : index
    %get3A_682 = tpu.vector_load %arg10[%get3A_681] {strides = array<i32>} : memref<1936xi32, #tpu.memory_space<vmem>>, vector<16xi32>,
    %add3A_683 = arith.addi %add3A_677, %get3A_682 : vector<16xi32>
    %get3A_684 = arith.constant 1456 : index
    %get3A_685 = tpu.vector_load %arg11[%get3A_684] {strides = array<i32>} : memref<1936xf32, #tpu.memory_space<vmem>>, vector<16xf32>,
    %add3A_686 = arith.addf %add3A_680, %get3A_685 : vector<16xf32>
    %get3A_687 = arith.constant 1696 : index
    %get3A_688 = tpu.vector_load %arg10[%get3A_687] {strides = array<i32>} : memref<1936xi32, #tpu.memory_space<vmem>>, vector<16xi32>,
    %add3A_689 = arith.addi %add3A_683, %get3A_688 : vector<16xi32>
    %get3A_690 = arith.constant 1696 : index
    %get3A_691 = tpu.vector_load %arg11[%get3A_690] {strides = array<i32>} : memref<1936xf32, #tpu.memory_space<vmem>>, vector<16xf32>,
    %add3A_692 = arith.addf %add3A_686, %get3A_691 : vector<16xf32>
    %swap3A_693 = arith.constant 16 : index
    %swap3A_694 = tpu.vector_load %arg10[%swap3A_693] {strides = array<i32>} : memref<1936xi32, #tpu.memory_space<vmem>>, vector<16xi32>,
    tpu.vector_store %arg10[%swap3A_693], %add3A_689 {strides = array<i32>} : memref<1936xi32, #tpu.memory_space<vmem>>, vector<16xi32>,
    %swap3A_695 = arith.constant 16 : index
    %swap3A_696 = tpu.vector_load %arg11[%swap3A_695] {strides = array<i32>} : memref<1936xf32, #tpu.memory_space<vmem>>, vector<16xf32>,
    tpu.vector_store %arg11[%swap3A_695], %add3A_692 {strides = array<i32>} : memref<1936xf32, #tpu.memory_space<vmem>>, vector<16xf32>,
    %get3A_697 = arith.constant 32 : index
    %get3A_698 = tpu.vector_load %arg10[%get3A_697] {strides = array<i32>} : memref<1936xi32, #tpu.memory_space<vmem>>, vector<16xi32>,
    %get3A_699 = arith.constant 32 : index
    %get3A_700 = tpu.vector_load %arg11[%get3A_699] {strides = array<i32>} : memref<1936xf32, #tpu.memory_space<vmem>>, vector<16xf32>,
    %get3A_701 = arith.constant 272 : index
    %get3A_702 = tpu.vector_load %arg10[%get3A_701] {strides = array<i32>} : memref<1936xi32, #tpu.memory_space<vmem>>, vector<16xi32>,
    %add3A_703 = arith.addi %get3A_698, %get3A_702 : vector<16xi32>
    %get3A_704 = arith.constant 272 : index
    %get3A_705 = tpu.vector_load %arg11[%get3A_704] {strides = array<i32>} : memref<1936xf32, #tpu.memory_space<vmem>>, vector<16xf32>,
    %add3A_706 = arith.addf %get3A_700, %get3A_705 : vector<16xf32>
    %get3A_707 = arith.constant 512 : index
    %get3A_708 = tpu.vector_load %arg10[%get3A_707] {strides = array<i32>} : memref<1936xi32, #tpu.memory_space<vmem>>, vector<16xi32>,
    %add3A_709 = arith.addi %add3A_703, %get3A_708 : vector<16xi32>
    %get3A_710 = arith.constant 512 : index
    %get3A_711 = tpu.vector_load %arg11[%get3A_710] {strides = array<i32>} : memref<1936xf32, #tpu.memory_space<vmem>>, vector<16xf32>,
    %add3A_712 = arith.addf %add3A_706, %get3A_711 : vector<16xf32>
    %get3A_713 = arith.constant 752 : index
    %get3A_714 = tpu.vector_load %arg10[%get3A_713] {strides = array<i32>} : memref<1936xi32, #tpu.memory_space<vmem>>, vector<16xi32>,
    %add3A_715 = arith.addi %add3A_709, %get3A_714 : vector<16xi32>
    %get3A_716 = arith.constant 752 : index
    %get3A_717 = tpu.vector_load %arg11[%get3A_716] {strides = array<i32>} : memref<1936xf32, #tpu.memory_space<vmem>>, vector<16xf32>,
    %add3A_718 = arith.addf %add3A_712, %get3A_717 : vector<16xf32>
    %get3A_719 = arith.constant 992 : index
    %get3A_720 = tpu.vector_load %arg10[%get3A_719] {strides = array<i32>} : memref<1936xi32, #tpu.memory_space<vmem>>, vector<16xi32>,
    %add3A_721 = arith.addi %add3A_715, %get3A_720 : vector<16xi32>
    %get3A_722 = arith.constant 992 : index
    %get3A_723 = tpu.vector_load %arg11[%get3A_722] {strides = array<i32>} : memref<1936xf32, #tpu.memory_space<vmem>>, vector<16xf32>,
    %add3A_724 = arith.addf %add3A_718, %get3A_723 : vector<16xf32>
    %get3A_725 = arith.constant 1232 : index
    %get3A_726 = tpu.vector_load %arg10[%get3A_725] {strides = array<i32>} : memref<1936xi32, #tpu.memory_space<vmem>>, vector<16xi32>,
    %add3A_727 = arith.addi %add3A_721, %get3A_726 : vector<16xi32>
    %get3A_728 = arith.constant 1232 : index
    %get3A_729 = tpu.vector_load %arg11[%get3A_728] {strides = array<i32>} : memref<1936xf32, #tpu.memory_space<vmem>>, vector<16xf32>,
    %add3A_730 = arith.addf %add3A_724, %get3A_729 : vector<16xf32>
    %get3A_731 = arith.constant 1472 : index
    %get3A_732 = tpu.vector_load %arg10[%get3A_731] {strides = array<i32>} : memref<1936xi32, #tpu.memory_space<vmem>>, vector<16xi32>,
    %add3A_733 = arith.addi %add3A_727, %get3A_732 : vector<16xi32>
    %get3A_734 = arith.constant 1472 : index
    %get3A_735 = tpu.vector_load %arg11[%get3A_734] {strides = array<i32>} : memref<1936xf32, #tpu.memory_space<vmem>>, vector<16xf32>,
    %add3A_736 = arith.addf %add3A_730, %get3A_735 : vector<16xf32>
    %get3A_737 = arith.constant 1712 : index
    %get3A_738 = tpu.vector_load %arg10[%get3A_737] {strides = array<i32>} : memref<1936xi32, #tpu.memory_space<vmem>>, vector<16xi32>,
    %add3A_739 = arith.addi %add3A_733, %get3A_738 : vector<16xi32>
    %get3A_740 = arith.constant 1712 : index
    %get3A_741 = tpu.vector_load %arg11[%get3A_740] {strides = array<i32>} : memref<1936xf32, #tpu.memory_space<vmem>>, vector<16xf32>,
    %add3A_742 = arith.addf %add3A_736, %get3A_741 : vector<16xf32>
    %swap3A_743 = arith.constant 32 : index
    %swap3A_744 = tpu.vector_load %arg10[%swap3A_743] {strides = array<i32>} : memref<1936xi32, #tpu.memory_space<vmem>>, vector<16xi32>,
    tpu.vector_store %arg10[%swap3A_743], %add3A_739 {strides = array<i32>} : memref<1936xi32, #tpu.memory_space<vmem>>, vector<16xi32>,
    %swap3A_745 = arith.constant 32 : index
    %swap3A_746 = tpu.vector_load %arg11[%swap3A_745] {strides = array<i32>} : memref<1936xf32, #tpu.memory_space<vmem>>, vector<16xf32>,
    tpu.vector_store %arg11[%swap3A_745], %add3A_742 {strides = array<i32>} : memref<1936xf32, #tpu.memory_space<vmem>>, vector<16xf32>,
    %get3A_747 = arith.constant 48 : index
    %get3A_748 = tpu.vector_load %arg10[%get3A_747] {strides = array<i32>} : memref<1936xi32, #tpu.memory_space<vmem>>, vector<16xi32>,
    %get3A_749 = arith.constant 48 : index
    %get3A_750 = tpu.vector_load %arg11[%get3A_749] {strides = array<i32>} : memref<1936xf32, #tpu.memory_space<vmem>>, vector<16xf32>,
    %get3A_751 = arith.constant 288 : index
    %get3A_752 = tpu.vector_load %arg10[%get3A_751] {strides = array<i32>} : memref<1936xi32, #tpu.memory_space<vmem>>, vector<16xi32>,
    %add3A_753 = arith.addi %get3A_748, %get3A_752 : vector<16xi32>
    %get3A_754 = arith.constant 288 : index
    %get3A_755 = tpu.vector_load %arg11[%get3A_754] {strides = array<i32>} : memref<1936xf32, #tpu.memory_space<vmem>>, vector<16xf32>,
    %add3A_756 = arith.addf %get3A_750, %get3A_755 : vector<16xf32>
    %get3A_757 = arith.constant 528 : index
    %get3A_758 = tpu.vector_load %arg10[%get3A_757] {strides = array<i32>} : memref<1936xi32, #tpu.memory_space<vmem>>, vector<16xi32>,
    %add3A_759 = arith.addi %add3A_753, %get3A_758 : vector<16xi32>
    %get3A_760 = arith.constant 528 : index
    %get3A_761 = tpu.vector_load %arg11[%get3A_760] {strides = array<i32>} : memref<1936xf32, #tpu.memory_space<vmem>>, vector<16xf32>,
    %add3A_762 = arith.addf %add3A_756, %get3A_761 : vector<16xf32>
    %get3A_763 = arith.constant 768 : index
    %get3A_764 = tpu.vector_load %arg10[%get3A_763] {strides = array<i32>} : memref<1936xi32, #tpu.memory_space<vmem>>, vector<16xi32>,
    %add3A_765 = arith.addi %add3A_759, %get3A_764 : vector<16xi32>
    %get3A_766 = arith.constant 768 : index
    %get3A_767 = tpu.vector_load %arg11[%get3A_766] {strides = array<i32>} : memref<1936xf32, #tpu.memory_space<vmem>>, vector<16xf32>,
    %add3A_768 = arith.addf %add3A_762, %get3A_767 : vector<16xf32>
    %get3A_769 = arith.constant 1008 : index
    %get3A_770 = tpu.vector_load %arg10[%get3A_769] {strides = array<i32>} : memref<1936xi32, #tpu.memory_space<vmem>>, vector<16xi32>,
    %add3A_771 = arith.addi %add3A_765, %get3A_770 : vector<16xi32>
    %get3A_772 = arith.constant 1008 : index
    %get3A_773 = tpu.vector_load %arg11[%get3A_772] {strides = array<i32>} : memref<1936xf32, #tpu.memory_space<vmem>>, vector<16xf32>,
    %add3A_774 = arith.addf %add3A_768, %get3A_773 : vector<16xf32>
    %get3A_775 = arith.constant 1248 : index
    %get3A_776 = tpu.vector_load %arg10[%get3A_775] {strides = array<i32>} : memref<1936xi32, #tpu.memory_space<vmem>>, vector<16xi32>,
    %add3A_777 = arith.addi %add3A_771, %get3A_776 : vector<16xi32>
    %get3A_778 = arith.constant 1248 : index
    %get3A_779 = tpu.vector_load %arg11[%get3A_778] {strides = array<i32>} : memref<1936xf32, #tpu.memory_space<vmem>>, vector<16xf32>,
    %add3A_780 = arith.addf %add3A_774, %get3A_779 : vector<16xf32>
    %get3A_781 = arith.constant 1488 : index
    %get3A_782 = tpu.vector_load %arg10[%get3A_781] {strides = array<i32>} : memref<1936xi32, #tpu.memory_space<vmem>>, vector<16xi32>,
    %add3A_783 = arith.addi %add3A_777, %get3A_782 : vector<16xi32>
    %get3A_784 = arith.constant 1488 : index
    %get3A_785 = tpu.vector_load %arg11[%get3A_784] {strides = array<i32>} : memref<1936xf32, #tpu.memory_space<vmem>>, vector<16xf32>,
    %add3A_786 = arith.addf %add3A_780, %get3A_785 : vector<16xf32>
    %get3A_787 = arith.constant 1728 : index
    %get3A_788 = tpu.vector_load %arg10[%get3A_787] {strides = array<i32>} : memref<1936xi32, #tpu.memory_space<vmem>>, vector<16xi32>,
    %add3A_789 = arith.addi %add3A_783, %get3A_788 : vector<16xi32>
    %get3A_790 = arith.constant 1728 : index
    %get3A_791 = tpu.vector_load %arg11[%get3A_790] {strides = array<i32>} : memref<1936xf32, #tpu.memory_space<vmem>>, vector<16xf32>,
    %add3A_792 = arith.addf %add3A_786, %get3A_791 : vector<16xf32>
    %swap3A_793 = arith.constant 48 : index
    %swap3A_794 = tpu.vector_load %arg10[%swap3A_793] {strides = array<i32>} : memref<1936xi32, #tpu.memory_space<vmem>>, vector<16xi32>,
    tpu.vector_store %arg10[%swap3A_793], %add3A_789 {strides = array<i32>} : memref<1936xi32, #tpu.memory_space<vmem>>, vector<16xi32>,
    %swap3A_795 = arith.constant 48 : index
    %swap3A_796 = tpu.vector_load %arg11[%swap3A_795] {strides = array<i32>} : memref<1936xf32, #tpu.memory_space<vmem>>, vector<16xf32>,
    tpu.vector_store %arg11[%swap3A_795], %add3A_792 {strides = array<i32>} : memref<1936xf32, #tpu.memory_space<vmem>>, vector<16xf32>,
    %get3A_797 = arith.constant 64 : index
    %get3A_798 = tpu.vector_load %arg10[%get3A_797] {strides = array<i32>} : memref<1936xi32, #tpu.memory_space<vmem>>, vector<16xi32>,
    %get3A_799 = arith.constant 64 : index
    %get3A_800 = tpu.vector_load %arg11[%get3A_799] {strides = array<i32>} : memref<1936xf32, #tpu.memory_space<vmem>>, vector<16xf32>,
    %get3A_801 = arith.constant 304 : index
    %get3A_802 = tpu.vector_load %arg10[%get3A_801] {strides = array<i32>} : memref<1936xi32, #tpu.memory_space<vmem>>, vector<16xi32>,
    %add3A_803 = arith.addi %get3A_798, %get3A_802 : vector<16xi32>
    %get3A_804 = arith.constant 304 : index
    %get3A_805 = tpu.vector_load %arg11[%get3A_804] {strides = array<i32>} : memref<1936xf32, #tpu.memory_space<vmem>>, vector<16xf32>,
    %add3A_806 = arith.addf %get3A_800, %get3A_805 : vector<16xf32>
    %get3A_807 = arith.constant 544 : index
    %get3A_808 = tpu.vector_load %arg10[%get3A_807] {strides = array<i32>} : memref<1936xi32, #tpu.memory_space<vmem>>, vector<16xi32>,
    %add3A_809 = arith.addi %add3A_803, %get3A_808 : vector<16xi32>
    %get3A_810 = arith.constant 544 : index
    %get3A_811 = tpu.vector_load %arg11[%get3A_810] {strides = array<i32>} : memref<1936xf32, #tpu.memory_space<vmem>>, vector<16xf32>,
    %add3A_812 = arith.addf %add3A_806, %get3A_811 : vector<16xf32>
    %get3A_813 = arith.constant 784 : index
    %get3A_814 = tpu.vector_load %arg10[%get3A_813] {strides = array<i32>} : memref<1936xi32, #tpu.memory_space<vmem>>, vector<16xi32>,
    %add3A_815 = arith.addi %add3A_809, %get3A_814 : vector<16xi32>
    %get3A_816 = arith.constant 784 : index
    %get3A_817 = tpu.vector_load %arg11[%get3A_816] {strides = array<i32>} : memref<1936xf32, #tpu.memory_space<vmem>>, vector<16xf32>,
    %add3A_818 = arith.addf %add3A_812, %get3A_817 : vector<16xf32>
    %get3A_819 = arith.constant 1024 : index
    %get3A_820 = tpu.vector_load %arg10[%get3A_819] {strides = array<i32>} : memref<1936xi32, #tpu.memory_space<vmem>>, vector<16xi32>,
    %add3A_821 = arith.addi %add3A_815, %get3A_820 : vector<16xi32>
    %get3A_822 = arith.constant 1024 : index
    %get3A_823 = tpu.vector_load %arg11[%get3A_822] {strides = array<i32>} : memref<1936xf32, #tpu.memory_space<vmem>>, vector<16xf32>,
    %add3A_824 = arith.addf %add3A_818, %get3A_823 : vector<16xf32>
    %get3A_825 = arith.constant 1264 : index
    %get3A_826 = tpu.vector_load %arg10[%get3A_825] {strides = array<i32>} : memref<1936xi32, #tpu.memory_space<vmem>>, vector<16xi32>,
    %add3A_827 = arith.addi %add3A_821, %get3A_826 : vector<16xi32>
    %get3A_828 = arith.constant 1264 : index
    %get3A_829 = tpu.vector_load %arg11[%get3A_828] {strides = array<i32>} : memref<1936xf32, #tpu.memory_space<vmem>>, vector<16xf32>,
    %add3A_830 = arith.addf %add3A_824, %get3A_829 : vector<16xf32>
    %get3A_831 = arith.constant 1504 : index
    %get3A_832 = tpu.vector_load %arg10[%get3A_831] {strides = array<i32>} : memref<1936xi32, #tpu.memory_space<vmem>>, vector<16xi32>,
    %add3A_833 = arith.addi %add3A_827, %get3A_832 : vector<16xi32>
    %get3A_834 = arith.constant 1504 : index
    %get3A_835 = tpu.vector_load %arg11[%get3A_834] {strides = array<i32>} : memref<1936xf32, #tpu.memory_space<vmem>>, vector<16xf32>,
    %add3A_836 = arith.addf %add3A_830, %get3A_835 : vector<16xf32>
    %get3A_837 = arith.constant 1744 : index
    %get3A_838 = tpu.vector_load %arg10[%get3A_837] {strides = array<i32>} : memref<1936xi32, #tpu.memory_space<vmem>>, vector<16xi32>,
    %add3A_839 = arith.addi %add3A_833, %get3A_838 : vector<16xi32>
    %get3A_840 = arith.constant 1744 : index
    %get3A_841 = tpu.vector_load %arg11[%get3A_840] {strides = array<i32>} : memref<1936xf32, #tpu.memory_space<vmem>>, vector<16xf32>,
    %add3A_842 = arith.addf %add3A_836, %get3A_841 : vector<16xf32>
    %swap3A_843 = arith.constant 64 : index
    %swap3A_844 = tpu.vector_load %arg10[%swap3A_843] {strides = array<i32>} : memref<1936xi32, #tpu.memory_space<vmem>>, vector<16xi32>,
    tpu.vector_store %arg10[%swap3A_843], %add3A_839 {strides = array<i32>} : memref<1936xi32, #tpu.memory_space<vmem>>, vector<16xi32>,
    %swap3A_845 = arith.constant 64 : index
    %swap3A_846 = tpu.vector_load %arg11[%swap3A_845] {strides = array<i32>} : memref<1936xf32, #tpu.memory_space<vmem>>, vector<16xf32>,
    tpu.vector_store %arg11[%swap3A_845], %add3A_842 {strides = array<i32>} : memref<1936xf32, #tpu.memory_space<vmem>>, vector<16xf32>,
    %get3A_847 = arith.constant 80 : index
    %get3A_848 = tpu.vector_load %arg10[%get3A_847] {strides = array<i32>} : memref<1936xi32, #tpu.memory_space<vmem>>, vector<16xi32>,
    %get3A_849 = arith.constant 80 : index
    %get3A_850 = tpu.vector_load %arg11[%get3A_849] {strides = array<i32>} : memref<1936xf32, #tpu.memory_space<vmem>>, vector<16xf32>,
    %get3A_851 = arith.constant 320 : index
    %get3A_852 = tpu.vector_load %arg10[%get3A_851] {strides = array<i32>} : memref<1936xi32, #tpu.memory_space<vmem>>, vector<16xi32>,
    %add3A_853 = arith.addi %get3A_848, %get3A_852 : vector<16xi32>
    %get3A_854 = arith.constant 320 : index
    %get3A_855 = tpu.vector_load %arg11[%get3A_854] {strides = array<i32>} : memref<1936xf32, #tpu.memory_space<vmem>>, vector<16xf32>,
    %add3A_856 = arith.addf %get3A_850, %get3A_855 : vector<16xf32>
    %get3A_857 = arith.constant 560 : index
    %get3A_858 = tpu.vector_load %arg10[%get3A_857] {strides = array<i32>} : memref<1936xi32, #tpu.memory_space<vmem>>, vector<16xi32>,
    %add3A_859 = arith.addi %add3A_853, %get3A_858 : vector<16xi32>
    %get3A_860 = arith.constant 560 : index
    %get3A_861 = tpu.vector_load %arg11[%get3A_860] {strides = array<i32>} : memref<1936xf32, #tpu.memory_space<vmem>>, vector<16xf32>,
    %add3A_862 = arith.addf %add3A_856, %get3A_861 : vector<16xf32>
    %get3A_863 = arith.constant 800 : index
    %get3A_864 = tpu.vector_load %arg10[%get3A_863] {strides = array<i32>} : memref<1936xi32, #tpu.memory_space<vmem>>, vector<16xi32>,
    %add3A_865 = arith.addi %add3A_859, %get3A_864 : vector<16xi32>
    %get3A_866 = arith.constant 800 : index
    %get3A_867 = tpu.vector_load %arg11[%get3A_866] {strides = array<i32>} : memref<1936xf32, #tpu.memory_space<vmem>>, vector<16xf32>,
    %add3A_868 = arith.addf %add3A_862, %get3A_867 : vector<16xf32>
    %get3A_869 = arith.constant 1040 : index
    %get3A_870 = tpu.vector_load %arg10[%get3A_869] {strides = array<i32>} : memref<1936xi32, #tpu.memory_space<vmem>>, vector<16xi32>,
    %add3A_871 = arith.addi %add3A_865, %get3A_870 : vector<16xi32>
    %get3A_872 = arith.constant 1040 : index
    %get3A_873 = tpu.vector_load %arg11[%get3A_872] {strides = array<i32>} : memref<1936xf32, #tpu.memory_space<vmem>>, vector<16xf32>,
    %add3A_874 = arith.addf %add3A_868, %get3A_873 : vector<16xf32>
    %get3A_875 = arith.constant 1280 : index
    %get3A_876 = tpu.vector_load %arg10[%get3A_875] {strides = array<i32>} : memref<1936xi32, #tpu.memory_space<vmem>>, vector<16xi32>,
    %add3A_877 = arith.addi %add3A_871, %get3A_876 : vector<16xi32>
    %get3A_878 = arith.constant 1280 : index
    %get3A_879 = tpu.vector_load %arg11[%get3A_878] {strides = array<i32>} : memref<1936xf32, #tpu.memory_space<vmem>>, vector<16xf32>,
    %add3A_880 = arith.addf %add3A_874, %get3A_879 : vector<16xf32>
    %get3A_881 = arith.constant 1520 : index
    %get3A_882 = tpu.vector_load %arg10[%get3A_881] {strides = array<i32>} : memref<1936xi32, #tpu.memory_space<vmem>>, vector<16xi32>,
    %add3A_883 = arith.addi %add3A_877, %get3A_882 : vector<16xi32>
    %get3A_884 = arith.constant 1520 : index
    %get3A_885 = tpu.vector_load %arg11[%get3A_884] {strides = array<i32>} : memref<1936xf32, #tpu.memory_space<vmem>>, vector<16xf32>,
    %add3A_886 = arith.addf %add3A_880, %get3A_885 : vector<16xf32>
    %get3A_887 = arith.constant 1760 : index
    %get3A_888 = tpu.vector_load %arg10[%get3A_887] {strides = array<i32>} : memref<1936xi32, #tpu.memory_space<vmem>>, vector<16xi32>,
    %add3A_889 = arith.addi %add3A_883, %get3A_888 : vector<16xi32>
    %get3A_890 = arith.constant 1760 : index
    %get3A_891 = tpu.vector_load %arg11[%get3A_890] {strides = array<i32>} : memref<1936xf32, #tpu.memory_space<vmem>>, vector<16xf32>,
    %add3A_892 = arith.addf %add3A_886, %get3A_891 : vector<16xf32>
    %swap3A_893 = arith.constant 80 : index
    %swap3A_894 = tpu.vector_load %arg10[%swap3A_893] {strides = array<i32>} : memref<1936xi32, #tpu.memory_space<vmem>>, vector<16xi32>,
    tpu.vector_store %arg10[%swap3A_893], %add3A_889 {strides = array<i32>} : memref<1936xi32, #tpu.memory_space<vmem>>, vector<16xi32>,
    %swap3A_895 = arith.constant 80 : index
    %swap3A_896 = tpu.vector_load %arg11[%swap3A_895] {strides = array<i32>} : memref<1936xf32, #tpu.memory_space<vmem>>, vector<16xf32>,
    tpu.vector_store %arg11[%swap3A_895], %add3A_892 {strides = array<i32>} : memref<1936xf32, #tpu.memory_space<vmem>>, vector<16xf32>,
    %get3A_897 = arith.constant 96 : index
    %get3A_898 = tpu.vector_load %arg10[%get3A_897] {strides = array<i32>} : memref<1936xi32, #tpu.memory_space<vmem>>, vector<16xi32>,
    %get3A_899 = arith.constant 96 : index
    %get3A_900 = tpu.vector_load %arg11[%get3A_899] {strides = array<i32>} : memref<1936xf32, #tpu.memory_space<vmem>>, vector<16xf32>,
    %get3A_901 = arith.constant 336 : index
    %get3A_902 = tpu.vector_load %arg10[%get3A_901] {strides = array<i32>} : memref<1936xi32, #tpu.memory_space<vmem>>, vector<16xi32>,
    %add3A_903 = arith.addi %get3A_898, %get3A_902 : vector<16xi32>
    %get3A_904 = arith.constant 336 : index
    %get3A_905 = tpu.vector_load %arg11[%get3A_904] {strides = array<i32>} : memref<1936xf32, #tpu.memory_space<vmem>>, vector<16xf32>,
    %add3A_906 = arith.addf %get3A_900, %get3A_905 : vector<16xf32>
    %get3A_907 = arith.constant 576 : index
    %get3A_908 = tpu.vector_load %arg10[%get3A_907] {strides = array<i32>} : memref<1936xi32, #tpu.memory_space<vmem>>, vector<16xi32>,
    %add3A_909 = arith.addi %add3A_903, %get3A_908 : vector<16xi32>
    %get3A_910 = arith.constant 576 : index
    %get3A_911 = tpu.vector_load %arg11[%get3A_910] {strides = array<i32>} : memref<1936xf32, #tpu.memory_space<vmem>>, vector<16xf32>,
    %add3A_912 = arith.addf %add3A_906, %get3A_911 : vector<16xf32>
    %get3A_913 = arith.constant 816 : index
    %get3A_914 = tpu.vector_load %arg10[%get3A_913] {strides = array<i32>} : memref<1936xi32, #tpu.memory_space<vmem>>, vector<16xi32>,
    %add3A_915 = arith.addi %add3A_909, %get3A_914 : vector<16xi32>
    %get3A_916 = arith.constant 816 : index
    %get3A_917 = tpu.vector_load %arg11[%get3A_916] {strides = array<i32>} : memref<1936xf32, #tpu.memory_space<vmem>>, vector<16xf32>,
    %add3A_918 = arith.addf %add3A_912, %get3A_917 : vector<16xf32>
    %get3A_919 = arith.constant 1056 : index
    %get3A_920 = tpu.vector_load %arg10[%get3A_919] {strides = array<i32>} : memref<1936xi32, #tpu.memory_space<vmem>>, vector<16xi32>,
    %add3A_921 = arith.addi %add3A_915, %get3A_920 : vector<16xi32>
    %get3A_922 = arith.constant 1056 : index
    %get3A_923 = tpu.vector_load %arg11[%get3A_922] {strides = array<i32>} : memref<1936xf32, #tpu.memory_space<vmem>>, vector<16xf32>,
    %add3A_924 = arith.addf %add3A_918, %get3A_923 : vector<16xf32>
    %get3A_925 = arith.constant 1296 : index
    %get3A_926 = tpu.vector_load %arg10[%get3A_925] {strides = array<i32>} : memref<1936xi32, #tpu.memory_space<vmem>>, vector<16xi32>,
    %add3A_927 = arith.addi %add3A_921, %get3A_926 : vector<16xi32>
    %get3A_928 = arith.constant 1296 : index
    %get3A_929 = tpu.vector_load %arg11[%get3A_928] {strides = array<i32>} : memref<1936xf32, #tpu.memory_space<vmem>>, vector<16xf32>,
    %add3A_930 = arith.addf %add3A_924, %get3A_929 : vector<16xf32>
    %get3A_931 = arith.constant 1536 : index
    %get3A_932 = tpu.vector_load %arg10[%get3A_931] {strides = array<i32>} : memref<1936xi32, #tpu.memory_space<vmem>>, vector<16xi32>,
    %add3A_933 = arith.addi %add3A_927, %get3A_932 : vector<16xi32>
    %get3A_934 = arith.constant 1536 : index
    %get3A_935 = tpu.vector_load %arg11[%get3A_934] {strides = array<i32>} : memref<1936xf32, #tpu.memory_space<vmem>>, vector<16xf32>,
    %add3A_936 = arith.addf %add3A_930, %get3A_935 : vector<16xf32>
    %get3A_937 = arith.constant 1776 : index
    %get3A_938 = tpu.vector_load %arg10[%get3A_937] {strides = array<i32>} : memref<1936xi32, #tpu.memory_space<vmem>>, vector<16xi32>,
    %add3A_939 = arith.addi %add3A_933, %get3A_938 : vector<16xi32>
    %get3A_940 = arith.constant 1776 : index
    %get3A_941 = tpu.vector_load %arg11[%get3A_940] {strides = array<i32>} : memref<1936xf32, #tpu.memory_space<vmem>>, vector<16xf32>,
    %add3A_942 = arith.addf %add3A_936, %get3A_941 : vector<16xf32>
    %swap3A_943 = arith.constant 96 : index
    %swap3A_944 = tpu.vector_load %arg10[%swap3A_943] {strides = array<i32>} : memref<1936xi32, #tpu.memory_space<vmem>>, vector<16xi32>,
    tpu.vector_store %arg10[%swap3A_943], %add3A_939 {strides = array<i32>} : memref<1936xi32, #tpu.memory_space<vmem>>, vector<16xi32>,
    %swap3A_945 = arith.constant 96 : index
    %swap3A_946 = tpu.vector_load %arg11[%swap3A_945] {strides = array<i32>} : memref<1936xf32, #tpu.memory_space<vmem>>, vector<16xf32>,
    tpu.vector_store %arg11[%swap3A_945], %add3A_942 {strides = array<i32>} : memref<1936xf32, #tpu.memory_space<vmem>>, vector<16xf32>,
    %get3A_947 = arith.constant 112 : index
    %get3A_948 = tpu.vector_load %arg10[%get3A_947] {strides = array<i32>} : memref<1936xi32, #tpu.memory_space<vmem>>, vector<16xi32>,
    %get3A_949 = arith.constant 112 : index
    %get3A_950 = tpu.vector_load %arg11[%get3A_949] {strides = array<i32>} : memref<1936xf32, #tpu.memory_space<vmem>>, vector<16xf32>,
    %get3A_951 = arith.constant 352 : index
    %get3A_952 = tpu.vector_load %arg10[%get3A_951] {strides = array<i32>} : memref<1936xi32, #tpu.memory_space<vmem>>, vector<16xi32>,
    %add3A_953 = arith.addi %get3A_948, %get3A_952 : vector<16xi32>
    %get3A_954 = arith.constant 352 : index
    %get3A_955 = tpu.vector_load %arg11[%get3A_954] {strides = array<i32>} : memref<1936xf32, #tpu.memory_space<vmem>>, vector<16xf32>,
    %add3A_956 = arith.addf %get3A_950, %get3A_955 : vector<16xf32>
    %get3A_957 = arith.constant 592 : index
    %get3A_958 = tpu.vector_load %arg10[%get3A_957] {strides = array<i32>} : memref<1936xi32, #tpu.memory_space<vmem>>, vector<16xi32>,
    %add3A_959 = arith.addi %add3A_953, %get3A_958 : vector<16xi32>
    %get3A_960 = arith.constant 592 : index
    %get3A_961 = tpu.vector_load %arg11[%get3A_960] {strides = array<i32>} : memref<1936xf32, #tpu.memory_space<vmem>>, vector<16xf32>,
    %add3A_962 = arith.addf %add3A_956, %get3A_961 : vector<16xf32>
    %get3A_963 = arith.constant 832 : index
    %get3A_964 = tpu.vector_load %arg10[%get3A_963] {strides = array<i32>} : memref<1936xi32, #tpu.memory_space<vmem>>, vector<16xi32>,
    %add3A_965 = arith.addi %add3A_959, %get3A_964 : vector<16xi32>
    %get3A_966 = arith.constant 832 : index
    %get3A_967 = tpu.vector_load %arg11[%get3A_966] {strides = array<i32>} : memref<1936xf32, #tpu.memory_space<vmem>>, vector<16xf32>,
    %add3A_968 = arith.addf %add3A_962, %get3A_967 : vector<16xf32>
    %get3A_969 = arith.constant 1072 : index
    %get3A_970 = tpu.vector_load %arg10[%get3A_969] {strides = array<i32>} : memref<1936xi32, #tpu.memory_space<vmem>>, vector<16xi32>,
    %add3A_971 = arith.addi %add3A_965, %get3A_970 : vector<16xi32>
    %get3A_972 = arith.constant 1072 : index
    %get3A_973 = tpu.vector_load %arg11[%get3A_972] {strides = array<i32>} : memref<1936xf32, #tpu.memory_space<vmem>>, vector<16xf32>,
    %add3A_974 = arith.addf %add3A_968, %get3A_973 : vector<16xf32>
    %get3A_975 = arith.constant 1312 : index
    %get3A_976 = tpu.vector_load %arg10[%get3A_975] {strides = array<i32>} : memref<1936xi32, #tpu.memory_space<vmem>>, vector<16xi32>,
    %add3A_977 = arith.addi %add3A_971, %get3A_976 : vector<16xi32>
    %get3A_978 = arith.constant 1312 : index
    %get3A_979 = tpu.vector_load %arg11[%get3A_978] {strides = array<i32>} : memref<1936xf32, #tpu.memory_space<vmem>>, vector<16xf32>,
    %add3A_980 = arith.addf %add3A_974, %get3A_979 : vector<16xf32>
    %get3A_981 = arith.constant 1552 : index
    %get3A_982 = tpu.vector_load %arg10[%get3A_981] {strides = array<i32>} : memref<1936xi32, #tpu.memory_space<vmem>>, vector<16xi32>,
    %add3A_983 = arith.addi %add3A_977, %get3A_982 : vector<16xi32>
    %get3A_984 = arith.constant 1552 : index
    %get3A_985 = tpu.vector_load %arg11[%get3A_984] {strides = array<i32>} : memref<1936xf32, #tpu.memory_space<vmem>>, vector<16xf32>,
    %add3A_986 = arith.addf %add3A_980, %get3A_985 : vector<16xf32>
    %get3A_987 = arith.constant 1792 : index
    %get3A_988 = tpu.vector_load %arg10[%get3A_987] {strides = array<i32>} : memref<1936xi32, #tpu.memory_space<vmem>>, vector<16xi32>,
    %add3A_989 = arith.addi %add3A_983, %get3A_988 : vector<16xi32>
    %get3A_990 = arith.constant 1792 : index
    %get3A_991 = tpu.vector_load %arg11[%get3A_990] {strides = array<i32>} : memref<1936xf32, #tpu.memory_space<vmem>>, vector<16xf32>,
    %add3A_992 = arith.addf %add3A_986, %get3A_991 : vector<16xf32>
    %swap3A_993 = arith.constant 112 : index
    %swap3A_994 = tpu.vector_load %arg10[%swap3A_993] {strides = array<i32>} : memref<1936xi32, #tpu.memory_space<vmem>>, vector<16xi32>,
    tpu.vector_store %arg10[%swap3A_993], %add3A_989 {strides = array<i32>} : memref<1936xi32, #tpu.memory_space<vmem>>, vector<16xi32>,
    %swap3A_995 = arith.constant 112 : index
    %swap3A_996 = tpu.vector_load %arg11[%swap3A_995] {strides = array<i32>} : memref<1936xf32, #tpu.memory_space<vmem>>, vector<16xf32>,
    tpu.vector_store %arg11[%swap3A_995], %add3A_992 {strides = array<i32>} : memref<1936xf32, #tpu.memory_space<vmem>>, vector<16xf32>,
    %get3A_997 = arith.constant 128 : index
    %get3A_998 = tpu.vector_load %arg10[%get3A_997] {strides = array<i32>} : memref<1936xi32, #tpu.memory_space<vmem>>, vector<16xi32>,
    %get3A_999 = arith.constant 128 : index
    %get3A_1000 = tpu.vector_load %arg11[%get3A_999] {strides = array<i32>} : memref<1936xf32, #tpu.memory_space<vmem>>, vector<16xf32>,
    %get3A_1001 = arith.constant 368 : index
    %get3A_1002 = tpu.vector_load %arg10[%get3A_1001] {strides = array<i32>} : memref<1936xi32, #tpu.memory_space<vmem>>, vector<16xi32>,
    %add3A_1003 = arith.addi %get3A_998, %get3A_1002 : vector<16xi32>
    %get3A_1004 = arith.constant 368 : index
    %get3A_1005 = tpu.vector_load %arg11[%get3A_1004] {strides = array<i32>} : memref<1936xf32, #tpu.memory_space<vmem>>, vector<16xf32>,
    %add3A_1006 = arith.addf %get3A_1000, %get3A_1005 : vector<16xf32>
    %get3A_1007 = arith.constant 608 : index
    %get3A_1008 = tpu.vector_load %arg10[%get3A_1007] {strides = array<i32>} : memref<1936xi32, #tpu.memory_space<vmem>>, vector<16xi32>,
    %add3A_1009 = arith.addi %add3A_1003, %get3A_1008 : vector<16xi32>
    %get3A_1010 = arith.constant 608 : index
    %get3A_1011 = tpu.vector_load %arg11[%get3A_1010] {strides = array<i32>} : memref<1936xf32, #tpu.memory_space<vmem>>, vector<16xf32>,
    %add3A_1012 = arith.addf %add3A_1006, %get3A_1011 : vector<16xf32>
    %get3A_1013 = arith.constant 848 : index
    %get3A_1014 = tpu.vector_load %arg10[%get3A_1013] {strides = array<i32>} : memref<1936xi32, #tpu.memory_space<vmem>>, vector<16xi32>,
    %add3A_1015 = arith.addi %add3A_1009, %get3A_1014 : vector<16xi32>
    %get3A_1016 = arith.constant 848 : index
    %get3A_1017 = tpu.vector_load %arg11[%get3A_1016] {strides = array<i32>} : memref<1936xf32, #tpu.memory_space<vmem>>, vector<16xf32>,
    %add3A_1018 = arith.addf %add3A_1012, %get3A_1017 : vector<16xf32>
    %get3A_1019 = arith.constant 1088 : index
    %get3A_1020 = tpu.vector_load %arg10[%get3A_1019] {strides = array<i32>} : memref<1936xi32, #tpu.memory_space<vmem>>, vector<16xi32>,
    %add3A_1021 = arith.addi %add3A_1015, %get3A_1020 : vector<16xi32>
    %get3A_1022 = arith.constant 1088 : index
    %get3A_1023 = tpu.vector_load %arg11[%get3A_1022] {strides = array<i32>} : memref<1936xf32, #tpu.memory_space<vmem>>, vector<16xf32>,
    %add3A_1024 = arith.addf %add3A_1018, %get3A_1023 : vector<16xf32>
    %get3A_1025 = arith.constant 1328 : index
    %get3A_1026 = tpu.vector_load %arg10[%get3A_1025] {strides = array<i32>} : memref<1936xi32, #tpu.memory_space<vmem>>, vector<16xi32>,
    %add3A_1027 = arith.addi %add3A_1021, %get3A_1026 : vector<16xi32>
    %get3A_1028 = arith.constant 1328 : index
    %get3A_1029 = tpu.vector_load %arg11[%get3A_1028] {strides = array<i32>} : memref<1936xf32, #tpu.memory_space<vmem>>, vector<16xf32>,
    %add3A_1030 = arith.addf %add3A_1024, %get3A_1029 : vector<16xf32>
    %get3A_1031 = arith.constant 1568 : index
    %get3A_1032 = tpu.vector_load %arg10[%get3A_1031] {strides = array<i32>} : memref<1936xi32, #tpu.memory_space<vmem>>, vector<16xi32>,
    %add3A_1033 = arith.addi %add3A_1027, %get3A_1032 : vector<16xi32>
    %get3A_1034 = arith.constant 1568 : index
    %get3A_1035 = tpu.vector_load %arg11[%get3A_1034] {strides = array<i32>} : memref<1936xf32, #tpu.memory_space<vmem>>, vector<16xf32>,
    %add3A_1036 = arith.addf %add3A_1030, %get3A_1035 : vector<16xf32>
    %get3A_1037 = arith.constant 1808 : index
    %get3A_1038 = tpu.vector_load %arg10[%get3A_1037] {strides = array<i32>} : memref<1936xi32, #tpu.memory_space<vmem>>, vector<16xi32>,
    %add3A_1039 = arith.addi %add3A_1033, %get3A_1038 : vector<16xi32>
    %get3A_1040 = arith.constant 1808 : index
    %get3A_1041 = tpu.vector_load %arg11[%get3A_1040] {strides = array<i32>} : memref<1936xf32, #tpu.memory_space<vmem>>, vector<16xf32>,
    %add3A_1042 = arith.addf %add3A_1036, %get3A_1041 : vector<16xf32>
    %swap3A_1043 = arith.constant 128 : index
    %swap3A_1044 = tpu.vector_load %arg10[%swap3A_1043] {strides = array<i32>} : memref<1936xi32, #tpu.memory_space<vmem>>, vector<16xi32>,
    tpu.vector_store %arg10[%swap3A_1043], %add3A_1039 {strides = array<i32>} : memref<1936xi32, #tpu.memory_space<vmem>>, vector<16xi32>,
    %swap3A_1045 = arith.constant 128 : index
    %swap3A_1046 = tpu.vector_load %arg11[%swap3A_1045] {strides = array<i32>} : memref<1936xf32, #tpu.memory_space<vmem>>, vector<16xf32>,
    tpu.vector_store %arg11[%swap3A_1045], %add3A_1042 {strides = array<i32>} : memref<1936xf32, #tpu.memory_space<vmem>>, vector<16xf32>,
    %get3A_1047 = arith.constant 144 : index
    %get3A_1048 = tpu.vector_load %arg10[%get3A_1047] {strides = array<i32>} : memref<1936xi32, #tpu.memory_space<vmem>>, vector<16xi32>,
    %get3A_1049 = arith.constant 144 : index
    %get3A_1050 = tpu.vector_load %arg11[%get3A_1049] {strides = array<i32>} : memref<1936xf32, #tpu.memory_space<vmem>>, vector<16xf32>,
    %get3A_1051 = arith.constant 384 : index
    %get3A_1052 = tpu.vector_load %arg10[%get3A_1051] {strides = array<i32>} : memref<1936xi32, #tpu.memory_space<vmem>>, vector<16xi32>,
    %add3A_1053 = arith.addi %get3A_1048, %get3A_1052 : vector<16xi32>
    %get3A_1054 = arith.constant 384 : index
    %get3A_1055 = tpu.vector_load %arg11[%get3A_1054] {strides = array<i32>} : memref<1936xf32, #tpu.memory_space<vmem>>, vector<16xf32>,
    %add3A_1056 = arith.addf %get3A_1050, %get3A_1055 : vector<16xf32>
    %get3A_1057 = arith.constant 624 : index
    %get3A_1058 = tpu.vector_load %arg10[%get3A_1057] {strides = array<i32>} : memref<1936xi32, #tpu.memory_space<vmem>>, vector<16xi32>,
    %add3A_1059 = arith.addi %add3A_1053, %get3A_1058 : vector<16xi32>
    %get3A_1060 = arith.constant 624 : index
    %get3A_1061 = tpu.vector_load %arg11[%get3A_1060] {strides = array<i32>} : memref<1936xf32, #tpu.memory_space<vmem>>, vector<16xf32>,
    %add3A_1062 = arith.addf %add3A_1056, %get3A_1061 : vector<16xf32>
    %get3A_1063 = arith.constant 864 : index
    %get3A_1064 = tpu.vector_load %arg10[%get3A_1063] {strides = array<i32>} : memref<1936xi32, #tpu.memory_space<vmem>>, vector<16xi32>,
    %add3A_1065 = arith.addi %add3A_1059, %get3A_1064 : vector<16xi32>
    %get3A_1066 = arith.constant 864 : index
    %get3A_1067 = tpu.vector_load %arg11[%get3A_1066] {strides = array<i32>} : memref<1936xf32, #tpu.memory_space<vmem>>, vector<16xf32>,
    %add3A_1068 = arith.addf %add3A_1062, %get3A_1067 : vector<16xf32>
    %get3A_1069 = arith.constant 1104 : index
    %get3A_1070 = tpu.vector_load %arg10[%get3A_1069] {strides = array<i32>} : memref<1936xi32, #tpu.memory_space<vmem>>, vector<16xi32>,
    %add3A_1071 = arith.addi %add3A_1065, %get3A_1070 : vector<16xi32>
    %get3A_1072 = arith.constant 1104 : index
    %get3A_1073 = tpu.vector_load %arg11[%get3A_1072] {strides = array<i32>} : memref<1936xf32, #tpu.memory_space<vmem>>, vector<16xf32>,
    %add3A_1074 = arith.addf %add3A_1068, %get3A_1073 : vector<16xf32>
    %get3A_1075 = arith.constant 1344 : index
    %get3A_1076 = tpu.vector_load %arg10[%get3A_1075] {strides = array<i32>} : memref<1936xi32, #tpu.memory_space<vmem>>, vector<16xi32>,
    %add3A_1077 = arith.addi %add3A_1071, %get3A_1076 : vector<16xi32>
    %get3A_1078 = arith.constant 1344 : index
    %get3A_1079 = tpu.vector_load %arg11[%get3A_1078] {strides = array<i32>} : memref<1936xf32, #tpu.memory_space<vmem>>, vector<16xf32>,
    %add3A_1080 = arith.addf %add3A_1074, %get3A_1079 : vector<16xf32>
    %get3A_1081 = arith.constant 1584 : index
    %get3A_1082 = tpu.vector_load %arg10[%get3A_1081] {strides = array<i32>} : memref<1936xi32, #tpu.memory_space<vmem>>, vector<16xi32>,
    %add3A_1083 = arith.addi %add3A_1077, %get3A_1082 : vector<16xi32>
    %get3A_1084 = arith.constant 1584 : index
    %get3A_1085 = tpu.vector_load %arg11[%get3A_1084] {strides = array<i32>} : memref<1936xf32, #tpu.memory_space<vmem>>, vector<16xf32>,
    %add3A_1086 = arith.addf %add3A_1080, %get3A_1085 : vector<16xf32>
    %get3A_1087 = arith.constant 1824 : index
    %get3A_1088 = tpu.vector_load %arg10[%get3A_1087] {strides = array<i32>} : memref<1936xi32, #tpu.memory_space<vmem>>, vector<16xi32>,
    %add3A_1089 = arith.addi %add3A_1083, %get3A_1088 : vector<16xi32>
    %get3A_1090 = arith.constant 1824 : index
    %get3A_1091 = tpu.vector_load %arg11[%get3A_1090] {strides = array<i32>} : memref<1936xf32, #tpu.memory_space<vmem>>, vector<16xf32>,
    %add3A_1092 = arith.addf %add3A_1086, %get3A_1091 : vector<16xf32>
    %swap3A_1093 = arith.constant 144 : index
    %swap3A_1094 = tpu.vector_load %arg10[%swap3A_1093] {strides = array<i32>} : memref<1936xi32, #tpu.memory_space<vmem>>, vector<16xi32>,
    tpu.vector_store %arg10[%swap3A_1093], %add3A_1089 {strides = array<i32>} : memref<1936xi32, #tpu.memory_space<vmem>>, vector<16xi32>,
    %swap3A_1095 = arith.constant 144 : index
    %swap3A_1096 = tpu.vector_load %arg11[%swap3A_1095] {strides = array<i32>} : memref<1936xf32, #tpu.memory_space<vmem>>, vector<16xf32>,
    tpu.vector_store %arg11[%swap3A_1095], %add3A_1092 {strides = array<i32>} : memref<1936xf32, #tpu.memory_space<vmem>>, vector<16xf32>,
    %get3A_1097 = arith.constant 160 : index
    %get3A_1098 = tpu.vector_load %arg10[%get3A_1097] {strides = array<i32>} : memref<1936xi32, #tpu.memory_space<vmem>>, vector<16xi32>,
    %get3A_1099 = arith.constant 160 : index
    %get3A_1100 = tpu.vector_load %arg11[%get3A_1099] {strides = array<i32>} : memref<1936xf32, #tpu.memory_space<vmem>>, vector<16xf32>,
    %get3A_1101 = arith.constant 400 : index
    %get3A_1102 = tpu.vector_load %arg10[%get3A_1101] {strides = array<i32>} : memref<1936xi32, #tpu.memory_space<vmem>>, vector<16xi32>,
    %add3A_1103 = arith.addi %get3A_1098, %get3A_1102 : vector<16xi32>
    %get3A_1104 = arith.constant 400 : index
    %get3A_1105 = tpu.vector_load %arg11[%get3A_1104] {strides = array<i32>} : memref<1936xf32, #tpu.memory_space<vmem>>, vector<16xf32>,
    %add3A_1106 = arith.addf %get3A_1100, %get3A_1105 : vector<16xf32>
    %get3A_1107 = arith.constant 640 : index
    %get3A_1108 = tpu.vector_load %arg10[%get3A_1107] {strides = array<i32>} : memref<1936xi32, #tpu.memory_space<vmem>>, vector<16xi32>,
    %add3A_1109 = arith.addi %add3A_1103, %get3A_1108 : vector<16xi32>
    %get3A_1110 = arith.constant 640 : index
    %get3A_1111 = tpu.vector_load %arg11[%get3A_1110] {strides = array<i32>} : memref<1936xf32, #tpu.memory_space<vmem>>, vector<16xf32>,
    %add3A_1112 = arith.addf %add3A_1106, %get3A_1111 : vector<16xf32>
    %get3A_1113 = arith.constant 880 : index
    %get3A_1114 = tpu.vector_load %arg10[%get3A_1113] {strides = array<i32>} : memref<1936xi32, #tpu.memory_space<vmem>>, vector<16xi32>,
    %add3A_1115 = arith.addi %add3A_1109, %get3A_1114 : vector<16xi32>
    %get3A_1116 = arith.constant 880 : index
    %get3A_1117 = tpu.vector_load %arg11[%get3A_1116] {strides = array<i32>} : memref<1936xf32, #tpu.memory_space<vmem>>, vector<16xf32>,
    %add3A_1118 = arith.addf %add3A_1112, %get3A_1117 : vector<16xf32>
    %get3A_1119 = arith.constant 1120 : index
    %get3A_1120 = tpu.vector_load %arg10[%get3A_1119] {strides = array<i32>} : memref<1936xi32, #tpu.memory_space<vmem>>, vector<16xi32>,
    %add3A_1121 = arith.addi %add3A_1115, %get3A_1120 : vector<16xi32>
    %get3A_1122 = arith.constant 1120 : index
    %get3A_1123 = tpu.vector_load %arg11[%get3A_1122] {strides = array<i32>} : memref<1936xf32, #tpu.memory_space<vmem>>, vector<16xf32>,
    %add3A_1124 = arith.addf %add3A_1118, %get3A_1123 : vector<16xf32>
    %get3A_1125 = arith.constant 1360 : index
    %get3A_1126 = tpu.vector_load %arg10[%get3A_1125] {strides = array<i32>} : memref<1936xi32, #tpu.memory_space<vmem>>, vector<16xi32>,
    %add3A_1127 = arith.addi %add3A_1121, %get3A_1126 : vector<16xi32>
    %get3A_1128 = arith.constant 1360 : index
    %get3A_1129 = tpu.vector_load %arg11[%get3A_1128] {strides = array<i32>} : memref<1936xf32, #tpu.memory_space<vmem>>, vector<16xf32>,
    %add3A_1130 = arith.addf %add3A_1124, %get3A_1129 : vector<16xf32>
    %get3A_1131 = arith.constant 1600 : index
    %get3A_1132 = tpu.vector_load %arg10[%get3A_1131] {strides = array<i32>} : memref<1936xi32, #tpu.memory_space<vmem>>, vector<16xi32>,
    %add3A_1133 = arith.addi %add3A_1127, %get3A_1132 : vector<16xi32>
    %get3A_1134 = arith.constant 1600 : index
    %get3A_1135 = tpu.vector_load %arg11[%get3A_1134] {strides = array<i32>} : memref<1936xf32, #tpu.memory_space<vmem>>, vector<16xf32>,
    %add3A_1136 = arith.addf %add3A_1130, %get3A_1135 : vector<16xf32>
    %get3A_1137 = arith.constant 1840 : index
    %get3A_1138 = tpu.vector_load %arg10[%get3A_1137] {strides = array<i32>} : memref<1936xi32, #tpu.memory_space<vmem>>, vector<16xi32>,
    %add3A_1139 = arith.addi %add3A_1133, %get3A_1138 : vector<16xi32>
    %get3A_1140 = arith.constant 1840 : index
    %get3A_1141 = tpu.vector_load %arg11[%get3A_1140] {strides = array<i32>} : memref<1936xf32, #tpu.memory_space<vmem>>, vector<16xf32>,
    %add3A_1142 = arith.addf %add3A_1136, %get3A_1141 : vector<16xf32>
    %swap3A_1143 = arith.constant 160 : index
    %swap3A_1144 = tpu.vector_load %arg10[%swap3A_1143] {strides = array<i32>} : memref<1936xi32, #tpu.memory_space<vmem>>, vector<16xi32>,
    tpu.vector_store %arg10[%swap3A_1143], %add3A_1139 {strides = array<i32>} : memref<1936xi32, #tpu.memory_space<vmem>>, vector<16xi32>,
    %swap3A_1145 = arith.constant 160 : index
    %swap3A_1146 = tpu.vector_load %arg11[%swap3A_1145] {strides = array<i32>} : memref<1936xf32, #tpu.memory_space<vmem>>, vector<16xf32>,
    tpu.vector_store %arg11[%swap3A_1145], %add3A_1142 {strides = array<i32>} : memref<1936xf32, #tpu.memory_space<vmem>>, vector<16xf32>,
    %get3A_1147 = arith.constant 176 : index
    %get3A_1148 = tpu.vector_load %arg10[%get3A_1147] {strides = array<i32>} : memref<1936xi32, #tpu.memory_space<vmem>>, vector<16xi32>,
    %get3A_1149 = arith.constant 176 : index
    %get3A_1150 = tpu.vector_load %arg11[%get3A_1149] {strides = array<i32>} : memref<1936xf32, #tpu.memory_space<vmem>>, vector<16xf32>,
    %get3A_1151 = arith.constant 416 : index
    %get3A_1152 = tpu.vector_load %arg10[%get3A_1151] {strides = array<i32>} : memref<1936xi32, #tpu.memory_space<vmem>>, vector<16xi32>,
    %add3A_1153 = arith.addi %get3A_1148, %get3A_1152 : vector<16xi32>
    %get3A_1154 = arith.constant 416 : index
    %get3A_1155 = tpu.vector_load %arg11[%get3A_1154] {strides = array<i32>} : memref<1936xf32, #tpu.memory_space<vmem>>, vector<16xf32>,
    %add3A_1156 = arith.addf %get3A_1150, %get3A_1155 : vector<16xf32>
    %get3A_1157 = arith.constant 656 : index
    %get3A_1158 = tpu.vector_load %arg10[%get3A_1157] {strides = array<i32>} : memref<1936xi32, #tpu.memory_space<vmem>>, vector<16xi32>,
    %add3A_1159 = arith.addi %add3A_1153, %get3A_1158 : vector<16xi32>
    %get3A_1160 = arith.constant 656 : index
    %get3A_1161 = tpu.vector_load %arg11[%get3A_1160] {strides = array<i32>} : memref<1936xf32, #tpu.memory_space<vmem>>, vector<16xf32>,
    %add3A_1162 = arith.addf %add3A_1156, %get3A_1161 : vector<16xf32>
    %get3A_1163 = arith.constant 896 : index
    %get3A_1164 = tpu.vector_load %arg10[%get3A_1163] {strides = array<i32>} : memref<1936xi32, #tpu.memory_space<vmem>>, vector<16xi32>,
    %add3A_1165 = arith.addi %add3A_1159, %get3A_1164 : vector<16xi32>
    %get3A_1166 = arith.constant 896 : index
    %get3A_1167 = tpu.vector_load %arg11[%get3A_1166] {strides = array<i32>} : memref<1936xf32, #tpu.memory_space<vmem>>, vector<16xf32>,
    %add3A_1168 = arith.addf %add3A_1162, %get3A_1167 : vector<16xf32>
    %get3A_1169 = arith.constant 1136 : index
    %get3A_1170 = tpu.vector_load %arg10[%get3A_1169] {strides = array<i32>} : memref<1936xi32, #tpu.memory_space<vmem>>, vector<16xi32>,
    %add3A_1171 = arith.addi %add3A_1165, %get3A_1170 : vector<16xi32>
    %get3A_1172 = arith.constant 1136 : index
    %get3A_1173 = tpu.vector_load %arg11[%get3A_1172] {strides = array<i32>} : memref<1936xf32, #tpu.memory_space<vmem>>, vector<16xf32>,
    %add3A_1174 = arith.addf %add3A_1168, %get3A_1173 : vector<16xf32>
    %get3A_1175 = arith.constant 1376 : index
    %get3A_1176 = tpu.vector_load %arg10[%get3A_1175] {strides = array<i32>} : memref<1936xi32, #tpu.memory_space<vmem>>, vector<16xi32>,
    %add3A_1177 = arith.addi %add3A_1171, %get3A_1176 : vector<16xi32>
    %get3A_1178 = arith.constant 1376 : index
    %get3A_1179 = tpu.vector_load %arg11[%get3A_1178] {strides = array<i32>} : memref<1936xf32, #tpu.memory_space<vmem>>, vector<16xf32>,
    %add3A_1180 = arith.addf %add3A_1174, %get3A_1179 : vector<16xf32>
    %get3A_1181 = arith.constant 1616 : index
    %get3A_1182 = tpu.vector_load %arg10[%get3A_1181] {strides = array<i32>} : memref<1936xi32, #tpu.memory_space<vmem>>, vector<16xi32>,
    %add3A_1183 = arith.addi %add3A_1177, %get3A_1182 : vector<16xi32>
    %get3A_1184 = arith.constant 1616 : index
    %get3A_1185 = tpu.vector_load %arg11[%get3A_1184] {strides = array<i32>} : memref<1936xf32, #tpu.memory_space<vmem>>, vector<16xf32>,
    %add3A_1186 = arith.addf %add3A_1180, %get3A_1185 : vector<16xf32>
    %get3A_1187 = arith.constant 1856 : index
    %get3A_1188 = tpu.vector_load %arg10[%get3A_1187] {strides = array<i32>} : memref<1936xi32, #tpu.memory_space<vmem>>, vector<16xi32>,
    %add3A_1189 = arith.addi %add3A_1183, %get3A_1188 : vector<16xi32>
    %get3A_1190 = arith.constant 1856 : index
    %get3A_1191 = tpu.vector_load %arg11[%get3A_1190] {strides = array<i32>} : memref<1936xf32, #tpu.memory_space<vmem>>, vector<16xf32>,
    %add3A_1192 = arith.addf %add3A_1186, %get3A_1191 : vector<16xf32>
    %swap3A_1193 = arith.constant 176 : index
    %swap3A_1194 = tpu.vector_load %arg10[%swap3A_1193] {strides = array<i32>} : memref<1936xi32, #tpu.memory_space<vmem>>, vector<16xi32>,
    tpu.vector_store %arg10[%swap3A_1193], %add3A_1189 {strides = array<i32>} : memref<1936xi32, #tpu.memory_space<vmem>>, vector<16xi32>,
    %swap3A_1195 = arith.constant 176 : index
    %swap3A_1196 = tpu.vector_load %arg11[%swap3A_1195] {strides = array<i32>} : memref<1936xf32, #tpu.memory_space<vmem>>, vector<16xf32>,
    tpu.vector_store %arg11[%swap3A_1195], %add3A_1192 {strides = array<i32>} : memref<1936xf32, #tpu.memory_space<vmem>>, vector<16xf32>,
    %get3A_1197 = arith.constant 192 : index
    %get3A_1198 = tpu.vector_load %arg10[%get3A_1197] {strides = array<i32>} : memref<1936xi32, #tpu.memory_space<vmem>>, vector<16xi32>,
    %get3A_1199 = arith.constant 192 : index
    %get3A_1200 = tpu.vector_load %arg11[%get3A_1199] {strides = array<i32>} : memref<1936xf32, #tpu.memory_space<vmem>>, vector<16xf32>,
    %get3A_1201 = arith.constant 432 : index
    %get3A_1202 = tpu.vector_load %arg10[%get3A_1201] {strides = array<i32>} : memref<1936xi32, #tpu.memory_space<vmem>>, vector<16xi32>,
    %add3A_1203 = arith.addi %get3A_1198, %get3A_1202 : vector<16xi32>
    %get3A_1204 = arith.constant 432 : index
    %get3A_1205 = tpu.vector_load %arg11[%get3A_1204] {strides = array<i32>} : memref<1936xf32, #tpu.memory_space<vmem>>, vector<16xf32>,
    %add3A_1206 = arith.addf %get3A_1200, %get3A_1205 : vector<16xf32>
    %get3A_1207 = arith.constant 672 : index
    %get3A_1208 = tpu.vector_load %arg10[%get3A_1207] {strides = array<i32>} : memref<1936xi32, #tpu.memory_space<vmem>>, vector<16xi32>,
    %add3A_1209 = arith.addi %add3A_1203, %get3A_1208 : vector<16xi32>
    %get3A_1210 = arith.constant 672 : index
    %get3A_1211 = tpu.vector_load %arg11[%get3A_1210] {strides = array<i32>} : memref<1936xf32, #tpu.memory_space<vmem>>, vector<16xf32>,
    %add3A_1212 = arith.addf %add3A_1206, %get3A_1211 : vector<16xf32>
    %get3A_1213 = arith.constant 912 : index
    %get3A_1214 = tpu.vector_load %arg10[%get3A_1213] {strides = array<i32>} : memref<1936xi32, #tpu.memory_space<vmem>>, vector<16xi32>,
    %add3A_1215 = arith.addi %add3A_1209, %get3A_1214 : vector<16xi32>
    %get3A_1216 = arith.constant 912 : index
    %get3A_1217 = tpu.vector_load %arg11[%get3A_1216] {strides = array<i32>} : memref<1936xf32, #tpu.memory_space<vmem>>, vector<16xf32>,
    %add3A_1218 = arith.addf %add3A_1212, %get3A_1217 : vector<16xf32>
    %get3A_1219 = arith.constant 1152 : index
    %get3A_1220 = tpu.vector_load %arg10[%get3A_1219] {strides = array<i32>} : memref<1936xi32, #tpu.memory_space<vmem>>, vector<16xi32>,
    %add3A_1221 = arith.addi %add3A_1215, %get3A_1220 : vector<16xi32>
    %get3A_1222 = arith.constant 1152 : index
    %get3A_1223 = tpu.vector_load %arg11[%get3A_1222] {strides = array<i32>} : memref<1936xf32, #tpu.memory_space<vmem>>, vector<16xf32>,
    %add3A_1224 = arith.addf %add3A_1218, %get3A_1223 : vector<16xf32>
    %get3A_1225 = arith.constant 1392 : index
    %get3A_1226 = tpu.vector_load %arg10[%get3A_1225] {strides = array<i32>} : memref<1936xi32, #tpu.memory_space<vmem>>, vector<16xi32>,
    %add3A_1227 = arith.addi %add3A_1221, %get3A_1226 : vector<16xi32>
    %get3A_1228 = arith.constant 1392 : index
    %get3A_1229 = tpu.vector_load %arg11[%get3A_1228] {strides = array<i32>} : memref<1936xf32, #tpu.memory_space<vmem>>, vector<16xf32>,
    %add3A_1230 = arith.addf %add3A_1224, %get3A_1229 : vector<16xf32>
    %get3A_1231 = arith.constant 1632 : index
    %get3A_1232 = tpu.vector_load %arg10[%get3A_1231] {strides = array<i32>} : memref<1936xi32, #tpu.memory_space<vmem>>, vector<16xi32>,
    %add3A_1233 = arith.addi %add3A_1227, %get3A_1232 : vector<16xi32>
    %get3A_1234 = arith.constant 1632 : index
    %get3A_1235 = tpu.vector_load %arg11[%get3A_1234] {strides = array<i32>} : memref<1936xf32, #tpu.memory_space<vmem>>, vector<16xf32>,
    %add3A_1236 = arith.addf %add3A_1230, %get3A_1235 : vector<16xf32>
    %get3A_1237 = arith.constant 1872 : index
    %get3A_1238 = tpu.vector_load %arg10[%get3A_1237] {strides = array<i32>} : memref<1936xi32, #tpu.memory_space<vmem>>, vector<16xi32>,
    %add3A_1239 = arith.addi %add3A_1233, %get3A_1238 : vector<16xi32>
    %get3A_1240 = arith.constant 1872 : index
    %get3A_1241 = tpu.vector_load %arg11[%get3A_1240] {strides = array<i32>} : memref<1936xf32, #tpu.memory_space<vmem>>, vector<16xf32>,
    %add3A_1242 = arith.addf %add3A_1236, %get3A_1241 : vector<16xf32>
    %swap3A_1243 = arith.constant 192 : index
    %swap3A_1244 = tpu.vector_load %arg10[%swap3A_1243] {strides = array<i32>} : memref<1936xi32, #tpu.memory_space<vmem>>, vector<16xi32>,
    tpu.vector_store %arg10[%swap3A_1243], %add3A_1239 {strides = array<i32>} : memref<1936xi32, #tpu.memory_space<vmem>>, vector<16xi32>,
    %swap3A_1245 = arith.constant 192 : index
    %swap3A_1246 = tpu.vector_load %arg11[%swap3A_1245] {strides = array<i32>} : memref<1936xf32, #tpu.memory_space<vmem>>, vector<16xf32>,
    tpu.vector_store %arg11[%swap3A_1245], %add3A_1242 {strides = array<i32>} : memref<1936xf32, #tpu.memory_space<vmem>>, vector<16xf32>,
    %get3A_1247 = arith.constant 208 : index
    %get3A_1248 = tpu.vector_load %arg10[%get3A_1247] {strides = array<i32>} : memref<1936xi32, #tpu.memory_space<vmem>>, vector<16xi32>,
    %get3A_1249 = arith.constant 208 : index
    %get3A_1250 = tpu.vector_load %arg11[%get3A_1249] {strides = array<i32>} : memref<1936xf32, #tpu.memory_space<vmem>>, vector<16xf32>,
    %get3A_1251 = arith.constant 448 : index
    %get3A_1252 = tpu.vector_load %arg10[%get3A_1251] {strides = array<i32>} : memref<1936xi32, #tpu.memory_space<vmem>>, vector<16xi32>,
    %add3A_1253 = arith.addi %get3A_1248, %get3A_1252 : vector<16xi32>
    %get3A_1254 = arith.constant 448 : index
    %get3A_1255 = tpu.vector_load %arg11[%get3A_1254] {strides = array<i32>} : memref<1936xf32, #tpu.memory_space<vmem>>, vector<16xf32>,
    %add3A_1256 = arith.addf %get3A_1250, %get3A_1255 : vector<16xf32>
    %get3A_1257 = arith.constant 688 : index
    %get3A_1258 = tpu.vector_load %arg10[%get3A_1257] {strides = array<i32>} : memref<1936xi32, #tpu.memory_space<vmem>>, vector<16xi32>,
    %add3A_1259 = arith.addi %add3A_1253, %get3A_1258 : vector<16xi32>
    %get3A_1260 = arith.constant 688 : index
    %get3A_1261 = tpu.vector_load %arg11[%get3A_1260] {strides = array<i32>} : memref<1936xf32, #tpu.memory_space<vmem>>, vector<16xf32>,
    %add3A_1262 = arith.addf %add3A_1256, %get3A_1261 : vector<16xf32>
    %get3A_1263 = arith.constant 928 : index
    %get3A_1264 = tpu.vector_load %arg10[%get3A_1263] {strides = array<i32>} : memref<1936xi32, #tpu.memory_space<vmem>>, vector<16xi32>,
    %add3A_1265 = arith.addi %add3A_1259, %get3A_1264 : vector<16xi32>
    %get3A_1266 = arith.constant 928 : index
    %get3A_1267 = tpu.vector_load %arg11[%get3A_1266] {strides = array<i32>} : memref<1936xf32, #tpu.memory_space<vmem>>, vector<16xf32>,
    %add3A_1268 = arith.addf %add3A_1262, %get3A_1267 : vector<16xf32>
    %get3A_1269 = arith.constant 1168 : index
    %get3A_1270 = tpu.vector_load %arg10[%get3A_1269] {strides = array<i32>} : memref<1936xi32, #tpu.memory_space<vmem>>, vector<16xi32>,
    %add3A_1271 = arith.addi %add3A_1265, %get3A_1270 : vector<16xi32>
    %get3A_1272 = arith.constant 1168 : index
    %get3A_1273 = tpu.vector_load %arg11[%get3A_1272] {strides = array<i32>} : memref<1936xf32, #tpu.memory_space<vmem>>, vector<16xf32>,
    %add3A_1274 = arith.addf %add3A_1268, %get3A_1273 : vector<16xf32>
    %get3A_1275 = arith.constant 1408 : index
    %get3A_1276 = tpu.vector_load %arg10[%get3A_1275] {strides = array<i32>} : memref<1936xi32, #tpu.memory_space<vmem>>, vector<16xi32>,
    %add3A_1277 = arith.addi %add3A_1271, %get3A_1276 : vector<16xi32>
    %get3A_1278 = arith.constant 1408 : index
    %get3A_1279 = tpu.vector_load %arg11[%get3A_1278] {strides = array<i32>} : memref<1936xf32, #tpu.memory_space<vmem>>, vector<16xf32>,
    %add3A_1280 = arith.addf %add3A_1274, %get3A_1279 : vector<16xf32>
    %get3A_1281 = arith.constant 1648 : index
    %get3A_1282 = tpu.vector_load %arg10[%get3A_1281] {strides = array<i32>} : memref<1936xi32, #tpu.memory_space<vmem>>, vector<16xi32>,
    %add3A_1283 = arith.addi %add3A_1277, %get3A_1282 : vector<16xi32>
    %get3A_1284 = arith.constant 1648 : index
    %get3A_1285 = tpu.vector_load %arg11[%get3A_1284] {strides = array<i32>} : memref<1936xf32, #tpu.memory_space<vmem>>, vector<16xf32>,
    %add3A_1286 = arith.addf %add3A_1280, %get3A_1285 : vector<16xf32>
    %get3A_1287 = arith.constant 1888 : index
    %get3A_1288 = tpu.vector_load %arg10[%get3A_1287] {strides = array<i32>} : memref<1936xi32, #tpu.memory_space<vmem>>, vector<16xi32>,
    %add3A_1289 = arith.addi %add3A_1283, %get3A_1288 : vector<16xi32>
    %get3A_1290 = arith.constant 1888 : index
    %get3A_1291 = tpu.vector_load %arg11[%get3A_1290] {strides = array<i32>} : memref<1936xf32, #tpu.memory_space<vmem>>, vector<16xf32>,
    %add3A_1292 = arith.addf %add3A_1286, %get3A_1291 : vector<16xf32>
    %swap3A_1293 = arith.constant 208 : index
    %swap3A_1294 = tpu.vector_load %arg10[%swap3A_1293] {strides = array<i32>} : memref<1936xi32, #tpu.memory_space<vmem>>, vector<16xi32>,
    tpu.vector_store %arg10[%swap3A_1293], %add3A_1289 {strides = array<i32>} : memref<1936xi32, #tpu.memory_space<vmem>>, vector<16xi32>,
    %swap3A_1295 = arith.constant 208 : index
    %swap3A_1296 = tpu.vector_load %arg11[%swap3A_1295] {strides = array<i32>} : memref<1936xf32, #tpu.memory_space<vmem>>, vector<16xf32>,
    tpu.vector_store %arg11[%swap3A_1295], %add3A_1292 {strides = array<i32>} : memref<1936xf32, #tpu.memory_space<vmem>>, vector<16xf32>,
    %get3A_1297 = arith.constant 224 : index
    %get3A_1298 = tpu.vector_load %arg10[%get3A_1297] {strides = array<i32>} : memref<1936xi32, #tpu.memory_space<vmem>>, vector<16xi32>,
    %get3A_1299 = arith.constant 224 : index
    %get3A_1300 = tpu.vector_load %arg11[%get3A_1299] {strides = array<i32>} : memref<1936xf32, #tpu.memory_space<vmem>>, vector<16xf32>,
    %get3A_1301 = arith.constant 464 : index
    %get3A_1302 = tpu.vector_load %arg10[%get3A_1301] {strides = array<i32>} : memref<1936xi32, #tpu.memory_space<vmem>>, vector<16xi32>,
    %add3A_1303 = arith.addi %get3A_1298, %get3A_1302 : vector<16xi32>
    %get3A_1304 = arith.constant 464 : index
    %get3A_1305 = tpu.vector_load %arg11[%get3A_1304] {strides = array<i32>} : memref<1936xf32, #tpu.memory_space<vmem>>, vector<16xf32>,
    %add3A_1306 = arith.addf %get3A_1300, %get3A_1305 : vector<16xf32>
    %get3A_1307 = arith.constant 704 : index
    %get3A_1308 = tpu.vector_load %arg10[%get3A_1307] {strides = array<i32>} : memref<1936xi32, #tpu.memory_space<vmem>>, vector<16xi32>,
    %add3A_1309 = arith.addi %add3A_1303, %get3A_1308 : vector<16xi32>
    %get3A_1310 = arith.constant 704 : index
    %get3A_1311 = tpu.vector_load %arg11[%get3A_1310] {strides = array<i32>} : memref<1936xf32, #tpu.memory_space<vmem>>, vector<16xf32>,
    %add3A_1312 = arith.addf %add3A_1306, %get3A_1311 : vector<16xf32>
    %get3A_1313 = arith.constant 944 : index
    %get3A_1314 = tpu.vector_load %arg10[%get3A_1313] {strides = array<i32>} : memref<1936xi32, #tpu.memory_space<vmem>>, vector<16xi32>,
    %add3A_1315 = arith.addi %add3A_1309, %get3A_1314 : vector<16xi32>
    %get3A_1316 = arith.constant 944 : index
    %get3A_1317 = tpu.vector_load %arg11[%get3A_1316] {strides = array<i32>} : memref<1936xf32, #tpu.memory_space<vmem>>, vector<16xf32>,
    %add3A_1318 = arith.addf %add3A_1312, %get3A_1317 : vector<16xf32>
    %get3A_1319 = arith.constant 1184 : index
    %get3A_1320 = tpu.vector_load %arg10[%get3A_1319] {strides = array<i32>} : memref<1936xi32, #tpu.memory_space<vmem>>, vector<16xi32>,
    %add3A_1321 = arith.addi %add3A_1315, %get3A_1320 : vector<16xi32>
    %get3A_1322 = arith.constant 1184 : index
    %get3A_1323 = tpu.vector_load %arg11[%get3A_1322] {strides = array<i32>} : memref<1936xf32, #tpu.memory_space<vmem>>, vector<16xf32>,
    %add3A_1324 = arith.addf %add3A_1318, %get3A_1323 : vector<16xf32>
    %get3A_1325 = arith.constant 1424 : index
    %get3A_1326 = tpu.vector_load %arg10[%get3A_1325] {strides = array<i32>} : memref<1936xi32, #tpu.memory_space<vmem>>, vector<16xi32>,
    %add3A_1327 = arith.addi %add3A_1321, %get3A_1326 : vector<16xi32>
    %get3A_1328 = arith.constant 1424 : index
    %get3A_1329 = tpu.vector_load %arg11[%get3A_1328] {strides = array<i32>} : memref<1936xf32, #tpu.memory_space<vmem>>, vector<16xf32>,
    %add3A_1330 = arith.addf %add3A_1324, %get3A_1329 : vector<16xf32>
    %get3A_1331 = arith.constant 1664 : index
    %get3A_1332 = tpu.vector_load %arg10[%get3A_1331] {strides = array<i32>} : memref<1936xi32, #tpu.memory_space<vmem>>, vector<16xi32>,
    %add3A_1333 = arith.addi %add3A_1327, %get3A_1332 : vector<16xi32>
    %get3A_1334 = arith.constant 1664 : index
    %get3A_1335 = tpu.vector_load %arg11[%get3A_1334] {strides = array<i32>} : memref<1936xf32, #tpu.memory_space<vmem>>, vector<16xf32>,
    %add3A_1336 = arith.addf %add3A_1330, %get3A_1335 : vector<16xf32>
    %get3A_1337 = arith.constant 1904 : index
    %get3A_1338 = tpu.vector_load %arg10[%get3A_1337] {strides = array<i32>} : memref<1936xi32, #tpu.memory_space<vmem>>, vector<16xi32>,
    %add3A_1339 = arith.addi %add3A_1333, %get3A_1338 : vector<16xi32>
    %get3A_1340 = arith.constant 1904 : index
    %get3A_1341 = tpu.vector_load %arg11[%get3A_1340] {strides = array<i32>} : memref<1936xf32, #tpu.memory_space<vmem>>, vector<16xf32>,
    %add3A_1342 = arith.addf %add3A_1336, %get3A_1341 : vector<16xf32>
    %swap3A_1343 = arith.constant 224 : index
    %swap3A_1344 = tpu.vector_load %arg10[%swap3A_1343] {strides = array<i32>} : memref<1936xi32, #tpu.memory_space<vmem>>, vector<16xi32>,
    tpu.vector_store %arg10[%swap3A_1343], %add3A_1339 {strides = array<i32>} : memref<1936xi32, #tpu.memory_space<vmem>>, vector<16xi32>,
    %swap3A_1345 = arith.constant 224 : index
    %swap3A_1346 = tpu.vector_load %arg11[%swap3A_1345] {strides = array<i32>} : memref<1936xf32, #tpu.memory_space<vmem>>, vector<16xf32>,
    tpu.vector_store %arg11[%swap3A_1345], %add3A_1342 {strides = array<i32>} : memref<1936xf32, #tpu.memory_space<vmem>>, vector<16xf32>,
    "tpu.region"() ({
      %run_scoped3A = tpu.sem_alloc : memref<!tpu.dma_semaphore, #tpu.memory_space<semaphore_mem>>
      %dma_start3A_1347 = arith.constant 0 : i32
      %dma_start3A_1348 = tpu.memref_slice %arg10[%dma_start3A_1347] : memref<1936xi32, #tpu.memory_space<vmem>> -> memref<256xi32, #tpu.memory_space<vmem>>
      %dma_start3A_1349 = arith.constant 0 : i32
      %dma_start3A_1350 = tpu.memref_slice %arg5[%add3A, %dma_start3A_1349] : memref<32x256xi32, #tpu.memory_space<hbm>> -> memref<1x256xi32, #tpu.memory_space<hbm>>
      %dma_start3A_1351 = tpu.memref_squeeze %dma_start3A_1350 : memref<1x256xi32, #tpu.memory_space<hbm>> -> memref<256xi32, #tpu.memory_space<hbm>>
      %dma_start3A_1352 = arith.constant 0 : i32
      %dma_start3A_1353 = tpu.memref_slice %arg5[%add3A, %dma_start3A_1352] : memref<32x256xi32, #tpu.memory_space<hbm>> -> memref<1x256xi32, #tpu.memory_space<hbm>>
      %dma_start3A_1354 = tpu.memref_squeeze %dma_start3A_1353 : memref<1x256xi32, #tpu.memory_space<hbm>> -> memref<256xi32, #tpu.memory_space<hbm>>
      %dma_start3A_1355 = arith.constant 0 : i32
      %dma_start3A_1356 = tpu.memref_slice %arg10[%dma_start3A_1355] : memref<1936xi32, #tpu.memory_space<vmem>> -> memref<256xi32, #tpu.memory_space<vmem>>
      tpu.enqueue_dma source(%dma_start3A_1356 : memref<256xi32, #tpu.memory_space<vmem>>) target(%dma_start3A_1354 : memref<256xi32, #tpu.memory_space<hbm>>) target_semaphore(%run_scoped3A : memref<!tpu.dma_semaphore, #tpu.memory_space<semaphore_mem>>)
      %dma_wait3A = arith.constant 0 : i32
      %dma_wait3A_1357 = tpu.memref_slice %arg10[%dma_wait3A] : memref<1936xi32, #tpu.memory_space<vmem>> -> memref<256xi32, #tpu.memory_space<vmem>>
      %dma_wait3A_1358 = arith.constant 0 : i32
      %dma_wait3A_1359 = tpu.memref_slice %arg5[%add3A, %dma_wait3A_1358] : memref<32x256xi32, #tpu.memory_space<hbm>> -> memref<1x256xi32, #tpu.memory_space<hbm>>
      %dma_wait3A_1360 = tpu.memref_squeeze %dma_wait3A_1359 : memref<1x256xi32, #tpu.memory_space<hbm>> -> memref<256xi32, #tpu.memory_space<hbm>>
      %dma_wait3A_1361 = arith.constant 0 : i32
      %dma_wait3A_1362 = tpu.memref_slice %arg5[%add3A, %dma_wait3A_1361] : memref<32x256xi32, #tpu.memory_space<hbm>> -> memref<1x256xi32, #tpu.memory_space<hbm>>
      %dma_wait3A_1363 = tpu.memref_squeeze %dma_wait3A_1362 : memref<1x256xi32, #tpu.memory_space<hbm>> -> memref<256xi32, #tpu.memory_space<hbm>>
      %dma_wait3A_1364 = arith.constant 0 : i32
      %dma_wait3A_1365 = tpu.memref_slice %arg10[%dma_wait3A_1364] : memref<1936xi32, #tpu.memory_space<vmem>> -> memref<256xi32, #tpu.memory_space<vmem>>
      tpu.wait_dma2 semaphore(%run_scoped3A : memref<!tpu.dma_semaphore, #tpu.memory_space<semaphore_mem>>) src(%dma_wait3A_1365 : memref<256xi32, #tpu.memory_space<vmem>>) dst(%dma_wait3A_1363 : memref<256xi32, #tpu.memory_space<hbm>>)
      tpu.yield
    }) : () -> ()
    "tpu.region"() ({
      %run_scoped3A = tpu.sem_alloc : memref<!tpu.dma_semaphore, #tpu.memory_space<semaphore_mem>>
      %dma_start3A_1347 = arith.constant 0 : i32
      %dma_start3A_1348 = tpu.memref_slice %arg11[%dma_start3A_1347] : memref<1936xf32, #tpu.memory_space<vmem>> -> memref<256xf32, #tpu.memory_space<vmem>>
      %dma_start3A_1349 = arith.constant 0 : i32
      %dma_start3A_1350 = tpu.memref_slice %arg6[%add3A, %dma_start3A_1349] : memref<32x256xf32, #tpu.memory_space<hbm>> -> memref<1x256xf32, #tpu.memory_space<hbm>>
      %dma_start3A_1351 = tpu.memref_squeeze %dma_start3A_1350 : memref<1x256xf32, #tpu.memory_space<hbm>> -> memref<256xf32, #tpu.memory_space<hbm>>
      %dma_start3A_1352 = arith.constant 0 : i32
      %dma_start3A_1353 = tpu.memref_slice %arg6[%add3A, %dma_start3A_1352] : memref<32x256xf32, #tpu.memory_space<hbm>> -> memref<1x256xf32, #tpu.memory_space<hbm>>
      %dma_start3A_1354 = tpu.memref_squeeze %dma_start3A_1353 : memref<1x256xf32, #tpu.memory_space<hbm>> -> memref<256xf32, #tpu.memory_space<hbm>>
      %dma_start3A_1355 = arith.constant 0 : i32
      %dma_start3A_1356 = tpu.memref_slice %arg11[%dma_start3A_1355] : memref<1936xf32, #tpu.memory_space<vmem>> -> memref<256xf32, #tpu.memory_space<vmem>>
      tpu.enqueue_dma source(%dma_start3A_1356 : memref<256xf32, #tpu.memory_space<vmem>>) target(%dma_start3A_1354 : memref<256xf32, #tpu.memory_space<hbm>>) target_semaphore(%run_scoped3A : memref<!tpu.dma_semaphore, #tpu.memory_space<semaphore_mem>>)
      %dma_wait3A = arith.constant 0 : i32
      %dma_wait3A_1357 = tpu.memref_slice %arg11[%dma_wait3A] : memref<1936xf32, #tpu.memory_space<vmem>> -> memref<256xf32, #tpu.memory_space<vmem>>
      %dma_wait3A_1358 = arith.constant 0 : i32
      %dma_wait3A_1359 = tpu.memref_slice %arg6[%add3A, %dma_wait3A_1358] : memref<32x256xf32, #tpu.memory_space<hbm>> -> memref<1x256xf32, #tpu.memory_space<hbm>>
      %dma_wait3A_1360 = tpu.memref_squeeze %dma_wait3A_1359 : memref<1x256xf32, #tpu.memory_space<hbm>> -> memref<256xf32, #tpu.memory_space<hbm>>
      %dma_wait3A_1361 = arith.constant 0 : i32
      %dma_wait3A_1362 = tpu.memref_slice %arg6[%add3A, %dma_wait3A_1361] : memref<32x256xf32, #tpu.memory_space<hbm>> -> memref<1x256xf32, #tpu.memory_space<hbm>>
      %dma_wait3A_1363 = tpu.memref_squeeze %dma_wait3A_1362 : memref<1x256xf32, #tpu.memory_space<hbm>> -> memref<256xf32, #tpu.memory_space<hbm>>
      %dma_wait3A_1364 = arith.constant 0 : i32
      %dma_wait3A_1365 = tpu.memref_slice %arg11[%dma_wait3A_1364] : memref<1936xf32, #tpu.memory_space<vmem>> -> memref<256xf32, #tpu.memory_space<vmem>>
      tpu.wait_dma2 semaphore(%run_scoped3A : memref<!tpu.dma_semaphore, #tpu.memory_space<semaphore_mem>>) src(%dma_wait3A_1365 : memref<256xf32, #tpu.memory_space<vmem>>) dst(%dma_wait3A_1363 : memref<256xf32, #tpu.memory_space<hbm>>)
      tpu.yield
    }) : () -> ()
    return
  }
}

module attributes {stable_mosaic.version = 14 : i64} {
  func.func @_combine_body(%arg0: memref<32x256xi32, #tpu.memory_space<vmem>>, %arg1: memref<32x256xf32, #tpu.memory_space<vmem>>, %arg2: memref<3x16xf32, #tpu.memory_space<vmem>>, %arg3: memref<1xf32, #tpu.memory_space<smem>>) attributes {dimension_semantics = [], scalar_prefetch = 0 : i64, scratch_operands = 0 : i64, tpu.core_type = #tpu.core_type<tc>} {
    %get3A = arith.constant 0 : index
    %get3A_0 = arith.constant 0 : index
    %get3A_1 = vector.load %arg0[%get3A, %get3A_0] : memref<32x256xi32, #tpu.memory_space<vmem>>, vector<32x256xi32>
    %shift_right_arithmetic3A = arith.constant 17 : i32
    %shift_right_arithmetic3A_2 = vector.broadcast %shift_right_arithmetic3A : i32 to vector<32x256xi32>
    %shift_right_arithmetic3A_3 = arith.shrsi %get3A_1, %shift_right_arithmetic3A_2 : vector<32x256xi32>
    %convert_element_type3A = arith.sitofp %shift_right_arithmetic3A_3 : vector<32x256xi32> to vector<32x256xf32>
    %and3A = arith.constant 131071 : i32
    %and3A_4 = vector.broadcast %and3A : i32 to vector<32x256xi32>
    %and3A_5 = arith.andi %get3A_1, %and3A_4 : vector<32x256xi32>
    %convert_element_type3A_6 = arith.sitofp %and3A_5 : vector<32x256xi32> to vector<32x256xf32>
    %get3A_7 = arith.constant 0 : index
    %get3A_8 = arith.constant 0 : index
    %get3A_9 = vector.load %arg1[%get3A_7, %get3A_8] : memref<32x256xf32, #tpu.memory_space<vmem>>, vector<32x256xf32>
    %reduce_sum3A = arith.constant dense<0.000000e+00> : vector<256xf32>
    %reduce_sum3A_10 = vector.multi_reduction <add>, %convert_element_type3A, %reduce_sum3A [0] : vector<32x256xf32> to vector<256xf32>
    %reduce_sum3A_11 = arith.constant dense<0.000000e+00> : vector<256xf32>
    %reduce_sum3A_12 = vector.multi_reduction <add>, %convert_element_type3A_6, %reduce_sum3A_11 [0] : vector<32x256xf32> to vector<256xf32>
    %reduce_sum3A_13 = arith.constant dense<0.000000e+00> : vector<256xf32>
    %reduce_sum3A_14 = vector.multi_reduction <add>, %get3A_9, %reduce_sum3A_13 [0] : vector<32x256xf32> to vector<256xf32>
    %get3A_15 = arith.constant 0 : index
    %get3A_16 = arith.constant 0 : index
    %get3A_17 = vector.load %arg2[%get3A_15, %get3A_16] : memref<3x16xf32, #tpu.memory_space<vmem>>, vector<3x16xf32>
    %slice3A = vector.extract_strided_slice %get3A_17 {offsets = [0, 0], sizes = [1, 15], strides = [1, 1]} : vector<3x16xf32> to vector<1x15xf32>
    %squeeze3A = vector.shape_cast %slice3A : vector<1x15xf32> to vector<15xf32>
    %slice3A_18 = vector.extract_strided_slice %get3A_17 {offsets = [0, 1], sizes = [1, 15], strides = [1, 1]} : vector<3x16xf32> to vector<1x15xf32>
    %squeeze3A_19 = vector.shape_cast %slice3A_18 : vector<1x15xf32> to vector<15xf32>
    %sub3A = arith.subf %squeeze3A, %squeeze3A_19 : vector<15xf32>
    %slice3A_20 = vector.extract_strided_slice %get3A_17 {offsets = [1, 0], sizes = [1, 15], strides = [1, 1]} : vector<3x16xf32> to vector<1x15xf32>
    %squeeze3A_21 = vector.shape_cast %slice3A_20 : vector<1x15xf32> to vector<15xf32>
    %slice3A_22 = vector.extract_strided_slice %get3A_17 {offsets = [1, 1], sizes = [1, 15], strides = [1, 1]} : vector<3x16xf32> to vector<1x15xf32>
    %squeeze3A_23 = vector.shape_cast %slice3A_22 : vector<1x15xf32> to vector<15xf32>
    %sub3A_24 = arith.subf %squeeze3A_21, %squeeze3A_23 : vector<15xf32>
    %slice3A_25 = vector.extract_strided_slice %get3A_17 {offsets = [2, 0], sizes = [1, 15], strides = [1, 1]} : vector<3x16xf32> to vector<1x15xf32>
    %squeeze3A_26 = vector.shape_cast %slice3A_25 : vector<1x15xf32> to vector<15xf32>
    %slice3A_27 = vector.extract_strided_slice %get3A_17 {offsets = [2, 1], sizes = [1, 15], strides = [1, 1]} : vector<3x16xf32> to vector<1x15xf32>
    %squeeze3A_28 = vector.shape_cast %slice3A_27 : vector<1x15xf32> to vector<15xf32>
    %sub3A_29 = arith.subf %squeeze3A_26, %squeeze3A_28 : vector<15xf32>
    %slice3A_30 = vector.extract_strided_slice %reduce_sum3A_10 {offsets = [0], sizes = [16], strides = [1]} : vector<256xf32> to vector<16xf32>
    %reduce_sum3A_31 = vector.shape_cast %slice3A_30 : vector<16xf32> to vector<1x16xf32>
    %reduce_sum3A_32 = arith.constant dense<0.000000e+00> : vector<1xf32>
    %reduce_sum3A_33 = vector.multi_reduction <add>, %reduce_sum3A_31, %reduce_sum3A_32 [1] : vector<1x16xf32> to vector<1xf32>
    %reduce_sum3A_34 = vector.shape_cast %reduce_sum3A_33 : vector<1xf32> to vector<1x1xf32>
    %reduce_sum3A_35 = vector.extract %reduce_sum3A_34[0, 0] : f32 from vector<1x1xf32>
    %slice3A_36 = vector.extract_strided_slice %reduce_sum3A_10 {offsets = [16], sizes = [16], strides = [1]} : vector<256xf32> to vector<16xf32>
    %reduce_sum3A_37 = vector.shape_cast %slice3A_36 : vector<16xf32> to vector<1x16xf32>
    %reduce_sum3A_38 = arith.constant dense<0.000000e+00> : vector<1xf32>
    %reduce_sum3A_39 = vector.multi_reduction <add>, %reduce_sum3A_37, %reduce_sum3A_38 [1] : vector<1x16xf32> to vector<1xf32>
    %reduce_sum3A_40 = vector.shape_cast %reduce_sum3A_39 : vector<1xf32> to vector<1x1xf32>
    %reduce_sum3A_41 = vector.extract %reduce_sum3A_40[0, 0] : f32 from vector<1x1xf32>
    %slice3A_42 = vector.extract_strided_slice %reduce_sum3A_10 {offsets = [32], sizes = [16], strides = [1]} : vector<256xf32> to vector<16xf32>
    %reduce_sum3A_43 = vector.shape_cast %slice3A_42 : vector<16xf32> to vector<1x16xf32>
    %reduce_sum3A_44 = arith.constant dense<0.000000e+00> : vector<1xf32>
    %reduce_sum3A_45 = vector.multi_reduction <add>, %reduce_sum3A_43, %reduce_sum3A_44 [1] : vector<1x16xf32> to vector<1xf32>
    %reduce_sum3A_46 = vector.shape_cast %reduce_sum3A_45 : vector<1xf32> to vector<1x1xf32>
    %reduce_sum3A_47 = vector.extract %reduce_sum3A_46[0, 0] : f32 from vector<1x1xf32>
    %slice3A_48 = vector.extract_strided_slice %reduce_sum3A_10 {offsets = [48], sizes = [16], strides = [1]} : vector<256xf32> to vector<16xf32>
    %reduce_sum3A_49 = vector.shape_cast %slice3A_48 : vector<16xf32> to vector<1x16xf32>
    %reduce_sum3A_50 = arith.constant dense<0.000000e+00> : vector<1xf32>
    %reduce_sum3A_51 = vector.multi_reduction <add>, %reduce_sum3A_49, %reduce_sum3A_50 [1] : vector<1x16xf32> to vector<1xf32>
    %reduce_sum3A_52 = vector.shape_cast %reduce_sum3A_51 : vector<1xf32> to vector<1x1xf32>
    %reduce_sum3A_53 = vector.extract %reduce_sum3A_52[0, 0] : f32 from vector<1x1xf32>
    %slice3A_54 = vector.extract_strided_slice %reduce_sum3A_10 {offsets = [64], sizes = [16], strides = [1]} : vector<256xf32> to vector<16xf32>
    %reduce_sum3A_55 = vector.shape_cast %slice3A_54 : vector<16xf32> to vector<1x16xf32>
    %reduce_sum3A_56 = arith.constant dense<0.000000e+00> : vector<1xf32>
    %reduce_sum3A_57 = vector.multi_reduction <add>, %reduce_sum3A_55, %reduce_sum3A_56 [1] : vector<1x16xf32> to vector<1xf32>
    %reduce_sum3A_58 = vector.shape_cast %reduce_sum3A_57 : vector<1xf32> to vector<1x1xf32>
    %reduce_sum3A_59 = vector.extract %reduce_sum3A_58[0, 0] : f32 from vector<1x1xf32>
    %slice3A_60 = vector.extract_strided_slice %reduce_sum3A_10 {offsets = [80], sizes = [16], strides = [1]} : vector<256xf32> to vector<16xf32>
    %reduce_sum3A_61 = vector.shape_cast %slice3A_60 : vector<16xf32> to vector<1x16xf32>
    %reduce_sum3A_62 = arith.constant dense<0.000000e+00> : vector<1xf32>
    %reduce_sum3A_63 = vector.multi_reduction <add>, %reduce_sum3A_61, %reduce_sum3A_62 [1] : vector<1x16xf32> to vector<1xf32>
    %reduce_sum3A_64 = vector.shape_cast %reduce_sum3A_63 : vector<1xf32> to vector<1x1xf32>
    %reduce_sum3A_65 = vector.extract %reduce_sum3A_64[0, 0] : f32 from vector<1x1xf32>
    %slice3A_66 = vector.extract_strided_slice %reduce_sum3A_10 {offsets = [96], sizes = [16], strides = [1]} : vector<256xf32> to vector<16xf32>
    %reduce_sum3A_67 = vector.shape_cast %slice3A_66 : vector<16xf32> to vector<1x16xf32>
    %reduce_sum3A_68 = arith.constant dense<0.000000e+00> : vector<1xf32>
    %reduce_sum3A_69 = vector.multi_reduction <add>, %reduce_sum3A_67, %reduce_sum3A_68 [1] : vector<1x16xf32> to vector<1xf32>
    %reduce_sum3A_70 = vector.shape_cast %reduce_sum3A_69 : vector<1xf32> to vector<1x1xf32>
    %reduce_sum3A_71 = vector.extract %reduce_sum3A_70[0, 0] : f32 from vector<1x1xf32>
    %slice3A_72 = vector.extract_strided_slice %reduce_sum3A_10 {offsets = [112], sizes = [16], strides = [1]} : vector<256xf32> to vector<16xf32>
    %reduce_sum3A_73 = vector.shape_cast %slice3A_72 : vector<16xf32> to vector<1x16xf32>
    %reduce_sum3A_74 = arith.constant dense<0.000000e+00> : vector<1xf32>
    %reduce_sum3A_75 = vector.multi_reduction <add>, %reduce_sum3A_73, %reduce_sum3A_74 [1] : vector<1x16xf32> to vector<1xf32>
    %reduce_sum3A_76 = vector.shape_cast %reduce_sum3A_75 : vector<1xf32> to vector<1x1xf32>
    %reduce_sum3A_77 = vector.extract %reduce_sum3A_76[0, 0] : f32 from vector<1x1xf32>
    %slice3A_78 = vector.extract_strided_slice %reduce_sum3A_10 {offsets = [128], sizes = [16], strides = [1]} : vector<256xf32> to vector<16xf32>
    %reduce_sum3A_79 = vector.shape_cast %slice3A_78 : vector<16xf32> to vector<1x16xf32>
    %reduce_sum3A_80 = arith.constant dense<0.000000e+00> : vector<1xf32>
    %reduce_sum3A_81 = vector.multi_reduction <add>, %reduce_sum3A_79, %reduce_sum3A_80 [1] : vector<1x16xf32> to vector<1xf32>
    %reduce_sum3A_82 = vector.shape_cast %reduce_sum3A_81 : vector<1xf32> to vector<1x1xf32>
    %reduce_sum3A_83 = vector.extract %reduce_sum3A_82[0, 0] : f32 from vector<1x1xf32>
    %slice3A_84 = vector.extract_strided_slice %reduce_sum3A_10 {offsets = [144], sizes = [16], strides = [1]} : vector<256xf32> to vector<16xf32>
    %reduce_sum3A_85 = vector.shape_cast %slice3A_84 : vector<16xf32> to vector<1x16xf32>
    %reduce_sum3A_86 = arith.constant dense<0.000000e+00> : vector<1xf32>
    %reduce_sum3A_87 = vector.multi_reduction <add>, %reduce_sum3A_85, %reduce_sum3A_86 [1] : vector<1x16xf32> to vector<1xf32>
    %reduce_sum3A_88 = vector.shape_cast %reduce_sum3A_87 : vector<1xf32> to vector<1x1xf32>
    %reduce_sum3A_89 = vector.extract %reduce_sum3A_88[0, 0] : f32 from vector<1x1xf32>
    %slice3A_90 = vector.extract_strided_slice %reduce_sum3A_10 {offsets = [160], sizes = [16], strides = [1]} : vector<256xf32> to vector<16xf32>
    %reduce_sum3A_91 = vector.shape_cast %slice3A_90 : vector<16xf32> to vector<1x16xf32>
    %reduce_sum3A_92 = arith.constant dense<0.000000e+00> : vector<1xf32>
    %reduce_sum3A_93 = vector.multi_reduction <add>, %reduce_sum3A_91, %reduce_sum3A_92 [1] : vector<1x16xf32> to vector<1xf32>
    %reduce_sum3A_94 = vector.shape_cast %reduce_sum3A_93 : vector<1xf32> to vector<1x1xf32>
    %reduce_sum3A_95 = vector.extract %reduce_sum3A_94[0, 0] : f32 from vector<1x1xf32>
    %slice3A_96 = vector.extract_strided_slice %reduce_sum3A_10 {offsets = [176], sizes = [16], strides = [1]} : vector<256xf32> to vector<16xf32>
    %reduce_sum3A_97 = vector.shape_cast %slice3A_96 : vector<16xf32> to vector<1x16xf32>
    %reduce_sum3A_98 = arith.constant dense<0.000000e+00> : vector<1xf32>
    %reduce_sum3A_99 = vector.multi_reduction <add>, %reduce_sum3A_97, %reduce_sum3A_98 [1] : vector<1x16xf32> to vector<1xf32>
    %reduce_sum3A_100 = vector.shape_cast %reduce_sum3A_99 : vector<1xf32> to vector<1x1xf32>
    %reduce_sum3A_101 = vector.extract %reduce_sum3A_100[0, 0] : f32 from vector<1x1xf32>
    %slice3A_102 = vector.extract_strided_slice %reduce_sum3A_10 {offsets = [192], sizes = [16], strides = [1]} : vector<256xf32> to vector<16xf32>
    %reduce_sum3A_103 = vector.shape_cast %slice3A_102 : vector<16xf32> to vector<1x16xf32>
    %reduce_sum3A_104 = arith.constant dense<0.000000e+00> : vector<1xf32>
    %reduce_sum3A_105 = vector.multi_reduction <add>, %reduce_sum3A_103, %reduce_sum3A_104 [1] : vector<1x16xf32> to vector<1xf32>
    %reduce_sum3A_106 = vector.shape_cast %reduce_sum3A_105 : vector<1xf32> to vector<1x1xf32>
    %reduce_sum3A_107 = vector.extract %reduce_sum3A_106[0, 0] : f32 from vector<1x1xf32>
    %slice3A_108 = vector.extract_strided_slice %reduce_sum3A_10 {offsets = [208], sizes = [16], strides = [1]} : vector<256xf32> to vector<16xf32>
    %reduce_sum3A_109 = vector.shape_cast %slice3A_108 : vector<16xf32> to vector<1x16xf32>
    %reduce_sum3A_110 = arith.constant dense<0.000000e+00> : vector<1xf32>
    %reduce_sum3A_111 = vector.multi_reduction <add>, %reduce_sum3A_109, %reduce_sum3A_110 [1] : vector<1x16xf32> to vector<1xf32>
    %reduce_sum3A_112 = vector.shape_cast %reduce_sum3A_111 : vector<1xf32> to vector<1x1xf32>
    %reduce_sum3A_113 = vector.extract %reduce_sum3A_112[0, 0] : f32 from vector<1x1xf32>
    %slice3A_114 = vector.extract_strided_slice %reduce_sum3A_10 {offsets = [224], sizes = [16], strides = [1]} : vector<256xf32> to vector<16xf32>
    %reduce_sum3A_115 = vector.shape_cast %slice3A_114 : vector<16xf32> to vector<1x16xf32>
    %reduce_sum3A_116 = arith.constant dense<0.000000e+00> : vector<1xf32>
    %reduce_sum3A_117 = vector.multi_reduction <add>, %reduce_sum3A_115, %reduce_sum3A_116 [1] : vector<1x16xf32> to vector<1xf32>
    %reduce_sum3A_118 = vector.shape_cast %reduce_sum3A_117 : vector<1xf32> to vector<1x1xf32>
    %reduce_sum3A_119 = vector.extract %reduce_sum3A_118[0, 0] : f32 from vector<1x1xf32>
    %stack3A = vector.broadcast %reduce_sum3A_35 : f32 to vector<1xf32>
    %stack3A_120 = vector.broadcast %reduce_sum3A_41 : f32 to vector<1xf32>
    %stack3A_121 = vector.broadcast %reduce_sum3A_47 : f32 to vector<1xf32>
    %stack3A_122 = vector.broadcast %reduce_sum3A_53 : f32 to vector<1xf32>
    %stack3A_123 = vector.broadcast %reduce_sum3A_59 : f32 to vector<1xf32>
    %stack3A_124 = vector.broadcast %reduce_sum3A_65 : f32 to vector<1xf32>
    %stack3A_125 = vector.broadcast %reduce_sum3A_71 : f32 to vector<1xf32>
    %stack3A_126 = vector.broadcast %reduce_sum3A_77 : f32 to vector<1xf32>
    %stack3A_127 = vector.broadcast %reduce_sum3A_83 : f32 to vector<1xf32>
    %stack3A_128 = vector.broadcast %reduce_sum3A_89 : f32 to vector<1xf32>
    %stack3A_129 = vector.broadcast %reduce_sum3A_95 : f32 to vector<1xf32>
    %stack3A_130 = vector.broadcast %reduce_sum3A_101 : f32 to vector<1xf32>
    %stack3A_131 = vector.broadcast %reduce_sum3A_107 : f32 to vector<1xf32>
    %stack3A_132 = vector.broadcast %reduce_sum3A_113 : f32 to vector<1xf32>
    %stack3A_133 = vector.broadcast %reduce_sum3A_119 : f32 to vector<1xf32>
    %stack3A_134 = tpu.concatenate %stack3A, %stack3A_120, %stack3A_121, %stack3A_122, %stack3A_123, %stack3A_124, %stack3A_125, %stack3A_126, %stack3A_127, %stack3A_128, %stack3A_129, %stack3A_130, %stack3A_131, %stack3A_132, %stack3A_133 in 0 : vector<1xf32>, vector<1xf32>, vector<1xf32>, vector<1xf32>, vector<1xf32>, vector<1xf32>, vector<1xf32>, vector<1xf32>, vector<1xf32>, vector<1xf32>, vector<1xf32>, vector<1xf32>, vector<1xf32>, vector<1xf32>, vector<1xf32> -> vector<15xf32>
    %add3A = arith.addf %stack3A_134, %sub3A : vector<15xf32>
    %slice3A_135 = vector.extract_strided_slice %reduce_sum3A_12 {offsets = [0], sizes = [16], strides = [1]} : vector<256xf32> to vector<16xf32>
    %reduce_sum3A_136 = vector.shape_cast %slice3A_135 : vector<16xf32> to vector<1x16xf32>
    %reduce_sum3A_137 = arith.constant dense<0.000000e+00> : vector<1xf32>
    %reduce_sum3A_138 = vector.multi_reduction <add>, %reduce_sum3A_136, %reduce_sum3A_137 [1] : vector<1x16xf32> to vector<1xf32>
    %reduce_sum3A_139 = vector.shape_cast %reduce_sum3A_138 : vector<1xf32> to vector<1x1xf32>
    %reduce_sum3A_140 = vector.extract %reduce_sum3A_139[0, 0] : f32 from vector<1x1xf32>
    %slice3A_141 = vector.extract_strided_slice %reduce_sum3A_12 {offsets = [16], sizes = [16], strides = [1]} : vector<256xf32> to vector<16xf32>
    %reduce_sum3A_142 = vector.shape_cast %slice3A_141 : vector<16xf32> to vector<1x16xf32>
    %reduce_sum3A_143 = arith.constant dense<0.000000e+00> : vector<1xf32>
    %reduce_sum3A_144 = vector.multi_reduction <add>, %reduce_sum3A_142, %reduce_sum3A_143 [1] : vector<1x16xf32> to vector<1xf32>
    %reduce_sum3A_145 = vector.shape_cast %reduce_sum3A_144 : vector<1xf32> to vector<1x1xf32>
    %reduce_sum3A_146 = vector.extract %reduce_sum3A_145[0, 0] : f32 from vector<1x1xf32>
    %slice3A_147 = vector.extract_strided_slice %reduce_sum3A_12 {offsets = [32], sizes = [16], strides = [1]} : vector<256xf32> to vector<16xf32>
    %reduce_sum3A_148 = vector.shape_cast %slice3A_147 : vector<16xf32> to vector<1x16xf32>
    %reduce_sum3A_149 = arith.constant dense<0.000000e+00> : vector<1xf32>
    %reduce_sum3A_150 = vector.multi_reduction <add>, %reduce_sum3A_148, %reduce_sum3A_149 [1] : vector<1x16xf32> to vector<1xf32>
    %reduce_sum3A_151 = vector.shape_cast %reduce_sum3A_150 : vector<1xf32> to vector<1x1xf32>
    %reduce_sum3A_152 = vector.extract %reduce_sum3A_151[0, 0] : f32 from vector<1x1xf32>
    %slice3A_153 = vector.extract_strided_slice %reduce_sum3A_12 {offsets = [48], sizes = [16], strides = [1]} : vector<256xf32> to vector<16xf32>
    %reduce_sum3A_154 = vector.shape_cast %slice3A_153 : vector<16xf32> to vector<1x16xf32>
    %reduce_sum3A_155 = arith.constant dense<0.000000e+00> : vector<1xf32>
    %reduce_sum3A_156 = vector.multi_reduction <add>, %reduce_sum3A_154, %reduce_sum3A_155 [1] : vector<1x16xf32> to vector<1xf32>
    %reduce_sum3A_157 = vector.shape_cast %reduce_sum3A_156 : vector<1xf32> to vector<1x1xf32>
    %reduce_sum3A_158 = vector.extract %reduce_sum3A_157[0, 0] : f32 from vector<1x1xf32>
    %slice3A_159 = vector.extract_strided_slice %reduce_sum3A_12 {offsets = [64], sizes = [16], strides = [1]} : vector<256xf32> to vector<16xf32>
    %reduce_sum3A_160 = vector.shape_cast %slice3A_159 : vector<16xf32> to vector<1x16xf32>
    %reduce_sum3A_161 = arith.constant dense<0.000000e+00> : vector<1xf32>
    %reduce_sum3A_162 = vector.multi_reduction <add>, %reduce_sum3A_160, %reduce_sum3A_161 [1] : vector<1x16xf32> to vector<1xf32>
    %reduce_sum3A_163 = vector.shape_cast %reduce_sum3A_162 : vector<1xf32> to vector<1x1xf32>
    %reduce_sum3A_164 = vector.extract %reduce_sum3A_163[0, 0] : f32 from vector<1x1xf32>
    %slice3A_165 = vector.extract_strided_slice %reduce_sum3A_12 {offsets = [80], sizes = [16], strides = [1]} : vector<256xf32> to vector<16xf32>
    %reduce_sum3A_166 = vector.shape_cast %slice3A_165 : vector<16xf32> to vector<1x16xf32>
    %reduce_sum3A_167 = arith.constant dense<0.000000e+00> : vector<1xf32>
    %reduce_sum3A_168 = vector.multi_reduction <add>, %reduce_sum3A_166, %reduce_sum3A_167 [1] : vector<1x16xf32> to vector<1xf32>
    %reduce_sum3A_169 = vector.shape_cast %reduce_sum3A_168 : vector<1xf32> to vector<1x1xf32>
    %reduce_sum3A_170 = vector.extract %reduce_sum3A_169[0, 0] : f32 from vector<1x1xf32>
    %slice3A_171 = vector.extract_strided_slice %reduce_sum3A_12 {offsets = [96], sizes = [16], strides = [1]} : vector<256xf32> to vector<16xf32>
    %reduce_sum3A_172 = vector.shape_cast %slice3A_171 : vector<16xf32> to vector<1x16xf32>
    %reduce_sum3A_173 = arith.constant dense<0.000000e+00> : vector<1xf32>
    %reduce_sum3A_174 = vector.multi_reduction <add>, %reduce_sum3A_172, %reduce_sum3A_173 [1] : vector<1x16xf32> to vector<1xf32>
    %reduce_sum3A_175 = vector.shape_cast %reduce_sum3A_174 : vector<1xf32> to vector<1x1xf32>
    %reduce_sum3A_176 = vector.extract %reduce_sum3A_175[0, 0] : f32 from vector<1x1xf32>
    %slice3A_177 = vector.extract_strided_slice %reduce_sum3A_12 {offsets = [112], sizes = [16], strides = [1]} : vector<256xf32> to vector<16xf32>
    %reduce_sum3A_178 = vector.shape_cast %slice3A_177 : vector<16xf32> to vector<1x16xf32>
    %reduce_sum3A_179 = arith.constant dense<0.000000e+00> : vector<1xf32>
    %reduce_sum3A_180 = vector.multi_reduction <add>, %reduce_sum3A_178, %reduce_sum3A_179 [1] : vector<1x16xf32> to vector<1xf32>
    %reduce_sum3A_181 = vector.shape_cast %reduce_sum3A_180 : vector<1xf32> to vector<1x1xf32>
    %reduce_sum3A_182 = vector.extract %reduce_sum3A_181[0, 0] : f32 from vector<1x1xf32>
    %slice3A_183 = vector.extract_strided_slice %reduce_sum3A_12 {offsets = [128], sizes = [16], strides = [1]} : vector<256xf32> to vector<16xf32>
    %reduce_sum3A_184 = vector.shape_cast %slice3A_183 : vector<16xf32> to vector<1x16xf32>
    %reduce_sum3A_185 = arith.constant dense<0.000000e+00> : vector<1xf32>
    %reduce_sum3A_186 = vector.multi_reduction <add>, %reduce_sum3A_184, %reduce_sum3A_185 [1] : vector<1x16xf32> to vector<1xf32>
    %reduce_sum3A_187 = vector.shape_cast %reduce_sum3A_186 : vector<1xf32> to vector<1x1xf32>
    %reduce_sum3A_188 = vector.extract %reduce_sum3A_187[0, 0] : f32 from vector<1x1xf32>
    %slice3A_189 = vector.extract_strided_slice %reduce_sum3A_12 {offsets = [144], sizes = [16], strides = [1]} : vector<256xf32> to vector<16xf32>
    %reduce_sum3A_190 = vector.shape_cast %slice3A_189 : vector<16xf32> to vector<1x16xf32>
    %reduce_sum3A_191 = arith.constant dense<0.000000e+00> : vector<1xf32>
    %reduce_sum3A_192 = vector.multi_reduction <add>, %reduce_sum3A_190, %reduce_sum3A_191 [1] : vector<1x16xf32> to vector<1xf32>
    %reduce_sum3A_193 = vector.shape_cast %reduce_sum3A_192 : vector<1xf32> to vector<1x1xf32>
    %reduce_sum3A_194 = vector.extract %reduce_sum3A_193[0, 0] : f32 from vector<1x1xf32>
    %slice3A_195 = vector.extract_strided_slice %reduce_sum3A_12 {offsets = [160], sizes = [16], strides = [1]} : vector<256xf32> to vector<16xf32>
    %reduce_sum3A_196 = vector.shape_cast %slice3A_195 : vector<16xf32> to vector<1x16xf32>
    %reduce_sum3A_197 = arith.constant dense<0.000000e+00> : vector<1xf32>
    %reduce_sum3A_198 = vector.multi_reduction <add>, %reduce_sum3A_196, %reduce_sum3A_197 [1] : vector<1x16xf32> to vector<1xf32>
    %reduce_sum3A_199 = vector.shape_cast %reduce_sum3A_198 : vector<1xf32> to vector<1x1xf32>
    %reduce_sum3A_200 = vector.extract %reduce_sum3A_199[0, 0] : f32 from vector<1x1xf32>
    %slice3A_201 = vector.extract_strided_slice %reduce_sum3A_12 {offsets = [176], sizes = [16], strides = [1]} : vector<256xf32> to vector<16xf32>
    %reduce_sum3A_202 = vector.shape_cast %slice3A_201 : vector<16xf32> to vector<1x16xf32>
    %reduce_sum3A_203 = arith.constant dense<0.000000e+00> : vector<1xf32>
    %reduce_sum3A_204 = vector.multi_reduction <add>, %reduce_sum3A_202, %reduce_sum3A_203 [1] : vector<1x16xf32> to vector<1xf32>
    %reduce_sum3A_205 = vector.shape_cast %reduce_sum3A_204 : vector<1xf32> to vector<1x1xf32>
    %reduce_sum3A_206 = vector.extract %reduce_sum3A_205[0, 0] : f32 from vector<1x1xf32>
    %slice3A_207 = vector.extract_strided_slice %reduce_sum3A_12 {offsets = [192], sizes = [16], strides = [1]} : vector<256xf32> to vector<16xf32>
    %reduce_sum3A_208 = vector.shape_cast %slice3A_207 : vector<16xf32> to vector<1x16xf32>
    %reduce_sum3A_209 = arith.constant dense<0.000000e+00> : vector<1xf32>
    %reduce_sum3A_210 = vector.multi_reduction <add>, %reduce_sum3A_208, %reduce_sum3A_209 [1] : vector<1x16xf32> to vector<1xf32>
    %reduce_sum3A_211 = vector.shape_cast %reduce_sum3A_210 : vector<1xf32> to vector<1x1xf32>
    %reduce_sum3A_212 = vector.extract %reduce_sum3A_211[0, 0] : f32 from vector<1x1xf32>
    %slice3A_213 = vector.extract_strided_slice %reduce_sum3A_12 {offsets = [208], sizes = [16], strides = [1]} : vector<256xf32> to vector<16xf32>
    %reduce_sum3A_214 = vector.shape_cast %slice3A_213 : vector<16xf32> to vector<1x16xf32>
    %reduce_sum3A_215 = arith.constant dense<0.000000e+00> : vector<1xf32>
    %reduce_sum3A_216 = vector.multi_reduction <add>, %reduce_sum3A_214, %reduce_sum3A_215 [1] : vector<1x16xf32> to vector<1xf32>
    %reduce_sum3A_217 = vector.shape_cast %reduce_sum3A_216 : vector<1xf32> to vector<1x1xf32>
    %reduce_sum3A_218 = vector.extract %reduce_sum3A_217[0, 0] : f32 from vector<1x1xf32>
    %slice3A_219 = vector.extract_strided_slice %reduce_sum3A_12 {offsets = [224], sizes = [16], strides = [1]} : vector<256xf32> to vector<16xf32>
    %reduce_sum3A_220 = vector.shape_cast %slice3A_219 : vector<16xf32> to vector<1x16xf32>
    %reduce_sum3A_221 = arith.constant dense<0.000000e+00> : vector<1xf32>
    %reduce_sum3A_222 = vector.multi_reduction <add>, %reduce_sum3A_220, %reduce_sum3A_221 [1] : vector<1x16xf32> to vector<1xf32>
    %reduce_sum3A_223 = vector.shape_cast %reduce_sum3A_222 : vector<1xf32> to vector<1x1xf32>
    %reduce_sum3A_224 = vector.extract %reduce_sum3A_223[0, 0] : f32 from vector<1x1xf32>
    %stack3A_225 = vector.broadcast %reduce_sum3A_140 : f32 to vector<1xf32>
    %stack3A_226 = vector.broadcast %reduce_sum3A_146 : f32 to vector<1xf32>
    %stack3A_227 = vector.broadcast %reduce_sum3A_152 : f32 to vector<1xf32>
    %stack3A_228 = vector.broadcast %reduce_sum3A_158 : f32 to vector<1xf32>
    %stack3A_229 = vector.broadcast %reduce_sum3A_164 : f32 to vector<1xf32>
    %stack3A_230 = vector.broadcast %reduce_sum3A_170 : f32 to vector<1xf32>
    %stack3A_231 = vector.broadcast %reduce_sum3A_176 : f32 to vector<1xf32>
    %stack3A_232 = vector.broadcast %reduce_sum3A_182 : f32 to vector<1xf32>
    %stack3A_233 = vector.broadcast %reduce_sum3A_188 : f32 to vector<1xf32>
    %stack3A_234 = vector.broadcast %reduce_sum3A_194 : f32 to vector<1xf32>
    %stack3A_235 = vector.broadcast %reduce_sum3A_200 : f32 to vector<1xf32>
    %stack3A_236 = vector.broadcast %reduce_sum3A_206 : f32 to vector<1xf32>
    %stack3A_237 = vector.broadcast %reduce_sum3A_212 : f32 to vector<1xf32>
    %stack3A_238 = vector.broadcast %reduce_sum3A_218 : f32 to vector<1xf32>
    %stack3A_239 = vector.broadcast %reduce_sum3A_224 : f32 to vector<1xf32>
    %stack3A_240 = tpu.concatenate %stack3A_225, %stack3A_226, %stack3A_227, %stack3A_228, %stack3A_229, %stack3A_230, %stack3A_231, %stack3A_232, %stack3A_233, %stack3A_234, %stack3A_235, %stack3A_236, %stack3A_237, %stack3A_238, %stack3A_239 in 0 : vector<1xf32>, vector<1xf32>, vector<1xf32>, vector<1xf32>, vector<1xf32>, vector<1xf32>, vector<1xf32>, vector<1xf32>, vector<1xf32>, vector<1xf32>, vector<1xf32>, vector<1xf32>, vector<1xf32>, vector<1xf32>, vector<1xf32> -> vector<15xf32>
    %add3A_241 = arith.addf %stack3A_240, %sub3A_29 : vector<15xf32>
    %slice3A_242 = vector.extract_strided_slice %reduce_sum3A_14 {offsets = [0], sizes = [16], strides = [1]} : vector<256xf32> to vector<16xf32>
    %reduce_sum3A_243 = vector.shape_cast %slice3A_242 : vector<16xf32> to vector<1x16xf32>
    %reduce_sum3A_244 = arith.constant dense<0.000000e+00> : vector<1xf32>
    %reduce_sum3A_245 = vector.multi_reduction <add>, %reduce_sum3A_243, %reduce_sum3A_244 [1] : vector<1x16xf32> to vector<1xf32>
    %reduce_sum3A_246 = vector.shape_cast %reduce_sum3A_245 : vector<1xf32> to vector<1x1xf32>
    %reduce_sum3A_247 = vector.extract %reduce_sum3A_246[0, 0] : f32 from vector<1x1xf32>
    %slice3A_248 = vector.extract_strided_slice %reduce_sum3A_14 {offsets = [16], sizes = [16], strides = [1]} : vector<256xf32> to vector<16xf32>
    %reduce_sum3A_249 = vector.shape_cast %slice3A_248 : vector<16xf32> to vector<1x16xf32>
    %reduce_sum3A_250 = arith.constant dense<0.000000e+00> : vector<1xf32>
    %reduce_sum3A_251 = vector.multi_reduction <add>, %reduce_sum3A_249, %reduce_sum3A_250 [1] : vector<1x16xf32> to vector<1xf32>
    %reduce_sum3A_252 = vector.shape_cast %reduce_sum3A_251 : vector<1xf32> to vector<1x1xf32>
    %reduce_sum3A_253 = vector.extract %reduce_sum3A_252[0, 0] : f32 from vector<1x1xf32>
    %slice3A_254 = vector.extract_strided_slice %reduce_sum3A_14 {offsets = [32], sizes = [16], strides = [1]} : vector<256xf32> to vector<16xf32>
    %reduce_sum3A_255 = vector.shape_cast %slice3A_254 : vector<16xf32> to vector<1x16xf32>
    %reduce_sum3A_256 = arith.constant dense<0.000000e+00> : vector<1xf32>
    %reduce_sum3A_257 = vector.multi_reduction <add>, %reduce_sum3A_255, %reduce_sum3A_256 [1] : vector<1x16xf32> to vector<1xf32>
    %reduce_sum3A_258 = vector.shape_cast %reduce_sum3A_257 : vector<1xf32> to vector<1x1xf32>
    %reduce_sum3A_259 = vector.extract %reduce_sum3A_258[0, 0] : f32 from vector<1x1xf32>
    %slice3A_260 = vector.extract_strided_slice %reduce_sum3A_14 {offsets = [48], sizes = [16], strides = [1]} : vector<256xf32> to vector<16xf32>
    %reduce_sum3A_261 = vector.shape_cast %slice3A_260 : vector<16xf32> to vector<1x16xf32>
    %reduce_sum3A_262 = arith.constant dense<0.000000e+00> : vector<1xf32>
    %reduce_sum3A_263 = vector.multi_reduction <add>, %reduce_sum3A_261, %reduce_sum3A_262 [1] : vector<1x16xf32> to vector<1xf32>
    %reduce_sum3A_264 = vector.shape_cast %reduce_sum3A_263 : vector<1xf32> to vector<1x1xf32>
    %reduce_sum3A_265 = vector.extract %reduce_sum3A_264[0, 0] : f32 from vector<1x1xf32>
    %slice3A_266 = vector.extract_strided_slice %reduce_sum3A_14 {offsets = [64], sizes = [16], strides = [1]} : vector<256xf32> to vector<16xf32>
    %reduce_sum3A_267 = vector.shape_cast %slice3A_266 : vector<16xf32> to vector<1x16xf32>
    %reduce_sum3A_268 = arith.constant dense<0.000000e+00> : vector<1xf32>
    %reduce_sum3A_269 = vector.multi_reduction <add>, %reduce_sum3A_267, %reduce_sum3A_268 [1] : vector<1x16xf32> to vector<1xf32>
    %reduce_sum3A_270 = vector.shape_cast %reduce_sum3A_269 : vector<1xf32> to vector<1x1xf32>
    %reduce_sum3A_271 = vector.extract %reduce_sum3A_270[0, 0] : f32 from vector<1x1xf32>
    %slice3A_272 = vector.extract_strided_slice %reduce_sum3A_14 {offsets = [80], sizes = [16], strides = [1]} : vector<256xf32> to vector<16xf32>
    %reduce_sum3A_273 = vector.shape_cast %slice3A_272 : vector<16xf32> to vector<1x16xf32>
    %reduce_sum3A_274 = arith.constant dense<0.000000e+00> : vector<1xf32>
    %reduce_sum3A_275 = vector.multi_reduction <add>, %reduce_sum3A_273, %reduce_sum3A_274 [1] : vector<1x16xf32> to vector<1xf32>
    %reduce_sum3A_276 = vector.shape_cast %reduce_sum3A_275 : vector<1xf32> to vector<1x1xf32>
    %reduce_sum3A_277 = vector.extract %reduce_sum3A_276[0, 0] : f32 from vector<1x1xf32>
    %slice3A_278 = vector.extract_strided_slice %reduce_sum3A_14 {offsets = [96], sizes = [16], strides = [1]} : vector<256xf32> to vector<16xf32>
    %reduce_sum3A_279 = vector.shape_cast %slice3A_278 : vector<16xf32> to vector<1x16xf32>
    %reduce_sum3A_280 = arith.constant dense<0.000000e+00> : vector<1xf32>
    %reduce_sum3A_281 = vector.multi_reduction <add>, %reduce_sum3A_279, %reduce_sum3A_280 [1] : vector<1x16xf32> to vector<1xf32>
    %reduce_sum3A_282 = vector.shape_cast %reduce_sum3A_281 : vector<1xf32> to vector<1x1xf32>
    %reduce_sum3A_283 = vector.extract %reduce_sum3A_282[0, 0] : f32 from vector<1x1xf32>
    %slice3A_284 = vector.extract_strided_slice %reduce_sum3A_14 {offsets = [112], sizes = [16], strides = [1]} : vector<256xf32> to vector<16xf32>
    %reduce_sum3A_285 = vector.shape_cast %slice3A_284 : vector<16xf32> to vector<1x16xf32>
    %reduce_sum3A_286 = arith.constant dense<0.000000e+00> : vector<1xf32>
    %reduce_sum3A_287 = vector.multi_reduction <add>, %reduce_sum3A_285, %reduce_sum3A_286 [1] : vector<1x16xf32> to vector<1xf32>
    %reduce_sum3A_288 = vector.shape_cast %reduce_sum3A_287 : vector<1xf32> to vector<1x1xf32>
    %reduce_sum3A_289 = vector.extract %reduce_sum3A_288[0, 0] : f32 from vector<1x1xf32>
    %slice3A_290 = vector.extract_strided_slice %reduce_sum3A_14 {offsets = [128], sizes = [16], strides = [1]} : vector<256xf32> to vector<16xf32>
    %reduce_sum3A_291 = vector.shape_cast %slice3A_290 : vector<16xf32> to vector<1x16xf32>
    %reduce_sum3A_292 = arith.constant dense<0.000000e+00> : vector<1xf32>
    %reduce_sum3A_293 = vector.multi_reduction <add>, %reduce_sum3A_291, %reduce_sum3A_292 [1] : vector<1x16xf32> to vector<1xf32>
    %reduce_sum3A_294 = vector.shape_cast %reduce_sum3A_293 : vector<1xf32> to vector<1x1xf32>
    %reduce_sum3A_295 = vector.extract %reduce_sum3A_294[0, 0] : f32 from vector<1x1xf32>
    %slice3A_296 = vector.extract_strided_slice %reduce_sum3A_14 {offsets = [144], sizes = [16], strides = [1]} : vector<256xf32> to vector<16xf32>
    %reduce_sum3A_297 = vector.shape_cast %slice3A_296 : vector<16xf32> to vector<1x16xf32>
    %reduce_sum3A_298 = arith.constant dense<0.000000e+00> : vector<1xf32>
    %reduce_sum3A_299 = vector.multi_reduction <add>, %reduce_sum3A_297, %reduce_sum3A_298 [1] : vector<1x16xf32> to vector<1xf32>
    %reduce_sum3A_300 = vector.shape_cast %reduce_sum3A_299 : vector<1xf32> to vector<1x1xf32>
    %reduce_sum3A_301 = vector.extract %reduce_sum3A_300[0, 0] : f32 from vector<1x1xf32>
    %slice3A_302 = vector.extract_strided_slice %reduce_sum3A_14 {offsets = [160], sizes = [16], strides = [1]} : vector<256xf32> to vector<16xf32>
    %reduce_sum3A_303 = vector.shape_cast %slice3A_302 : vector<16xf32> to vector<1x16xf32>
    %reduce_sum3A_304 = arith.constant dense<0.000000e+00> : vector<1xf32>
    %reduce_sum3A_305 = vector.multi_reduction <add>, %reduce_sum3A_303, %reduce_sum3A_304 [1] : vector<1x16xf32> to vector<1xf32>
    %reduce_sum3A_306 = vector.shape_cast %reduce_sum3A_305 : vector<1xf32> to vector<1x1xf32>
    %reduce_sum3A_307 = vector.extract %reduce_sum3A_306[0, 0] : f32 from vector<1x1xf32>
    %slice3A_308 = vector.extract_strided_slice %reduce_sum3A_14 {offsets = [176], sizes = [16], strides = [1]} : vector<256xf32> to vector<16xf32>
    %reduce_sum3A_309 = vector.shape_cast %slice3A_308 : vector<16xf32> to vector<1x16xf32>
    %reduce_sum3A_310 = arith.constant dense<0.000000e+00> : vector<1xf32>
    %reduce_sum3A_311 = vector.multi_reduction <add>, %reduce_sum3A_309, %reduce_sum3A_310 [1] : vector<1x16xf32> to vector<1xf32>
    %reduce_sum3A_312 = vector.shape_cast %reduce_sum3A_311 : vector<1xf32> to vector<1x1xf32>
    %reduce_sum3A_313 = vector.extract %reduce_sum3A_312[0, 0] : f32 from vector<1x1xf32>
    %slice3A_314 = vector.extract_strided_slice %reduce_sum3A_14 {offsets = [192], sizes = [16], strides = [1]} : vector<256xf32> to vector<16xf32>
    %reduce_sum3A_315 = vector.shape_cast %slice3A_314 : vector<16xf32> to vector<1x16xf32>
    %reduce_sum3A_316 = arith.constant dense<0.000000e+00> : vector<1xf32>
    %reduce_sum3A_317 = vector.multi_reduction <add>, %reduce_sum3A_315, %reduce_sum3A_316 [1] : vector<1x16xf32> to vector<1xf32>
    %reduce_sum3A_318 = vector.shape_cast %reduce_sum3A_317 : vector<1xf32> to vector<1x1xf32>
    %reduce_sum3A_319 = vector.extract %reduce_sum3A_318[0, 0] : f32 from vector<1x1xf32>
    %slice3A_320 = vector.extract_strided_slice %reduce_sum3A_14 {offsets = [208], sizes = [16], strides = [1]} : vector<256xf32> to vector<16xf32>
    %reduce_sum3A_321 = vector.shape_cast %slice3A_320 : vector<16xf32> to vector<1x16xf32>
    %reduce_sum3A_322 = arith.constant dense<0.000000e+00> : vector<1xf32>
    %reduce_sum3A_323 = vector.multi_reduction <add>, %reduce_sum3A_321, %reduce_sum3A_322 [1] : vector<1x16xf32> to vector<1xf32>
    %reduce_sum3A_324 = vector.shape_cast %reduce_sum3A_323 : vector<1xf32> to vector<1x1xf32>
    %reduce_sum3A_325 = vector.extract %reduce_sum3A_324[0, 0] : f32 from vector<1x1xf32>
    %slice3A_326 = vector.extract_strided_slice %reduce_sum3A_14 {offsets = [224], sizes = [16], strides = [1]} : vector<256xf32> to vector<16xf32>
    %reduce_sum3A_327 = vector.shape_cast %slice3A_326 : vector<16xf32> to vector<1x16xf32>
    %reduce_sum3A_328 = arith.constant dense<0.000000e+00> : vector<1xf32>
    %reduce_sum3A_329 = vector.multi_reduction <add>, %reduce_sum3A_327, %reduce_sum3A_328 [1] : vector<1x16xf32> to vector<1xf32>
    %reduce_sum3A_330 = vector.shape_cast %reduce_sum3A_329 : vector<1xf32> to vector<1x1xf32>
    %reduce_sum3A_331 = vector.extract %reduce_sum3A_330[0, 0] : f32 from vector<1x1xf32>
    %stack3A_332 = vector.broadcast %reduce_sum3A_247 : f32 to vector<1xf32>
    %stack3A_333 = vector.broadcast %reduce_sum3A_253 : f32 to vector<1xf32>
    %stack3A_334 = vector.broadcast %reduce_sum3A_259 : f32 to vector<1xf32>
    %stack3A_335 = vector.broadcast %reduce_sum3A_265 : f32 to vector<1xf32>
    %stack3A_336 = vector.broadcast %reduce_sum3A_271 : f32 to vector<1xf32>
    %stack3A_337 = vector.broadcast %reduce_sum3A_277 : f32 to vector<1xf32>
    %stack3A_338 = vector.broadcast %reduce_sum3A_283 : f32 to vector<1xf32>
    %stack3A_339 = vector.broadcast %reduce_sum3A_289 : f32 to vector<1xf32>
    %stack3A_340 = vector.broadcast %reduce_sum3A_295 : f32 to vector<1xf32>
    %stack3A_341 = vector.broadcast %reduce_sum3A_301 : f32 to vector<1xf32>
    %stack3A_342 = vector.broadcast %reduce_sum3A_307 : f32 to vector<1xf32>
    %stack3A_343 = vector.broadcast %reduce_sum3A_313 : f32 to vector<1xf32>
    %stack3A_344 = vector.broadcast %reduce_sum3A_319 : f32 to vector<1xf32>
    %stack3A_345 = vector.broadcast %reduce_sum3A_325 : f32 to vector<1xf32>
    %stack3A_346 = vector.broadcast %reduce_sum3A_331 : f32 to vector<1xf32>
    %stack3A_347 = tpu.concatenate %stack3A_332, %stack3A_333, %stack3A_334, %stack3A_335, %stack3A_336, %stack3A_337, %stack3A_338, %stack3A_339, %stack3A_340, %stack3A_341, %stack3A_342, %stack3A_343, %stack3A_344, %stack3A_345, %stack3A_346 in 0 : vector<1xf32>, vector<1xf32>, vector<1xf32>, vector<1xf32>, vector<1xf32>, vector<1xf32>, vector<1xf32>, vector<1xf32>, vector<1xf32>, vector<1xf32>, vector<1xf32>, vector<1xf32>, vector<1xf32>, vector<1xf32>, vector<1xf32> -> vector<15xf32>
    %add3A_348 = arith.addf %stack3A_347, %sub3A_24 : vector<15xf32>
    %max3A = arith.constant 1.000000e+00 : f32
    %max3A_349 = vector.broadcast %max3A : f32 to vector<15xf32>
    %max3A_350 = arith.maximumf %add3A, %max3A_349 : vector<15xf32>
    %mul3A = arith.constant 2.38418579E-7 : f32
    %mul3A_351 = vector.broadcast %mul3A : f32 to vector<15xf32>
    %mul3A_352 = arith.mulf %add3A, %mul3A_351 : vector<15xf32>
    %div3A = arith.divf %add3A_348, %max3A_350 : vector<15xf32>
    %div3A_353 = arith.divf %add3A_241, %max3A_350 : vector<15xf32>
    %sub3A_354 = arith.subf %div3A, %div3A_353 : vector<15xf32>
    %abs3A = math.absf %sub3A_354 : vector<15xf32>
    %mul3A_355 = arith.mulf %abs3A, %mul3A_352 : vector<15xf32>
    %gt3A = arith.constant 0.000000e+00 : f32
    %gt3A_356 = vector.broadcast %gt3A : f32 to vector<15xf32>
    %gt3A_357 = arith.cmpf ogt, %mul3A_352, %gt3A_356 : vector<15xf32>
    %jit3A = arith.constant 0.000000e+00 : f32
    %broadcast_in_dim3A = vector.broadcast %jit3A : f32 to vector<15xf32>
    %select_n3A = arith.select %gt3A_357, %mul3A_355, %broadcast_in_dim3A : vector<15xi1>, vector<15xf32>
    %reduce_sum3A_358 = vector.shape_cast %select_n3A : vector<15xf32> to vector<1x15xf32>
    %reduce_sum3A_359 = arith.constant dense<0.000000e+00> : vector<1xf32>
    %reduce_sum3A_360 = vector.multi_reduction <add>, %reduce_sum3A_358, %reduce_sum3A_359 [1] : vector<1x15xf32> to vector<1xf32>
    %reduce_sum3A_361 = vector.shape_cast %reduce_sum3A_360 : vector<1xf32> to vector<1x1xf32>
    %reduce_sum3A_362 = vector.extract %reduce_sum3A_361[0, 0] : f32 from vector<1x1xf32>
    %swap3A = arith.constant 0 : index
    %swap3A_363 = memref.load %arg3[%swap3A] : memref<1xf32, #tpu.memory_space<smem>>
    memref.store %reduce_sum3A_362, %arg3[%swap3A] : memref<1xf32, #tpu.memory_space<smem>>
    return
  }
}

module attributes {stable_mosaic.version = 14 : i64} {
  func.func @_tc_hist_body(%arg0: i32, %arg1: memref<512x128xf32, #tpu.memory_space<vmem>>, %arg2: memref<512x128xi32, #tpu.memory_space<vmem>>, %arg3: memref<512x128xi32, #tpu.memory_space<vmem>>, %arg4: memref<3x16xf32, #tpu.memory_space<vmem>>) attributes {dimension_semantics = [#tpu.dimension_semantics<arbitrary>], iteration_bounds = array<i64: 16>, scalar_prefetch = 0 : i64, scratch_operands = 0 : i64, tpu.core_type = #tpu.core_type<tc>, window_params = [{transform_indices = @transform_0, window_bounds = array<i64: 512, 128>}, {transform_indices = @transform_1, window_bounds = array<i64: 512, 128>}, {transform_indices = @transform_2, window_bounds = array<i64: 512, 128>}, {pipeline_mode = #tpu.pipeline_mode<synchronous>, transform_indices = @transform_3, window_bounds = array<i64: 3, 16>}]} {
    %get3A = arith.constant 0 : index
    %get3A_0 = arith.constant 0 : index
    %get3A_1 = vector.load %arg1[%get3A, %get3A_0] : memref<512x128xf32, #tpu.memory_space<vmem>>, vector<512x128xf32>
    %get3A_2 = arith.constant 0 : index
    %get3A_3 = arith.constant 0 : index
    %get3A_4 = vector.load %arg2[%get3A_2, %get3A_3] : memref<512x128xi32, #tpu.memory_space<vmem>>, vector<512x128xi32>
    %get3A_5 = arith.constant 0 : index
    %get3A_6 = arith.constant 0 : index
    %get3A_7 = vector.load %arg3[%get3A_5, %get3A_6] : memref<512x128xi32, #tpu.memory_space<vmem>>, vector<512x128xi32>
    %eq3A = arith.cmpi eq, %get3A_4, %get3A_7 : vector<512x128xi32>
    %convert_element_type3A = arith.extui %eq3A : vector<512x128xi1> to vector<512x128xi32>
    %convert_element_type3A_8 = arith.sitofp %convert_element_type3A : vector<512x128xi32> to vector<512x128xf32>
    %broadcast_in_dim3A = arith.constant 0.000000e+00 : f32
    %broadcast_in_dim3A_9 = vector.broadcast %broadcast_in_dim3A : f32 to vector<512x128xf32>
    %gt3A = arith.constant 0.000000e+00 : f32
    %gt3A_10 = vector.broadcast %gt3A : f32 to vector<512x128xf32>
    %gt3A_11 = arith.cmpf ogt, %get3A_1, %gt3A_10 : vector<512x128xf32>
    %jit3A = arith.constant 1.000000e+00 : f32
    %jit3A_12 = arith.constant 0.000000e+00 : f32
    %broadcast_in_dim3A_13 = vector.broadcast %jit3A : f32 to vector<512x128xf32>
    %broadcast_in_dim3A_14 = vector.broadcast %jit3A_12 : f32 to vector<512x128xf32>
    %select_n3A = arith.select %gt3A_11, %broadcast_in_dim3A_13, %broadcast_in_dim3A_14 : vector<512x128xi1>, vector<512x128xf32>
    %reduce_sum3A = vector.shape_cast %select_n3A : vector<512x128xf32> to vector<1x512x128xf32>
    %reduce_sum3A_15 = arith.constant dense<0.000000e+00> : vector<1xf32>
    %reduce_sum3A_16 = vector.multi_reduction <add>, %reduce_sum3A, %reduce_sum3A_15 [1, 2] : vector<1x512x128xf32> to vector<1xf32>
    %reduce_sum3A_17 = vector.shape_cast %reduce_sum3A_16 : vector<1xf32> to vector<1x1x1xf32>
    %reduce_sum3A_18 = vector.extract %reduce_sum3A_17[0, 0, 0] : f32 from vector<1x1x1xf32>
    %select_n3A_19 = arith.select %gt3A_11, %get3A_1, %broadcast_in_dim3A_9 : vector<512x128xi1>, vector<512x128xf32>
    %reduce_sum3A_20 = vector.shape_cast %select_n3A_19 : vector<512x128xf32> to vector<1x512x128xf32>
    %reduce_sum3A_21 = arith.constant dense<0.000000e+00> : vector<1xf32>
    %reduce_sum3A_22 = vector.multi_reduction <add>, %reduce_sum3A_20, %reduce_sum3A_21 [1, 2] : vector<1x512x128xf32> to vector<1xf32>
    %reduce_sum3A_23 = vector.shape_cast %reduce_sum3A_22 : vector<1xf32> to vector<1x1x1xf32>
    %reduce_sum3A_24 = vector.extract %reduce_sum3A_23[0, 0, 0] : f32 from vector<1x1x1xf32>
    %select_n3A_25 = arith.select %gt3A_11, %convert_element_type3A_8, %broadcast_in_dim3A_9 : vector<512x128xi1>, vector<512x128xf32>
    %reduce_sum3A_26 = vector.shape_cast %select_n3A_25 : vector<512x128xf32> to vector<1x512x128xf32>
    %reduce_sum3A_27 = arith.constant dense<0.000000e+00> : vector<1xf32>
    %reduce_sum3A_28 = vector.multi_reduction <add>, %reduce_sum3A_26, %reduce_sum3A_27 [1, 2] : vector<1x512x128xf32> to vector<1xf32>
    %reduce_sum3A_29 = vector.shape_cast %reduce_sum3A_28 : vector<1xf32> to vector<1x1x1xf32>
    %reduce_sum3A_30 = vector.extract %reduce_sum3A_29[0, 0, 0] : f32 from vector<1x1x1xf32>
    %gt3A_31 = arith.constant 0.0666666701 : f32
    %gt3A_32 = vector.broadcast %gt3A_31 : f32 to vector<512x128xf32>
    %gt3A_33 = arith.cmpf ogt, %get3A_1, %gt3A_32 : vector<512x128xf32>
    %jit3A_34 = arith.constant 1.000000e+00 : f32
    %jit3A_35 = arith.constant 0.000000e+00 : f32
    %broadcast_in_dim3A_36 = vector.broadcast %jit3A_34 : f32 to vector<512x128xf32>
    %broadcast_in_dim3A_37 = vector.broadcast %jit3A_35 : f32 to vector<512x128xf32>
    %select_n3A_38 = arith.select %gt3A_33, %broadcast_in_dim3A_36, %broadcast_in_dim3A_37 : vector<512x128xi1>, vector<512x128xf32>
    %reduce_sum3A_39 = vector.shape_cast %select_n3A_38 : vector<512x128xf32> to vector<1x512x128xf32>
    %reduce_sum3A_40 = arith.constant dense<0.000000e+00> : vector<1xf32>
    %reduce_sum3A_41 = vector.multi_reduction <add>, %reduce_sum3A_39, %reduce_sum3A_40 [1, 2] : vector<1x512x128xf32> to vector<1xf32>
    %reduce_sum3A_42 = vector.shape_cast %reduce_sum3A_41 : vector<1xf32> to vector<1x1x1xf32>
    %reduce_sum3A_43 = vector.extract %reduce_sum3A_42[0, 0, 0] : f32 from vector<1x1x1xf32>
    %select_n3A_44 = arith.select %gt3A_33, %get3A_1, %broadcast_in_dim3A_9 : vector<512x128xi1>, vector<512x128xf32>
    %reduce_sum3A_45 = vector.shape_cast %select_n3A_44 : vector<512x128xf32> to vector<1x512x128xf32>
    %reduce_sum3A_46 = arith.constant dense<0.000000e+00> : vector<1xf32>
    %reduce_sum3A_47 = vector.multi_reduction <add>, %reduce_sum3A_45, %reduce_sum3A_46 [1, 2] : vector<1x512x128xf32> to vector<1xf32>
    %reduce_sum3A_48 = vector.shape_cast %reduce_sum3A_47 : vector<1xf32> to vector<1x1x1xf32>
    %reduce_sum3A_49 = vector.extract %reduce_sum3A_48[0, 0, 0] : f32 from vector<1x1x1xf32>
    %select_n3A_50 = arith.select %gt3A_33, %convert_element_type3A_8, %broadcast_in_dim3A_9 : vector<512x128xi1>, vector<512x128xf32>
    %reduce_sum3A_51 = vector.shape_cast %select_n3A_50 : vector<512x128xf32> to vector<1x512x128xf32>
    %reduce_sum3A_52 = arith.constant dense<0.000000e+00> : vector<1xf32>
    %reduce_sum3A_53 = vector.multi_reduction <add>, %reduce_sum3A_51, %reduce_sum3A_52 [1, 2] : vector<1x512x128xf32> to vector<1xf32>
    %reduce_sum3A_54 = vector.shape_cast %reduce_sum3A_53 : vector<1xf32> to vector<1x1x1xf32>
    %reduce_sum3A_55 = vector.extract %reduce_sum3A_54[0, 0, 0] : f32 from vector<1x1x1xf32>
    %gt3A_56 = arith.constant 0.13333334 : f32
    %gt3A_57 = vector.broadcast %gt3A_56 : f32 to vector<512x128xf32>
    %gt3A_58 = arith.cmpf ogt, %get3A_1, %gt3A_57 : vector<512x128xf32>
    %jit3A_59 = arith.constant 1.000000e+00 : f32
    %jit3A_60 = arith.constant 0.000000e+00 : f32
    %broadcast_in_dim3A_61 = vector.broadcast %jit3A_59 : f32 to vector<512x128xf32>
    %broadcast_in_dim3A_62 = vector.broadcast %jit3A_60 : f32 to vector<512x128xf32>
    %select_n3A_63 = arith.select %gt3A_58, %broadcast_in_dim3A_61, %broadcast_in_dim3A_62 : vector<512x128xi1>, vector<512x128xf32>
    %reduce_sum3A_64 = vector.shape_cast %select_n3A_63 : vector<512x128xf32> to vector<1x512x128xf32>
    %reduce_sum3A_65 = arith.constant dense<0.000000e+00> : vector<1xf32>
    %reduce_sum3A_66 = vector.multi_reduction <add>, %reduce_sum3A_64, %reduce_sum3A_65 [1, 2] : vector<1x512x128xf32> to vector<1xf32>
    %reduce_sum3A_67 = vector.shape_cast %reduce_sum3A_66 : vector<1xf32> to vector<1x1x1xf32>
    %reduce_sum3A_68 = vector.extract %reduce_sum3A_67[0, 0, 0] : f32 from vector<1x1x1xf32>
    %select_n3A_69 = arith.select %gt3A_58, %get3A_1, %broadcast_in_dim3A_9 : vector<512x128xi1>, vector<512x128xf32>
    %reduce_sum3A_70 = vector.shape_cast %select_n3A_69 : vector<512x128xf32> to vector<1x512x128xf32>
    %reduce_sum3A_71 = arith.constant dense<0.000000e+00> : vector<1xf32>
    %reduce_sum3A_72 = vector.multi_reduction <add>, %reduce_sum3A_70, %reduce_sum3A_71 [1, 2] : vector<1x512x128xf32> to vector<1xf32>
    %reduce_sum3A_73 = vector.shape_cast %reduce_sum3A_72 : vector<1xf32> to vector<1x1x1xf32>
    %reduce_sum3A_74 = vector.extract %reduce_sum3A_73[0, 0, 0] : f32 from vector<1x1x1xf32>
    %select_n3A_75 = arith.select %gt3A_58, %convert_element_type3A_8, %broadcast_in_dim3A_9 : vector<512x128xi1>, vector<512x128xf32>
    %reduce_sum3A_76 = vector.shape_cast %select_n3A_75 : vector<512x128xf32> to vector<1x512x128xf32>
    %reduce_sum3A_77 = arith.constant dense<0.000000e+00> : vector<1xf32>
    %reduce_sum3A_78 = vector.multi_reduction <add>, %reduce_sum3A_76, %reduce_sum3A_77 [1, 2] : vector<1x512x128xf32> to vector<1xf32>
    %reduce_sum3A_79 = vector.shape_cast %reduce_sum3A_78 : vector<1xf32> to vector<1x1x1xf32>
    %reduce_sum3A_80 = vector.extract %reduce_sum3A_79[0, 0, 0] : f32 from vector<1x1x1xf32>
    %gt3A_81 = arith.constant 2.000000e-01 : f32
    %gt3A_82 = vector.broadcast %gt3A_81 : f32 to vector<512x128xf32>
    %gt3A_83 = arith.cmpf ogt, %get3A_1, %gt3A_82 : vector<512x128xf32>
    %jit3A_84 = arith.constant 1.000000e+00 : f32
    %jit3A_85 = arith.constant 0.000000e+00 : f32
    %broadcast_in_dim3A_86 = vector.broadcast %jit3A_84 : f32 to vector<512x128xf32>
    %broadcast_in_dim3A_87 = vector.broadcast %jit3A_85 : f32 to vector<512x128xf32>
    %select_n3A_88 = arith.select %gt3A_83, %broadcast_in_dim3A_86, %broadcast_in_dim3A_87 : vector<512x128xi1>, vector<512x128xf32>
    %reduce_sum3A_89 = vector.shape_cast %select_n3A_88 : vector<512x128xf32> to vector<1x512x128xf32>
    %reduce_sum3A_90 = arith.constant dense<0.000000e+00> : vector<1xf32>
    %reduce_sum3A_91 = vector.multi_reduction <add>, %reduce_sum3A_89, %reduce_sum3A_90 [1, 2] : vector<1x512x128xf32> to vector<1xf32>
    %reduce_sum3A_92 = vector.shape_cast %reduce_sum3A_91 : vector<1xf32> to vector<1x1x1xf32>
    %reduce_sum3A_93 = vector.extract %reduce_sum3A_92[0, 0, 0] : f32 from vector<1x1x1xf32>
    %select_n3A_94 = arith.select %gt3A_83, %get3A_1, %broadcast_in_dim3A_9 : vector<512x128xi1>, vector<512x128xf32>
    %reduce_sum3A_95 = vector.shape_cast %select_n3A_94 : vector<512x128xf32> to vector<1x512x128xf32>
    %reduce_sum3A_96 = arith.constant dense<0.000000e+00> : vector<1xf32>
    %reduce_sum3A_97 = vector.multi_reduction <add>, %reduce_sum3A_95, %reduce_sum3A_96 [1, 2] : vector<1x512x128xf32> to vector<1xf32>
    %reduce_sum3A_98 = vector.shape_cast %reduce_sum3A_97 : vector<1xf32> to vector<1x1x1xf32>
    %reduce_sum3A_99 = vector.extract %reduce_sum3A_98[0, 0, 0] : f32 from vector<1x1x1xf32>
    %select_n3A_100 = arith.select %gt3A_83, %convert_element_type3A_8, %broadcast_in_dim3A_9 : vector<512x128xi1>, vector<512x128xf32>
    %reduce_sum3A_101 = vector.shape_cast %select_n3A_100 : vector<512x128xf32> to vector<1x512x128xf32>
    %reduce_sum3A_102 = arith.constant dense<0.000000e+00> : vector<1xf32>
    %reduce_sum3A_103 = vector.multi_reduction <add>, %reduce_sum3A_101, %reduce_sum3A_102 [1, 2] : vector<1x512x128xf32> to vector<1xf32>
    %reduce_sum3A_104 = vector.shape_cast %reduce_sum3A_103 : vector<1xf32> to vector<1x1x1xf32>
    %reduce_sum3A_105 = vector.extract %reduce_sum3A_104[0, 0, 0] : f32 from vector<1x1x1xf32>
    %gt3A_106 = arith.constant 0.266666681 : f32
    %gt3A_107 = vector.broadcast %gt3A_106 : f32 to vector<512x128xf32>
    %gt3A_108 = arith.cmpf ogt, %get3A_1, %gt3A_107 : vector<512x128xf32>
    %jit3A_109 = arith.constant 1.000000e+00 : f32
    %jit3A_110 = arith.constant 0.000000e+00 : f32
    %broadcast_in_dim3A_111 = vector.broadcast %jit3A_109 : f32 to vector<512x128xf32>
    %broadcast_in_dim3A_112 = vector.broadcast %jit3A_110 : f32 to vector<512x128xf32>
    %select_n3A_113 = arith.select %gt3A_108, %broadcast_in_dim3A_111, %broadcast_in_dim3A_112 : vector<512x128xi1>, vector<512x128xf32>
    %reduce_sum3A_114 = vector.shape_cast %select_n3A_113 : vector<512x128xf32> to vector<1x512x128xf32>
    %reduce_sum3A_115 = arith.constant dense<0.000000e+00> : vector<1xf32>
    %reduce_sum3A_116 = vector.multi_reduction <add>, %reduce_sum3A_114, %reduce_sum3A_115 [1, 2] : vector<1x512x128xf32> to vector<1xf32>
    %reduce_sum3A_117 = vector.shape_cast %reduce_sum3A_116 : vector<1xf32> to vector<1x1x1xf32>
    %reduce_sum3A_118 = vector.extract %reduce_sum3A_117[0, 0, 0] : f32 from vector<1x1x1xf32>
    %select_n3A_119 = arith.select %gt3A_108, %get3A_1, %broadcast_in_dim3A_9 : vector<512x128xi1>, vector<512x128xf32>
    %reduce_sum3A_120 = vector.shape_cast %select_n3A_119 : vector<512x128xf32> to vector<1x512x128xf32>
    %reduce_sum3A_121 = arith.constant dense<0.000000e+00> : vector<1xf32>
    %reduce_sum3A_122 = vector.multi_reduction <add>, %reduce_sum3A_120, %reduce_sum3A_121 [1, 2] : vector<1x512x128xf32> to vector<1xf32>
    %reduce_sum3A_123 = vector.shape_cast %reduce_sum3A_122 : vector<1xf32> to vector<1x1x1xf32>
    %reduce_sum3A_124 = vector.extract %reduce_sum3A_123[0, 0, 0] : f32 from vector<1x1x1xf32>
    %select_n3A_125 = arith.select %gt3A_108, %convert_element_type3A_8, %broadcast_in_dim3A_9 : vector<512x128xi1>, vector<512x128xf32>
    %reduce_sum3A_126 = vector.shape_cast %select_n3A_125 : vector<512x128xf32> to vector<1x512x128xf32>
    %reduce_sum3A_127 = arith.constant dense<0.000000e+00> : vector<1xf32>
    %reduce_sum3A_128 = vector.multi_reduction <add>, %reduce_sum3A_126, %reduce_sum3A_127 [1, 2] : vector<1x512x128xf32> to vector<1xf32>
    %reduce_sum3A_129 = vector.shape_cast %reduce_sum3A_128 : vector<1xf32> to vector<1x1x1xf32>
    %reduce_sum3A_130 = vector.extract %reduce_sum3A_129[0, 0, 0] : f32 from vector<1x1x1xf32>
    %gt3A_131 = arith.constant 0.333333343 : f32
    %gt3A_132 = vector.broadcast %gt3A_131 : f32 to vector<512x128xf32>
    %gt3A_133 = arith.cmpf ogt, %get3A_1, %gt3A_132 : vector<512x128xf32>
    %jit3A_134 = arith.constant 1.000000e+00 : f32
    %jit3A_135 = arith.constant 0.000000e+00 : f32
    %broadcast_in_dim3A_136 = vector.broadcast %jit3A_134 : f32 to vector<512x128xf32>
    %broadcast_in_dim3A_137 = vector.broadcast %jit3A_135 : f32 to vector<512x128xf32>
    %select_n3A_138 = arith.select %gt3A_133, %broadcast_in_dim3A_136, %broadcast_in_dim3A_137 : vector<512x128xi1>, vector<512x128xf32>
    %reduce_sum3A_139 = vector.shape_cast %select_n3A_138 : vector<512x128xf32> to vector<1x512x128xf32>
    %reduce_sum3A_140 = arith.constant dense<0.000000e+00> : vector<1xf32>
    %reduce_sum3A_141 = vector.multi_reduction <add>, %reduce_sum3A_139, %reduce_sum3A_140 [1, 2] : vector<1x512x128xf32> to vector<1xf32>
    %reduce_sum3A_142 = vector.shape_cast %reduce_sum3A_141 : vector<1xf32> to vector<1x1x1xf32>
    %reduce_sum3A_143 = vector.extract %reduce_sum3A_142[0, 0, 0] : f32 from vector<1x1x1xf32>
    %select_n3A_144 = arith.select %gt3A_133, %get3A_1, %broadcast_in_dim3A_9 : vector<512x128xi1>, vector<512x128xf32>
    %reduce_sum3A_145 = vector.shape_cast %select_n3A_144 : vector<512x128xf32> to vector<1x512x128xf32>
    %reduce_sum3A_146 = arith.constant dense<0.000000e+00> : vector<1xf32>
    %reduce_sum3A_147 = vector.multi_reduction <add>, %reduce_sum3A_145, %reduce_sum3A_146 [1, 2] : vector<1x512x128xf32> to vector<1xf32>
    %reduce_sum3A_148 = vector.shape_cast %reduce_sum3A_147 : vector<1xf32> to vector<1x1x1xf32>
    %reduce_sum3A_149 = vector.extract %reduce_sum3A_148[0, 0, 0] : f32 from vector<1x1x1xf32>
    %select_n3A_150 = arith.select %gt3A_133, %convert_element_type3A_8, %broadcast_in_dim3A_9 : vector<512x128xi1>, vector<512x128xf32>
    %reduce_sum3A_151 = vector.shape_cast %select_n3A_150 : vector<512x128xf32> to vector<1x512x128xf32>
    %reduce_sum3A_152 = arith.constant dense<0.000000e+00> : vector<1xf32>
    %reduce_sum3A_153 = vector.multi_reduction <add>, %reduce_sum3A_151, %reduce_sum3A_152 [1, 2] : vector<1x512x128xf32> to vector<1xf32>
    %reduce_sum3A_154 = vector.shape_cast %reduce_sum3A_153 : vector<1xf32> to vector<1x1x1xf32>
    %reduce_sum3A_155 = vector.extract %reduce_sum3A_154[0, 0, 0] : f32 from vector<1x1x1xf32>
    %gt3A_156 = arith.constant 4.000000e-01 : f32
    %gt3A_157 = vector.broadcast %gt3A_156 : f32 to vector<512x128xf32>
    %gt3A_158 = arith.cmpf ogt, %get3A_1, %gt3A_157 : vector<512x128xf32>
    %jit3A_159 = arith.constant 1.000000e+00 : f32
    %jit3A_160 = arith.constant 0.000000e+00 : f32
    %broadcast_in_dim3A_161 = vector.broadcast %jit3A_159 : f32 to vector<512x128xf32>
    %broadcast_in_dim3A_162 = vector.broadcast %jit3A_160 : f32 to vector<512x128xf32>
    %select_n3A_163 = arith.select %gt3A_158, %broadcast_in_dim3A_161, %broadcast_in_dim3A_162 : vector<512x128xi1>, vector<512x128xf32>
    %reduce_sum3A_164 = vector.shape_cast %select_n3A_163 : vector<512x128xf32> to vector<1x512x128xf32>
    %reduce_sum3A_165 = arith.constant dense<0.000000e+00> : vector<1xf32>
    %reduce_sum3A_166 = vector.multi_reduction <add>, %reduce_sum3A_164, %reduce_sum3A_165 [1, 2] : vector<1x512x128xf32> to vector<1xf32>
    %reduce_sum3A_167 = vector.shape_cast %reduce_sum3A_166 : vector<1xf32> to vector<1x1x1xf32>
    %reduce_sum3A_168 = vector.extract %reduce_sum3A_167[0, 0, 0] : f32 from vector<1x1x1xf32>
    %select_n3A_169 = arith.select %gt3A_158, %get3A_1, %broadcast_in_dim3A_9 : vector<512x128xi1>, vector<512x128xf32>
    %reduce_sum3A_170 = vector.shape_cast %select_n3A_169 : vector<512x128xf32> to vector<1x512x128xf32>
    %reduce_sum3A_171 = arith.constant dense<0.000000e+00> : vector<1xf32>
    %reduce_sum3A_172 = vector.multi_reduction <add>, %reduce_sum3A_170, %reduce_sum3A_171 [1, 2] : vector<1x512x128xf32> to vector<1xf32>
    %reduce_sum3A_173 = vector.shape_cast %reduce_sum3A_172 : vector<1xf32> to vector<1x1x1xf32>
    %reduce_sum3A_174 = vector.extract %reduce_sum3A_173[0, 0, 0] : f32 from vector<1x1x1xf32>
    %select_n3A_175 = arith.select %gt3A_158, %convert_element_type3A_8, %broadcast_in_dim3A_9 : vector<512x128xi1>, vector<512x128xf32>
    %reduce_sum3A_176 = vector.shape_cast %select_n3A_175 : vector<512x128xf32> to vector<1x512x128xf32>
    %reduce_sum3A_177 = arith.constant dense<0.000000e+00> : vector<1xf32>
    %reduce_sum3A_178 = vector.multi_reduction <add>, %reduce_sum3A_176, %reduce_sum3A_177 [1, 2] : vector<1x512x128xf32> to vector<1xf32>
    %reduce_sum3A_179 = vector.shape_cast %reduce_sum3A_178 : vector<1xf32> to vector<1x1x1xf32>
    %reduce_sum3A_180 = vector.extract %reduce_sum3A_179[0, 0, 0] : f32 from vector<1x1x1xf32>
    %gt3A_181 = arith.constant 0.466666669 : f32
    %gt3A_182 = vector.broadcast %gt3A_181 : f32 to vector<512x128xf32>
    %gt3A_183 = arith.cmpf ogt, %get3A_1, %gt3A_182 : vector<512x128xf32>
    %jit3A_184 = arith.constant 1.000000e+00 : f32
    %jit3A_185 = arith.constant 0.000000e+00 : f32
    %broadcast_in_dim3A_186 = vector.broadcast %jit3A_184 : f32 to vector<512x128xf32>
    %broadcast_in_dim3A_187 = vector.broadcast %jit3A_185 : f32 to vector<512x128xf32>
    %select_n3A_188 = arith.select %gt3A_183, %broadcast_in_dim3A_186, %broadcast_in_dim3A_187 : vector<512x128xi1>, vector<512x128xf32>
    %reduce_sum3A_189 = vector.shape_cast %select_n3A_188 : vector<512x128xf32> to vector<1x512x128xf32>
    %reduce_sum3A_190 = arith.constant dense<0.000000e+00> : vector<1xf32>
    %reduce_sum3A_191 = vector.multi_reduction <add>, %reduce_sum3A_189, %reduce_sum3A_190 [1, 2] : vector<1x512x128xf32> to vector<1xf32>
    %reduce_sum3A_192 = vector.shape_cast %reduce_sum3A_191 : vector<1xf32> to vector<1x1x1xf32>
    %reduce_sum3A_193 = vector.extract %reduce_sum3A_192[0, 0, 0] : f32 from vector<1x1x1xf32>
    %select_n3A_194 = arith.select %gt3A_183, %get3A_1, %broadcast_in_dim3A_9 : vector<512x128xi1>, vector<512x128xf32>
    %reduce_sum3A_195 = vector.shape_cast %select_n3A_194 : vector<512x128xf32> to vector<1x512x128xf32>
    %reduce_sum3A_196 = arith.constant dense<0.000000e+00> : vector<1xf32>
    %reduce_sum3A_197 = vector.multi_reduction <add>, %reduce_sum3A_195, %reduce_sum3A_196 [1, 2] : vector<1x512x128xf32> to vector<1xf32>
    %reduce_sum3A_198 = vector.shape_cast %reduce_sum3A_197 : vector<1xf32> to vector<1x1x1xf32>
    %reduce_sum3A_199 = vector.extract %reduce_sum3A_198[0, 0, 0] : f32 from vector<1x1x1xf32>
    %select_n3A_200 = arith.select %gt3A_183, %convert_element_type3A_8, %broadcast_in_dim3A_9 : vector<512x128xi1>, vector<512x128xf32>
    %reduce_sum3A_201 = vector.shape_cast %select_n3A_200 : vector<512x128xf32> to vector<1x512x128xf32>
    %reduce_sum3A_202 = arith.constant dense<0.000000e+00> : vector<1xf32>
    %reduce_sum3A_203 = vector.multi_reduction <add>, %reduce_sum3A_201, %reduce_sum3A_202 [1, 2] : vector<1x512x128xf32> to vector<1xf32>
    %reduce_sum3A_204 = vector.shape_cast %reduce_sum3A_203 : vector<1xf32> to vector<1x1x1xf32>
    %reduce_sum3A_205 = vector.extract %reduce_sum3A_204[0, 0, 0] : f32 from vector<1x1x1xf32>
    %gt3A_206 = arith.constant 0.533333361 : f32
    %gt3A_207 = vector.broadcast %gt3A_206 : f32 to vector<512x128xf32>
    %gt3A_208 = arith.cmpf ogt, %get3A_1, %gt3A_207 : vector<512x128xf32>
    %jit3A_209 = arith.constant 1.000000e+00 : f32
    %jit3A_210 = arith.constant 0.000000e+00 : f32
    %broadcast_in_dim3A_211 = vector.broadcast %jit3A_209 : f32 to vector<512x128xf32>
    %broadcast_in_dim3A_212 = vector.broadcast %jit3A_210 : f32 to vector<512x128xf32>
    %select_n3A_213 = arith.select %gt3A_208, %broadcast_in_dim3A_211, %broadcast_in_dim3A_212 : vector<512x128xi1>, vector<512x128xf32>
    %reduce_sum3A_214 = vector.shape_cast %select_n3A_213 : vector<512x128xf32> to vector<1x512x128xf32>
    %reduce_sum3A_215 = arith.constant dense<0.000000e+00> : vector<1xf32>
    %reduce_sum3A_216 = vector.multi_reduction <add>, %reduce_sum3A_214, %reduce_sum3A_215 [1, 2] : vector<1x512x128xf32> to vector<1xf32>
    %reduce_sum3A_217 = vector.shape_cast %reduce_sum3A_216 : vector<1xf32> to vector<1x1x1xf32>
    %reduce_sum3A_218 = vector.extract %reduce_sum3A_217[0, 0, 0] : f32 from vector<1x1x1xf32>
    %select_n3A_219 = arith.select %gt3A_208, %get3A_1, %broadcast_in_dim3A_9 : vector<512x128xi1>, vector<512x128xf32>
    %reduce_sum3A_220 = vector.shape_cast %select_n3A_219 : vector<512x128xf32> to vector<1x512x128xf32>
    %reduce_sum3A_221 = arith.constant dense<0.000000e+00> : vector<1xf32>
    %reduce_sum3A_222 = vector.multi_reduction <add>, %reduce_sum3A_220, %reduce_sum3A_221 [1, 2] : vector<1x512x128xf32> to vector<1xf32>
    %reduce_sum3A_223 = vector.shape_cast %reduce_sum3A_222 : vector<1xf32> to vector<1x1x1xf32>
    %reduce_sum3A_224 = vector.extract %reduce_sum3A_223[0, 0, 0] : f32 from vector<1x1x1xf32>
    %select_n3A_225 = arith.select %gt3A_208, %convert_element_type3A_8, %broadcast_in_dim3A_9 : vector<512x128xi1>, vector<512x128xf32>
    %reduce_sum3A_226 = vector.shape_cast %select_n3A_225 : vector<512x128xf32> to vector<1x512x128xf32>
    %reduce_sum3A_227 = arith.constant dense<0.000000e+00> : vector<1xf32>
    %reduce_sum3A_228 = vector.multi_reduction <add>, %reduce_sum3A_226, %reduce_sum3A_227 [1, 2] : vector<1x512x128xf32> to vector<1xf32>
    %reduce_sum3A_229 = vector.shape_cast %reduce_sum3A_228 : vector<1xf32> to vector<1x1x1xf32>
    %reduce_sum3A_230 = vector.extract %reduce_sum3A_229[0, 0, 0] : f32 from vector<1x1x1xf32>
    %gt3A_231 = arith.constant 6.000000e-01 : f32
    %gt3A_232 = vector.broadcast %gt3A_231 : f32 to vector<512x128xf32>
    %gt3A_233 = arith.cmpf ogt, %get3A_1, %gt3A_232 : vector<512x128xf32>
    %jit3A_234 = arith.constant 1.000000e+00 : f32
    %jit3A_235 = arith.constant 0.000000e+00 : f32
    %broadcast_in_dim3A_236 = vector.broadcast %jit3A_234 : f32 to vector<512x128xf32>
    %broadcast_in_dim3A_237 = vector.broadcast %jit3A_235 : f32 to vector<512x128xf32>
    %select_n3A_238 = arith.select %gt3A_233, %broadcast_in_dim3A_236, %broadcast_in_dim3A_237 : vector<512x128xi1>, vector<512x128xf32>
    %reduce_sum3A_239 = vector.shape_cast %select_n3A_238 : vector<512x128xf32> to vector<1x512x128xf32>
    %reduce_sum3A_240 = arith.constant dense<0.000000e+00> : vector<1xf32>
    %reduce_sum3A_241 = vector.multi_reduction <add>, %reduce_sum3A_239, %reduce_sum3A_240 [1, 2] : vector<1x512x128xf32> to vector<1xf32>
    %reduce_sum3A_242 = vector.shape_cast %reduce_sum3A_241 : vector<1xf32> to vector<1x1x1xf32>
    %reduce_sum3A_243 = vector.extract %reduce_sum3A_242[0, 0, 0] : f32 from vector<1x1x1xf32>
    %select_n3A_244 = arith.select %gt3A_233, %get3A_1, %broadcast_in_dim3A_9 : vector<512x128xi1>, vector<512x128xf32>
    %reduce_sum3A_245 = vector.shape_cast %select_n3A_244 : vector<512x128xf32> to vector<1x512x128xf32>
    %reduce_sum3A_246 = arith.constant dense<0.000000e+00> : vector<1xf32>
    %reduce_sum3A_247 = vector.multi_reduction <add>, %reduce_sum3A_245, %reduce_sum3A_246 [1, 2] : vector<1x512x128xf32> to vector<1xf32>
    %reduce_sum3A_248 = vector.shape_cast %reduce_sum3A_247 : vector<1xf32> to vector<1x1x1xf32>
    %reduce_sum3A_249 = vector.extract %reduce_sum3A_248[0, 0, 0] : f32 from vector<1x1x1xf32>
    %select_n3A_250 = arith.select %gt3A_233, %convert_element_type3A_8, %broadcast_in_dim3A_9 : vector<512x128xi1>, vector<512x128xf32>
    %reduce_sum3A_251 = vector.shape_cast %select_n3A_250 : vector<512x128xf32> to vector<1x512x128xf32>
    %reduce_sum3A_252 = arith.constant dense<0.000000e+00> : vector<1xf32>
    %reduce_sum3A_253 = vector.multi_reduction <add>, %reduce_sum3A_251, %reduce_sum3A_252 [1, 2] : vector<1x512x128xf32> to vector<1xf32>
    %reduce_sum3A_254 = vector.shape_cast %reduce_sum3A_253 : vector<1xf32> to vector<1x1x1xf32>
    %reduce_sum3A_255 = vector.extract %reduce_sum3A_254[0, 0, 0] : f32 from vector<1x1x1xf32>
    %gt3A_256 = arith.constant 0.666666686 : f32
    %gt3A_257 = vector.broadcast %gt3A_256 : f32 to vector<512x128xf32>
    %gt3A_258 = arith.cmpf ogt, %get3A_1, %gt3A_257 : vector<512x128xf32>
    %jit3A_259 = arith.constant 1.000000e+00 : f32
    %jit3A_260 = arith.constant 0.000000e+00 : f32
    %broadcast_in_dim3A_261 = vector.broadcast %jit3A_259 : f32 to vector<512x128xf32>
    %broadcast_in_dim3A_262 = vector.broadcast %jit3A_260 : f32 to vector<512x128xf32>
    %select_n3A_263 = arith.select %gt3A_258, %broadcast_in_dim3A_261, %broadcast_in_dim3A_262 : vector<512x128xi1>, vector<512x128xf32>
    %reduce_sum3A_264 = vector.shape_cast %select_n3A_263 : vector<512x128xf32> to vector<1x512x128xf32>
    %reduce_sum3A_265 = arith.constant dense<0.000000e+00> : vector<1xf32>
    %reduce_sum3A_266 = vector.multi_reduction <add>, %reduce_sum3A_264, %reduce_sum3A_265 [1, 2] : vector<1x512x128xf32> to vector<1xf32>
    %reduce_sum3A_267 = vector.shape_cast %reduce_sum3A_266 : vector<1xf32> to vector<1x1x1xf32>
    %reduce_sum3A_268 = vector.extract %reduce_sum3A_267[0, 0, 0] : f32 from vector<1x1x1xf32>
    %select_n3A_269 = arith.select %gt3A_258, %get3A_1, %broadcast_in_dim3A_9 : vector<512x128xi1>, vector<512x128xf32>
    %reduce_sum3A_270 = vector.shape_cast %select_n3A_269 : vector<512x128xf32> to vector<1x512x128xf32>
    %reduce_sum3A_271 = arith.constant dense<0.000000e+00> : vector<1xf32>
    %reduce_sum3A_272 = vector.multi_reduction <add>, %reduce_sum3A_270, %reduce_sum3A_271 [1, 2] : vector<1x512x128xf32> to vector<1xf32>
    %reduce_sum3A_273 = vector.shape_cast %reduce_sum3A_272 : vector<1xf32> to vector<1x1x1xf32>
    %reduce_sum3A_274 = vector.extract %reduce_sum3A_273[0, 0, 0] : f32 from vector<1x1x1xf32>
    %select_n3A_275 = arith.select %gt3A_258, %convert_element_type3A_8, %broadcast_in_dim3A_9 : vector<512x128xi1>, vector<512x128xf32>
    %reduce_sum3A_276 = vector.shape_cast %select_n3A_275 : vector<512x128xf32> to vector<1x512x128xf32>
    %reduce_sum3A_277 = arith.constant dense<0.000000e+00> : vector<1xf32>
    %reduce_sum3A_278 = vector.multi_reduction <add>, %reduce_sum3A_276, %reduce_sum3A_277 [1, 2] : vector<1x512x128xf32> to vector<1xf32>
    %reduce_sum3A_279 = vector.shape_cast %reduce_sum3A_278 : vector<1xf32> to vector<1x1x1xf32>
    %reduce_sum3A_280 = vector.extract %reduce_sum3A_279[0, 0, 0] : f32 from vector<1x1x1xf32>
    %gt3A_281 = arith.constant 0.733333349 : f32
    %gt3A_282 = vector.broadcast %gt3A_281 : f32 to vector<512x128xf32>
    %gt3A_283 = arith.cmpf ogt, %get3A_1, %gt3A_282 : vector<512x128xf32>
    %jit3A_284 = arith.constant 1.000000e+00 : f32
    %jit3A_285 = arith.constant 0.000000e+00 : f32
    %broadcast_in_dim3A_286 = vector.broadcast %jit3A_284 : f32 to vector<512x128xf32>
    %broadcast_in_dim3A_287 = vector.broadcast %jit3A_285 : f32 to vector<512x128xf32>
    %select_n3A_288 = arith.select %gt3A_283, %broadcast_in_dim3A_286, %broadcast_in_dim3A_287 : vector<512x128xi1>, vector<512x128xf32>
    %reduce_sum3A_289 = vector.shape_cast %select_n3A_288 : vector<512x128xf32> to vector<1x512x128xf32>
    %reduce_sum3A_290 = arith.constant dense<0.000000e+00> : vector<1xf32>
    %reduce_sum3A_291 = vector.multi_reduction <add>, %reduce_sum3A_289, %reduce_sum3A_290 [1, 2] : vector<1x512x128xf32> to vector<1xf32>
    %reduce_sum3A_292 = vector.shape_cast %reduce_sum3A_291 : vector<1xf32> to vector<1x1x1xf32>
    %reduce_sum3A_293 = vector.extract %reduce_sum3A_292[0, 0, 0] : f32 from vector<1x1x1xf32>
    %select_n3A_294 = arith.select %gt3A_283, %get3A_1, %broadcast_in_dim3A_9 : vector<512x128xi1>, vector<512x128xf32>
    %reduce_sum3A_295 = vector.shape_cast %select_n3A_294 : vector<512x128xf32> to vector<1x512x128xf32>
    %reduce_sum3A_296 = arith.constant dense<0.000000e+00> : vector<1xf32>
    %reduce_sum3A_297 = vector.multi_reduction <add>, %reduce_sum3A_295, %reduce_sum3A_296 [1, 2] : vector<1x512x128xf32> to vector<1xf32>
    %reduce_sum3A_298 = vector.shape_cast %reduce_sum3A_297 : vector<1xf32> to vector<1x1x1xf32>
    %reduce_sum3A_299 = vector.extract %reduce_sum3A_298[0, 0, 0] : f32 from vector<1x1x1xf32>
    %select_n3A_300 = arith.select %gt3A_283, %convert_element_type3A_8, %broadcast_in_dim3A_9 : vector<512x128xi1>, vector<512x128xf32>
    %reduce_sum3A_301 = vector.shape_cast %select_n3A_300 : vector<512x128xf32> to vector<1x512x128xf32>
    %reduce_sum3A_302 = arith.constant dense<0.000000e+00> : vector<1xf32>
    %reduce_sum3A_303 = vector.multi_reduction <add>, %reduce_sum3A_301, %reduce_sum3A_302 [1, 2] : vector<1x512x128xf32> to vector<1xf32>
    %reduce_sum3A_304 = vector.shape_cast %reduce_sum3A_303 : vector<1xf32> to vector<1x1x1xf32>
    %reduce_sum3A_305 = vector.extract %reduce_sum3A_304[0, 0, 0] : f32 from vector<1x1x1xf32>
    %gt3A_306 = arith.constant 8.000000e-01 : f32
    %gt3A_307 = vector.broadcast %gt3A_306 : f32 to vector<512x128xf32>
    %gt3A_308 = arith.cmpf ogt, %get3A_1, %gt3A_307 : vector<512x128xf32>
    %jit3A_309 = arith.constant 1.000000e+00 : f32
    %jit3A_310 = arith.constant 0.000000e+00 : f32
    %broadcast_in_dim3A_311 = vector.broadcast %jit3A_309 : f32 to vector<512x128xf32>
    %broadcast_in_dim3A_312 = vector.broadcast %jit3A_310 : f32 to vector<512x128xf32>
    %select_n3A_313 = arith.select %gt3A_308, %broadcast_in_dim3A_311, %broadcast_in_dim3A_312 : vector<512x128xi1>, vector<512x128xf32>
    %reduce_sum3A_314 = vector.shape_cast %select_n3A_313 : vector<512x128xf32> to vector<1x512x128xf32>
    %reduce_sum3A_315 = arith.constant dense<0.000000e+00> : vector<1xf32>
    %reduce_sum3A_316 = vector.multi_reduction <add>, %reduce_sum3A_314, %reduce_sum3A_315 [1, 2] : vector<1x512x128xf32> to vector<1xf32>
    %reduce_sum3A_317 = vector.shape_cast %reduce_sum3A_316 : vector<1xf32> to vector<1x1x1xf32>
    %reduce_sum3A_318 = vector.extract %reduce_sum3A_317[0, 0, 0] : f32 from vector<1x1x1xf32>
    %select_n3A_319 = arith.select %gt3A_308, %get3A_1, %broadcast_in_dim3A_9 : vector<512x128xi1>, vector<512x128xf32>
    %reduce_sum3A_320 = vector.shape_cast %select_n3A_319 : vector<512x128xf32> to vector<1x512x128xf32>
    %reduce_sum3A_321 = arith.constant dense<0.000000e+00> : vector<1xf32>
    %reduce_sum3A_322 = vector.multi_reduction <add>, %reduce_sum3A_320, %reduce_sum3A_321 [1, 2] : vector<1x512x128xf32> to vector<1xf32>
    %reduce_sum3A_323 = vector.shape_cast %reduce_sum3A_322 : vector<1xf32> to vector<1x1x1xf32>
    %reduce_sum3A_324 = vector.extract %reduce_sum3A_323[0, 0, 0] : f32 from vector<1x1x1xf32>
    %select_n3A_325 = arith.select %gt3A_308, %convert_element_type3A_8, %broadcast_in_dim3A_9 : vector<512x128xi1>, vector<512x128xf32>
    %reduce_sum3A_326 = vector.shape_cast %select_n3A_325 : vector<512x128xf32> to vector<1x512x128xf32>
    %reduce_sum3A_327 = arith.constant dense<0.000000e+00> : vector<1xf32>
    %reduce_sum3A_328 = vector.multi_reduction <add>, %reduce_sum3A_326, %reduce_sum3A_327 [1, 2] : vector<1x512x128xf32> to vector<1xf32>
    %reduce_sum3A_329 = vector.shape_cast %reduce_sum3A_328 : vector<1xf32> to vector<1x1x1xf32>
    %reduce_sum3A_330 = vector.extract %reduce_sum3A_329[0, 0, 0] : f32 from vector<1x1x1xf32>
    %gt3A_331 = arith.constant 0.866666674 : f32
    %gt3A_332 = vector.broadcast %gt3A_331 : f32 to vector<512x128xf32>
    %gt3A_333 = arith.cmpf ogt, %get3A_1, %gt3A_332 : vector<512x128xf32>
    %jit3A_334 = arith.constant 1.000000e+00 : f32
    %jit3A_335 = arith.constant 0.000000e+00 : f32
    %broadcast_in_dim3A_336 = vector.broadcast %jit3A_334 : f32 to vector<512x128xf32>
    %broadcast_in_dim3A_337 = vector.broadcast %jit3A_335 : f32 to vector<512x128xf32>
    %select_n3A_338 = arith.select %gt3A_333, %broadcast_in_dim3A_336, %broadcast_in_dim3A_337 : vector<512x128xi1>, vector<512x128xf32>
    %reduce_sum3A_339 = vector.shape_cast %select_n3A_338 : vector<512x128xf32> to vector<1x512x128xf32>
    %reduce_sum3A_340 = arith.constant dense<0.000000e+00> : vector<1xf32>
    %reduce_sum3A_341 = vector.multi_reduction <add>, %reduce_sum3A_339, %reduce_sum3A_340 [1, 2] : vector<1x512x128xf32> to vector<1xf32>
    %reduce_sum3A_342 = vector.shape_cast %reduce_sum3A_341 : vector<1xf32> to vector<1x1x1xf32>
    %reduce_sum3A_343 = vector.extract %reduce_sum3A_342[0, 0, 0] : f32 from vector<1x1x1xf32>
    %select_n3A_344 = arith.select %gt3A_333, %get3A_1, %broadcast_in_dim3A_9 : vector<512x128xi1>, vector<512x128xf32>
    %reduce_sum3A_345 = vector.shape_cast %select_n3A_344 : vector<512x128xf32> to vector<1x512x128xf32>
    %reduce_sum3A_346 = arith.constant dense<0.000000e+00> : vector<1xf32>
    %reduce_sum3A_347 = vector.multi_reduction <add>, %reduce_sum3A_345, %reduce_sum3A_346 [1, 2] : vector<1x512x128xf32> to vector<1xf32>
    %reduce_sum3A_348 = vector.shape_cast %reduce_sum3A_347 : vector<1xf32> to vector<1x1x1xf32>
    %reduce_sum3A_349 = vector.extract %reduce_sum3A_348[0, 0, 0] : f32 from vector<1x1x1xf32>
    %select_n3A_350 = arith.select %gt3A_333, %convert_element_type3A_8, %broadcast_in_dim3A_9 : vector<512x128xi1>, vector<512x128xf32>
    %reduce_sum3A_351 = vector.shape_cast %select_n3A_350 : vector<512x128xf32> to vector<1x512x128xf32>
    %reduce_sum3A_352 = arith.constant dense<0.000000e+00> : vector<1xf32>
    %reduce_sum3A_353 = vector.multi_reduction <add>, %reduce_sum3A_351, %reduce_sum3A_352 [1, 2] : vector<1x512x128xf32> to vector<1xf32>
    %reduce_sum3A_354 = vector.shape_cast %reduce_sum3A_353 : vector<1xf32> to vector<1x1x1xf32>
    %reduce_sum3A_355 = vector.extract %reduce_sum3A_354[0, 0, 0] : f32 from vector<1x1x1xf32>
    %gt3A_356 = arith.constant 0.933333337 : f32
    %gt3A_357 = vector.broadcast %gt3A_356 : f32 to vector<512x128xf32>
    %gt3A_358 = arith.cmpf ogt, %get3A_1, %gt3A_357 : vector<512x128xf32>
    %jit3A_359 = arith.constant 1.000000e+00 : f32
    %jit3A_360 = arith.constant 0.000000e+00 : f32
    %broadcast_in_dim3A_361 = vector.broadcast %jit3A_359 : f32 to vector<512x128xf32>
    %broadcast_in_dim3A_362 = vector.broadcast %jit3A_360 : f32 to vector<512x128xf32>
    %select_n3A_363 = arith.select %gt3A_358, %broadcast_in_dim3A_361, %broadcast_in_dim3A_362 : vector<512x128xi1>, vector<512x128xf32>
    %reduce_sum3A_364 = vector.shape_cast %select_n3A_363 : vector<512x128xf32> to vector<1x512x128xf32>
    %reduce_sum3A_365 = arith.constant dense<0.000000e+00> : vector<1xf32>
    %reduce_sum3A_366 = vector.multi_reduction <add>, %reduce_sum3A_364, %reduce_sum3A_365 [1, 2] : vector<1x512x128xf32> to vector<1xf32>
    %reduce_sum3A_367 = vector.shape_cast %reduce_sum3A_366 : vector<1xf32> to vector<1x1x1xf32>
    %reduce_sum3A_368 = vector.extract %reduce_sum3A_367[0, 0, 0] : f32 from vector<1x1x1xf32>
    %select_n3A_369 = arith.select %gt3A_358, %get3A_1, %broadcast_in_dim3A_9 : vector<512x128xi1>, vector<512x128xf32>
    %reduce_sum3A_370 = vector.shape_cast %select_n3A_369 : vector<512x128xf32> to vector<1x512x128xf32>
    %reduce_sum3A_371 = arith.constant dense<0.000000e+00> : vector<1xf32>
    %reduce_sum3A_372 = vector.multi_reduction <add>, %reduce_sum3A_370, %reduce_sum3A_371 [1, 2] : vector<1x512x128xf32> to vector<1xf32>
    %reduce_sum3A_373 = vector.shape_cast %reduce_sum3A_372 : vector<1xf32> to vector<1x1x1xf32>
    %reduce_sum3A_374 = vector.extract %reduce_sum3A_373[0, 0, 0] : f32 from vector<1x1x1xf32>
    %select_n3A_375 = arith.select %gt3A_358, %convert_element_type3A_8, %broadcast_in_dim3A_9 : vector<512x128xi1>, vector<512x128xf32>
    %reduce_sum3A_376 = vector.shape_cast %select_n3A_375 : vector<512x128xf32> to vector<1x512x128xf32>
    %reduce_sum3A_377 = arith.constant dense<0.000000e+00> : vector<1xf32>
    %reduce_sum3A_378 = vector.multi_reduction <add>, %reduce_sum3A_376, %reduce_sum3A_377 [1, 2] : vector<1x512x128xf32> to vector<1xf32>
    %reduce_sum3A_379 = vector.shape_cast %reduce_sum3A_378 : vector<1xf32> to vector<1x1x1xf32>
    %reduce_sum3A_380 = vector.extract %reduce_sum3A_379[0, 0, 0] : f32 from vector<1x1x1xf32>
    %gt3A_381 = arith.constant 1.000000e+00 : f32
    %gt3A_382 = vector.broadcast %gt3A_381 : f32 to vector<512x128xf32>
    %gt3A_383 = arith.cmpf ogt, %get3A_1, %gt3A_382 : vector<512x128xf32>
    %jit3A_384 = arith.constant 1.000000e+00 : f32
    %jit3A_385 = arith.constant 0.000000e+00 : f32
    %broadcast_in_dim3A_386 = vector.broadcast %jit3A_384 : f32 to vector<512x128xf32>
    %broadcast_in_dim3A_387 = vector.broadcast %jit3A_385 : f32 to vector<512x128xf32>
    %select_n3A_388 = arith.select %gt3A_383, %broadcast_in_dim3A_386, %broadcast_in_dim3A_387 : vector<512x128xi1>, vector<512x128xf32>
    %reduce_sum3A_389 = vector.shape_cast %select_n3A_388 : vector<512x128xf32> to vector<1x512x128xf32>
    %reduce_sum3A_390 = arith.constant dense<0.000000e+00> : vector<1xf32>
    %reduce_sum3A_391 = vector.multi_reduction <add>, %reduce_sum3A_389, %reduce_sum3A_390 [1, 2] : vector<1x512x128xf32> to vector<1xf32>
    %reduce_sum3A_392 = vector.shape_cast %reduce_sum3A_391 : vector<1xf32> to vector<1x1x1xf32>
    %reduce_sum3A_393 = vector.extract %reduce_sum3A_392[0, 0, 0] : f32 from vector<1x1x1xf32>
    %select_n3A_394 = arith.select %gt3A_383, %get3A_1, %broadcast_in_dim3A_9 : vector<512x128xi1>, vector<512x128xf32>
    %reduce_sum3A_395 = vector.shape_cast %select_n3A_394 : vector<512x128xf32> to vector<1x512x128xf32>
    %reduce_sum3A_396 = arith.constant dense<0.000000e+00> : vector<1xf32>
    %reduce_sum3A_397 = vector.multi_reduction <add>, %reduce_sum3A_395, %reduce_sum3A_396 [1, 2] : vector<1x512x128xf32> to vector<1xf32>
    %reduce_sum3A_398 = vector.shape_cast %reduce_sum3A_397 : vector<1xf32> to vector<1x1x1xf32>
    %reduce_sum3A_399 = vector.extract %reduce_sum3A_398[0, 0, 0] : f32 from vector<1x1x1xf32>
    %select_n3A_400 = arith.select %gt3A_383, %convert_element_type3A_8, %broadcast_in_dim3A_9 : vector<512x128xi1>, vector<512x128xf32>
    %reduce_sum3A_401 = vector.shape_cast %select_n3A_400 : vector<512x128xf32> to vector<1x512x128xf32>
    %reduce_sum3A_402 = arith.constant dense<0.000000e+00> : vector<1xf32>
    %reduce_sum3A_403 = vector.multi_reduction <add>, %reduce_sum3A_401, %reduce_sum3A_402 [1, 2] : vector<1x512x128xf32> to vector<1xf32>
    %reduce_sum3A_404 = vector.shape_cast %reduce_sum3A_403 : vector<1xf32> to vector<1x1x1xf32>
    %reduce_sum3A_405 = vector.extract %reduce_sum3A_404[0, 0, 0] : f32 from vector<1x1x1xf32>
    %stack3A = vector.broadcast %reduce_sum3A_18 : f32 to vector<1xf32>
    %stack3A_406 = vector.broadcast %reduce_sum3A_43 : f32 to vector<1xf32>
    %stack3A_407 = vector.broadcast %reduce_sum3A_68 : f32 to vector<1xf32>
    %stack3A_408 = vector.broadcast %reduce_sum3A_93 : f32 to vector<1xf32>
    %stack3A_409 = vector.broadcast %reduce_sum3A_118 : f32 to vector<1xf32>
    %stack3A_410 = vector.broadcast %reduce_sum3A_143 : f32 to vector<1xf32>
    %stack3A_411 = vector.broadcast %reduce_sum3A_168 : f32 to vector<1xf32>
    %stack3A_412 = vector.broadcast %reduce_sum3A_193 : f32 to vector<1xf32>
    %stack3A_413 = vector.broadcast %reduce_sum3A_218 : f32 to vector<1xf32>
    %stack3A_414 = vector.broadcast %reduce_sum3A_243 : f32 to vector<1xf32>
    %stack3A_415 = vector.broadcast %reduce_sum3A_268 : f32 to vector<1xf32>
    %stack3A_416 = vector.broadcast %reduce_sum3A_293 : f32 to vector<1xf32>
    %stack3A_417 = vector.broadcast %reduce_sum3A_318 : f32 to vector<1xf32>
    %stack3A_418 = vector.broadcast %reduce_sum3A_343 : f32 to vector<1xf32>
    %stack3A_419 = vector.broadcast %reduce_sum3A_368 : f32 to vector<1xf32>
    %stack3A_420 = vector.broadcast %reduce_sum3A_393 : f32 to vector<1xf32>
    %stack3A_421 = tpu.concatenate %stack3A, %stack3A_406, %stack3A_407, %stack3A_408, %stack3A_409, %stack3A_410, %stack3A_411, %stack3A_412, %stack3A_413, %stack3A_414, %stack3A_415, %stack3A_416, %stack3A_417, %stack3A_418, %stack3A_419, %stack3A_420 in 0 : vector<1xf32>, vector<1xf32>, vector<1xf32>, vector<1xf32>, vector<1xf32>, vector<1xf32>, vector<1xf32>, vector<1xf32>, vector<1xf32>, vector<1xf32>, vector<1xf32>, vector<1xf32>, vector<1xf32>, vector<1xf32>, vector<1xf32>, vector<1xf32> -> vector<16xf32>
    %stack3A_422 = vector.broadcast %reduce_sum3A_24 : f32 to vector<1xf32>
    %stack3A_423 = vector.broadcast %reduce_sum3A_49 : f32 to vector<1xf32>
    %stack3A_424 = vector.broadcast %reduce_sum3A_74 : f32 to vector<1xf32>
    %stack3A_425 = vector.broadcast %reduce_sum3A_99 : f32 to vector<1xf32>
    %stack3A_426 = vector.broadcast %reduce_sum3A_124 : f32 to vector<1xf32>
    %stack3A_427 = vector.broadcast %reduce_sum3A_149 : f32 to vector<1xf32>
    %stack3A_428 = vector.broadcast %reduce_sum3A_174 : f32 to vector<1xf32>
    %stack3A_429 = vector.broadcast %reduce_sum3A_199 : f32 to vector<1xf32>
    %stack3A_430 = vector.broadcast %reduce_sum3A_224 : f32 to vector<1xf32>
    %stack3A_431 = vector.broadcast %reduce_sum3A_249 : f32 to vector<1xf32>
    %stack3A_432 = vector.broadcast %reduce_sum3A_274 : f32 to vector<1xf32>
    %stack3A_433 = vector.broadcast %reduce_sum3A_299 : f32 to vector<1xf32>
    %stack3A_434 = vector.broadcast %reduce_sum3A_324 : f32 to vector<1xf32>
    %stack3A_435 = vector.broadcast %reduce_sum3A_349 : f32 to vector<1xf32>
    %stack3A_436 = vector.broadcast %reduce_sum3A_374 : f32 to vector<1xf32>
    %stack3A_437 = vector.broadcast %reduce_sum3A_399 : f32 to vector<1xf32>
    %stack3A_438 = tpu.concatenate %stack3A_422, %stack3A_423, %stack3A_424, %stack3A_425, %stack3A_426, %stack3A_427, %stack3A_428, %stack3A_429, %stack3A_430, %stack3A_431, %stack3A_432, %stack3A_433, %stack3A_434, %stack3A_435, %stack3A_436, %stack3A_437 in 0 : vector<1xf32>, vector<1xf32>, vector<1xf32>, vector<1xf32>, vector<1xf32>, vector<1xf32>, vector<1xf32>, vector<1xf32>, vector<1xf32>, vector<1xf32>, vector<1xf32>, vector<1xf32>, vector<1xf32>, vector<1xf32>, vector<1xf32>, vector<1xf32> -> vector<16xf32>
    %stack3A_439 = vector.broadcast %reduce_sum3A_30 : f32 to vector<1xf32>
    %stack3A_440 = vector.broadcast %reduce_sum3A_55 : f32 to vector<1xf32>
    %stack3A_441 = vector.broadcast %reduce_sum3A_80 : f32 to vector<1xf32>
    %stack3A_442 = vector.broadcast %reduce_sum3A_105 : f32 to vector<1xf32>
    %stack3A_443 = vector.broadcast %reduce_sum3A_130 : f32 to vector<1xf32>
    %stack3A_444 = vector.broadcast %reduce_sum3A_155 : f32 to vector<1xf32>
    %stack3A_445 = vector.broadcast %reduce_sum3A_180 : f32 to vector<1xf32>
    %stack3A_446 = vector.broadcast %reduce_sum3A_205 : f32 to vector<1xf32>
    %stack3A_447 = vector.broadcast %reduce_sum3A_230 : f32 to vector<1xf32>
    %stack3A_448 = vector.broadcast %reduce_sum3A_255 : f32 to vector<1xf32>
    %stack3A_449 = vector.broadcast %reduce_sum3A_280 : f32 to vector<1xf32>
    %stack3A_450 = vector.broadcast %reduce_sum3A_305 : f32 to vector<1xf32>
    %stack3A_451 = vector.broadcast %reduce_sum3A_330 : f32 to vector<1xf32>
    %stack3A_452 = vector.broadcast %reduce_sum3A_355 : f32 to vector<1xf32>
    %stack3A_453 = vector.broadcast %reduce_sum3A_380 : f32 to vector<1xf32>
    %stack3A_454 = vector.broadcast %reduce_sum3A_405 : f32 to vector<1xf32>
    %stack3A_455 = tpu.concatenate %stack3A_439, %stack3A_440, %stack3A_441, %stack3A_442, %stack3A_443, %stack3A_444, %stack3A_445, %stack3A_446, %stack3A_447, %stack3A_448, %stack3A_449, %stack3A_450, %stack3A_451, %stack3A_452, %stack3A_453, %stack3A_454 in 0 : vector<1xf32>, vector<1xf32>, vector<1xf32>, vector<1xf32>, vector<1xf32>, vector<1xf32>, vector<1xf32>, vector<1xf32>, vector<1xf32>, vector<1xf32>, vector<1xf32>, vector<1xf32>, vector<1xf32>, vector<1xf32>, vector<1xf32>, vector<1xf32> -> vector<16xf32>
    %stack3A_456 = vector.shape_cast %stack3A_421 : vector<16xf32> to vector<1x16xf32>
    %stack3A_457 = vector.shape_cast %stack3A_438 : vector<16xf32> to vector<1x16xf32>
    %stack3A_458 = vector.shape_cast %stack3A_455 : vector<16xf32> to vector<1x16xf32>
    %stack3A_459 = tpu.concatenate %stack3A_456, %stack3A_457, %stack3A_458 in 0 : vector<1x16xf32>, vector<1x16xf32>, vector<1x16xf32> -> vector<3x16xf32>
    %eq3A_460 = arith.constant 0 : i32
    %eq3A_461 = arith.cmpi eq, %arg0, %eq3A_460 : i32
    %convert_element_type3A_462 = arith.extui %eq3A_461 : i1 to i32
    %cond3A = arith.constant 0 : i32
    %cond3A_463 = arith.cmpi ne, %convert_element_type3A_462, %cond3A : i32
    scf.if %cond3A_463 {
      %broadcast_in_dim3A_469 = arith.constant 0.000000e+00 : f32
      %broadcast_in_dim3A_470 = vector.broadcast %broadcast_in_dim3A_469 : f32 to vector<3x16xf32>
      %swap3A_471 = arith.constant 0 : index
      %swap3A_472 = arith.constant 0 : index
      %swap3A_473 = vector.load %arg4[%swap3A_471, %swap3A_472] : memref<3x16xf32, #tpu.memory_space<vmem>>, vector<3x16xf32>
      tpu.vector_store %arg4[%swap3A_471, %swap3A_472], %broadcast_in_dim3A_470 {strides = array<i32>} : memref<3x16xf32, #tpu.memory_space<vmem>>, vector<3x16xf32>,
    } else {
    }
    %get3A_464 = arith.constant 0 : index
    %get3A_465 = arith.constant 0 : index
    %get3A_466 = vector.load %arg4[%get3A_464, %get3A_465] : memref<3x16xf32, #tpu.memory_space<vmem>>, vector<3x16xf32>
    %add3A = arith.addf %get3A_466, %stack3A_459 : vector<3x16xf32>
    %swap3A = arith.constant 0 : index
    %swap3A_467 = arith.constant 0 : index
    %swap3A_468 = vector.load %arg4[%swap3A, %swap3A_467] : memref<3x16xf32, #tpu.memory_space<vmem>>, vector<3x16xf32>
    tpu.vector_store %arg4[%swap3A, %swap3A_467], %add3A {strides = array<i32>} : memref<3x16xf32, #tpu.memory_space<vmem>>, vector<3x16xf32>,
    return
  }
  func.func @transform_0(%arg0: i32) -> (i32, i32) {
    %add3A = arith.constant 48 : i32
    %add3A_0 = arith.addi %add3A, %arg0 : i32
    %c0_i32 = arith.constant 0 : i32
    %c0_i32_1 = arith.constant 0 : i32
    return %add3A_0, %c0_i32 : i32, i32
  }
  func.func @transform_1(%arg0: i32) -> (i32, i32) {
    %add3A = arith.constant 48 : i32
    %add3A_0 = arith.addi %add3A, %arg0 : i32
    %c0_i32 = arith.constant 0 : i32
    %c0_i32_1 = arith.constant 0 : i32
    return %add3A_0, %c0_i32 : i32, i32
  }
  func.func @transform_2(%arg0: i32) -> (i32, i32) {
    %add3A = arith.constant 48 : i32
    %add3A_0 = arith.addi %add3A, %arg0 : i32
    %c0_i32 = arith.constant 0 : i32
    %c0_i32_1 = arith.constant 0 : i32
    return %add3A_0, %c0_i32 : i32, i32
  }
  func.func @transform_3(%arg0: i32) -> (i32, i32) {
    %c0_i32 = arith.constant 0 : i32
    %c0_i32_0 = arith.constant 0 : i32
    %c0_i32_1 = arith.constant 0 : i32
    return %c0_i32, %c0_i32_0 : i32, i32
  }
}

</mosaic_0001>

<sc_bundles>
// kernel: kernel.5.cloned.1.call-start
scs
__scs_entry_jumppad:
0x0: {  	(pc) =	sbr.rel $0x88, $3  }
0x1: {  	(tag) =	ssettag $0x0;
	lr =	simm.s32 $0x1  }
0x2: {  	[smem:$0x3F9E] =	sst lr;
	_ =	strace $0xD0000000  }
0x3: {  	_ = 	snop  }
0x4: {  	_ = 	snop  }
0x5: {  	_ = 	snop  }
0x6: {  	_ = 	snop  }
0x7: {  	_ = 	snop  }
__scs_overlays_trampoline_lowered:
0x8: {  	[smem:$0x3FAD] =	sst s0  }
0x9: {  	[smem:$0x3FAE] =	sst s1  }
0xa: {  	[smem:$0x3FAF] =	sst s2  }
0xb: {  	[smem:$0x3FB0] =	sst s3  }
0xc: {  	[smem:$0x3FB1] =	sst s4  }
0xd: {  	[smem:$0x3FB2] =	sst s5  }
0xe: {  	[smem:$0x3FB3] =	sst s6  }
0xf: {  	[smem:$0x3FB4] =	sst s7  }
0x10: {  	[smem:$0x3FB5] =	sst s8  }
0x11: {  	[smem:$0x3FB6] =	sst s9;
	s0 =	simm.s32 @!p0 $0x0  }
0x12: {  	s1 =	sld [smem:$0x3F9C];
	s0 =	simm.s32 @p0 $0x1  }
0x13: {  	[smem:$0x3FB7] =	sst s0;
	s0 =	simm.s32 @!p1 $0x0  }
0x14: {  	s2 =	sld [smem:$0x3F9B];
	s0 =	simm.s32 @p1 $0x1  }
0x15: {  	[smem:$0x3FB8] =	sst s0;
	s0 =	simm.s32 @!p2 $0x0  }
0x16: {  	s3 =	sld [smem:$0x3FDB];
	s0 =	simm.s32 @p2 $0x1  }
0x17: {  	s4 =	simm.s32 $0x1BF5;
	[smem:$0x3FBA] =	sst s0  }
0x18: {  	s0 =	sld [smem:$0x3F9D];
	_ =	swait.ge [sflag:s4], $0x0  }
0x19: {  	s7 =	sld [smem:$0x3F9E]  }
0x1a: {  	s8 =	sadd.s32 $0xFFFFE003, lr  }
0x1b: {  	s9 =	sadd.s32 $0xFFFFFEF7, lr;
	s5 =	simm.s32 $0xFFFFFFFF;
	p2 =	slt.u32 s8, $0xFFFFF086  }
0x1c: {  	p1 =	slt.u32 s9, $0xF7A;
	s5 =	simm.s32 @!p2 $0x0  }
0x1d: {  	s5 =	simm.s32 @p1 $0x1;
	p0 =	seq.s32 s7, s2  }
0x1e: {  	s7 =	smul.u32 @!p0 $0xF7A, s2;
	p2 =	seq.s32 @!p0 s5, $0x0  }
0x1f: {  	s9 =	smul.u32 $0xF7A, s1;
	s8 =	simm.s32 @!p0 $0x1BF5;
	p2 =	por !p2, p0  }
0x20: {  	[sflag:s8] =	ssyncset.s32 @!p0 $0xFFFFF086;
	s6 =	sadd.s32 @!p0 s3, s7;
	s7 =	simm.s32 @!p0 $0x108  }
0x21: {  	s3 =	sadd.s32 s3, s9;
	s6 =	sadd.s32 @!p0 $0x88, s6;
	s7 =	simm.s32 @p2 $0x1082  }
0x22: {  	[simem:s7], [sflag:s8] =	dma.local @!p0 [hbm:s6], $0xF7A  }
0x23: {  	s9 =	sor.u32 $0xD0000000, s2;
	s6 =	simm.s32 $0x108;
	_ =	swait.ge @!p0 [sflag:s8], $0x0  }
0x24: {  	s3 =	sadd.s32 $0x88, s3;
	s6 =	simm.s32 @!p1 $0x1082;
	[sflag:s4] =	ssyncset.s32 $0xFFFFF086  }
0x25: {  	[simem:s6], [sflag:s4] =	dma.local [hbm:s3], $0xF7A  }
0x26: {  	[smem:$0x3F9E] =	sst s1;
	(tag) =	ssettag s2;
	_ =	strace s9  }
0x27: {  	s1 =	sld [smem:$0x3FAE]  }
0x28: {  	s2 =	sld [smem:$0x3FAF]  }
0x29: {  	s4 =	sld [smem:$0x3FB1]  }
0x2a: {  	p0 =	seq.s32 s5, $0x0;
	s5 =	sld [smem:$0x3FB2]  }
0x2b: {  	s6 =	sld [smem:$0x3FB3]  }
0x2c: {  	s7 =	sld [smem:$0x3FB4]  }
0x2d: {  	s3 =	simm.s32 $0x108;
	s8 =	sld [smem:$0x3FB5]  }
0x2e: {  	s3 =	simm.s32 @!p0 $0x1082;
	s9 =	sld [smem:$0x3FB6]  }
0x2f: {  	lr =	sadd.s32 s0, s3;
	s0 =	sld [smem:$0x3FAD]  }
0x30: {  	s3 =	sld [smem:$0x3FB0]  }
0x31: {  	[smem:$0x3FB9] =	sst s10  }
0x32: {  	s10 =	sld [smem:$0x3FB7];
	_ =	sdelay $0x3  }
0x33: {  	p0 =	seq.s32 s10, $0x1;
	s10 =	sld [smem:$0x3FB9];
	_ =	sdelay $0x3  }
0x34: {  	[smem:$0x3FB9] =	sst s10  }
0x35: {  	s10 =	sld [smem:$0x3FB8];
	_ =	sdelay $0x3  }
0x36: {  	p1 =	seq.s32 s10, $0x1;
	s10 =	sld [smem:$0x3FB9];
	_ =	sdelay $0x3  }
0x37: {  	[smem:$0x3FB9] =	sst s10  }
0x38: {  	s10 =	sld [smem:$0x3FBA]  }
0x39: {  	_ = 	snop;
	(pc) =	sbr.ind lr, $3  }
0x3a: {  	_ = 	snop  }
0x3b: {  	_ = 	snop  }
0x3c: {  	p2 =	seq.s32 s10, $0x1;
	s10 =	sld [smem:$0x3FB9]  }
0x3d: {  	_ =	shalt  }
0x3e: {  	_ =	shalt  }
0x3f: {  	_ =	shalt  }
0x40: {  	_ =	shalt  }
0x41: {  	_ =	shalt  }
0x42: {  	_ =	shalt  }
0x43: {  	_ =	shalt  }
0x44: {  	_ =	shalt  }
0x45: {  	_ =	shalt  }
0x46: {  	_ =	shalt  }
0x47: {  	_ =	shalt  }
0x48: {  	_ =	shalt  }
0x49: {  	_ =	shalt  }
0x4a: {  	_ =	shalt  }
0x4b: {  	_ =	shalt  }
0x4c: {  	_ =	shalt  }
0x4d: {  	_ =	shalt  }
0x4e: {  	_ =	shalt  }
0x4f: {  	_ =	shalt  }
0x50: {  	_ =	shalt  }
0x51: {  	_ =	shalt  }
0x52: {  	_ =	shalt  }
0x53: {  	_ =	shalt  }
0x54: {  	_ =	shalt  }
0x55: {  	_ =	shalt  }
0x56: {  	_ =	shalt  }
0x57: {  	_ =	shalt  }
0x58: {  	_ =	shalt  }
0x59: {  	_ =	shalt  }
0x5a: {  	_ =	shalt  }
0x5b: {  	_ =	shalt  }
0x5c: {  	_ =	shalt  }
0x5d: {  	_ =	shalt  }
0x5e: {  	_ =	shalt  }
0x5f: {  	_ =	shalt  }
0x60: {  	_ =	shalt  }
0x61: {  	_ =	shalt  }
0x62: {  	_ =	shalt  }
0x63: {  	_ =	shalt  }
0x64: {  	_ =	shalt  }
0x65: {  	_ =	shalt  }
0x66: {  	_ =	shalt  }
0x67: {  	_ =	shalt  }
0x68: {  	_ =	shalt  }
0x69: {  	_ =	shalt  }
0x6a: {  	_ =	shalt  }
0x6b: {  	_ =	shalt  }
0x6c: {  	_ =	shalt  }
0x6d: {  	_ =	shalt  }
0x6e: {  	_ =	shalt  }
0x6f: {  	_ =	shalt  }
0x70: {  	_ =	shalt  }
0x71: {  	_ =	shalt  }
0x72: {  	_ =	shalt  }
0x73: {  	_ =	shalt  }
0x74: {  	_ =	shalt  }
0x75: {  	_ =	shalt  }
0x76: {  	_ =	shalt  }
0x77: {  	_ =	shalt  }
0x78: {  	_ =	shalt  }
0x79: {  	_ =	shalt  }
0x7a: {  	_ =	shalt  }
0x7b: {  	_ =	shalt  }
0x7c: {  	_ =	shalt  }
0x7d: {  	_ =	shalt  }
0x7e: {  	_ =	shalt  }
0x7f: {  	_ =	shalt  }
0x80: {  	_ =	shalt  }
0x81: {  	_ =	shalt  }
0x82: {  	_ =	shalt  }
0x83: {  	_ =	shalt  }
0x84: {  	_ =	shalt  }
0x85: {  	_ =	shalt  }
0x86: {  	_ =	shalt  }
0x87: {  	_ =	shalt  }
.Lfunc_end0:
.L_simem_size_0:
called_computation_lowered:
.L_overlay_start_0:
0x88: {  	s2 =	sld [smem:$0x3FD9]  }
0x89: {  	s3 =	sld [smem:$0x3FFE];
	_ =	sdelay $0x1  }
0x8a: {  	s1 =	srdreg.scid  }
0x8b: {  	s0 =	sand.u32 $0x1, s1  }
0x8c: {  	s17 =	sshll.u32 s0, $0xA;
	s2 =	sadd.s32 s3, s2  }
0x8d: {  	s2 =	sadd.s32 s2, s17  }
0x8e: {  	[smem:$0x3FC5] =	sst s2  }
0x8f: {  	_ = 	snop  }
0x90: {  	s2 =	sld [smem:$0x3FC9]  }
0x91: {  	s18 =	sld [smem:$0x3FC8]  }
0x92: {  	s4 =	sld [smem:$0x3FC7];
	(tm) =	ssettm $0x1  }
0x93: {  	s5 =	sld [smem:$0x3FFB];
	_ =	sdelay $0x3  }
0x94: {  	_ =	strace s5  }
0x95: {  	s5 =	sld [smem:$0x3FFC];
	_ =	sdelay $0x3  }
0x96: {  	_ =	strace s5  }
0x97: {  	s5 =	sld [smem:$0x3FFD];
	_ =	sdelay $0x3  }
0x98: {  	_ =	strace s5  }
0x99: {  	_ =	strace $0x8FFFFFFF  }
0x9a: {  	s19 =	sld [smem:$0x3FDB];
	_ =	sdelay $0x1  }
0x9b: {  	s6 =	simm.s32 $_scs_section_size  }
0x9c: {  	s7 =	simm.s32 $_size__tile_overlayer_lowered;
	s8 =	simm.s32 $_tile_overlayer_lowered  }
0x9d: {  	s22 =	simm.s32 $0x1BFF;
	s21 =	sshll.u32 s8, $0x1;
	s5 =	sadd.s32 s6, s19  }
0x9e: {  	s9 =	simm.s32 $0x0;
	s20 =	sshll.u32 s7, $0x1;
	s7 =	sadd.s32 s21, s5  }
0x9f: {  	[timem:s9], [sflag:s22] =	dma.local [hbm:s7], s20  }
0xa0: {  	_ =	swait.ge [sflag:s22], s20  }
0xa1: {  	s6 =	ssub.s32 $0x0, s20;
	[sflag:s22] =	ssyncset.done $0x0  }
0xa2: {  	[sflag:s22] =	ssyncadd.s32 s6;
	_ =	sdelay $0x1  }
0xa3: {  	s23 =	simm.s32 $0x1B8B  }
0xa4: {  	_ =	swait.ge [sflag:s23], $0x1  }
0xa5: {  	[sflag:s23] =	ssyncset.done $0x0  }
0xa6: {  	s25 =	simm.s32 $0x1B8E;
	s24 =	sld [smem:$0x3FFE];
	[sflag:s23] =	ssyncadd.s32 $0xFFFFFFFF  }
0xa7: {  	s26 =	simm.s32 $execute0_lowered;
	[smem:$0x3FD2] =	sst s25  }
0xa8: {  	s7 =	sshll.u32 s26, $0x1;
	_ =	strace $0x80000046;
	[dreg:$0x1] =	wrdreg $0xFFFFFFFF  }
0xa9: {  	s28 =	simm.s32 $_size_execute0_lowered;
	s5 =	sadd.s32 s5, s7;
	[dreg:$0x0] =	wrdreg $0x0  }
0xaa: {  	s7 =	sshll.u32 s28, $0x1;
	[dreg:$0x2] =	wrdreg s5  }
0xab: {  	[dreg:$0x3] =	wrdreg s7  }
0xac: {  	[dreg:$0x4] =	wrdreg $0xC0  }
0xad: {  	_ =	task [dreg:s9], $0x5FFFF  }
0xae: {  	[dreg:$0x1] =	wrdreg $0xFFFFFFFF  }
0xaf: {  	[dreg:$0x0] =	wrdreg $0x60  }
0xb0: {  	[dreg:$0x2] =	wrdreg s2  }
0xb1: {  	[dreg:$0x3] =	wrdreg s18  }
0xb2: {  	[dreg:$0x4] =	wrdreg s4  }
0xb3: {  	[dreg:$0x5] =	wrdreg s24  }
0xb4: {  	[dreg:$0x6] =	wrdreg $0x9  }
0xb5: {  	_ =	task.clear_ibuf [dreg:s9], $0x7FFFF;
	_ =	strace $0x90000046  }
0xb6: {  	s29 =	simm.s32 $0x9;
	_ =	strace $0x80000048  }
0xb7: {  	_ =	swait.ge [sflag:s29], $0x1  }
0xb8: {  	[sflag:s29] =	ssyncadd.s32 $0xFFFFFFFF  }
0xb9: {  	_ =	strace $0x90000048  }
0xba: {  	_ =	sfence  }
0xbb: {  	s30 =	sld [smem:$0x0];
	_ =	sdelay $0x2  }
0xbc: {  	s31 =	sshll.u32 s1, $0xD;
	s1 =	sshrl.u32 s1, $0x2  }
0xbd: {  	s3 =	sand.u32 $0x4000, s31;
	s1 =	sadd.s32 s1, s30  }
0xbe: {  	s0 =	sor.u32 s3, s0;
	s1 =	sshll.u32 s1, $0x11  }
0xbf: {  	s0 =	sor.u32 s1, s0  }
0xc0: {  	s0 =	sadd.s32 $0x8F2B, s0  }
0xc1: {  	[sflag:s0] =	ssyncadd.remote.s32 $0x1  }
0xc2: {  	_ =	sfence.sel $0xFFFF  }
0xc3: {  	[dreg:$0x0] =	wrdreg $0xFFFFFFFF;
	(pc) =	sbr.abs _section_cstart, $3  }
0xc4: {  	[dreg:$0x1] =	wrdreg $0xFFFFFFFF  }
0xc5: {  	_ =	task.clear_ibuf [dreg:s9], $0x2FFFF;
	_ =	strace $0x9FFFFFFF  }
0xc6: {  	(tm) =	ssettm $0x7FFFFFFF  }
0xc7: {  	_ =	shalt  }
tec
execute0_lowered:
.L_overlay_start_1:
0x0: {  	(tag) =	ssettag $0x1  }
0x1: {  	s1 =	rddreg [dreg:$0x0]  }
0x2: {  	s2 =	rddreg [dreg:$0x1]  }
0x3: {  	s4 =	rddreg [dreg:$0x2];
	s0 =	srdreg.scid  }
0x4: {  	s7 =	stileid.u32;
	s3 =	rddreg [dreg:$0x3];
	s5 =	simm.s32 $0x0  }
0x5: {  	s17 =	simm.s32 $0x1;
	s18 =	simm.s32 $0x18000;
	s19 =	simm.s32 $0x18800  }
0x6: {  	s20 =	simm.s32 $0x2;
	s21 =	simm.s32 $0x80;
	s22 =	simm.s32 $0x400  }
0x7: {  	s23 =	simm.s32 $0x3;
	s24 =	simm.s32 $0x0;
	s0 =	sand.u32 $0x1, s0  }
0x8: {  	s6 =	sshll.u32 s7, $0x1;
	[smem:$0x7FF] =	sst s5;
	s7 =	sshll.u32 s7, $0x6  }
0x9: {  	s6 =	sor.u32 s0, s6;
	s7 =	sand.u32 $0x300, s7;
	s0 =	ssub.s32 $0x2, s0  }
0xa: {  	s8 =	sshll.u32 s6, $0x4;
	s13 =	smul.u32 $0x18000, s6;
	s30 =	sshrl.u32 s0, $0x1  }
0xb: {  	_ =	strace $0x80000047;
	s8 =	sand.u32 $0x70, s8;
	s0 =	ssub.s32 s0, s30  }
0xc: {  	s29 =	sor.u32 s7, s8;
	s31 =	sshrl.u32 s13, $0x3;
	s12 =	sadd.s32 $0x8000, s13  }
0xd: {  	v1 =	vlaneseq.u32;
	s13 =	sadd.s32 $0xC000, s13;
	s16 =	smax.u32 s0, $0x1;
	s3 =	sadd.s32 s29, s3  }
0xe: {  	v3 =	vimm.s32 $0x20000;
	v4 =	vor.u32 $0xF0, v1;
	s6 =	sadd.s32 s1, s31;
	s11 =	sor.u32 $0x800, s31;
	s7 =	sadd.s32 s2, s31  }
0xf: {  	v5 =	vor.u32 $0x1E0, v1;
	v6 =	vor.u32 $0x2D0, v1;
	v7 =	vor.u32 $0x3C0, v1;
	s8 =	sadd.s32 s4, s31;
	s9 =	sadd.s32 s1, s11;
	s10 =	sadd.s32 s2, s11  }
0x10: {  	v8 =	vor.u32 $0x4B0, v1;
	v9 =	vor.u32 $0x5A0, v1;
	v10 =	vor.u32 $0x690, v1;
	s11 =	sadd.s32 s4, s11;
	s14 =	sadd.s32 $0xE00, s3;
	s15 =	sadd.s32 $0x1200, s3  }
.LBB2_1:
0x11: {  	v0 =	vimm.s32 $0x0  }
0x12: {  	v2 =	vimm.f32 $0.0e+00;
	[tilespmem:$0x18000] =	vst v0  }
0x13: {  	[tilespmem:$0x18800] =	vst v2  }
0x14: {  	[tilespmem:$0x18010] =	vst v0  }
0x15: {  	[tilespmem:$0x18810] =	vst v2  }
0x16: {  	[tilespmem:$0x18020] =	vst v0  }
0x17: {  	[tilespmem:$0x18820] =	vst v2  }
0x18: {  	[tilespmem:$0x18030] =	vst v0  }
0x19: {  	[tilespmem:$0x18830] =	vst v2  }
0x1a: {  	[tilespmem:$0x18040] =	vst v0  }
0x1b: {  	[tilespmem:$0x18840] =	vst v2  }
0x1c: {  	[tilespmem:$0x18050] =	vst v0  }
0x1d: {  	[tilespmem:$0x18850] =	vst v2  }
0x1e: {  	[tilespmem:$0x18060] =	vst v0  }
0x1f: {  	[tilespmem:$0x18860] =	vst v2  }
0x20: {  	[tilespmem:$0x18070] =	vst v0  }
0x21: {  	[tilespmem:$0x18870] =	vst v2  }
0x22: {  	[tilespmem:$0x18080] =	vst v0  }
0x23: {  	[tilespmem:$0x18880] =	vst v2  }
0x24: {  	[tilespmem:$0x18090] =	vst v0  }
0x25: {  	[tilespmem:$0x18890] =	vst v2  }
0x26: {  	[tilespmem:$0x180A0] =	vst v0  }
0x27: {  	[tilespmem:$0x188A0] =	vst v2  }
0x28: {  	[tilespmem:$0x180B0] =	vst v0  }
0x29: {  	[tilespmem:$0x188B0] =	vst v2  }
0x2a: {  	[tilespmem:$0x180C0] =	vst v0  }
0x2b: {  	[tilespmem:$0x188C0] =	vst v2  }
0x2c: {  	[tilespmem:$0x180D0] =	vst v0  }
0x2d: {  	[tilespmem:$0x188D0] =	vst v2  }
0x2e: {  	[tilespmem:$0x180E0] =	vst v0  }
0x2f: {  	[tilespmem:$0x188E0] =	vst v2  }
0x30: {  	[tilespmem:$0x180F0] =	vst v0  }
0x31: {  	[tilespmem:$0x188F0] =	vst v2  }
0x32: {  	[tilespmem:$0x18100] =	vst v0  }
0x33: {  	[tilespmem:$0x18900] =	vst v2  }
0x34: {  	[tilespmem:$0x18110] =	vst v0  }
0x35: {  	[tilespmem:$0x18910] =	vst v2  }
0x36: {  	[tilespmem:$0x18120] =	vst v0  }
0x37: {  	[tilespmem:$0x18920] =	vst v2  }
0x38: {  	[tilespmem:$0x18130] =	vst v0  }
0x39: {  	[tilespmem:$0x18930] =	vst v2  }
0x3a: {  	[tilespmem:$0x18140] =	vst v0  }
0x3b: {  	[tilespmem:$0x18940] =	vst v2  }
0x3c: {  	[tilespmem:$0x18150] =	vst v0  }
0x3d: {  	[tilespmem:$0x18950] =	vst v2  }
0x3e: {  	[tilespmem:$0x18160] =	vst v0  }
0x3f: {  	[tilespmem:$0x18960] =	vst v2  }
0x40: {  	[tilespmem:$0x18170] =	vst v0  }
0x41: {  	[tilespmem:$0x18970] =	vst v2  }
0x42: {  	[tilespmem:$0x18180] =	vst v0  }
0x43: {  	[tilespmem:$0x18980] =	vst v2  }
0x44: {  	[tilespmem:$0x18190] =	vst v0  }
0x45: {  	[tilespmem:$0x18990] =	vst v2  }
0x46: {  	[tilespmem:$0x181A0] =	vst v0  }
0x47: {  	[tilespmem:$0x189A0] =	vst v2  }
0x48: {  	[tilespmem:$0x181B0] =	vst v0  }
0x49: {  	[tilespmem:$0x189B0] =	vst v2  }
0x4a: {  	[tilespmem:$0x181C0] =	vst v0  }
0x4b: {  	[tilespmem:$0x189C0] =	vst v2  }
0x4c: {  	[tilespmem:$0x181D0] =	vst v0  }
0x4d: {  	[tilespmem:$0x189D0] =	vst v2  }
0x4e: {  	[tilespmem:$0x181E0] =	vst v0  }
0x4f: {  	[tilespmem:$0x189E0] =	vst v2  }
0x50: {  	[tilespmem:$0x181F0] =	vst v0  }
0x51: {  	[tilespmem:$0x189F0] =	vst v2  }
0x52: {  	[tilespmem:$0x18200] =	vst v0  }
0x53: {  	[tilespmem:$0x18A00] =	vst v2  }
0x54: {  	[tilespmem:$0x18210] =	vst v0  }
0x55: {  	[tilespmem:$0x18A10] =	vst v2  }
0x56: {  	[tilespmem:$0x18220] =	vst v0  }
0x57: {  	[tilespmem:$0x18A20] =	vst v2  }
0x58: {  	[tilespmem:$0x18230] =	vst v0  }
0x59: {  	[tilespmem:$0x18A30] =	vst v2  }
0x5a: {  	[tilespmem:$0x18240] =	vst v0  }
0x5b: {  	[tilespmem:$0x18A40] =	vst v2  }
0x5c: {  	[tilespmem:$0x18250] =	vst v0  }
0x5d: {  	[tilespmem:$0x18A50] =	vst v2  }
0x5e: {  	[tilespmem:$0x18260] =	vst v0  }
0x5f: {  	[tilespmem:$0x18A60] =	vst v2  }
0x60: {  	[tilespmem:$0x18270] =	vst v0  }
0x61: {  	[tilespmem:$0x18A70] =	vst v2  }
0x62: {  	[tilespmem:$0x18280] =	vst v0  }
0x63: {  	[tilespmem:$0x18A80] =	vst v2  }
0x64: {  	[tilespmem:$0x18290] =	vst v0  }
0x65: {  	[tilespmem:$0x18A90] =	vst v2  }
0x66: {  	[tilespmem:$0x182A0] =	vst v0  }
0x67: {  	[tilespmem:$0x18AA0] =	vst v2  }
0x68: {  	[tilespmem:$0x182B0] =	vst v0  }
0x69: {  	[tilespmem:$0x18AB0] =	vst v2  }
0x6a: {  	[tilespmem:$0x182C0] =	vst v0  }
0x6b: {  	[tilespmem:$0x18AC0] =	vst v2  }
0x6c: {  	[tilespmem:$0x182D0] =	vst v0  }
0x6d: {  	[tilespmem:$0x18AD0] =	vst v2  }
0x6e: {  	[tilespmem:$0x182E0] =	vst v0  }
0x6f: {  	[tilespmem:$0x18AE0] =	vst v2  }
0x70: {  	[tilespmem:$0x182F0] =	vst v0  }
0x71: {  	[tilespmem:$0x18AF0] =	vst v2  }
0x72: {  	[tilespmem:$0x18300] =	vst v0  }
0x73: {  	[tilespmem:$0x18B00] =	vst v2  }
0x74: {  	[tilespmem:$0x18310] =	vst v0  }
0x75: {  	[tilespmem:$0x18B10] =	vst v2  }
0x76: {  	[tilespmem:$0x18320] =	vst v0  }
0x77: {  	[tilespmem:$0x18B20] =	vst v2  }
0x78: {  	[tilespmem:$0x18330] =	vst v0  }
0x79: {  	[tilespmem:$0x18B30] =	vst v2  }
0x7a: {  	[tilespmem:$0x18340] =	vst v0  }
0x7b: {  	[tilespmem:$0x18B40] =	vst v2  }
0x7c: {  	[tilespmem:$0x18350] =	vst v0  }
0x7d: {  	[tilespmem:$0x18B50] =	vst v2  }
0x7e: {  	[tilespmem:$0x18360] =	vst v0  }
0x7f: {  	[tilespmem:$0x18B60] =	vst v2  }
0x80: {  	[tilespmem:$0x18370] =	vst v0  }
0x81: {  	[tilespmem:$0x18B70] =	vst v2  }
0x82: {  	[tilespmem:$0x18380] =	vst v0  }
0x83: {  	[tilespmem:$0x18B80] =	vst v2  }
0x84: {  	[tilespmem:$0x18390] =	vst v0  }
0x85: {  	[tilespmem:$0x18B90] =	vst v2  }
0x86: {  	[tilespmem:$0x183A0] =	vst v0  }
0x87: {  	[tilespmem:$0x18BA0] =	vst v2  }
0x88: {  	[tilespmem:$0x183B0] =	vst v0  }
0x89: {  	[tilespmem:$0x18BB0] =	vst v2  }
0x8a: {  	[tilespmem:$0x183C0] =	vst v0  }
0x8b: {  	[tilespmem:$0x18BC0] =	vst v2  }
0x8c: {  	[tilespmem:$0x183D0] =	vst v0  }
0x8d: {  	[tilespmem:$0x18BD0] =	vst v2  }
0x8e: {  	[tilespmem:$0x183E0] =	vst v0  }
0x8f: {  	[tilespmem:$0x18BE0] =	vst v2  }
0x90: {  	[tilespmem:$0x183F0] =	vst v0  }
0x91: {  	[tilespmem:$0x18BF0] =	vst v2  }
0x92: {  	[tilespmem:$0x18400] =	vst v0  }
0x93: {  	[tilespmem:$0x18C00] =	vst v2  }
0x94: {  	[tilespmem:$0x18410] =	vst v0  }
0x95: {  	[tilespmem:$0x18C10] =	vst v2  }
0x96: {  	[tilespmem:$0x18420] =	vst v0  }
0x97: {  	[tilespmem:$0x18C20] =	vst v2  }
0x98: {  	[tilespmem:$0x18430] =	vst v0  }
0x99: {  	[tilespmem:$0x18C30] =	vst v2  }
0x9a: {  	[tilespmem:$0x18440] =	vst v0  }
0x9b: {  	[tilespmem:$0x18C40] =	vst v2  }
0x9c: {  	[tilespmem:$0x18450] =	vst v0  }
0x9d: {  	[tilespmem:$0x18C50] =	vst v2  }
0x9e: {  	[tilespmem:$0x18460] =	vst v0  }
0x9f: {  	[tilespmem:$0x18C60] =	vst v2  }
0xa0: {  	[tilespmem:$0x18470] =	vst v0  }
0xa1: {  	[tilespmem:$0x18C70] =	vst v2  }
0xa2: {  	[tilespmem:$0x18480] =	vst v0  }
0xa3: {  	[tilespmem:$0x18C80] =	vst v2  }
0xa4: {  	[tilespmem:$0x18490] =	vst v0  }
0xa5: {  	[tilespmem:$0x18C90] =	vst v2  }
0xa6: {  	[tilespmem:$0x184A0] =	vst v0  }
0xa7: {  	[tilespmem:$0x18CA0] =	vst v2  }
0xa8: {  	[tilespmem:$0x184B0] =	vst v0  }
0xa9: {  	[tilespmem:$0x18CB0] =	vst v2  }
0xaa: {  	[tilespmem:$0x184C0] =	vst v0  }
0xab: {  	[tilespmem:$0x18CC0] =	vst v2  }
0xac: {  	[tilespmem:$0x184D0] =	vst v0  }
0xad: {  	[tilespmem:$0x18CD0] =	vst v2  }
0xae: {  	[tilespmem:$0x184E0] =	vst v0  }
0xaf: {  	[tilespmem:$0x18CE0] =	vst v2  }
0xb0: {  	[tilespmem:$0x184F0] =	vst v0  }
0xb1: {  	[tilespmem:$0x18CF0] =	vst v2  }
0xb2: {  	[tilespmem:$0x18500] =	vst v0  }
0xb3: {  	[tilespmem:$0x18D00] =	vst v2  }
0xb4: {  	[tilespmem:$0x18510] =	vst v0  }
0xb5: {  	[tilespmem:$0x18D10] =	vst v2  }
0xb6: {  	[tilespmem:$0x18520] =	vst v0  }
0xb7: {  	[tilespmem:$0x18D20] =	vst v2  }
0xb8: {  	[tilespmem:$0x18530] =	vst v0  }
0xb9: {  	[tilespmem:$0x18D30] =	vst v2  }
0xba: {  	[tilespmem:$0x18540] =	vst v0  }
0xbb: {  	[tilespmem:$0x18D40] =	vst v2  }
0xbc: {  	[tilespmem:$0x18550] =	vst v0  }
0xbd: {  	[tilespmem:$0x18D50] =	vst v2  }
0xbe: {  	[tilespmem:$0x18560] =	vst v0  }
0xbf: {  	[tilespmem:$0x18D60] =	vst v2  }
0xc0: {  	[tilespmem:$0x18570] =	vst v0  }
0xc1: {  	[tilespmem:$0x18D70] =	vst v2  }
0xc2: {  	[tilespmem:$0x18580] =	vst v0  }
0xc3: {  	[tilespmem:$0x18D80] =	vst v2  }
0xc4: {  	[tilespmem:$0x18590] =	vst v0  }
0xc5: {  	[tilespmem:$0x18D90] =	vst v2  }
0xc6: {  	[tilespmem:$0x185A0] =	vst v0  }
0xc7: {  	[tilespmem:$0x18DA0] =	vst v2  }
0xc8: {  	[tilespmem:$0x185B0] =	vst v0  }
0xc9: {  	[tilespmem:$0x18DB0] =	vst v2  }
0xca: {  	[tilespmem:$0x185C0] =	vst v0  }
0xcb: {  	[tilespmem:$0x18DC0] =	vst v2  }
0xcc: {  	[tilespmem:$0x185D0] =	vst v0  }
0xcd: {  	[tilespmem:$0x18DD0] =	vst v2  }
0xce: {  	[tilespmem:$0x185E0] =	vst v0  }
0xcf: {  	[tilespmem:$0x18DE0] =	vst v2  }
0xd0: {  	[tilespmem:$0x185F0] =	vst v0  }
0xd1: {  	[tilespmem:$0x18DF0] =	vst v2  }
0xd2: {  	[tilespmem:$0x18600] =	vst v0  }
0xd3: {  	[tilespmem:$0x18E00] =	vst v2  }
0xd4: {  	[tilespmem:$0x18610] =	vst v0  }
0xd5: {  	[tilespmem:$0x18E10] =	vst v2  }
0xd6: {  	[tilespmem:$0x18620] =	vst v0  }
0xd7: {  	[tilespmem:$0x18E20] =	vst v2  }
0xd8: {  	[tilespmem:$0x18630] =	vst v0  }
0xd9: {  	[tilespmem:$0x18E30] =	vst v2  }
0xda: {  	[tilespmem:$0x18640] =	vst v0  }
0xdb: {  	[tilespmem:$0x18E40] =	vst v2  }
0xdc: {  	[tilespmem:$0x18650] =	vst v0  }
0xdd: {  	[tilespmem:$0x18E50] =	vst v2  }
0xde: {  	[tilespmem:$0x18660] =	vst v0  }
0xdf: {  	[tilespmem:$0x18E60] =	vst v2  }
0xe0: {  	[tilespmem:$0x18670] =	vst v0  }
0xe1: {  	[tilespmem:$0x18E70] =	vst v2  }
0xe2: {  	[tilespmem:$0x18680] =	vst v0  }
0xe3: {  	[tilespmem:$0x18E80] =	vst v2  }
0xe4: {  	[tilespmem:$0x18690] =	vst v0  }
0xe5: {  	[tilespmem:$0x18E90] =	vst v2  }
0xe6: {  	[tilespmem:$0x186A0] =	vst v0  }
0xe7: {  	[tilespmem:$0x18EA0] =	vst v2  }
0xe8: {  	[tilespmem:$0x186B0] =	vst v0  }
0xe9: {  	[tilespmem:$0x18EB0] =	vst v2  }
0xea: {  	[tilespmem:$0x186C0] =	vst v0  }
0xeb: {  	[tilespmem:$0x18EC0] =	vst v2  }
0xec: {  	[tilespmem:$0x186D0] =	vst v0  }
0xed: {  	[tilespmem:$0x18ED0] =	vst v2  }
0xee: {  	[tilespmem:$0x186E0] =	vst v0  }
0xef: {  	[tilespmem:$0x18EE0] =	vst v2  }
0xf0: {  	[tilespmem:$0x186F0] =	vst v0  }
0xf1: {  	[tilespmem:$0x18EF0] =	vst v2  }
0xf2: {  	[tilespmem:$0x18700] =	vst v0  }
0xf3: {  	[tilespmem:$0x18F00] =	vst v2  }
0xf4: {  	[tilespmem:$0x18710] =	vst v0  }
0xf5: {  	[tilespmem:$0x18F10] =	vst v2  }
0xf6: {  	[tilespmem:$0x18720] =	vst v0  }
0xf7: {  	[tilespmem:$0x18F20] =	vst v2  }
0xf8: {  	[tilespmem:$0x18730] =	vst v0  }
0xf9: {  	[tilespmem:$0x18F30] =	vst v2  }
0xfa: {  	[tilespmem:$0x18740] =	vst v0  }
0xfb: {  	[tilespmem:$0x18F40] =	vst v2  }
0xfc: {  	[tilespmem:$0x18750] =	vst v0  }
0xfd: {  	[tilespmem:$0x18F50] =	vst v2  }
0xfe: {  	[tilespmem:$0x18760] =	vst v0  }
0xff: {  	[tilespmem:$0x18F60] =	vst v2  }
0x100: {  	s25 =	simm.s32 $0x10;
	[tilespmem:$0x18770] =	vst v0  }
0x101: {  	s28 =	sadd.s32 $0x0, s6;
	s26 =	simm.s32 $0x100;
	s3 =	simm.s32 $0x0;
	[tilespmem:$0x18F70] =	vst v2  }
.LBB2_2:
0x102: {  	[tilespmem:s3], [sflag:$0x1] =	stream.linear.gather [hbm4b:s28+s5], $0x80, $0x38;
	[tilespmem:$0x19000] =	vst v63  }
0x103: {  	s0 =	smov.u32 s25;
	s3 =	smov.u32 s26;
	p0 =	sne.s32 s25, $0x7F0  }
.Ltmp0:
0x104: {  	s25 =	sadd.s32 $0x10, s25;
	(pc) =	sbr.rel @p0 .LBB2_2-.Ltmp0, $2  }
0x105: {  	_ =	sdelay $0x2  }
0x106: {  	s26 =	sadd.s32 $0x100, s26;
	s28 =	sadd.s32 s0, s6  }
0x107: {  	[tilespmem:s3], [sflag:$0x1] =	stream.linear.gather [hbm4b:s28+s5], $0x80, $0x38;
	[tilespmem:$0x19000] =	vst v63  }
0x108: {  	s25 =	simm.s32 $0x8000  }
0x109: {  	s26 =	simm.s32 $0x10;
	s3 =	sadd.s32 $0x0, s7;
	s28 =	simm.s32 $0x8100  }
.LBB2_4:
0x10a: {  	[tilespmem:s25], [sflag:$0x1] =	stream.linear.gather [hbm4b:s3+s5], $0x80, $0x38;
	[tilespmem:$0x19000] =	vst v63  }
0x10b: {  	s0 =	smov.u32 s26;
	s25 =	smov.u32 s28;
	p0 =	sne.s32 s26, $0x7F0  }
.Ltmp1:
0x10c: {  	s26 =	sadd.s32 $0x10, s26;
	(pc) =	sbr.rel @p0 .LBB2_4-.Ltmp1, $2  }
0x10d: {  	_ =	sdelay $0x2  }
0x10e: {  	s28 =	sadd.s32 $0x100, s28;
	s3 =	sadd.s32 s0, s7  }
0x10f: {  	[tilespmem:s25], [sflag:$0x1] =	stream.linear.gather [hbm4b:s3+s5], $0x80, $0x38;
	[tilespmem:$0x19000] =	vst v63  }
0x110: {  	s25 =	simm.s32 $0x10000  }
0x111: {  	s26 =	simm.s32 $0x10;
	s3 =	sadd.s32 $0x0, s8;
	s28 =	simm.s32 $0x10100  }
.LBB2_6:
0x112: {  	[tilespmem:s25], [sflag:$0x1] =	stream.linear.gather [hbm4b:s3+s5], $0x80, $0x38;
	[tilespmem:$0x19000] =	vst v63  }
0x113: {  	s0 =	smov.u32 s26;
	s25 =	smov.u32 s28;
	p0 =	sne.s32 s26, $0x7F0  }
.Ltmp2:
0x114: {  	s26 =	sadd.s32 $0x10, s26;
	(pc) =	sbr.rel @p0 .LBB2_6-.Ltmp2, $2  }
0x115: {  	_ =	sdelay $0x2  }
0x116: {  	s28 =	sadd.s32 $0x100, s28;
	s3 =	sadd.s32 s0, s8  }
0x117: {  	[tilespmem:s25], [sflag:$0x1] =	stream.linear.gather [hbm4b:s3+s5], $0x80, $0x38;
	[tilespmem:$0x19000] =	vst v63  }
0x118: {  	s25 =	simm.s32 $0x80  }
0x119: {  	s26 =	simm.s32 $0x10;
	s3 =	sadd.s32 $0x0, s9;
	s28 =	simm.s32 $0x180  }
.LBB2_8:
0x11a: {  	[tilespmem:s25], [sflag:$0x2] =	stream.linear.gather [hbm4b:s3+s5], $0x80, $0x38;
	[tilespmem:$0x19000] =	vst v63  }
0x11b: {  	s0 =	smov.u32 s26;
	s25 =	smov.u32 s28;
	p0 =	sne.s32 s26, $0x7F0  }
.Ltmp3:
0x11c: {  	s26 =	sadd.s32 $0x10, s26;
	(pc) =	sbr.rel @p0 .LBB2_8-.Ltmp3, $2  }
0x11d: {  	_ =	sdelay $0x2  }
0x11e: {  	s28 =	sadd.s32 $0x100, s28;
	s3 =	sadd.s32 s0, s9  }
0x11f: {  	[tilespmem:s25], [sflag:$0x2] =	stream.linear.gather [hbm4b:s3+s5], $0x80, $0x38;
	[tilespmem:$0x19000] =	vst v63  }
0x120: {  	s25 =	simm.s32 $0x8080  }
0x121: {  	s26 =	simm.s32 $0x10;
	s3 =	sadd.s32 $0x0, s10;
	s28 =	simm.s32 $0x8180  }
.LBB2_10:
0x122: {  	[tilespmem:s25], [sflag:$0x2] =	stream.linear.gather [hbm4b:s3+s5], $0x80, $0x38;
	[tilespmem:$0x19000] =	vst v63  }
0x123: {  	s0 =	smov.u32 s26;
	s25 =	smov.u32 s28;
	p0 =	sne.s32 s26, $0x7F0  }
.Ltmp4:
0x124: {  	s26 =	sadd.s32 $0x10, s26;
	(pc) =	sbr.rel @p0 .LBB2_10-.Ltmp4, $2  }
0x125: {  	_ =	sdelay $0x2  }
0x126: {  	s28 =	sadd.s32 $0x100, s28;
	s3 =	sadd.s32 s0, s10  }
0x127: {  	[tilespmem:s25], [sflag:$0x2] =	stream.linear.gather [hbm4b:s3+s5], $0x80, $0x38;
	[tilespmem:$0x19000] =	vst v63  }
0x128: {  	s25 =	simm.s32 $0x0;
	s26 =	simm.s32 $0x10080  }
0x129: {  	s28 =	simm.s32 $0x10;
	s3 =	sadd.s32 $0x0, s11;
	s29 =	simm.s32 $0x10180  }
.LBB2_12:
0x12a: {  	[tilespmem:s26], [sflag:$0x2] =	stream.linear.gather [hbm4b:s3+s25], $0x80, $0x38;
	[tilespmem:$0x19000] =	vst v63  }
0x12b: {  	s0 =	smov.u32 s28;
	s26 =	smov.u32 s29;
	p0 =	sne.s32 s28, $0x7F0  }
.Ltmp5:
0x12c: {  	s28 =	sadd.s32 $0x10, s28;
	(pc) =	sbr.rel @p0 .LBB2_12-.Ltmp5, $2  }
0x12d: {  	_ =	sdelay $0x2  }
0x12e: {  	s29 =	sadd.s32 $0x100, s29;
	s3 =	sadd.s32 s0, s11  }
0x12f: {  	[tilespmem:s26], [sflag:$0x2] =	stream.linear.gather [hbm4b:s3+s25], $0x80, $0x38;
	[tilespmem:$0x19000] =	vst v63  }
.LBB2_14:
0x130: {  	_ =	swait.ge [sflag:s17], $0x4000  }
0x131: {  	[sflag:s17] =	ssyncset.done $0x0  }
0x132: {  	[sflag:s17] =	ssyncadd.s32 $0xFFFFC000  }
0x133: {  	p0 =	seq.s32 s25, $0x2;
	_ =	swait.ge [sflag:s17], $0x4000  }
.Ltmp6:
0x134: {  	[sflag:s17] =	ssyncset.done $0x0;
	(pc) =	sbr.rel @p0 .LBB2_22-.Ltmp6, $4  }
0x135: {  	[sflag:s17] =	ssyncadd.s32 $0xFFFFC000  }
0x136: {  	_ =	swait.ge [sflag:s17], $0x4000  }
0x137: {  	[sflag:s17] =	ssyncset.done $0x0  }
0x138: {  	s26 =	sshll.u32 s25, $0xF;
	[sflag:s17] =	ssyncadd.s32 $0xFFFFC000  }
0x139: {  	s0 =	sadd.s32 s26, s12  }
0x13a: {  	s28 =	sshrl.u32 s0, $0x3  }
0x13b: {  	s30 =	simm.s32 $0x0;
	s29 =	sadd.s32 s1, s28  }
0x13c: {  	s31 =	simm.s32 $0x10;
	s3 =	simm.s32 $0x100;
	s0 =	sadd.s32 $0x0, s29  }
.LBB2_16:
0x13d: {  	[tilespmem:s30], [sflag:$0x1] =	stream.linear.gather [hbm4b:s0+s5], $0x80, $0x38;
	[tilespmem:$0x19000] =	vst v63  }
0x13e: {  	s0 =	smov.u32 s31;
	s30 =	smov.u32 s3;
	p1 =	sne.s32 s31, $0x7F0  }
.Ltmp7:
0x13f: {  	s31 =	sadd.s32 $0x10, s31;
	(pc) =	sbr.rel @p1 .LBB2_16-.Ltmp7, $2  }
0x140: {  	_ =	sdelay $0x2  }
0x141: {  	s3 =	sadd.s32 $0x100, s3;
	s0 =	sadd.s32 s0, s29  }
0x142: {  	[tilespmem:s30], [sflag:$0x1] =	stream.linear.gather [hbm4b:s0+s5], $0x80, $0x38;
	[tilespmem:$0x19000] =	vst v63  }
0x143: {  	s29 =	sadd.s32 s2, s28;
	s30 =	simm.s32 $0x8000  }
0x144: {  	s31 =	simm.s32 $0x10;
	s3 =	simm.s32 $0x8100;
	s0 =	sadd.s32 $0x0, s29  }
.LBB2_18:
0x145: {  	[tilespmem:s30], [sflag:$0x1] =	stream.linear.gather [hbm4b:s0+s5], $0x80, $0x38;
	[tilespmem:$0x19000] =	vst v63  }
0x146: {  	s0 =	smov.u32 s31;
	s30 =	smov.u32 s3;
	p1 =	sne.s32 s31, $0x7F0  }
.Ltmp8:
0x147: {  	s31 =	sadd.s32 $0x10, s31;
	(pc) =	sbr.rel @p1 .LBB2_18-.Ltmp8, $2  }
0x148: {  	_ =	sdelay $0x2  }
0x149: {  	s3 =	sadd.s32 $0x100, s3;
	s0 =	sadd.s32 s0, s29  }
0x14a: {  	[tilespmem:s30], [sflag:$0x1] =	stream.linear.gather [hbm4b:s0+s5], $0x80, $0x38;
	[tilespmem:$0x19000] =	vst v63  }
0x14b: {  	s28 =	sadd.s32 s4, s28;
	s29 =	simm.s32 $0x10000  }
0x14c: {  	s30 =	simm.s32 $0x10;
	s3 =	simm.s32 $0x10100;
	s0 =	sadd.s32 $0x0, s28  }
.LBB2_20:
0x14d: {  	[tilespmem:s29], [sflag:$0x1] =	stream.linear.gather [hbm4b:s0+s5], $0x80, $0x38;
	[tilespmem:$0x19000] =	vst v63  }
0x14e: {  	s0 =	smov.u32 s30;
	s29 =	smov.u32 s3;
	p1 =	sne.s32 s30, $0x7F0  }
.Ltmp9:
0x14f: {  	s30 =	sadd.s32 $0x10, s30;
	(pc) =	sbr.rel @p1 .LBB2_20-.Ltmp9, $2  }
0x150: {  	_ =	sdelay $0x2  }
0x151: {  	s3 =	sadd.s32 $0x100, s3;
	s0 =	sadd.s32 s0, s28  }
0x152: {  	[tilespmem:s29], [sflag:$0x1] =	stream.linear.gather [hbm4b:s0+s5], $0x80, $0x38;
	[tilespmem:$0x19000] =	vst v63  }
.LBB2_22:
0x153: {  	s28 =	simm.s32 $0x0  }
0x154: {  	v19 =	vld [tilespmem:s28+$0x40]  }
0x155: {  	v11 =	vld [tilespmem:s28+$0x8010]  }
0x156: {  	v12 =	vld [tilespmem:s28+$0x10010]  }
0x157: {  	v13 =	vld [tilespmem:s28+$0x8020]  }
0x158: {  	v30 =	vld [tilespmem:s28+$0x10]  }
0x159: {  	v28 =	vld [tilespmem:s28+$0x20]  }
0x15a: {  	v25 =	vld [tilespmem:s28+$0x30]  }
0x15b: {  	v18 =	vld [tilespmem:s28+$0x50]  }
0x15c: {  	v17 =	vld [tilespmem:s28+$0x8100]  }
0x15d: {  	v22 =	vld [tilespmem:s28+$0x10000]  }
0x15e: {  	v15 =	vld [tilespmem:s28+$0x70]  }
0x15f: {  	v20 =	vld [tilespmem:s28+$0x8070]  }
0x160: {  	v23 =	vld [tilespmem:s28+$0x10030]  }
0x161: {  	v24 =	vld [tilespmem:s28+$0x8030]  }
0x162: {  	v26 =	vld [tilespmem:s28+$0x8000]  }
0x163: {  	v32 =	vld [tilespmem:s28+$0x0]  }
0x164: {  	v33 =	vld [tilespmem:s28+$0x8040]  }
0x165: {  	v16 =	vld [tilespmem:s28+$0x100]  }
0x166: {  	v35 =	vld [tilespmem:s28+$0x10020]  }
0x167: {  	v21 =	vld [tilespmem:s28+$0x60]  }
0x168: {  	v36 =	vld [tilespmem:s28+$0x10050];
	v14 =	vmul.f32 $1.500000000e+01, v18;
	v27 =	vmul.f32 $1.500000000e+01, v28  }
0x169: {  	v41 =	vld [tilespmem:s28+$0x10040];
	v29 =	vmul.f32 $1.500000000e+01, v25;
	v31 =	vmul.f32 $1.500000000e+01, v15  }
0x16a: {  	v38 =	vld [tilespmem:s28+$0x8050];
	vm0 =	vgt.f32 v15, $0.0e+00;
	v39 =	vmul.f32 $1.500000000e+01, v30;
	vm1 =	vgt.f32 v18, $0.0e+00  }
0x16b: {  	v34 =	vld [tilespmem:s28+$0x10060];
	vm2 =	veq.s32 v24, v23;
	vm4 =	veq.s32 v26, v22;
	vm7 =	veq.s32 v11, v12  }
0x16c: {  	v42 =	vld [tilespmem:s28+$0x10120];
	vm5 =	vgt.f32 v32, $0.0e+00;
	v45 =	vmul.f32 $1.500000000e+01, v21;
	v47 =	vmul.f32 $1.500000000e+01, v32  }
0x16d: {  	v58 =	vld [tilespmem:s28+$0x110];
	vm6 =	vgt.f32 v28, $0.0e+00;
	vm13 =	veq.s32 v13, v35;
	v62 =	vmul.f32 $1.500000000e+01, v16  }
0x16e: {  	v51 =	vld [tilespmem:s28+$0x10130];
	vm14 =	veq.s32 v33, v41;
	v14 =	vtrunc.f32 v14;
	v29 =	vtrunc.f32 v29  }
0x16f: {  	v55 =	vld [tilespmem:s28+$0x8160];
	vm10 =	veq.s32 v38, v36;
	v31 =	vtrunc.f32 v31;
	v22 =	vtrunc.f32 v39  }
0x170: {  	v56 =	vld [tilespmem:s28+$0x10100];
	v40 =	vsel vm2, $0x20001, v3;
	v43 =	vtrunc.f32 v27;
	v61 =	vtrunc.f32 v45  }
0x171: {  	v24 =	vld [tilespmem:s28+$0x10110];
	v44 =	vsel vm4, $0x20001, v3;
	v13 =	vtrunc.f32 v47;
	v63 =	vtrunc.f32 v62  }
0x172: {  	v26 =	vld [tilespmem:s28+$0x8110];
	vm4 =	vgt.f32 v25, $0.0e+00;
	v62 =	vmul.f32 $1.500000000e+01, v58;
	v37 =	vcvt.f32.s32 v14  }
0x173: {  	v33 =	vld [tilespmem:s28+$0x10150];
	v53 =	vsel vm14, $0x20001, v3;
	v29 =	vcvt.f32.s32 v29;
	v23 =	vcvt.f32.s32 v31  }
0x174: {  	v41 =	vld [tilespmem:s28+$0x10160];
	v54 =	vsel vm10, $0x20001, v3;
	v11 =	vcvt.f32.s32 v22;
	v22 =	vmul.f32 $1.500000000e+01, v19  }
0x175: {  	v39 =	vld [tilespmem:s28+$0x8120];
	v45 =	vsel vm13, $0x20001, v3;
	v43 =	vcvt.f32.s32 v43;
	v52 =	vcvt.f32.s32 v13  }
0x176: {  	v27 =	vld [tilespmem:s28+$0x10140];
	v35 =	vcvt.f32.s32 v61;
	v36 =	vcvt.f32.s32 v63;
	vm3 =	vlt.s32 v29, $0xE  }
0x177: {  	v47 =	vld [tilespmem:s28+$0x8150];
	vm8 =	vlt.s32 v23, $0xE;
	vm2 =	vlt.s32 v11, $0xE;
	vm9 =	vlt.s32 v37, $0xE  }
0x178: {  	v14 =	vld [tilespmem:s28+$0x120];
	v22 =	vtrunc.f32 v22;
	vm15 =	vlt.s32 v43, $0xE;
	vm11 =	vlt.s32 v52, $0xE  }
0x179: {  	v31 =	vld [tilespmem:s28+$0x8130];
	vm14 =	vlt.s32 v36, $0xE;
	v12 =	vnsel vm3, $0xE, v29;
	v11 =	vnsel vm2, $0xE, v11  }
0x17a: {  	v13 =	vld [tilespmem:s28+$0x170];
	vm2 =	vgt.f32 v16, $0.0e+00;
	vm3 =	vgt.f32 v30, $0.0e+00;
	v48 =	vcvt.f32.s32 v22  }
0x17b: {  	v61 =	vld [tilespmem:s28+$0x130];
	v50 =	vnsel vm8, $0xE, v23;
	v23 =	vsel vm7, $0x20001, v3;
	v37 =	vnsel vm9, $0xE, v37  }
0x17c: {  	v29 =	vld [tilespmem:s28+$0x8140];
	v43 =	vnsel vm15, $0xE, v43;
	v52 =	vnsel vm11, $0xE, v52;
	v36 =	vnsel vm14, $0xE, v36  }
0x17d: {  	v22 =	vld [tilespmem:s28+$0x140];
	v60 =	vshll.u32 v11, $0x4;
	v49 =	vshll.u32 v12, $0x4;
	v52 =	vshll.u32 v52, $0x4  }
0x17e: {  	v11 =	vld [tilespmem:s28+$0x150];
	v43 =	vshll.u32 v43, $0x4;
	vm15 =	veq.s32 v39, v42;
	v63 =	vshll.u32 v50, $0x4  }
0x17f: {  	v12 =	vld [tilespmem:s28+$0x160];
	v36 =	vshll.u32 v36, $0x4;
	v59 =	vmul.f32 $1.500000000e+01, v14;
	v52 =	vor.u32 v1, v52  }
0x180: {  	v46 =	vadd.s32 v4, v60;
	vm12 =	vlt.s32 v48, $0xE;
	v60 =	vld [tilespmem:s28+$0x8170];
	v39 =	vadd.s32 v5, v43  }
0x181: {  	v48 =	vnsel vm12, $0xE, v48;
	vm12 =	vlt.s32 v35, $0xE;
	v38 =	vtrunc.f32 v59;
	v59 =	vld [tilespmem:s28+$0x10170]  }
0x182: {  	v42 =	vld [tilespmem:s28+$0x8060];
	v49 =	vadd.s32 v6, v49;
	vm14 =	vgt.f32 v14, $0.0e+00;
	v35 =	vnsel vm12, $0xE, v35  }
0x183: {  	v43 =	vld [tilespmem:s28+$0x10070];
	v48 =	vshll.u32 v48, $0x4;
	v38 =	vcvt.f32.s32 v38;
	v57 =	vmul.f32 $1.500000000e+01, v22  }
0x184: {  	vm12 =	vgt.f32 v19, $0.0e+00;
	v48 =	vadd.s32 v7, v48;
	v35 =	vshll.u32 v35, $0x4;
	[tilespmem:v52+s18+$0x0] =	vst.idx.add.s32.msk vm5, v44  }
0x185: {  	v50 =	vmul.f32 $1.500000000e+01, v12;
	vm13 =	vlt.s32 v38, $0xE;
	v57 =	vtrunc.f32 v57;
	[tilespmem:v52+s19+$0x0] =	vst.idx.add.f32.msk vm5, v32  }
0x186: {  	v38 =	vnsel vm13, $0xE, v38;
	vm13 =	veq.s32 v60, v59;
	v60 =	vtrunc.f32 v62;
	[tilespmem:v46+s18+$0x0] =	vst.idx.add.s32.msk vm3, v23  }
0x187: {  	v35 =	vadd.s32 v9, v35;
	v57 =	vcvt.f32.s32 v57;
	v44 =	vcvt.f32.s32 v60;
	[tilespmem:v46+s19+$0x0] =	vst.idx.add.f32.msk vm3, v30  }
0x188: {  	v32 =	vsel vm15, $0x20001, v3;
	v62 =	vshll.u32 v37, $0x4;
	vm3 =	veq.s32 v42, v34;
	[tilespmem:v39+s18+$0x0] =	vst.idx.add.s32.msk vm6, v45  }
0x189: {  	v30 =	vadd.s32 v8, v62;
	v34 =	vsel vm3, $0x20001, v3;
	vm3 =	vlt.s32 v44, $0xE;
	[tilespmem:v39+s19+$0x0] =	vst.idx.add.f32.msk vm6, v28  }
0x18a: {  	v46 =	vmul.f32 $1.500000000e+01, v11;
	v45 =	vnsel vm3, $0xE, v44;
	vm3 =	vgt.f32 v21, $0.0e+00;
	[tilespmem:v49+s18+$0x0] =	vst.idx.add.s32.msk vm4, v40  }
0x18b: {  	v52 =	vmul.f32 $1.500000000e+01, v61;
	vm15 =	vgt.f32 v22, $0.0e+00;
	vm11 =	vlt.s32 v57, $0xE;
	[tilespmem:v49+s19+$0x0] =	vst.idx.add.f32.msk vm4, v25  }
0x18c: {  	v23 =	vsel vm13, $0x20001, v3;
	v57 =	vnsel vm11, $0xE, v57;
	v39 =	vtrunc.f32 v46;
	[tilespmem:v48+s18+$0x0] =	vst.idx.add.s32.msk vm12, v53  }
0x18d: {  	v28 =	vadd.s32 v10, v63;
	v40 =	vtrunc.f32 v52;
	v49 =	vshll.u32 v38, $0x4;
	[tilespmem:v48+s19+$0x0] =	vst.idx.add.f32.msk vm12, v19  }
0x18e: {  	v60 =	vcvt.f32.s32 v39;
	v59 =	vshll.u32 v45, $0x4;
	v25 =	vadd.s32 v5, v49;
	[tilespmem:v30+s18+$0x0] =	vst.idx.add.s32.msk vm1, v54  }
0x18f: {  	v53 =	vshll.u32 v57, $0x4;
	[tilespmem:v30+s19+$0x0] =	vst.idx.add.f32.msk vm1, v18;
	vm1 =	veq.s32 v20, v43;
	v20 =	vor.u32 v1, v36  }
0x190: {  	v18 =	vcvt.f32.s32 v40;
	v57 =	vsel vm1, $0x20001, v3;
	vm1 =	vgt.f32 v58, $0.0e+00;
	[tilespmem:v35+s18+$0x0] =	vst.idx.add.s32.msk vm3, v34  }
0x191: {  	v19 =	vtrunc.f32 v50;
	[tilespmem:v35+s19+$0x0] =	vst.idx.add.f32.msk vm3, v21;
	vm3 =	veq.s32 v17, v56;
	v17 =	vadd.s32 v4, v59  }
0x192: {  	v63 =	vadd.s32 v7, v53;
	v62 =	vsel vm3, $0x20001, v3;
	vm3 =	vlt.s32 v18, $0xE;
	[tilespmem:v28+s18+$0x0] =	vst.idx.add.s32.msk vm0, v57  }
0x193: {  	v21 =	vmul.f32 $1.500000000e+01, v13;
	v18 =	vnsel vm3, $0xE, v18;
	vm3 =	veq.s32 v26, v24;
	[tilespmem:v28+s19+$0x0] =	vst.idx.add.f32.msk vm0, v15  }
0x194: {  	v15 =	vsel vm3, $0x20001, v3;
	vm3 =	vgt.f32 v61, $0.0e+00;
	v18 =	vshll.u32 v18, $0x4;
	[tilespmem:v20+s18+$0x0] =	vst.idx.add.s32.msk vm2, v62  }
0x195: {  	v19 =	vcvt.f32.s32 v19;
	vm0 =	veq.s32 v31, v51;
	[tilespmem:v20+s19+$0x0] =	vst.idx.add.f32.msk vm2, v16;
	v18 =	vadd.s32 v6, v18  }
0x196: {  	vm2 =	vlt.s32 v60, $0xE;
	v16 =	vtrunc.f32 v21;
	v20 =	vsel vm0, $0x20001, v3;
	[tilespmem:v17+s18+$0x0] =	vst.idx.add.s32.msk vm1, v15  }
0x197: {  	vm0 =	veq.s32 v47, v33;
	v21 =	vnsel vm2, $0xE, v60;
	v16 =	vcvt.f32.s32 v16;
	[tilespmem:v17+s19+$0x0] =	vst.idx.add.f32.msk vm1, v58  }
0x198: {  	v15 =	vsel vm0, $0x20001, v3;
	vm0 =	veq.s32 v29, v27;
	vm1 =	vlt.s32 v19, $0xE;
	[tilespmem:v25+s18+$0x0] =	vst.idx.add.s32.msk vm14, v32  }
0x199: {  	vm2 =	veq.s32 v55, v41;
	v17 =	vnsel vm1, $0xE, v19;
	vm1 =	vlt.s32 v16, $0xE;
	[tilespmem:v25+s19+$0x0] =	vst.idx.add.f32.msk vm14, v14  }
0x19a: {  	v19 =	vsel vm0, $0x20001, v3;
	vm0 =	vgt.f32 v11, $0.0e+00;
	v14 =	vnsel vm1, $0xE, v16;
	[tilespmem:v18+s18+$0x0] =	vst.idx.add.s32.msk vm3, v20  }
0x19b: {  	v16 =	vsel vm2, $0x20001, v3;
	vm1 =	vgt.f32 v12, $0.0e+00;
	v17 =	vshll.u32 v17, $0x4;
	[tilespmem:v18+s19+$0x0] =	vst.idx.add.f32.msk vm3, v61  }
0x19c: {  	v20 =	vshll.u32 v21, $0x4;
	v14 =	vshll.u32 v14, $0x4;
	v17 =	vadd.s32 v9, v17;
	[tilespmem:v63+s18+$0x0] =	vst.idx.add.s32.msk vm15, v19  }
0x19d: {  	s28 =	simm.s32 $0x800;
	vm2 =	vgt.f32 v13, $0.0e+00;
	v14 =	vadd.s32 v10, v14;
	v19 =	vadd.s32 v8, v20;
	[tilespmem:v63+s19+$0x0] =	vst.idx.add.f32.msk vm15, v22  }
.LBB2_23:
0x19e: {  	_ =	sdelay $0x3  }
0x19f: {  	s29 =	sshra.s32 s28, $0x2;
	[tilespmem:v19+s18+$0x0] =	vst.idx.add.s32.msk vm0, v15  }
0x1a0: {  	v15 =	vld [tilespmem:s29+$0x40]  }
0x1a1: {  	[tilespmem:v19+s19+$0x0] =	vst.idx.add.f32.msk vm0, v11  }
0x1a2: {  	[tilespmem:v17+s18+$0x0] =	vst.idx.add.s32.msk vm1, v16  }
0x1a3: {  	[tilespmem:v17+s19+$0x0] =	vst.idx.add.f32.msk vm1, v12  }
0x1a4: {  	[tilespmem:v14+s18+$0x0] =	vst.idx.add.s32.msk vm2, v23  }
0x1a5: {  	[tilespmem:v14+s19+$0x0] =	vst.idx.add.f32.msk vm2, v13  }
0x1a6: {  	v11 =	vld [tilespmem:s29+$0x8010]  }
0x1a7: {  	v12 =	vld [tilespmem:s29+$0x10010]  }
0x1a8: {  	v13 =	vld [tilespmem:s29+$0x8020]  }
0x1a9: {  	v24 =	vld [tilespmem:s29+$0x10]  }
0x1aa: {  	v21 =	vld [tilespmem:s29+$0x20]  }
0x1ab: {  	v19 =	vld [tilespmem:s29+$0x30]  }
0x1ac: {  	v16 =	vld [tilespmem:s29+$0x50]  }
0x1ad: {  	v20 =	vld [tilespmem:s29+$0x8100]  }
0x1ae: {  	v18 =	vld [tilespmem:s29+$0x10000]  }
0x1af: {  	v14 =	vld [tilespmem:s29+$0x70]  }
0x1b0: {  	v25 =	vld [tilespmem:s29+$0x8070]  }
0x1b1: {  	v22 =	vld [tilespmem:s29+$0x10030]  }
0x1b2: {  	v26 =	vld [tilespmem:s29+$0x8030]  }
0x1b3: {  	v28 =	vld [tilespmem:s29+$0x8000]  }
0x1b4: {  	v23 =	vld [tilespmem:s29+$0x0]  }
0x1b5: {  	v31 =	vld [tilespmem:s29+$0x8040]  }
0x1b6: {  	v59 =	vld [tilespmem:s29+$0x10020]  }
0x1b7: {  	v35 =	vld [tilespmem:s29+$0x8050]  }
0x1b8: {  	v36 =	vld [tilespmem:s29+$0x10110]  }
0x1b9: {  	v38 =	vld [tilespmem:s29+$0x8110]  }
0x1ba: {  	v40 =	vld [tilespmem:s29+$0x8120]  }
0x1bb: {  	v60 =	vmul.f32 $1.500000000e+01, v15;
	v42 =	vld [tilespmem:s29+$0x10040]  }
0x1bc: {  	v0 =	vimm.s32 $0x0;
	v43 =	vld [tilespmem:s29+$0x10120];
	v17 =	vmul.f32 $1.500000000e+01, v16;
	v29 =	vmul.f32 $1.500000000e+01, v21  }
0x1bd: {  	v45 =	vld [tilespmem:s29+$0x10140];
	v27 =	vmul.f32 $1.500000000e+01, v19;
	v30 =	vmul.f32 $1.500000000e+01, v14;
	vm0 =	vgt.f32 v14, $0.0e+00  }
0x1be: {  	v47 =	vld [tilespmem:s29+$0x8140];
	v34 =	vmul.f32 $1.500000000e+01, v24;
	vm1 =	vgt.f32 v16, $0.0e+00;
	vm2 =	veq.s32 v26, v22  }
0x1bf: {  	v49 =	vld [tilespmem:s29+$0x10150];
	vm4 =	veq.s32 v28, v18;
	vm3 =	veq.s32 v11, v12;
	vm6 =	vgt.f32 v23, $0.0e+00  }
0x1c0: {  	v51 =	vld [tilespmem:s29+$0x8150];
	vm7 =	vgt.f32 v24, $0.0e+00;
	v41 =	vmul.f32 $1.500000000e+01, v23;
	vm8 =	vgt.f32 v21, $0.0e+00  }
0x1c1: {  	v54 =	vld [tilespmem:s29+$0x10160];
	vm11 =	veq.s32 v13, v59;
	vm15 =	veq.s32 v40, v43;
	v17 =	vtrunc.f32 v17  }
0x1c2: {  	v56 =	vld [tilespmem:s29+$0x8160];
	v0 =	vsel vm0, $0xFFFFFFFF, v0;
	v32 =	vtrunc.f32 v27;
	v30 =	vtrunc.f32 v30  }
0x1c3: {  	v22 =	vld [tilespmem:s29+$0x60];
	v28 =	vsel vm2, $0x20001, v3;
	v18 =	vtrunc.f32 v34;
	v34 =	vtrunc.f32 v60  }
0x1c4: {  	v12 =	vld [tilespmem:s29+$0x10050];
	v39 =	vsel vm4, $0x20001, v3;
	v37 =	vtrunc.f32 v29;
	v62 =	vtrunc.f32 v41  }
0x1c5: {  	v59 =	vld [tilespmem:s29+$0x10170];
	vm4 =	vgt.f32 v19, $0.0e+00;
	v33 =	vcvt.f32.s32 v17;
	v32 =	vcvt.f32.s32 v32  }
0x1c6: {  	v43 =	vld [tilespmem:s29+$0x110];
	v44 =	vsel vm3, $0x20001, v3;
	v58 =	vcvt.f32.s32 v30;
	v11 =	vcvt.f32.s32 v18  }
0x1c7: {  	v46 =	vsel vm11, $0x20001, v3;
	v27 =	vld [tilespmem:s29+$0x10060];
	v34 =	vcvt.f32.s32 v34;
	v37 =	vcvt.f32.s32 v37  }
0x1c8: {  	v17 =	vld [tilespmem:s29+$0x100];
	vm5 =	vlt.s32 v32, $0xE;
	vm9 =	vlt.s32 v58, $0xE;
	vm2 =	vlt.s32 v11, $0xE  }
0x1c9: {  	v18 =	vld [tilespmem:s29+$0x120];
	vm12 =	vlt.s32 v34, $0xE;
	vm11 =	veq.s32 v35, v12;
	v32 =	vnsel vm5, $0xE, v32  }
0x1ca: {  	[tilespmem:$0x1FFF0] =	vst v0;
	v30 =	vld [tilespmem:s29+$0x8130];
	vm5 =	vlt.s32 v33, $0xE;
	v11 =	vnsel vm2, $0xE, v11;
	v34 =	vnsel vm12, $0xE, v34  }
0x1cb: {  	v0 =	vld [tilespmem:$0x1FFF0];
	vm12 =	veq.s32 v31, v42;
	v11 =	vshll.u32 v11, $0x4;
	v12 =	vnsel vm5, $0xE, v33  }
0x1cc: {  	v42 =	vld [tilespmem:s29+$0x10130];
	v33 =	vcvt.f32.s32 v62;
	v29 =	vadd.s32 v4, v11;
	v11 =	vmul.f32 $1.500000000e+01, v22  }
0x1cd: {  	vm10 =	vlt.s32 v37, $0xE;
	v26 =	vnsel vm9, $0xE, v58;
	v63 =	vshll.u32 v12, $0x4;
	v12 =	vld [tilespmem:s29+$0x160]  }
0x1ce: {  	vm9 =	vgt.f32 v15, $0.0e+00;
	vm13 =	vlt.s32 v33, $0xE;
	v13 =	vtrunc.f32 v11;
	v11 =	vld [tilespmem:s29+$0x150]  }
0x1cf: {  	v52 =	vsel vm11, $0x20001, v3;
	v37 =	vnsel vm10, $0xE, v37;
	v58 =	vld [tilespmem:s29+$0x10100];
	v33 =	vnsel vm13, $0xE, v33  }
0x1d0: {  	vm10 =	veq.s32 v51, v49;
	v49 =	vld [tilespmem:s29+$0x130];
	v61 =	vmul.f32 $1.500000000e+01, v17;
	v33 =	vshll.u32 v33, $0x4  }
0x1d1: {  	v51 =	vld [tilespmem:s29+$0x8060];
	v32 =	vshll.u32 v32, $0x4;
	v35 =	vshll.u32 v26, $0x4;
	v33 =	vor.u32 v1, v33  }
0x1d2: {  	v26 =	vld [tilespmem:s29+$0x140];
	v34 =	vshll.u32 v34, $0x4;
	v48 =	vmul.f32 $1.500000000e+01, v18;
	v31 =	vtrunc.f32 v61  }
0x1d3: {  	vm5 =	vgt.f32 v22, $0.0e+00;
	v61 =	vld [tilespmem:s29+$0x8170];
	v60 =	vmul.f32 $1.500000000e+01, v12;
	v57 =	vmul.f32 $1.500000000e+01, v11  }
0x1d4: {  	v37 =	vshll.u32 v37, $0x4;
	v48 =	vtrunc.f32 v48;
	v53 =	vcvt.f32.s32 v13;
	v13 =	vld [tilespmem:s29+$0x170]  }
0x1d5: {  	v37 =	vadd.s32 v5, v37;
	v40 =	vtrunc.f32 v57;
	v57 =	vtrunc.f32 v60;
	v60 =	vld [tilespmem:s29+$0x10070]  }
0x1d6: {  	v50 =	vsel vm12, $0x20001, v3;
	v34 =	vadd.s32 v7, v34;
	v48 =	vcvt.f32.s32 v48;
	[tilespmem:v33+s18+$0x0] =	vst.idx.add.s32.msk vm6, v39  }
0x1d7: {  	v32 =	vadd.s32 v6, v32;
	v41 =	vadd.s32 v8, v63;
	v31 =	vcvt.f32.s32 v31;
	[tilespmem:v33+s19+$0x0] =	vst.idx.add.f32.msk vm6, v23  }
0x1d8: {  	v55 =	vmul.f32 $1.500000000e+01, v26;
	vm13 =	vlt.s32 v53, $0xE;
	vm14 =	vlt.s32 v48, $0xE;
	[tilespmem:v29+s18+$0x0] =	vst.idx.add.s32.msk vm7, v44  }
0x1d9: {  	vm11 =	vlt.s32 v31, $0xE;
	v53 =	vnsel vm13, $0xE, v53;
	v48 =	vnsel vm14, $0xE, v48;
	[tilespmem:v29+s19+$0x0] =	vst.idx.add.f32.msk vm7, v24  }
0x1da: {  	v31 =	vnsel vm11, $0xE, v31;
	vm14 =	veq.s32 v30, v42;
	v42 =	vsel vm15, $0x20001, v3;
	[tilespmem:v37+s18+$0x0] =	vst.idx.add.s32.msk vm8, v46  }
0x1db: {  	vm0 =	veq.s32 v61, v59;
	v39 =	vmul.f32 $1.500000000e+01, v43;
	[tilespmem:v37+s19+$0x0] =	vst.idx.add.f32.msk vm8, v21;
	v21 =	vmul.f32 $1.500000000e+01, v49  }
0x1dc: {  	vm11 =	veq.s32 v47, v45;
	v40 =	vcvt.f32.s32 v40;
	v23 =	vsel vm0, $0x20001, v3;
	[tilespmem:v32+s18+$0x0] =	vst.idx.add.s32.msk vm4, v28  }
0x1dd: {  	vm0 =	veq.s32 v20, v58;
	v47 =	vtrunc.f32 v39;
	[tilespmem:v32+s19+$0x0] =	vst.idx.add.f32.msk vm4, v19;
	v20 =	vtrunc.f32 v21  }
0x1de: {  	vm15 =	vlt.s32 v40, $0xE;
	v24 =	vcvt.f32.s32 v47;
	[tilespmem:v34+s18+$0x0] =	vst.idx.add.s32.msk vm9, v50;
	v20 =	vcvt.f32.s32 v20  }
0x1df: {  	v61 =	vnsel vm15, $0xE, v40;
	vm7 =	veq.s32 v25, v60;
	v60 =	vshll.u32 v53, $0x4;
	[tilespmem:v34+s19+$0x0] =	vst.idx.add.f32.msk vm9, v15  }
0x1e0: {  	v19 =	vadd.s32 v9, v60;
	v15 =	vshll.u32 v31, $0x4;
	[tilespmem:v41+s18+$0x0] =	vst.idx.add.s32.msk vm1, v52;
	vm15 =	vlt.s32 v20, $0xE  }
0x1e1: {  	[tilespmem:v41+s19+$0x0] =	vst.idx.add.f32.msk vm1, v16;
	v16 =	vor.u32 v1, v15;
	v15 =	vnsel vm15, $0xE, v20;
	vm15 =	vnez.u8 v0  }
0x1e2: {  	vm2 =	vgt.f32 v17, $0.0e+00;
	v35 =	vadd.s32 v10, v35  }
0x1e3: {  	v55 =	vtrunc.f32 v55;
	vm6 =	veq.s32 v51, v27;
	vm8 =	vlt.s32 v24, $0xE  }
0x1e4: {  	v48 =	vshll.u32 v48, $0x4;
	v27 =	vsel vm6, $0x20001, v3;
	v24 =	vnsel vm8, $0xE, v24  }
0x1e5: {  	v55 =	vcvt.f32.s32 v55;
	vm4 =	vgt.f32 v43, $0.0e+00;
	v24 =	vshll.u32 v24, $0x4;
	[tilespmem:v19+s18+$0x0] =	vst.idx.add.s32.msk vm5, v27  }
0x1e6: {  	v62 =	vmul.f32 $1.500000000e+01, v13;
	v24 =	vadd.s32 v4, v24;
	v20 =	vsel vm7, $0x20001, v3;
	[tilespmem:v19+s19+$0x0] =	vst.idx.add.f32.msk vm5, v22  }
0x1e7: {  	vm3 =	vgt.f32 v18, $0.0e+00;
	v48 =	vadd.s32 v5, v48;
	vm12 =	vlt.s32 v55, $0xE;
	[tilespmem:v35+s18+$0x0] =	vst.idx.add.s32.msk vm15, v20  }
0x1e8: {  	v55 =	vnsel vm12, $0xE, v55;
	v51 =	vtrunc.f32 v62;
	v62 =	vsel vm0, $0x20001, v3;
	[tilespmem:v35+s19+$0x0] =	vst.idx.add.f32.msk vm15, v14  }
0x1e9: {  	vm12 =	veq.s32 v38, v36;
	vm8 =	vgt.f32 v49, $0.0e+00;
	v15 =	vshll.u32 v15, $0x4;
	[tilespmem:v16+s18+$0x0] =	vst.idx.add.s32.msk vm2, v62  }
0x1ea: {  	v63 =	vadd.s32 v6, v15;
	v19 =	vsel vm12, $0x20001, v3;
	[tilespmem:v16+s19+$0x0] =	vst.idx.add.f32.msk vm2, v17  }
0x1eb: {  	v57 =	vcvt.f32.s32 v57;
	v55 =	vshll.u32 v55, $0x4;
	vm6 =	vgt.f32 v26, $0.0e+00;
	[tilespmem:v24+s18+$0x0] =	vst.idx.add.s32.msk vm4, v19  }
0x1ec: {  	v59 =	vadd.s32 v7, v55;
	v25 =	vcvt.f32.s32 v51;
	[tilespmem:v24+s19+$0x0] =	vst.idx.add.f32.msk vm4, v43  }
0x1ed: {  	p1 =	sne.s32 s28, $0x1F800;
	vm13 =	vlt.s32 v57, $0xE;
	v28 =	vshll.u32 v61, $0x4;
	v21 =	vsel vm14, $0x20001, v3;
	[tilespmem:v48+s18+$0x0] =	vst.idx.add.s32.msk vm3, v42  }
.Ltmp10:
0x1ee: {  	vm0 =	vlt.s32 v25, $0xE;
	vm14 =	veq.s32 v56, v54;
	vm1 =	vgt.f32 v12, $0.0e+00;
	[tilespmem:v48+s19+$0x0] =	vst.idx.add.f32.msk vm3, v18;
	(pc) =	sbr.rel @p1 .LBB2_23-.Ltmp10, $4  }
0x1ef: {  	v15 =	vsel vm10, $0x20001, v3;
	v22 =	vnsel vm13, $0xE, v57;
	v20 =	vnsel vm0, $0xE, v25;
	[tilespmem:v63+s18+$0x0] =	vst.idx.add.s32.msk vm8, v21  }
0x1f0: {  	vm0 =	vgt.f32 v11, $0.0e+00;
	v14 =	vshll.u32 v20, $0x4;
	v20 =	vsel vm11, $0x20001, v3;
	[tilespmem:v63+s19+$0x0] =	vst.idx.add.f32.msk vm8, v49  }
0x1f1: {  	v14 =	vadd.s32 v10, v14;
	v16 =	vshll.u32 v22, $0x4;
	vm2 =	vgt.f32 v13, $0.0e+00;
	[tilespmem:v59+s18+$0x0] =	vst.idx.add.s32.msk vm6, v20  }
0x1f2: {  	s28 =	sadd.s32 $0x800, s28;
	v19 =	vadd.s32 v8, v28;
	v17 =	vadd.s32 v9, v16;
	v16 =	vsel vm14, $0x20001, v3;
	[tilespmem:v59+s19+$0x0] =	vst.idx.add.f32.msk vm6, v26  }
0x1f3: {  	_ =	sdelay $0x4  }
0x1f4: {  	[tilespmem:v19+s18+$0x0] =	vst.idx.add.s32.msk vm0, v15  }
0x1f5: {  	[tilespmem:v19+s19+$0x0] =	vst.idx.add.f32.msk vm0, v11  }
0x1f6: {  	[tilespmem:v17+s18+$0x0] =	vst.idx.add.s32.msk vm1, v16  }
0x1f7: {  	[tilespmem:v17+s19+$0x0] =	vst.idx.add.f32.msk vm1, v12  }
0x1f8: {  	[tilespmem:v14+s18+$0x0] =	vst.idx.add.s32.msk vm2, v23  }
0x1f9: {  	[tilespmem:v14+s19+$0x0] =	vst.idx.add.f32.msk vm2, v13  }
0x1fa: {  	_ =	swait.ge [sflag:s20], $0x4000  }
0x1fb: {  	[sflag:s20] =	ssyncset.done $0x0  }
0x1fc: {  	[sflag:s20] =	ssyncadd.s32 $0xFFFFC000  }
0x1fd: {  	_ =	swait.ge [sflag:s20], $0x4000  }
.Ltmp11:
0x1fe: {  	[sflag:s20] =	ssyncset.done $0x0;
	(pc) =	sbr.rel @p0 .LBB2_32-.Ltmp11, $4  }
0x1ff: {  	[sflag:s20] =	ssyncadd.s32 $0xFFFFC000  }
0x200: {  	_ =	swait.ge [sflag:s20], $0x4000  }
0x201: {  	[sflag:s20] =	ssyncset.done $0x0  }
0x202: {  	[sflag:s20] =	ssyncadd.s32 $0xFFFFC000  }
0x203: {  	s0 =	sadd.s32 s26, s13  }
0x204: {  	s26 =	sshrl.u32 s0, $0x3  }
0x205: {  	s29 =	simm.s32 $0x80;
	s28 =	sadd.s32 s1, s26  }
0x206: {  	s30 =	simm.s32 $0x10;
	s3 =	simm.s32 $0x180;
	s0 =	sadd.s32 $0x0, s28  }
.LBB2_26:
0x207: {  	[tilespmem:s29], [sflag:$0x2] =	stream.linear.gather [hbm4b:s0+s5], $0x80, $0x38;
	[tilespmem:$0x19000] =	vst v63  }
0x208: {  	s0 =	smov.u32 s30;
	s29 =	smov.u32 s3;
	p0 =	sne.s32 s30, $0x7F0  }
.Ltmp12:
0x209: {  	s30 =	sadd.s32 $0x10, s30;
	(pc) =	sbr.rel @p0 .LBB2_26-.Ltmp12, $2  }
0x20a: {  	_ =	sdelay $0x2  }
0x20b: {  	s3 =	sadd.s32 $0x100, s3;
	s0 =	sadd.s32 s0, s28  }
0x20c: {  	[tilespmem:s29], [sflag:$0x2] =	stream.linear.gather [hbm4b:s0+s5], $0x80, $0x38;
	[tilespmem:$0x19000] =	vst v63  }
0x20d: {  	s28 =	sadd.s32 s2, s26;
	s29 =	simm.s32 $0x8080  }
0x20e: {  	s30 =	simm.s32 $0x10;
	s3 =	simm.s32 $0x8180;
	s0 =	sadd.s32 $0x0, s28  }
.LBB2_28:
0x20f: {  	[tilespmem:s29], [sflag:$0x2] =	stream.linear.gather [hbm4b:s0+s5], $0x80, $0x38;
	[tilespmem:$0x19000] =	vst v63  }
0x210: {  	s0 =	smov.u32 s30;
	s29 =	smov.u32 s3;
	p0 =	sne.s32 s30, $0x7F0  }
.Ltmp13:
0x211: {  	s30 =	sadd.s32 $0x10, s30;
	(pc) =	sbr.rel @p0 .LBB2_28-.Ltmp13, $2  }
0x212: {  	_ =	sdelay $0x2  }
0x213: {  	s3 =	sadd.s32 $0x100, s3;
	s0 =	sadd.s32 s0, s28  }
0x214: {  	[tilespmem:s29], [sflag:$0x2] =	stream.linear.gather [hbm4b:s0+s5], $0x80, $0x38;
	[tilespmem:$0x19000] =	vst v63  }
0x215: {  	s26 =	sadd.s32 s4, s26;
	s28 =	simm.s32 $0x10080  }
0x216: {  	s29 =	simm.s32 $0x10;
	s3 =	simm.s32 $0x10180;
	s0 =	sadd.s32 $0x0, s26  }
.LBB2_30:
0x217: {  	[tilespmem:s28], [sflag:$0x2] =	stream.linear.gather [hbm4b:s0+s5], $0x80, $0x38;
	[tilespmem:$0x19000] =	vst v63  }
0x218: {  	s0 =	smov.u32 s29;
	s28 =	smov.u32 s3;
	p0 =	sne.s32 s29, $0x7F0  }
.Ltmp14:
0x219: {  	s29 =	sadd.s32 $0x10, s29;
	(pc) =	sbr.rel @p0 .LBB2_30-.Ltmp14, $2  }
0x21a: {  	_ =	sdelay $0x2  }
0x21b: {  	s3 =	sadd.s32 $0x100, s3;
	s0 =	sadd.s32 s0, s26  }
0x21c: {  	[tilespmem:s28], [sflag:$0x2] =	stream.linear.gather [hbm4b:s0+s5], $0x80, $0x38;
	[tilespmem:$0x19000] =	vst v63  }
.LBB2_32:
0x21d: {  	s26 =	simm.s32 $0x0  }
0x21e: {  	v19 =	vld [tilespmem:s26+$0xC0]  }
0x21f: {  	v11 =	vld [tilespmem:s26+$0x8090]  }
0x220: {  	v12 =	vld [tilespmem:s26+$0x10090]  }
0x221: {  	v13 =	vld [tilespmem:s26+$0x80A0]  }
0x222: {  	v30 =	vld [tilespmem:s26+$0x90]  }
0x223: {  	v28 =	vld [tilespmem:s26+$0xA0]  }
0x224: {  	v25 =	vld [tilespmem:s26+$0xB0]  }
0x225: {  	v18 =	vld [tilespmem:s26+$0xD0]  }
0x226: {  	v17 =	vld [tilespmem:s26+$0x8180]  }
0x227: {  	v22 =	vld [tilespmem:s26+$0x10080]  }
0x228: {  	v15 =	vld [tilespmem:s26+$0xF0]  }
0x229: {  	v20 =	vld [tilespmem:s26+$0x80F0]  }
0x22a: {  	v23 =	vld [tilespmem:s26+$0x100B0]  }
0x22b: {  	v24 =	vld [tilespmem:s26+$0x80B0]  }
0x22c: {  	v26 =	vld [tilespmem:s26+$0x8080]  }
0x22d: {  	v32 =	vld [tilespmem:s26+$0x80]  }
0x22e: {  	v33 =	vld [tilespmem:s26+$0x80C0]  }
0x22f: {  	v16 =	vld [tilespmem:s26+$0x180]  }
0x230: {  	v35 =	vld [tilespmem:s26+$0x100A0]  }
0x231: {  	v21 =	vld [tilespmem:s26+$0xE0]  }
0x232: {  	v36 =	vld [tilespmem:s26+$0x100D0];
	v14 =	vmul.f32 $1.500000000e+01, v18;
	v27 =	vmul.f32 $1.500000000e+01, v28  }
0x233: {  	v41 =	vld [tilespmem:s26+$0x100C0];
	v29 =	vmul.f32 $1.500000000e+01, v25;
	v31 =	vmul.f32 $1.500000000e+01, v15  }
0x234: {  	v38 =	vld [tilespmem:s26+$0x80D0];
	vm0 =	vgt.f32 v15, $0.0e+00;
	v39 =	vmul.f32 $1.500000000e+01, v30;
	vm1 =	vgt.f32 v18, $0.0e+00  }
0x235: {  	v34 =	vld [tilespmem:s26+$0x100E0];
	vm2 =	veq.s32 v24, v23;
	vm4 =	veq.s32 v26, v22;
	vm7 =	veq.s32 v11, v12  }
0x236: {  	v42 =	vld [tilespmem:s26+$0x101A0];
	vm5 =	vgt.f32 v32, $0.0e+00;
	v45 =	vmul.f32 $1.500000000e+01, v21;
	v47 =	vmul.f32 $1.500000000e+01, v32  }
0x237: {  	v58 =	vld [tilespmem:s26+$0x190];
	vm6 =	vgt.f32 v28, $0.0e+00;
	vm13 =	veq.s32 v13, v35;
	v62 =	vmul.f32 $1.500000000e+01, v16  }
0x238: {  	v51 =	vld [tilespmem:s26+$0x101B0];
	vm14 =	veq.s32 v33, v41;
	v14 =	vtrunc.f32 v14;
	v29 =	vtrunc.f32 v29  }
0x239: {  	v55 =	vld [tilespmem:s26+$0x81E0];
	vm10 =	veq.s32 v38, v36;
	v31 =	vtrunc.f32 v31;
	v22 =	vtrunc.f32 v39  }
0x23a: {  	v56 =	vld [tilespmem:s26+$0x10180];
	v40 =	vsel vm2, $0x20001, v3;
	v43 =	vtrunc.f32 v27;
	v61 =	vtrunc.f32 v45  }
0x23b: {  	v24 =	vld [tilespmem:s26+$0x10190];
	v44 =	vsel vm4, $0x20001, v3;
	v13 =	vtrunc.f32 v47;
	v63 =	vtrunc.f32 v62  }
0x23c: {  	v26 =	vld [tilespmem:s26+$0x8190];
	vm4 =	vgt.f32 v25, $0.0e+00;
	v62 =	vmul.f32 $1.500000000e+01, v58;
	v37 =	vcvt.f32.s32 v14  }
0x23d: {  	v33 =	vld [tilespmem:s26+$0x101D0];
	v53 =	vsel vm14, $0x20001, v3;
	v29 =	vcvt.f32.s32 v29;
	v23 =	vcvt.f32.s32 v31  }
0x23e: {  	v41 =	vld [tilespmem:s26+$0x101E0];
	v54 =	vsel vm10, $0x20001, v3;
	v11 =	vcvt.f32.s32 v22;
	v22 =	vmul.f32 $1.500000000e+01, v19  }
0x23f: {  	v39 =	vld [tilespmem:s26+$0x81A0];
	v45 =	vsel vm13, $0x20001, v3;
	v43 =	vcvt.f32.s32 v43;
	v52 =	vcvt.f32.s32 v13  }
0x240: {  	v27 =	vld [tilespmem:s26+$0x101C0];
	v35 =	vcvt.f32.s32 v61;
	v36 =	vcvt.f32.s32 v63;
	vm3 =	vlt.s32 v29, $0xE  }
0x241: {  	v47 =	vld [tilespmem:s26+$0x81D0];
	vm8 =	vlt.s32 v23, $0xE;
	vm2 =	vlt.s32 v11, $0xE;
	vm9 =	vlt.s32 v37, $0xE  }
0x242: {  	v14 =	vld [tilespmem:s26+$0x1A0];
	v22 =	vtrunc.f32 v22;
	vm15 =	vlt.s32 v43, $0xE;
	vm11 =	vlt.s32 v52, $0xE  }
0x243: {  	v31 =	vld [tilespmem:s26+$0x81B0];
	vm14 =	vlt.s32 v36, $0xE;
	v12 =	vnsel vm3, $0xE, v29;
	v11 =	vnsel vm2, $0xE, v11  }
0x244: {  	v13 =	vld [tilespmem:s26+$0x1F0];
	vm2 =	vgt.f32 v16, $0.0e+00;
	vm3 =	vgt.f32 v30, $0.0e+00;
	v48 =	vcvt.f32.s32 v22  }
0x245: {  	v61 =	vld [tilespmem:s26+$0x1B0];
	v50 =	vnsel vm8, $0xE, v23;
	v23 =	vsel vm7, $0x20001, v3;
	v37 =	vnsel vm9, $0xE, v37  }
0x246: {  	v29 =	vld [tilespmem:s26+$0x81C0];
	v43 =	vnsel vm15, $0xE, v43;
	v52 =	vnsel vm11, $0xE, v52;
	v36 =	vnsel vm14, $0xE, v36  }
0x247: {  	v22 =	vld [tilespmem:s26+$0x1C0];
	v60 =	vshll.u32 v11, $0x4;
	v49 =	vshll.u32 v12, $0x4;
	v52 =	vshll.u32 v52, $0x4  }
0x248: {  	v11 =	vld [tilespmem:s26+$0x1D0];
	v43 =	vshll.u32 v43, $0x4;
	vm15 =	veq.s32 v39, v42;
	v63 =	vshll.u32 v50, $0x4  }
0x249: {  	v12 =	vld [tilespmem:s26+$0x1E0];
	v36 =	vshll.u32 v36, $0x4;
	v59 =	vmul.f32 $1.500000000e+01, v14;
	v52 =	vor.u32 v1, v52  }
0x24a: {  	v46 =	vadd.s32 v4, v60;
	vm12 =	vlt.s32 v48, $0xE;
	v60 =	vld [tilespmem:s26+$0x81F0];
	v39 =	vadd.s32 v5, v43  }
0x24b: {  	v48 =	vnsel vm12, $0xE, v48;
	vm12 =	vlt.s32 v35, $0xE;
	v38 =	vtrunc.f32 v59;
	v59 =	vld [tilespmem:s26+$0x101F0]  }
0x24c: {  	v42 =	vld [tilespmem:s26+$0x80E0];
	v49 =	vadd.s32 v6, v49;
	vm14 =	vgt.f32 v14, $0.0e+00;
	v35 =	vnsel vm12, $0xE, v35  }
0x24d: {  	v43 =	vld [tilespmem:s26+$0x100F0];
	v48 =	vshll.u32 v48, $0x4;
	v38 =	vcvt.f32.s32 v38;
	v57 =	vmul.f32 $1.500000000e+01, v22  }
0x24e: {  	vm12 =	vgt.f32 v19, $0.0e+00;
	v48 =	vadd.s32 v7, v48;
	v35 =	vshll.u32 v35, $0x4;
	[tilespmem:v52+s18+$0x0] =	vst.idx.add.s32.msk vm5, v44  }
0x24f: {  	v50 =	vmul.f32 $1.500000000e+01, v12;
	vm13 =	vlt.s32 v38, $0xE;
	v57 =	vtrunc.f32 v57;
	[tilespmem:v52+s19+$0x0] =	vst.idx.add.f32.msk vm5, v32  }
0x250: {  	v38 =	vnsel vm13, $0xE, v38;
	vm13 =	veq.s32 v60, v59;
	v60 =	vtrunc.f32 v62;
	[tilespmem:v46+s18+$0x0] =	vst.idx.add.s32.msk vm3, v23  }
0x251: {  	v35 =	vadd.s32 v9, v35;
	v57 =	vcvt.f32.s32 v57;
	v44 =	vcvt.f32.s32 v60;
	[tilespmem:v46+s19+$0x0] =	vst.idx.add.f32.msk vm3, v30  }
0x252: {  	v32 =	vsel vm15, $0x20001, v3;
	v62 =	vshll.u32 v37, $0x4;
	vm3 =	veq.s32 v42, v34;
	[tilespmem:v39+s18+$0x0] =	vst.idx.add.s32.msk vm6, v45  }
0x253: {  	v30 =	vadd.s32 v8, v62;
	v34 =	vsel vm3, $0x20001, v3;
	vm3 =	vlt.s32 v44, $0xE;
	[tilespmem:v39+s19+$0x0] =	vst.idx.add.f32.msk vm6, v28  }
0x254: {  	v46 =	vmul.f32 $1.500000000e+01, v11;
	v45 =	vnsel vm3, $0xE, v44;
	vm3 =	vgt.f32 v21, $0.0e+00;
	[tilespmem:v49+s18+$0x0] =	vst.idx.add.s32.msk vm4, v40  }
0x255: {  	v52 =	vmul.f32 $1.500000000e+01, v61;
	vm15 =	vgt.f32 v22, $0.0e+00;
	vm11 =	vlt.s32 v57, $0xE;
	[tilespmem:v49+s19+$0x0] =	vst.idx.add.f32.msk vm4, v25  }
0x256: {  	v23 =	vsel vm13, $0x20001, v3;
	v57 =	vnsel vm11, $0xE, v57;
	v39 =	vtrunc.f32 v46;
	[tilespmem:v48+s18+$0x0] =	vst.idx.add.s32.msk vm12, v53  }
0x257: {  	v28 =	vadd.s32 v10, v63;
	v40 =	vtrunc.f32 v52;
	v49 =	vshll.u32 v38, $0x4;
	[tilespmem:v48+s19+$0x0] =	vst.idx.add.f32.msk vm12, v19  }
0x258: {  	v60 =	vcvt.f32.s32 v39;
	v59 =	vshll.u32 v45, $0x4;
	v25 =	vadd.s32 v5, v49;
	[tilespmem:v30+s18+$0x0] =	vst.idx.add.s32.msk vm1, v54  }
0x259: {  	v53 =	vshll.u32 v57, $0x4;
	[tilespmem:v30+s19+$0x0] =	vst.idx.add.f32.msk vm1, v18;
	vm1 =	veq.s32 v20, v43;
	v20 =	vor.u32 v1, v36  }
0x25a: {  	v18 =	vcvt.f32.s32 v40;
	v57 =	vsel vm1, $0x20001, v3;
	vm1 =	vgt.f32 v58, $0.0e+00;
	[tilespmem:v35+s18+$0x0] =	vst.idx.add.s32.msk vm3, v34  }
0x25b: {  	v19 =	vtrunc.f32 v50;
	[tilespmem:v35+s19+$0x0] =	vst.idx.add.f32.msk vm3, v21;
	vm3 =	veq.s32 v17, v56;
	v17 =	vadd.s32 v4, v59  }
0x25c: {  	v63 =	vadd.s32 v7, v53;
	v62 =	vsel vm3, $0x20001, v3;
	vm3 =	vlt.s32 v18, $0xE;
	[tilespmem:v28+s18+$0x0] =	vst.idx.add.s32.msk vm0, v57  }
0x25d: {  	v21 =	vmul.f32 $1.500000000e+01, v13;
	v18 =	vnsel vm3, $0xE, v18;
	vm3 =	veq.s32 v26, v24;
	[tilespmem:v28+s19+$0x0] =	vst.idx.add.f32.msk vm0, v15  }
0x25e: {  	v15 =	vsel vm3, $0x20001, v3;
	vm3 =	vgt.f32 v61, $0.0e+00;
	v18 =	vshll.u32 v18, $0x4;
	[tilespmem:v20+s18+$0x0] =	vst.idx.add.s32.msk vm2, v62  }
0x25f: {  	v19 =	vcvt.f32.s32 v19;
	vm0 =	veq.s32 v31, v51;
	[tilespmem:v20+s19+$0x0] =	vst.idx.add.f32.msk vm2, v16;
	v18 =	vadd.s32 v6, v18  }
0x260: {  	vm2 =	vlt.s32 v60, $0xE;
	v16 =	vtrunc.f32 v21;
	v20 =	vsel vm0, $0x20001, v3;
	[tilespmem:v17+s18+$0x0] =	vst.idx.add.s32.msk vm1, v15  }
0x261: {  	vm0 =	veq.s32 v47, v33;
	v21 =	vnsel vm2, $0xE, v60;
	v16 =	vcvt.f32.s32 v16;
	[tilespmem:v17+s19+$0x0] =	vst.idx.add.f32.msk vm1, v58  }
0x262: {  	v15 =	vsel vm0, $0x20001, v3;
	vm0 =	veq.s32 v29, v27;
	vm1 =	vlt.s32 v19, $0xE;
	[tilespmem:v25+s18+$0x0] =	vst.idx.add.s32.msk vm14, v32  }
0x263: {  	vm2 =	veq.s32 v55, v41;
	v17 =	vnsel vm1, $0xE, v19;
	vm1 =	vlt.s32 v16, $0xE;
	[tilespmem:v25+s19+$0x0] =	vst.idx.add.f32.msk vm14, v14  }
0x264: {  	v19 =	vsel vm0, $0x20001, v3;
	vm0 =	vgt.f32 v11, $0.0e+00;
	v14 =	vnsel vm1, $0xE, v16;
	[tilespmem:v18+s18+$0x0] =	vst.idx.add.s32.msk vm3, v20  }
0x265: {  	v16 =	vsel vm2, $0x20001, v3;
	vm1 =	vgt.f32 v12, $0.0e+00;
	v17 =	vshll.u32 v17, $0x4;
	[tilespmem:v18+s19+$0x0] =	vst.idx.add.f32.msk vm3, v61  }
0x266: {  	v20 =	vshll.u32 v21, $0x4;
	v14 =	vshll.u32 v14, $0x4;
	v17 =	vadd.s32 v9, v17;
	[tilespmem:v63+s18+$0x0] =	vst.idx.add.s32.msk vm15, v19  }
0x267: {  	s26 =	simm.s32 $0x800;
	vm2 =	vgt.f32 v13, $0.0e+00;
	v14 =	vadd.s32 v10, v14;
	v19 =	vadd.s32 v8, v20;
	[tilespmem:v63+s19+$0x0] =	vst.idx.add.f32.msk vm15, v22  }
.LBB2_33:
0x268: {  	_ =	sdelay $0x3  }
0x269: {  	s28 =	sshra.s32 s26, $0x2;
	[tilespmem:v19+s18+$0x0] =	vst.idx.add.s32.msk vm0, v15  }
0x26a: {  	v15 =	vld [tilespmem:s28+$0xC0]  }
0x26b: {  	[tilespmem:v19+s19+$0x0] =	vst.idx.add.f32.msk vm0, v11  }
0x26c: {  	[tilespmem:v17+s18+$0x0] =	vst.idx.add.s32.msk vm1, v16  }
0x26d: {  	[tilespmem:v17+s19+$0x0] =	vst.idx.add.f32.msk vm1, v12  }
0x26e: {  	[tilespmem:v14+s18+$0x0] =	vst.idx.add.s32.msk vm2, v23  }
0x26f: {  	[tilespmem:v14+s19+$0x0] =	vst.idx.add.f32.msk vm2, v13  }
0x270: {  	v11 =	vld [tilespmem:s28+$0x8090]  }
0x271: {  	v12 =	vld [tilespmem:s28+$0x10090]  }
0x272: {  	v13 =	vld [tilespmem:s28+$0x80A0]  }
0x273: {  	v24 =	vld [tilespmem:s28+$0x90]  }
0x274: {  	v21 =	vld [tilespmem:s28+$0xA0]  }
0x275: {  	v19 =	vld [tilespmem:s28+$0xB0]  }
0x276: {  	v16 =	vld [tilespmem:s28+$0xD0]  }
0x277: {  	v20 =	vld [tilespmem:s28+$0x8180]  }
0x278: {  	v18 =	vld [tilespmem:s28+$0x10080]  }
0x279: {  	v14 =	vld [tilespmem:s28+$0xF0]  }
0x27a: {  	v25 =	vld [tilespmem:s28+$0x80F0]  }
0x27b: {  	v22 =	vld [tilespmem:s28+$0x100B0]  }
0x27c: {  	v26 =	vld [tilespmem:s28+$0x80B0]  }
0x27d: {  	v28 =	vld [tilespmem:s28+$0x8080]  }
0x27e: {  	v23 =	vld [tilespmem:s28+$0x80]  }
0x27f: {  	v31 =	vld [tilespmem:s28+$0x80C0]  }
0x280: {  	v59 =	vld [tilespmem:s28+$0x100A0]  }
0x281: {  	v35 =	vld [tilespmem:s28+$0x80D0]  }
0x282: {  	v36 =	vld [tilespmem:s28+$0x10190]  }
0x283: {  	v38 =	vld [tilespmem:s28+$0x8190]  }
0x284: {  	v40 =	vld [tilespmem:s28+$0x81A0]  }
0x285: {  	v60 =	vmul.f32 $1.500000000e+01, v15;
	v42 =	vld [tilespmem:s28+$0x100C0]  }
0x286: {  	v0 =	vimm.s32 $0x0;
	v43 =	vld [tilespmem:s28+$0x101A0];
	v17 =	vmul.f32 $1.500000000e+01, v16;
	v29 =	vmul.f32 $1.500000000e+01, v21  }
0x287: {  	v45 =	vld [tilespmem:s28+$0x101C0];
	v27 =	vmul.f32 $1.500000000e+01, v19;
	v30 =	vmul.f32 $1.500000000e+01, v14;
	vm0 =	vgt.f32 v14, $0.0e+00  }
0x288: {  	v47 =	vld [tilespmem:s28+$0x81C0];
	v34 =	vmul.f32 $1.500000000e+01, v24;
	vm1 =	vgt.f32 v16, $0.0e+00;
	vm2 =	veq.s32 v26, v22  }
0x289: {  	v49 =	vld [tilespmem:s28+$0x101D0];
	vm4 =	veq.s32 v28, v18;
	vm3 =	veq.s32 v11, v12;
	vm6 =	vgt.f32 v23, $0.0e+00  }
0x28a: {  	v51 =	vld [tilespmem:s28+$0x81D0];
	vm7 =	vgt.f32 v24, $0.0e+00;
	v41 =	vmul.f32 $1.500000000e+01, v23;
	vm8 =	vgt.f32 v21, $0.0e+00  }
0x28b: {  	v54 =	vld [tilespmem:s28+$0x101E0];
	vm11 =	veq.s32 v13, v59;
	vm15 =	veq.s32 v40, v43;
	v17 =	vtrunc.f32 v17  }
0x28c: {  	v56 =	vld [tilespmem:s28+$0x81E0];
	v0 =	vsel vm0, $0xFFFFFFFF, v0;
	v32 =	vtrunc.f32 v27;
	v30 =	vtrunc.f32 v30  }
0x28d: {  	v22 =	vld [tilespmem:s28+$0xE0];
	v28 =	vsel vm2, $0x20001, v3;
	v18 =	vtrunc.f32 v34;
	v34 =	vtrunc.f32 v60  }
0x28e: {  	v12 =	vld [tilespmem:s28+$0x100D0];
	v39 =	vsel vm4, $0x20001, v3;
	v37 =	vtrunc.f32 v29;
	v62 =	vtrunc.f32 v41  }
0x28f: {  	v59 =	vld [tilespmem:s28+$0x101F0];
	vm4 =	vgt.f32 v19, $0.0e+00;
	v33 =	vcvt.f32.s32 v17;
	v32 =	vcvt.f32.s32 v32  }
0x290: {  	v43 =	vld [tilespmem:s28+$0x190];
	v44 =	vsel vm3, $0x20001, v3;
	v58 =	vcvt.f32.s32 v30;
	v11 =	vcvt.f32.s32 v18  }
0x291: {  	v46 =	vsel vm11, $0x20001, v3;
	v27 =	vld [tilespmem:s28+$0x100E0];
	v34 =	vcvt.f32.s32 v34;
	v37 =	vcvt.f32.s32 v37  }
0x292: {  	v17 =	vld [tilespmem:s28+$0x180];
	vm5 =	vlt.s32 v32, $0xE;
	vm9 =	vlt.s32 v58, $0xE;
	vm2 =	vlt.s32 v11, $0xE  }
0x293: {  	v18 =	vld [tilespmem:s28+$0x1A0];
	vm12 =	vlt.s32 v34, $0xE;
	vm11 =	veq.s32 v35, v12;
	v32 =	vnsel vm5, $0xE, v32  }
0x294: {  	[tilespmem:$0x1FFE0] =	vst v0;
	v30 =	vld [tilespmem:s28+$0x81B0];
	vm5 =	vlt.s32 v33, $0xE;
	v11 =	vnsel vm2, $0xE, v11;
	v34 =	vnsel vm12, $0xE, v34  }
0x295: {  	v0 =	vld [tilespmem:$0x1FFE0];
	vm12 =	veq.s32 v31, v42;
	v11 =	vshll.u32 v11, $0x4;
	v12 =	vnsel vm5, $0xE, v33  }
0x296: {  	v42 =	vld [tilespmem:s28+$0x101B0];
	v33 =	vcvt.f32.s32 v62;
	v29 =	vadd.s32 v4, v11;
	v11 =	vmul.f32 $1.500000000e+01, v22  }
0x297: {  	vm10 =	vlt.s32 v37, $0xE;
	v26 =	vnsel vm9, $0xE, v58;
	v63 =	vshll.u32 v12, $0x4;
	v12 =	vld [tilespmem:s28+$0x1E0]  }
0x298: {  	vm9 =	vgt.f32 v15, $0.0e+00;
	vm13 =	vlt.s32 v33, $0xE;
	v13 =	vtrunc.f32 v11;
	v11 =	vld [tilespmem:s28+$0x1D0]  }
0x299: {  	v52 =	vsel vm11, $0x20001, v3;
	v37 =	vnsel vm10, $0xE, v37;
	v58 =	vld [tilespmem:s28+$0x10180];
	v33 =	vnsel vm13, $0xE, v33  }
0x29a: {  	vm10 =	veq.s32 v51, v49;
	v49 =	vld [tilespmem:s28+$0x1B0];
	v61 =	vmul.f32 $1.500000000e+01, v17;
	v33 =	vshll.u32 v33, $0x4  }
0x29b: {  	v51 =	vld [tilespmem:s28+$0x80E0];
	v32 =	vshll.u32 v32, $0x4;
	v35 =	vshll.u32 v26, $0x4;
	v33 =	vor.u32 v1, v33  }
0x29c: {  	v26 =	vld [tilespmem:s28+$0x1C0];
	v34 =	vshll.u32 v34, $0x4;
	v48 =	vmul.f32 $1.500000000e+01, v18;
	v31 =	vtrunc.f32 v61  }
0x29d: {  	vm5 =	vgt.f32 v22, $0.0e+00;
	v61 =	vld [tilespmem:s28+$0x81F0];
	v60 =	vmul.f32 $1.500000000e+01, v12;
	v57 =	vmul.f32 $1.500000000e+01, v11  }
0x29e: {  	v37 =	vshll.u32 v37, $0x4;
	v48 =	vtrunc.f32 v48;
	v53 =	vcvt.f32.s32 v13;
	v13 =	vld [tilespmem:s28+$0x1F0]  }
0x29f: {  	v37 =	vadd.s32 v5, v37;
	v40 =	vtrunc.f32 v57;
	v57 =	vtrunc.f32 v60;
	v60 =	vld [tilespmem:s28+$0x100F0]  }
0x2a0: {  	v50 =	vsel vm12, $0x20001, v3;
	v34 =	vadd.s32 v7, v34;
	v48 =	vcvt.f32.s32 v48;
	[tilespmem:v33+s18+$0x0] =	vst.idx.add.s32.msk vm6, v39  }
0x2a1: {  	v32 =	vadd.s32 v6, v32;
	v41 =	vadd.s32 v8, v63;
	v31 =	vcvt.f32.s32 v31;
	[tilespmem:v33+s19+$0x0] =	vst.idx.add.f32.msk vm6, v23  }
0x2a2: {  	v55 =	vmul.f32 $1.500000000e+01, v26;
	vm13 =	vlt.s32 v53, $0xE;
	vm14 =	vlt.s32 v48, $0xE;
	[tilespmem:v29+s18+$0x0] =	vst.idx.add.s32.msk vm7, v44  }
0x2a3: {  	vm11 =	vlt.s32 v31, $0xE;
	v53 =	vnsel vm13, $0xE, v53;
	v48 =	vnsel vm14, $0xE, v48;
	[tilespmem:v29+s19+$0x0] =	vst.idx.add.f32.msk vm7, v24  }
0x2a4: {  	v31 =	vnsel vm11, $0xE, v31;
	vm14 =	veq.s32 v30, v42;
	v42 =	vsel vm15, $0x20001, v3;
	[tilespmem:v37+s18+$0x0] =	vst.idx.add.s32.msk vm8, v46  }
0x2a5: {  	vm0 =	veq.s32 v61, v59;
	v39 =	vmul.f32 $1.500000000e+01, v43;
	[tilespmem:v37+s19+$0x0] =	vst.idx.add.f32.msk vm8, v21;
	v21 =	vmul.f32 $1.500000000e+01, v49  }
0x2a6: {  	vm11 =	veq.s32 v47, v45;
	v40 =	vcvt.f32.s32 v40;
	v23 =	vsel vm0, $0x20001, v3;
	[tilespmem:v32+s18+$0x0] =	vst.idx.add.s32.msk vm4, v28  }
0x2a7: {  	vm0 =	veq.s32 v20, v58;
	v47 =	vtrunc.f32 v39;
	[tilespmem:v32+s19+$0x0] =	vst.idx.add.f32.msk vm4, v19;
	v20 =	vtrunc.f32 v21  }
0x2a8: {  	vm15 =	vlt.s32 v40, $0xE;
	v24 =	vcvt.f32.s32 v47;
	[tilespmem:v34+s18+$0x0] =	vst.idx.add.s32.msk vm9, v50;
	v20 =	vcvt.f32.s32 v20  }
0x2a9: {  	v61 =	vnsel vm15, $0xE, v40;
	vm7 =	veq.s32 v25, v60;
	v60 =	vshll.u32 v53, $0x4;
	[tilespmem:v34+s19+$0x0] =	vst.idx.add.f32.msk vm9, v15  }
0x2aa: {  	v19 =	vadd.s32 v9, v60;
	v15 =	vshll.u32 v31, $0x4;
	[tilespmem:v41+s18+$0x0] =	vst.idx.add.s32.msk vm1, v52;
	vm15 =	vlt.s32 v20, $0xE  }
0x2ab: {  	[tilespmem:v41+s19+$0x0] =	vst.idx.add.f32.msk vm1, v16;
	v16 =	vor.u32 v1, v15;
	v15 =	vnsel vm15, $0xE, v20;
	vm15 =	vnez.u8 v0  }
0x2ac: {  	vm2 =	vgt.f32 v17, $0.0e+00;
	v35 =	vadd.s32 v10, v35  }
0x2ad: {  	v55 =	vtrunc.f32 v55;
	vm6 =	veq.s32 v51, v27;
	vm8 =	vlt.s32 v24, $0xE  }
0x2ae: {  	v48 =	vshll.u32 v48, $0x4;
	v27 =	vsel vm6, $0x20001, v3;
	v24 =	vnsel vm8, $0xE, v24  }
0x2af: {  	v55 =	vcvt.f32.s32 v55;
	vm4 =	vgt.f32 v43, $0.0e+00;
	v24 =	vshll.u32 v24, $0x4;
	[tilespmem:v19+s18+$0x0] =	vst.idx.add.s32.msk vm5, v27  }
0x2b0: {  	v62 =	vmul.f32 $1.500000000e+01, v13;
	v24 =	vadd.s32 v4, v24;
	v20 =	vsel vm7, $0x20001, v3;
	[tilespmem:v19+s19+$0x0] =	vst.idx.add.f32.msk vm5, v22  }
0x2b1: {  	vm3 =	vgt.f32 v18, $0.0e+00;
	v48 =	vadd.s32 v5, v48;
	vm12 =	vlt.s32 v55, $0xE;
	[tilespmem:v35+s18+$0x0] =	vst.idx.add.s32.msk vm15, v20  }
0x2b2: {  	v55 =	vnsel vm12, $0xE, v55;
	v51 =	vtrunc.f32 v62;
	v62 =	vsel vm0, $0x20001, v3;
	[tilespmem:v35+s19+$0x0] =	vst.idx.add.f32.msk vm15, v14  }
0x2b3: {  	vm12 =	veq.s32 v38, v36;
	vm8 =	vgt.f32 v49, $0.0e+00;
	v15 =	vshll.u32 v15, $0x4;
	[tilespmem:v16+s18+$0x0] =	vst.idx.add.s32.msk vm2, v62  }
0x2b4: {  	v63 =	vadd.s32 v6, v15;
	v19 =	vsel vm12, $0x20001, v3;
	[tilespmem:v16+s19+$0x0] =	vst.idx.add.f32.msk vm2, v17  }
0x2b5: {  	v57 =	vcvt.f32.s32 v57;
	v55 =	vshll.u32 v55, $0x4;
	vm6 =	vgt.f32 v26, $0.0e+00;
	[tilespmem:v24+s18+$0x0] =	vst.idx.add.s32.msk vm4, v19  }
0x2b6: {  	v59 =	vadd.s32 v7, v55;
	v25 =	vcvt.f32.s32 v51;
	[tilespmem:v24+s19+$0x0] =	vst.idx.add.f32.msk vm4, v43  }
0x2b7: {  	p0 =	sne.s32 s26, $0x1F800;
	vm13 =	vlt.s32 v57, $0xE;
	v28 =	vshll.u32 v61, $0x4;
	v21 =	vsel vm14, $0x20001, v3;
	[tilespmem:v48+s18+$0x0] =	vst.idx.add.s32.msk vm3, v42  }
.Ltmp15:
0x2b8: {  	vm0 =	vlt.s32 v25, $0xE;
	vm14 =	veq.s32 v56, v54;
	vm1 =	vgt.f32 v12, $0.0e+00;
	[tilespmem:v48+s19+$0x0] =	vst.idx.add.f32.msk vm3, v18;
	(pc) =	sbr.rel @p0 .LBB2_33-.Ltmp15, $4  }
0x2b9: {  	v15 =	vsel vm10, $0x20001, v3;
	v22 =	vnsel vm13, $0xE, v57;
	v20 =	vnsel vm0, $0xE, v25;
	[tilespmem:v63+s18+$0x0] =	vst.idx.add.s32.msk vm8, v21  }
0x2ba: {  	vm0 =	vgt.f32 v11, $0.0e+00;
	v14 =	vshll.u32 v20, $0x4;
	v20 =	vsel vm11, $0x20001, v3;
	[tilespmem:v63+s19+$0x0] =	vst.idx.add.f32.msk vm8, v49  }
0x2bb: {  	v14 =	vadd.s32 v10, v14;
	v16 =	vshll.u32 v22, $0x4;
	vm2 =	vgt.f32 v13, $0.0e+00;
	[tilespmem:v59+s18+$0x0] =	vst.idx.add.s32.msk vm6, v20  }
0x2bc: {  	s26 =	sadd.s32 $0x800, s26;
	v19 =	vadd.s32 v8, v28;
	v17 =	vadd.s32 v9, v16;
	v16 =	vsel vm14, $0x20001, v3;
	[tilespmem:v59+s19+$0x0] =	vst.idx.add.f32.msk vm6, v26  }
0x2bd: {  	_ =	sdelay $0x3  }
0x2be: {  	s25 =	sadd.s32 $0x1, s25  }
0x2bf: {  	[tilespmem:v19+s18+$0x0] =	vst.idx.add.s32.msk vm0, v15;
	p0 =	sne.s32 s25, $0x3  }
.Ltmp16:
0x2c0: {  	[tilespmem:v19+s19+$0x0] =	vst.idx.add.f32.msk vm0, v11;
	(pc) =	sbr.rel @p0 .LBB2_14-.Ltmp16, $4  }
0x2c1: {  	[tilespmem:v17+s18+$0x0] =	vst.idx.add.s32.msk vm1, v16  }
0x2c2: {  	[tilespmem:v17+s19+$0x0] =	vst.idx.add.f32.msk vm1, v12  }
0x2c3: {  	[tilespmem:v14+s18+$0x0] =	vst.idx.add.s32.msk vm2, v23  }
0x2c4: {  	[tilespmem:v14+s19+$0x0] =	vst.idx.add.f32.msk vm2, v13  }
0x2c5: {  	v0 =	vld [tilespmem:$0x185A0];
	_ =	sdelay $0x2  }
0x2c6: {  	v46 =	vld [tilespmem:$0x18000]  }
0x2c7: {  	v23 =	vld [tilespmem:$0x18800]  }
0x2c8: {  	[tilespmem:$0x1F7D0] =	vst v0;
	v0 =	vld [tilespmem:$0x18DA0]  }
0x2c9: {  	v37 =	vld [tilespmem:$0x180F0]  }
0x2ca: {  	v20 =	vld [tilespmem:$0x188F0]  }
0x2cb: {  	v41 =	vld [tilespmem:$0x181E0]  }
0x2cc: {  	v22 =	vld [tilespmem:$0x189E0]  }
0x2cd: {  	[tilespmem:$0x1F7E0] =	vst v0;
	v0 =	vld [tilespmem:$0x18690]  }
0x2ce: {  	v47 =	vld [tilespmem:$0x182D0]  }
0x2cf: {  	v27 =	vld [tilespmem:$0x18AD0]  }
0x2d0: {  	v53 =	vld [tilespmem:$0x183C0]  }
0x2d1: {  	v33 =	vld [tilespmem:$0x18BC0]  }
0x2d2: {  	[tilespmem:$0x1F7F0] =	vst v0;
	v0 =	vld [tilespmem:$0x18E90]  }
0x2d3: {  	v58 =	vld [tilespmem:$0x184B0]  }
0x2d4: {  	v57 =	vld [tilespmem:$0x18CB0]  }
0x2d5: {  	v38 =	vld [tilespmem:$0x18010]  }
0x2d6: {  	v15 =	vld [tilespmem:$0x18810]  }
0x2d7: {  	[tilespmem:$0x1F800] =	vst v0;
	v0 =	vld [tilespmem:$0x18CC0]  }
0x2d8: {  	v30 =	vld [tilespmem:$0x18100]  }
0x2d9: {  	v13 =	vld [tilespmem:$0x18900]  }
0x2da: {  	v32 =	vld [tilespmem:$0x181F0]  }
0x2db: {  	v17 =	vld [tilespmem:$0x189F0]  }
0x2dc: {  	[tilespmem:$0x1F810] =	vst v0;
	v0 =	vld [tilespmem:$0x185B0]  }
0x2dd: {  	v44 =	vld [tilespmem:$0x182E0]  }
0x2de: {  	v28 =	vld [tilespmem:$0x18AE0]  }
0x2df: {  	v48 =	vld [tilespmem:$0x183D0]  }
0x2e0: {  	v45 =	vld [tilespmem:$0x18BD0]  }
0x2e1: {  	v63 =	vld [tilespmem:$0x184C0];
	[tilespmem:$0x1F820] =	vst v0  }
0x2e2: {  	v0 =	vld [tilespmem:$0x18DB0];
	_ =	sdelay $0x4  }
0x2e3: {  	[tilespmem:$0x1F830] =	vst v0;
	v0 =	vld [tilespmem:$0x186A0];
	_ =	sdelay $0x4  }
0x2e4: {  	[tilespmem:$0x1F840] =	vst v0;
	v0 =	vld [tilespmem:$0x18EA0];
	_ =	sdelay $0x4  }
0x2e5: {  	[tilespmem:$0x1F860] =	vst v0;
	v0 =	vld [tilespmem:$0x183E0];
	_ =	sdelay $0x4  }
0x2e6: {  	[tilespmem:$0x1F850] =	vst v0;
	v0 =	vld [tilespmem:$0x184D0];
	_ =	sdelay $0x4  }
0x2e7: {  	[tilespmem:$0x1F870] =	vst v0;
	v0 =	vld [tilespmem:$0x18CD0];
	_ =	sdelay $0x4  }
0x2e8: {  	[tilespmem:$0x1F880] =	vst v0;
	v0 =	vld [tilespmem:$0x185C0];
	_ =	sdelay $0x4  }
0x2e9: {  	[tilespmem:$0x1F890] =	vst v0;
	v0 =	vld [tilespmem:$0x18DC0];
	_ =	sdelay $0x4  }
0x2ea: {  	[tilespmem:$0x1F8B0] =	vst v0;
	v0 =	vld [tilespmem:$0x186B0];
	_ =	sdelay $0x4  }
0x2eb: {  	[tilespmem:$0x1F8D0] =	vst v0;
	v0 =	vld [tilespmem:$0x18EB0];
	_ =	sdelay $0x4  }
0x2ec: {  	[tilespmem:$0x1F900] =	vst v0;
	v0 =	vld [tilespmem:$0x18030];
	_ =	sdelay $0x4  }
0x2ed: {  	[tilespmem:$0x1F8A0] =	vst v0;
	v0 =	vld [tilespmem:$0x18210];
	_ =	sdelay $0x4  }
0x2ee: {  	[tilespmem:$0x1F8C0] =	vst v0;
	v0 =	vld [tilespmem:$0x18300];
	_ =	sdelay $0x4  }
0x2ef: {  	[tilespmem:$0x1F8E0] =	vst v0;
	v0 =	vld [tilespmem:$0x183F0];
	_ =	sdelay $0x4  }
0x2f0: {  	[tilespmem:$0x1F910] =	vst v0;
	v0 =	vld [tilespmem:$0x18BF0];
	_ =	sdelay $0x4  }
0x2f1: {  	[tilespmem:$0x1F8F0] =	vst v0;
	v0 =	vld [tilespmem:$0x184E0];
	_ =	sdelay $0x4  }
0x2f2: {  	[tilespmem:$0x1F920] =	vst v0;
	v0 =	vld [tilespmem:$0x18CE0];
	_ =	sdelay $0x4  }
0x2f3: {  	[tilespmem:$0x1F930] =	vst v0;
	v0 =	vld [tilespmem:$0x185D0];
	_ =	sdelay $0x4  }
0x2f4: {  	[tilespmem:$0x1F970] =	vst v0;
	v0 =	vld [tilespmem:$0x18DD0];
	_ =	sdelay $0x4  }
0x2f5: {  	[tilespmem:$0x1F980] =	vst v0;
	v0 =	vld [tilespmem:$0x186C0];
	_ =	sdelay $0x4  }
0x2f6: {  	[tilespmem:$0x1F9C0] =	vst v0;
	v0 =	vld [tilespmem:$0x18EC0];
	_ =	sdelay $0x4  }
0x2f7: {  	[tilespmem:$0x1F9D0] =	vst v0;
	v0 =	vld [tilespmem:$0x18040];
	_ =	sdelay $0x4  }
0x2f8: {  	[tilespmem:$0x1F940] =	vst v0;
	v0 =	vld [tilespmem:$0x18130];
	_ =	sdelay $0x4  }
0x2f9: {  	[tilespmem:$0x1F950] =	vst v0;
	v0 =	vld [tilespmem:$0x18220];
	_ =	sdelay $0x4  }
0x2fa: {  	[tilespmem:$0x1F960] =	vst v0;
	v0 =	vld [tilespmem:$0x18310];
	_ =	sdelay $0x4  }
0x2fb: {  	[tilespmem:$0x1F990] =	vst v0;
	v0 =	vld [tilespmem:$0x18400];
	_ =	sdelay $0x4  }
0x2fc: {  	[tilespmem:$0x1F9A0] =	vst v0;
	v0 =	vld [tilespmem:$0x18C00];
	_ =	sdelay $0x4  }
0x2fd: {  	[tilespmem:$0x1F9B0] =	vst v0;
	v0 =	vld [tilespmem:$0x184F0];
	_ =	sdelay $0x4  }
0x2fe: {  	[tilespmem:$0x1F9E0] =	vst v0;
	v0 =	vld [tilespmem:$0x18CF0];
	_ =	sdelay $0x4  }
0x2ff: {  	[tilespmem:$0x1F9F0] =	vst v0;
	v0 =	vld [tilespmem:$0x185E0];
	_ =	sdelay $0x4  }
0x300: {  	[tilespmem:$0x1FA20] =	vst v0;
	v0 =	vld [tilespmem:$0x18DE0];
	_ =	sdelay $0x4  }
0x301: {  	[tilespmem:$0x1FA40] =	vst v0;
	v0 =	vld [tilespmem:$0x186D0];
	_ =	sdelay $0x4  }
0x302: {  	[tilespmem:$0x1FA70] =	vst v0;
	v0 =	vld [tilespmem:$0x18ED0];
	_ =	sdelay $0x4  }
0x303: {  	[tilespmem:$0x1FA90] =	vst v0;
	v0 =	vld [tilespmem:$0x18050];
	_ =	sdelay $0x4  }
0x304: {  	[tilespmem:$0x1FA00] =	vst v0;
	v0 =	vld [tilespmem:$0x18140];
	_ =	sdelay $0x4  }
0x305: {  	[tilespmem:$0x1FA10] =	vst v0;
	v0 =	vld [tilespmem:$0x18230];
	_ =	sdelay $0x4  }
0x306: {  	[tilespmem:$0x1FA30] =	vst v0;
	v0 =	vld [tilespmem:$0x18320];
	_ =	sdelay $0x4  }
0x307: {  	[tilespmem:$0x1FA50] =	vst v0;
	v0 =	vld [tilespmem:$0x18410];
	_ =	sdelay $0x4  }
0x308: {  	[tilespmem:$0x1FA80] =	vst v0;
	v0 =	vld [tilespmem:$0x18C10];
	_ =	sdelay $0x4  }
0x309: {  	[tilespmem:$0x1FA60] =	vst v0;
	v0 =	vld [tilespmem:$0x18500];
	_ =	sdelay $0x4  }
0x30a: {  	[tilespmem:$0x1FAA0] =	vst v0;
	v0 =	vld [tilespmem:$0x18D00];
	_ =	sdelay $0x4  }
0x30b: {  	[tilespmem:$0x1FAB0] =	vst v0;
	v0 =	vld [tilespmem:$0x185F0];
	_ =	sdelay $0x4  }
0x30c: {  	[tilespmem:$0x1FAC0] =	vst v0;
	v0 =	vld [tilespmem:$0x18DF0];
	_ =	sdelay $0x4  }
0x30d: {  	[tilespmem:$0x1FB00] =	vst v0;
	v0 =	vld [tilespmem:$0x186E0];
	_ =	sdelay $0x4  }
0x30e: {  	[tilespmem:$0x1FB20] =	vst v0;
	v0 =	vld [tilespmem:$0x18EE0];
	_ =	sdelay $0x4  }
0x30f: {  	[tilespmem:$0x1FB50] =	vst v0;
	v0 =	vld [tilespmem:$0x18060];
	_ =	sdelay $0x4  }
0x310: {  	[tilespmem:$0x1FAD0] =	vst v0;
	v0 =	vld [tilespmem:$0x18150];
	_ =	sdelay $0x4  }
0x311: {  	[tilespmem:$0x1FAE0] =	vst v0;
	v0 =	vld [tilespmem:$0x18240];
	_ =	sdelay $0x4  }
0x312: {  	[tilespmem:$0x1FB10] =	vst v0;
	v0 =	vld [tilespmem:$0x18330];
	_ =	sdelay $0x4  }
0x313: {  	[tilespmem:$0x1FB30] =	vst v0;
	v0 =	vld [tilespmem:$0x18B30];
	_ =	sdelay $0x4  }
0x314: {  	[tilespmem:$0x1FAF0] =	vst v0;
	v0 =	vld [tilespmem:$0x18420];
	_ =	sdelay $0x4  }
0x315: {  	[tilespmem:$0x1FB60] =	vst v0;
	v0 =	vld [tilespmem:$0x18C20];
	_ =	sdelay $0x4  }
0x316: {  	[tilespmem:$0x1FB40] =	vst v0;
	v0 =	vld [tilespmem:$0x18510];
	_ =	sdelay $0x4  }
0x317: {  	[tilespmem:$0x1FB80] =	vst v0;
	v0 =	vld [tilespmem:$0x18D10];
	_ =	sdelay $0x4  }
0x318: {  	[tilespmem:$0x1FB90] =	vst v0;
	v0 =	vld [tilespmem:$0x18600];
	_ =	sdelay $0x4  }
0x319: {  	[tilespmem:$0x1FBC0] =	vst v0;
	v0 =	vld [tilespmem:$0x18E00];
	_ =	sdelay $0x4  }
0x31a: {  	[tilespmem:$0x1FBF0] =	vst v0;
	v0 =	vld [tilespmem:$0x186F0];
	_ =	sdelay $0x4  }
0x31b: {  	[tilespmem:$0x1FC20] =	vst v0;
	v0 =	vld [tilespmem:$0x18EF0];
	_ =	sdelay $0x4  }
0x31c: {  	[tilespmem:$0x1FC50] =	vst v0;
	v0 =	vld [tilespmem:$0x18070];
	_ =	sdelay $0x4  }
0x31d: {  	[tilespmem:$0x1FBA0] =	vst v0;
	v0 =	vld [tilespmem:$0x18160];
	_ =	sdelay $0x4  }
0x31e: {  	[tilespmem:$0x1FBB0] =	vst v0;
	v0 =	vld [tilespmem:$0x18250];
	_ =	sdelay $0x4  }
0x31f: {  	[tilespmem:$0x1FBD0] =	vst v0;
	v0 =	vld [tilespmem:$0x18A50];
	_ =	sdelay $0x4  }
0x320: {  	[tilespmem:$0x1FB70] =	vst v0;
	v0 =	vld [tilespmem:$0x18340];
	_ =	sdelay $0x4  }
0x321: {  	[tilespmem:$0x1FC00] =	vst v0;
	v0 =	vld [tilespmem:$0x18B40];
	_ =	sdelay $0x4  }
0x322: {  	[tilespmem:$0x1FBE0] =	vst v0;
	v0 =	vld [tilespmem:$0x18430];
	_ =	sdelay $0x4  }
0x323: {  	[tilespmem:$0x1FC30] =	vst v0;
	v0 =	vld [tilespmem:$0x18C30];
	_ =	sdelay $0x4  }
0x324: {  	[tilespmem:$0x1FC40] =	vst v0;
	v0 =	vld [tilespmem:$0x18520];
	_ =	sdelay $0x4  }
0x325: {  	[tilespmem:$0x1FC60] =	vst v0;
	v0 =	vld [tilespmem:$0x18D20];
	_ =	sdelay $0x4  }
0x326: {  	[tilespmem:$0x1FC80] =	vst v0;
	v0 =	vld [tilespmem:$0x18610];
	_ =	sdelay $0x4  }
0x327: {  	[tilespmem:$0x1FCB0] =	vst v0;
	v0 =	vld [tilespmem:$0x18E10];
	_ =	sdelay $0x4  }
0x328: {  	[tilespmem:$0x1FCE0] =	vst v0;
	v0 =	vld [tilespmem:$0x18700];
	_ =	sdelay $0x4  }
0x329: {  	[tilespmem:$0x1FD10] =	vst v0;
	v0 =	vld [tilespmem:$0x18080];
	_ =	sdelay $0x4  }
0x32a: {  	[tilespmem:$0x1FC90] =	vst v0;
	v0 =	vld [tilespmem:$0x18880];
	_ =	sdelay $0x4  }
0x32b: {  	[tilespmem:$0x1FC10] =	vst v0;
	v0 =	vld [tilespmem:$0x18170];
	_ =	sdelay $0x4  }
0x32c: {  	[tilespmem:$0x1FCA0] =	vst v0;
	v0 =	vld [tilespmem:$0x18260];
	_ =	sdelay $0x4  }
0x32d: {  	[tilespmem:$0x1FCC0] =	vst v0;
	v0 =	vld [tilespmem:$0x18A60];
	_ =	sdelay $0x4  }
0x32e: {  	[tilespmem:$0x1FC70] =	vst v0;
	v0 =	vld [tilespmem:$0x18350];
	_ =	sdelay $0x4  }
0x32f: {  	[tilespmem:$0x1FCF0] =	vst v0;
	v0 =	vld [tilespmem:$0x18B50];
	_ =	sdelay $0x4  }
0x330: {  	[tilespmem:$0x1FCD0] =	vst v0;
	v0 =	vld [tilespmem:$0x18440];
	_ =	sdelay $0x4  }
0x331: {  	[tilespmem:$0x1FD20] =	vst v0;
	v0 =	vld [tilespmem:$0x18C40];
	_ =	sdelay $0x4  }
0x332: {  	[tilespmem:$0x1FD30] =	vst v0;
	v0 =	vld [tilespmem:$0x18530];
	_ =	sdelay $0x4  }
0x333: {  	[tilespmem:$0x1FD40] =	vst v0;
	v0 =	vld [tilespmem:$0x18D30];
	_ =	sdelay $0x4  }
0x334: {  	[tilespmem:$0x1FD60] =	vst v0;
	v0 =	vld [tilespmem:$0x18620];
	_ =	sdelay $0x4  }
0x335: {  	[tilespmem:$0x1FD70] =	vst v0;
	v0 =	vld [tilespmem:$0x18E20];
	_ =	sdelay $0x4  }
0x336: {  	[tilespmem:$0x1FDE0] =	vst v0;
	v0 =	vld [tilespmem:$0x18710];
	_ =	sdelay $0x4  }
0x337: {  	[tilespmem:$0x1FDF0] =	vst v0;
	v0 =	vld [tilespmem:$0x18F10];
	_ =	sdelay $0x4  }
0x338: {  	[tilespmem:$0x1FE40] =	vst v0;
	v0 =	vld [tilespmem:$0x18090];
	_ =	sdelay $0x4  }
0x339: {  	[tilespmem:$0x1FD80] =	vst v0;
	v0 =	vld [tilespmem:$0x18180];
	_ =	sdelay $0x4  }
0x33a: {  	[tilespmem:$0x1FD90] =	vst v0;
	v0 =	vld [tilespmem:$0x18270];
	_ =	sdelay $0x4  }
0x33b: {  	[tilespmem:$0x1FDA0] =	vst v0;
	v0 =	vld [tilespmem:$0x18A70];
	_ =	sdelay $0x4  }
0x33c: {  	[tilespmem:$0x1FD00] =	vst v0;
	v0 =	vld [tilespmem:$0x18360];
	_ =	sdelay $0x4  }
0x33d: {  	[tilespmem:$0x1FE00] =	vst v0;
	v0 =	vld [tilespmem:$0x18B60];
	_ =	sdelay $0x4  }
0x33e: {  	[tilespmem:$0x1FD50] =	vst v0;
	v0 =	vld [tilespmem:$0x18450];
	_ =	sdelay $0x4  }
0x33f: {  	[tilespmem:$0x1FE10] =	vst v0;
	v0 =	vld [tilespmem:$0x18C50];
	_ =	sdelay $0x4  }
0x340: {  	[tilespmem:$0x1FDB0] =	vst v0;
	v0 =	vld [tilespmem:$0x18540];
	_ =	sdelay $0x4  }
0x341: {  	[tilespmem:$0x1FE50] =	vst v0;
	v0 =	vld [tilespmem:$0x18D40];
	_ =	sdelay $0x4  }
0x342: {  	[tilespmem:$0x1FE20] =	vst v0;
	v0 =	vld [tilespmem:$0x18630];
	_ =	sdelay $0x4  }
0x343: {  	[tilespmem:$0x1FE60] =	vst v0;
	v0 =	vld [tilespmem:$0x18E30];
	_ =	sdelay $0x4  }
0x344: {  	[tilespmem:$0x1FE70] =	vst v0;
	v0 =	vld [tilespmem:$0x18720];
	_ =	sdelay $0x4  }
0x345: {  	[tilespmem:$0x1FE90] =	vst v0;
	v0 =	vld [tilespmem:$0x18F20];
	_ =	sdelay $0x4  }
0x346: {  	[tilespmem:$0x1FEC0] =	vst v0;
	v0 =	vld [tilespmem:$0x180A0];
	_ =	sdelay $0x4  }
0x347: {  	[tilespmem:$0x1FEA0] =	vst v0;
	v0 =	vld [tilespmem:$0x188A0];
	_ =	sdelay $0x4  }
0x348: {  	[tilespmem:$0x1FDC0] =	vst v0;
	v0 =	vld [tilespmem:$0x18190];
	_ =	sdelay $0x4  }
0x349: {  	[tilespmem:$0x1FEB0] =	vst v0;
	v0 =	vld [tilespmem:$0x18990];
	_ =	sdelay $0x4  }
0x34a: {  	[tilespmem:$0x1FDD0] =	vst v0;
	v0 =	vld [tilespmem:$0x18280];
	_ =	sdelay $0x4  }
0x34b: {  	[tilespmem:$0x1FED0] =	vst v0;
	v0 =	vld [tilespmem:$0x18A80];
	_ =	sdelay $0x4  }
0x34c: {  	[tilespmem:$0x1FE30] =	vst v0;
	v0 =	vld [tilespmem:$0x18370];
	_ =	sdelay $0x4  }
0x34d: {  	[tilespmem:$0x1FEF0] =	vst v0;
	v0 =	vld [tilespmem:$0x18B70];
	_ =	sdelay $0x4  }
0x34e: {  	[tilespmem:$0x1FE80] =	vst v0;
	v0 =	vld [tilespmem:$0x18460];
	_ =	sdelay $0x4  }
0x34f: {  	[tilespmem:$0x1FF20] =	vst v0;
	v0 =	vld [tilespmem:$0x18C60];
	_ =	sdelay $0x4  }
0x350: {  	[tilespmem:$0x1FEE0] =	vst v0;
	v0 =	vld [tilespmem:$0x18550];
	_ =	sdelay $0x4  }
0x351: {  	[tilespmem:$0x1FF50] =	vst v0;
	v0 =	vld [tilespmem:$0x18D50];
	_ =	sdelay $0x4  }
0x352: {  	[tilespmem:$0x1FF30] =	vst v0;
	v0 =	vld [tilespmem:$0x18640];
	_ =	sdelay $0x4  }
0x353: {  	[tilespmem:$0x1FF70] =	vst v0;
	v0 =	vld [tilespmem:$0x18E40];
	_ =	sdelay $0x4  }
0x354: {  	[tilespmem:$0x1FF80] =	vst v0;
	v0 =	vld [tilespmem:$0x18730];
	_ =	sdelay $0x4  }
0x355: {  	[tilespmem:$0x1FFB0] =	vst v0;
	v0 =	vld [tilespmem:$0x18F30];
	_ =	sdelay $0x4  }
0x356: {  	[tilespmem:$0x1FFC0] =	vst v0;
	v0 =	vld [tilespmem:$0x180B0];
	_ =	sdelay $0x4  }
0x357: {  	[tilespmem:$0x1FF00] =	vst v0;
	v0 =	vld [tilespmem:$0x181A0];
	_ =	sdelay $0x3  }
0x358: {  	v20 =	vadd.f32 v20, v23  }
0x359: {  	v46 =	vadd.s32 v46, v37;
	[tilespmem:$0x1FF10] =	vst v0;
	v0 =	vld [tilespmem:$0x1F7D0]  }
0x35a: {  	v20 =	vadd.f32 v22, v20;
	v22 =	vadd.s32 v41, v46  }
0x35b: {  	v47 =	vadd.s32 v47, v22  }
0x35c: {  	v13 =	vadd.f32 v13, v15;
	v15 =	vadd.s32 v53, v47  }
0x35d: {  	v20 =	vadd.f32 v27, v20;
	v15 =	vadd.s32 v58, v15  }
0x35e: {  	v23 =	vadd.s32 v0, v15;
	v0 =	vld [tilespmem:$0x1F7E0]  }
0x35f: {  	v20 =	vadd.f32 v33, v20;
	_ =	sdelay $0x1  }
0x360: {  	v57 =	vadd.f32 v57, v20;
	_ =	sdelay $0x1  }
0x361: {  	v27 =	vadd.f32 v0, v57;
	v0 =	vld [tilespmem:$0x18290];
	_ =	sdelay $0x4  }
0x362: {  	[tilespmem:$0x1FF40] =	vst v0;
	v0 =	vld [tilespmem:$0x1F7F0];
	_ =	sdelay $0x3  }
0x363: {  	v58 =	vadd.s32 v38, v30  }
0x364: {  	v20 =	vadd.s32 v32, v58;
	v32 =	vadd.s32 v0, v23;
	v0 =	vld [tilespmem:$0x1F800];
	_ =	sdelay $0x1  }
0x365: {  	v13 =	vadd.f32 v17, v13;
	_ =	sdelay $0x1  }
0x366: {  	v13 =	vadd.f32 v28, v13;
	v28 =	vadd.s32 v44, v20  }
0x367: {  	v17 =	vadd.s32 v48, v28;
	v28 =	vadd.f32 v0, v27;
	v0 =	vld [tilespmem:$0x1F810];
	_ =	sdelay $0x2  }
0x368: {  	v13 =	vadd.f32 v45, v13;
	_ =	sdelay $0x1  }
0x369: {  	v13 =	vadd.f32 v0, v13;
	v0 =	vld [tilespmem:$0x18380];
	_ =	sdelay $0x2  }
0x36a: {  	v12 =	vld [tilespmem:$0x18820]  }
0x36b: {  	v11 =	vld [tilespmem:$0x18910]  }
0x36c: {  	[tilespmem:$0x1FF60] =	vst v0;
	v0 =	vld [tilespmem:$0x1F820];
	_ =	sdelay $0x3  }
0x36d: {  	v37 =	vadd.s32 v63, v17  }
0x36e: {  	v11 =	vadd.f32 v11, v12;
	v12 =	vadd.s32 v0, v37;
	v0 =	vld [tilespmem:$0x1F830];
	_ =	sdelay $0x4  }
0x36f: {  	v13 =	vadd.f32 v0, v13;
	v0 =	vld [tilespmem:$0x18470];
	_ =	sdelay $0x4  }
0x370: {  	[tilespmem:$0x1FF90] =	vst v0;
	v0 =	vld [tilespmem:$0x1F840]  }
0x371: {  	v54 =	vld [tilespmem:$0x18020]  }
0x372: {  	v42 =	vld [tilespmem:$0x18110]  }
0x373: {  	v55 =	vld [tilespmem:$0x18200]  }
0x374: {  	v60 =	vld [tilespmem:$0x182F0]  }
0x375: {  	v44 =	vadd.s32 v0, v12;
	v0 =	vld [tilespmem:$0x1F850];
	_ =	sdelay $0x1  }
0x376: {  	v38 =	vadd.s32 v54, v42  }
0x377: {  	v15 =	vadd.s32 v55, v38  }
0x378: {  	v15 =	vadd.s32 v60, v15  }
0x379: {  	v47 =	vadd.s32 v0, v15;
	v0 =	vld [tilespmem:$0x1F860];
	_ =	sdelay $0x3  }
0x37a: {  	v18 =	vld [tilespmem:$0x18A00]  }
0x37b: {  	v42 =	vadd.f32 v0, v13;
	v0 =	vld [tilespmem:$0x1F870]  }
0x37c: {  	v29 =	vld [tilespmem:$0x18AF0];
	_ =	sdelay $0x1  }
0x37d: {  	v49 =	vld [tilespmem:$0x18BE0]  }
0x37e: {  	v11 =	vadd.f32 v18, v11  }
0x37f: {  	v12 =	vadd.s32 v0, v47;
	v0 =	vld [tilespmem:$0x1F880]  }
0x380: {  	v11 =	vadd.f32 v29, v11;
	_ =	sdelay $0x1  }
0x381: {  	v11 =	vadd.f32 v49, v11;
	_ =	sdelay $0x1  }
0x382: {  	v11 =	vadd.f32 v0, v11;
	v0 =	vld [tilespmem:$0x18560];
	_ =	sdelay $0x4  }
0x383: {  	[tilespmem:$0x1FFA0] =	vst v0;
	v0 =	vld [tilespmem:$0x1F890];
	_ =	sdelay $0x3  }
0x384: {  	v61 =	vld [tilespmem:$0x18120]  }
0x385: {  	v12 =	vadd.s32 v0, v12;
	v0 =	vld [tilespmem:$0x1F8A0];
	_ =	sdelay $0x4  }
0x386: {  	v49 =	vadd.s32 v0, v61;
	v0 =	vld [tilespmem:$0x1F8B0];
	_ =	sdelay $0x3  }
0x387: {  	v16 =	vld [tilespmem:$0x18830]  }
0x388: {  	v11 =	vadd.f32 v0, v11;
	v0 =	vld [tilespmem:$0x1F8C0]  }
0x389: {  	v14 =	vld [tilespmem:$0x18920];
	_ =	sdelay $0x1  }
0x38a: {  	v24 =	vld [tilespmem:$0x18A10]  }
0x38b: {  	v39 =	vld [tilespmem:$0x18B00]  }
0x38c: {  	v53 =	vadd.s32 v0, v49;
	v0 =	vld [tilespmem:$0x1F8D0]  }
0x38d: {  	v41 =	vadd.f32 v14, v16;
	_ =	sdelay $0x1  }
0x38e: {  	v48 =	vadd.f32 v24, v41;
	_ =	sdelay $0x1  }
0x38f: {  	v15 =	vadd.f32 v39, v48;
	v48 =	vadd.s32 v0, v12;
	v0 =	vld [tilespmem:$0x1F8E0];
	_ =	sdelay $0x4  }
0x390: {  	v54 =	vadd.s32 v0, v53;
	v0 =	vld [tilespmem:$0x1F8F0];
	_ =	sdelay $0x4  }
0x391: {  	v55 =	vadd.f32 v0, v15;
	v0 =	vld [tilespmem:$0x1F900];
	_ =	sdelay $0x4  }
0x392: {  	v47 =	vadd.f32 v0, v11;
	v0 =	vld [tilespmem:$0x1F910];
	_ =	sdelay $0x4  }
0x393: {  	v11 =	vadd.s32 v0, v54;
	v0 =	vld [tilespmem:$0x1F920];
	_ =	sdelay $0x4  }
0x394: {  	v57 =	vadd.s32 v0, v11;
	v0 =	vld [tilespmem:$0x1F930];
	_ =	sdelay $0x3  }
0x395: {  	v11 =	vld [tilespmem:$0x1F950]  }
0x396: {  	v58 =	vadd.f32 v0, v55;
	v0 =	vld [tilespmem:$0x1F940];
	_ =	sdelay $0x4  }
0x397: {  	v60 =	vadd.s32 v0, v11;
	v0 =	vld [tilespmem:$0x18F40];
	_ =	sdelay $0x4  }
0x398: {  	[tilespmem:$0x1FFD0] =	vst v0;
	v0 =	vld [tilespmem:$0x1F960];
	_ =	sdelay $0x4  }
0x399: {  	v61 =	vadd.s32 v0, v60;
	v0 =	vld [tilespmem:$0x1F970];
	_ =	sdelay $0x4  }
0x39a: {  	v24 =	vadd.s32 v0, v57;
	v0 =	vld [tilespmem:$0x1F980];
	_ =	sdelay $0x1  }
0x39b: {  	v25 =	vld [tilespmem:$0x18840]  }
0x39c: {  	v21 =	vld [tilespmem:$0x18930]  }
0x39d: {  	v34 =	vld [tilespmem:$0x18A20]  }
0x39e: {  	v63 =	vadd.f32 v0, v58;
	v0 =	vld [tilespmem:$0x1F990];
	_ =	sdelay $0x2  }
0x39f: {  	v21 =	vadd.f32 v21, v25;
	_ =	sdelay $0x1  }
0x3a0: {  	v21 =	vadd.f32 v34, v21;
	v34 =	vadd.s32 v0, v61;
	v0 =	vld [tilespmem:$0x1F9A0];
	_ =	sdelay $0x2  }
0x3a1: {  	v56 =	vld [tilespmem:$0x18B10];
	_ =	sdelay $0x1  }
0x3a2: {  	v34 =	vadd.s32 v0, v34;
	v0 =	vld [tilespmem:$0x1F9B0];
	_ =	sdelay $0x2  }
0x3a3: {  	v21 =	vadd.f32 v56, v21;
	_ =	sdelay $0x1  }
0x3a4: {  	v21 =	vadd.f32 v0, v21;
	v0 =	vld [tilespmem:$0x1F9C0];
	_ =	sdelay $0x4  }
0x3a5: {  	v49 =	vadd.s32 v0, v24;
	v0 =	vld [tilespmem:$0x1F9D0];
	_ =	sdelay $0x4  }
0x3a6: {  	v53 =	vadd.f32 v0, v63;
	v0 =	vld [tilespmem:$0x1F9E0];
	_ =	sdelay $0x4  }
0x3a7: {  	v12 =	vadd.s32 v0, v34;
	v0 =	vld [tilespmem:$0x1F9F0];
	_ =	sdelay $0x3  }
0x3a8: {  	v11 =	vld [tilespmem:$0x1FA10]  }
0x3a9: {  	v13 =	vadd.f32 v0, v21;
	v0 =	vld [tilespmem:$0x1FA00];
	_ =	sdelay $0x4  }
0x3aa: {  	v14 =	vadd.s32 v0, v11;
	v0 =	vld [tilespmem:$0x1FA20];
	_ =	sdelay $0x4  }
0x3ab: {  	v24 =	vadd.s32 v0, v12;
	v0 =	vld [tilespmem:$0x1FA30];
	_ =	sdelay $0x2  }
0x3ac: {  	v26 =	vld [tilespmem:$0x18850]  }
0x3ad: {  	v19 =	vld [tilespmem:$0x18940]  }
0x3ae: {  	v34 =	vadd.s32 v0, v14;
	v0 =	vld [tilespmem:$0x1FA40];
	_ =	sdelay $0x4  }
0x3af: {  	v19 =	vadd.f32 v19, v26;
	v26 =	vadd.f32 v0, v13;
	v0 =	vld [tilespmem:$0x1FA50]  }
0x3b0: {  	v36 =	vld [tilespmem:$0x18A30];
	_ =	sdelay $0x1  }
0x3b1: {  	v62 =	vld [tilespmem:$0x18B20];
	_ =	sdelay $0x1  }
0x3b2: {  	v34 =	vadd.s32 v0, v34;
	v0 =	vld [tilespmem:$0x1FA60]  }
0x3b3: {  	v36 =	vadd.f32 v36, v19;
	_ =	sdelay $0x1  }
0x3b4: {  	v36 =	vadd.f32 v62, v36;
	_ =	sdelay $0x1  }
0x3b5: {  	v15 =	vadd.f32 v0, v36;
	v0 =	vld [tilespmem:$0x1FA70];
	_ =	sdelay $0x4  }
0x3b6: {  	v54 =	vadd.s32 v0, v24;
	v0 =	vld [tilespmem:$0x1FA80];
	_ =	sdelay $0x1  }
0x3b7: {  	v35 =	vld [tilespmem:$0x18860]  }
0x3b8: {  	v31 =	vld [tilespmem:$0x18950]  }
0x3b9: {  	v50 =	vld [tilespmem:$0x18A40]  }
0x3ba: {  	v16 =	vadd.s32 v0, v34;
	v0 =	vld [tilespmem:$0x1FA90];
	_ =	sdelay $0x2  }
0x3bb: {  	v35 =	vadd.f32 v31, v35;
	_ =	sdelay $0x1  }
0x3bc: {  	v55 =	vadd.f32 v50, v35;
	v50 =	vadd.f32 v0, v26;
	v0 =	vld [tilespmem:$0x1FAA0];
	_ =	sdelay $0x4  }
0x3bd: {  	v24 =	vadd.s32 v0, v16;
	v0 =	vld [tilespmem:$0x1FAB0];
	_ =	sdelay $0x4  }
0x3be: {  	v56 =	vadd.f32 v0, v15;
	v0 =	vld [tilespmem:$0x1FAC0];
	_ =	sdelay $0x3  }
0x3bf: {  	v11 =	vld [tilespmem:$0x1FAE0]  }
0x3c0: {  	v24 =	vadd.s32 v0, v24;
	v0 =	vld [tilespmem:$0x1FAD0];
	_ =	sdelay $0x4  }
0x3c1: {  	v57 =	vadd.s32 v0, v11;
	v0 =	vld [tilespmem:$0x1FAF0];
	_ =	sdelay $0x4  }
0x3c2: {  	v34 =	vadd.f32 v0, v55;
	v0 =	vld [tilespmem:$0x1FB00];
	_ =	sdelay $0x4  }
0x3c3: {  	v26 =	vadd.f32 v0, v56;
	v0 =	vld [tilespmem:$0x1FB10];
	_ =	sdelay $0x2  }
0x3c4: {  	v51 =	vld [tilespmem:$0x18870]  }
0x3c5: {  	v43 =	vld [tilespmem:$0x18960]  }
0x3c6: {  	v35 =	vadd.s32 v0, v57;
	v0 =	vld [tilespmem:$0x1FB20];
	_ =	sdelay $0x4  }
0x3c7: {  	v58 =	vadd.f32 v43, v51;
	v51 =	vadd.s32 v0, v24;
	v0 =	vld [tilespmem:$0x1FB30];
	_ =	sdelay $0x4  }
0x3c8: {  	v60 =	vadd.s32 v0, v35;
	v0 =	vld [tilespmem:$0x1FB40];
	_ =	sdelay $0x4  }
0x3c9: {  	v61 =	vadd.f32 v0, v34;
	v0 =	vld [tilespmem:$0x1FB50];
	_ =	sdelay $0x4  }
0x3ca: {  	v55 =	vadd.f32 v0, v26;
	v0 =	vld [tilespmem:$0x1FB60];
	_ =	sdelay $0x4  }
0x3cb: {  	v24 =	vadd.s32 v0, v60;
	v0 =	vld [tilespmem:$0x1FB70];
	_ =	sdelay $0x4  }
0x3cc: {  	v62 =	vadd.f32 v0, v58;
	v0 =	vld [tilespmem:$0x1FB80];
	_ =	sdelay $0x4  }
0x3cd: {  	v24 =	vadd.s32 v0, v24;
	v0 =	vld [tilespmem:$0x1FB90];
	_ =	sdelay $0x3  }
0x3ce: {  	v11 =	vld [tilespmem:$0x1FBB0]  }
0x3cf: {  	v63 =	vadd.f32 v0, v61;
	v0 =	vld [tilespmem:$0x1FBA0];
	_ =	sdelay $0x4  }
0x3d0: {  	v12 =	vadd.s32 v0, v11;
	v0 =	vld [tilespmem:$0x1FBC0];
	_ =	sdelay $0x4  }
0x3d1: {  	v13 =	vadd.s32 v0, v24;
	v0 =	vld [tilespmem:$0x1FBD0];
	_ =	sdelay $0x4  }
0x3d2: {  	v14 =	vadd.s32 v0, v12;
	v0 =	vld [tilespmem:$0x1FBE0];
	_ =	sdelay $0x4  }
0x3d3: {  	v56 =	vadd.f32 v0, v62;
	v0 =	vld [tilespmem:$0x1FBF0];
	_ =	sdelay $0x4  }
0x3d4: {  	v57 =	vadd.f32 v0, v63;
	v0 =	vld [tilespmem:$0x1FC00];
	_ =	sdelay $0x3  }
0x3d5: {  	v59 =	vld [tilespmem:$0x18970]  }
0x3d6: {  	v15 =	vadd.s32 v0, v14;
	v0 =	vld [tilespmem:$0x1FC10];
	_ =	sdelay $0x4  }
0x3d7: {  	v59 =	vadd.f32 v59, v0;
	v0 =	vld [tilespmem:$0x1FC20];
	_ =	sdelay $0x4  }
0x3d8: {  	v58 =	vadd.s32 v0, v13;
	v0 =	vld [tilespmem:$0x1FC30];
	_ =	sdelay $0x4  }
0x3d9: {  	v60 =	vadd.s32 v0, v15;
	v0 =	vld [tilespmem:$0x1FC40];
	_ =	sdelay $0x4  }
0x3da: {  	v56 =	vadd.f32 v0, v56;
	v0 =	vld [tilespmem:$0x1FC50];
	_ =	sdelay $0x4  }
0x3db: {  	v57 =	vadd.f32 v0, v57;
	v0 =	vld [tilespmem:$0x1FC60];
	_ =	sdelay $0x4  }
0x3dc: {  	v60 =	vadd.s32 v0, v60;
	v0 =	vld [tilespmem:$0x1FC70];
	_ =	sdelay $0x4  }
0x3dd: {  	v59 =	vadd.f32 v0, v59;
	v0 =	vld [tilespmem:$0x1FC80];
	_ =	sdelay $0x3  }
0x3de: {  	v11 =	vld [tilespmem:$0x1FCA0]  }
0x3df: {  	v56 =	vadd.f32 v0, v56;
	v0 =	vld [tilespmem:$0x1FC90];
	_ =	sdelay $0x4  }
0x3e0: {  	v16 =	vadd.s32 v0, v11;
	v0 =	vld [tilespmem:$0x1FCB0];
	_ =	sdelay $0x4  }
0x3e1: {  	v60 =	vadd.s32 v0, v60;
	v0 =	vld [tilespmem:$0x1FCC0];
	_ =	sdelay $0x4  }
0x3e2: {  	v63 =	vadd.s32 v0, v16;
	v0 =	vld [tilespmem:$0x1FCD0];
	_ =	sdelay $0x4  }
0x3e3: {  	v59 =	vadd.f32 v0, v59;
	v0 =	vld [tilespmem:$0x1FCE0];
	_ =	sdelay $0x4  }
0x3e4: {  	v56 =	vadd.f32 v0, v56;
	v0 =	vld [tilespmem:$0x1FCF0];
	_ =	sdelay $0x1  }
0x3e5: {  	v52 =	vld [tilespmem:$0x18890]  }
0x3e6: {  	v40 =	vld [tilespmem:$0x18980];
	_ =	sdelay $0x1  }
0x3e7: {  	v63 =	vadd.s32 v0, v63;
	v0 =	vld [tilespmem:$0x1FD00];
	_ =	sdelay $0x2  }
0x3e8: {  	v40 =	vadd.f32 v40, v52;
	_ =	sdelay $0x1  }
0x3e9: {  	v40 =	vadd.f32 v0, v40;
	v0 =	vld [tilespmem:$0x1FD10];
	_ =	sdelay $0x4  }
0x3ea: {  	v60 =	vadd.s32 v0, v60;
	v0 =	vld [tilespmem:$0x1FD20];
	_ =	sdelay $0x4  }
0x3eb: {  	v63 =	vadd.s32 v0, v63;
	v0 =	vld [tilespmem:$0x1FD30];
	_ =	sdelay $0x4  }
0x3ec: {  	v59 =	vadd.f32 v0, v59;
	v0 =	vld [tilespmem:$0x1FD40];
	_ =	sdelay $0x4  }
0x3ed: {  	v63 =	vadd.s32 v0, v63;
	v0 =	vld [tilespmem:$0x1FD50];
	_ =	sdelay $0x1  }
0x3ee: {  	v2 =	vld [tilespmem:$0x18F00]  }
0x3ef: {  	v30 =	vld [tilespmem:$0x188B0]  }
0x3f0: {  	v33 =	vld [tilespmem:$0x189A0]  }
0x3f1: {  	v40 =	vadd.f32 v0, v40;
	v0 =	vld [tilespmem:$0x1FD60]  }
0x3f2: {  	v20 =	vld [tilespmem:$0x18B80]  }
0x3f3: {  	v22 =	vld [tilespmem:$0x18C70]  }
0x3f4: {  	v17 =	vld [tilespmem:$0x18E50]  }
0x3f5: {  	v46 =	vld [tilespmem:$0x18740]  }
0x3f6: {  	v59 =	vadd.f32 v0, v59;
	v0 =	vld [tilespmem:$0x1FD70]  }
0x3f7: {  	[tilespmem:$0x18000] =	vst v32;
	v32 =	vld [tilespmem:$0x1FDE0]  }
0x3f8: {  	v45 =	vld [tilespmem:$0x189B0]  }
0x3f9: {  	v25 =	vld [tilespmem:$0x188C0]  }
0x3fa: {  	v56 =	vadd.f32 v2, v56;
	v2 =	vld [tilespmem:$0x1FD90]  }
0x3fb: {  	v63 =	vadd.s32 v0, v63;
	v0 =	vld [tilespmem:$0x1FD80]  }
0x3fc: {  	v32 =	vadd.f32 v32, v59;
	v59 =	vld [tilespmem:$0x1FDF0]  }
0x3fd: {  	v31 =	vld [tilespmem:$0x18390]  }
0x3fe: {  	[tilespmem:$0x18010] =	vst v44;
	v44 =	vld [tilespmem:$0x1FE40]  }
0x3ff: {  	v52 =	vld [tilespmem:$0x181C0]  }
0x400: {  	v0 =	vadd.s32 v0, v2;
	v2 =	vld [tilespmem:$0x1FDA0]  }
0x401: {  	v59 =	vadd.s32 v59, v63;
	v63 =	vld [tilespmem:$0x1FE00]  }
0x402: {  	[tilespmem:$0x18800] =	vst v28;
	v28 =	vld [tilespmem:$0x1FE10]  }
0x403: {  	v32 =	vadd.f32 v44, v32;
	v44 =	vld [tilespmem:$0x1FE50]  }
0x404: {  	[tilespmem:$0x18810] =	vst v42;
	v42 =	vld [tilespmem:$0x1FE60]  }
0x405: {  	[tilespmem:$0x18020] =	vst v48;
	v48 =	vld [tilespmem:$0x1FE90];
	v0 =	vadd.s32 v2, v0  }
0x406: {  	v30 =	vadd.f32 v33, v30;
	v33 =	vld [tilespmem:$0x18D80];
	v0 =	vadd.s32 v63, v0  }
0x407: {  	v18 =	vld [tilespmem:$0x180C0];
	v0 =	vadd.s32 v28, v0  }
0x408: {  	v2 =	vld [tilespmem:$0x1FDB0];
	v0 =	vadd.s32 v44, v0  }
0x409: {  	v44 =	vld [tilespmem:$0x1FEA0];
	v0 =	vadd.s32 v42, v0  }
0x40a: {  	v0 =	vadd.s32 v48, v0;
	v48 =	vld [tilespmem:$0x1FEB0]  }
0x40b: {  	v28 =	vld [tilespmem:$0x1FE20]  }
0x40c: {  	v19 =	vld [tilespmem:$0x181B0]  }
0x40d: {  	v42 =	vld [tilespmem:$0x1FE70]  }
0x40e: {  	v41 =	vld [tilespmem:$0x18AA0];
	v40 =	vadd.f32 v2, v40  }
0x40f: {  	v44 =	vadd.s32 v44, v48;
	v48 =	vld [tilespmem:$0x1FEC0]  }
0x410: {  	v29 =	vld [tilespmem:$0x18650];
	v28 =	vadd.f32 v28, v40  }
0x411: {  	v27 =	vld [tilespmem:$0x18A90]  }
0x412: {  	v14 =	vld [tilespmem:$0x1FDD0];
	v28 =	vadd.f32 v42, v28  }
0x413: {  	v2 =	vld [tilespmem:$0x1FDC0]  }
0x414: {  	v28 =	vadd.f32 v48, v28;
	v48 =	vld [tilespmem:$0x1FED0]  }
0x415: {  	v40 =	vld [tilespmem:$0x1FE30]  }
0x416: {  	v38 =	vld [tilespmem:$0x18480]  }
0x417: {  	v42 =	vld [tilespmem:$0x1FE80]  }
0x418: {  	v23 =	vld [tilespmem:$0x18D60];
	v27 =	vadd.f32 v27, v30;
	v2 =	vadd.f32 v14, v2  }
0x419: {  	v44 =	vadd.s32 v48, v44;
	v48 =	vld [tilespmem:$0x1FEE0]  }
0x41a: {  	v30 =	vld [tilespmem:$0x18E70];
	v20 =	vadd.f32 v20, v27;
	v2 =	vadd.f32 v40, v2  }
0x41b: {  	v27 =	vld [tilespmem:$0x18F60]  }
0x41c: {  	v20 =	vadd.f32 v22, v20;
	v22 =	vld [tilespmem:$0x188E0];
	v2 =	vadd.f32 v42, v2  }
0x41d: {  	v37 =	vld [tilespmem:$0x18C80]  }
0x41e: {  	v2 =	vadd.f32 v48, v2;
	v48 =	vld [tilespmem:$0x1FEF0]  }
0x41f: {  	[tilespmem:$0x18830] =	vst v53;
	v53 =	vld [tilespmem:$0x1FF20]  }
0x420: {  	v39 =	vld [tilespmem:$0x18660]  }
0x421: {  	[tilespmem:$0x18820] =	vst v47;
	v47 =	vld [tilespmem:$0x18760]  }
0x422: {  	v43 =	vld [tilespmem:$0x18570]  }
0x423: {  	[tilespmem:$0x18030] =	vst v49;
	v49 =	vld [tilespmem:$0x1FF10];
	v44 =	vadd.s32 v48, v44  }
0x424: {  	v44 =	vadd.s32 v53, v44;
	v53 =	vld [tilespmem:$0x1FF30]  }
0x425: {  	v21 =	vld [tilespmem:$0x182A0]  }
0x426: {  	v36 =	vld [tilespmem:$0x18B90]  }
0x427: {  	[tilespmem:$0x18040] =	vst v54;
	v54 =	vld [tilespmem:$0x1FF80]  }
0x428: {  	v48 =	vld [tilespmem:$0x1FF00]  }
0x429: {  	v2 =	vadd.f32 v53, v2;
	v53 =	vld [tilespmem:$0x1FF40]  }
0x42a: {  	[tilespmem:$0x18840] =	vst v50;
	v50 =	vld [tilespmem:$0x181D0]  }
0x42b: {  	[tilespmem:$0x18050] =	vst v51;
	v51 =	vld [tilespmem:$0x1FFD0]  }
0x42c: {  	v35 =	vld [tilespmem:$0x18750]  }
0x42d: {  	v34 =	vld [tilespmem:$0x18D70];
	v48 =	vadd.s32 v48, v49  }
0x42e: {  	v48 =	vadd.s32 v53, v48;
	v53 =	vld [tilespmem:$0x1FF50]  }
0x42f: {  	v26 =	vld [tilespmem:$0x18E60]  }
0x430: {  	[tilespmem:$0x18850] =	vst v55;
	v55 =	vld [tilespmem:$0x1FFC0]  }
0x431: {  	v61 =	vld [tilespmem:$0x180D0]  }
0x432: {  	v24 =	vld [tilespmem:$0x18F50]  }
0x433: {  	v44 =	vadd.s32 v53, v44;
	v53 =	vld [tilespmem:$0x1FF60]  }
0x434: {  	v12 =	vld [tilespmem:$0x18AB0]  }
0x435: {  	v62 =	vld [tilespmem:$0x188D0]  }
0x436: {  	v11 =	vld [tilespmem:$0x189C0]  }
0x437: {  	v13 =	vld [tilespmem:$0x18BA0]  }
0x438: {  	v48 =	vadd.s32 v53, v48;
	v53 =	vld [tilespmem:$0x1FF70]  }
0x439: {  	v15 =	vld [tilespmem:$0x183A0]  }
0x43a: {  	[tilespmem:$0x18860] =	vst v57;
	v57 =	vld [tilespmem:$0x18CA0]  }
0x43b: {  	v11 =	vadd.f32 v11, v62;
	v62 =	vld [tilespmem:$0x18770]  }
0x43c: {  	v16 =	vld [tilespmem:$0x182B0]  }
0x43d: {  	v44 =	vadd.s32 v53, v44;
	v53 =	vld [tilespmem:$0x1FF90]  }
0x43e: {  	v2 =	vadd.f32 v54, v2;
	v54 =	vld [tilespmem:$0x1FFA0]  }
0x43f: {  	[tilespmem:$0x18870] =	vst v56;
	v56 =	vadd.s32 v61, v52;
	v61 =	vld [tilespmem:$0x18E80]  }
0x440: {  	v63 =	vld [tilespmem:$0x18C90]  }
0x441: {  	v18 =	vadd.s32 v18, v19;
	v20 =	vadd.f32 v23, v20;
	v14 =	vld [tilespmem:$0x18490]  }
0x442: {  	v18 =	vadd.s32 v21, v18;
	v48 =	vadd.s32 v53, v48;
	v53 =	vadd.f32 v45, v25;
	v25 =	vld [tilespmem:$0x189D0]  }
0x443: {  	v18 =	vadd.s32 v31, v18;
	v48 =	vadd.s32 v54, v48;
	v54 =	vld [tilespmem:$0x1FFB0]  }
0x444: {  	v17 =	vadd.f32 v17, v20;
	v18 =	vadd.s32 v38, v18;
	v40 =	vld [tilespmem:$0x18580]  }
0x445: {  	v18 =	vadd.s32 v43, v18;
	[tilespmem:$0x18060] =	vst v58;
	v11 =	vadd.f32 v12, v11;
	v58 =	vadd.f32 v41, v53;
	v41 =	vld [tilespmem:$0x18AC0]  }
0x446: {  	v18 =	vadd.s32 v39, v18;
	v42 =	vld [tilespmem:$0x18670]  }
0x447: {  	v17 =	vadd.f32 v51, v17;
	v11 =	vadd.f32 v13, v11;
	v16 =	vadd.s32 v16, v56;
	v53 =	vld [tilespmem:$0x18BB0]  }
0x448: {  	[tilespmem:$0x18080] =	vst v59;
	v59 =	vld [tilespmem:$0x18D90];
	v19 =	vadd.f32 v36, v58;
	v44 =	vadd.s32 v54, v44;
	v54 =	vadd.f32 v25, v22  }
0x449: {  	[tilespmem:$0x188B0] =	vst v17;
	v18 =	vadd.s32 v35, v18;
	v15 =	vadd.s32 v15, v16;
	v11 =	vadd.f32 v63, v11;
	v49 =	vld [tilespmem:$0x180E0]  }
0x44a: {  	[tilespmem:$0x180C0] =	vst v18;
	v14 =	vadd.s32 v14, v15;
	v45 =	vld [tilespmem:$0x182C0];
	v19 =	vadd.f32 v37, v19;
	v12 =	vadd.f32 v41, v54  }
0x44b: {  	[tilespmem:$0x18070] =	vst v60;
	v14 =	vadd.s32 v40, v14;
	v2 =	vadd.f32 v55, v2;
	v29 =	vadd.s32 v29, v48;
	v48 =	vld [tilespmem:$0x183B0]  }
0x44c: {  	[tilespmem:$0x18090] =	vst v0;
	v14 =	vadd.s32 v42, v14;
	v55 =	vld [tilespmem:$0x184A0];
	v0 =	vadd.f32 v34, v19;
	v12 =	vadd.f32 v53, v12  }
0x44d: {  	v14 =	vadd.s32 v47, v14;
	[tilespmem:$0x188A0] =	vst v2;
	v2 =	vadd.f32 v33, v11;
	v58 =	vld [tilespmem:$0x18590]  }
0x44e: {  	v60 =	vld [tilespmem:$0x18680];
	[tilespmem:$0x18880] =	vst v32;
	v11 =	vadd.s32 v49, v50;
	v0 =	vadd.f32 v26, v0;
	v12 =	vadd.f32 v57, v12  }
0x44f: {  	v63 =	vld [tilespmem:$0x18F70];
	[tilespmem:$0x18890] =	vst v28;
	v2 =	vadd.f32 v30, v2;
	v46 =	vadd.s32 v46, v29;
	v11 =	vadd.s32 v45, v11  }
0x450: {  	[tilespmem:$0x180D0] =	vst v14;
	v11 =	vadd.s32 v48, v11;
	v0 =	vadd.f32 v24, v0;
	v12 =	vadd.f32 v59, v12  }
0x451: {  	[tilespmem:$0x180B0] =	vst v46;
	v11 =	vadd.s32 v55, v11  }
0x452: {  	[tilespmem:$0x188C0] =	vst v0;
	v0 =	vadd.f32 v27, v2;
	v2 =	vadd.s32 v58, v11;
	v11 =	vadd.f32 v61, v12  }
0x453: {  	[tilespmem:$0x180A0] =	vst v44;
	v2 =	vadd.s32 v60, v2  }
0x454: {  	[tilespmem:$0x188D0] =	vst v0;
	v0 =	vadd.s32 v62, v2;
	v2 =	vadd.f32 v63, v11  }
0x455: {  	[tilespmem:$0x180E0] =	vst v0  }
0x456: {  	[tilespmem:$0x188E0] =	vst v2  }
0x457: {  	[hbm4b:s14+s21] =	stream.strided.scatter [tilespmem:s18], [sflag:$0x3], $0x100, s22, s21, $0x38;
	[tilespmem:$0x19000] =	vst v63  }
0x458: {  	s24 =	sadd.s32 $0x1, s24;
	_ =	swait.ge [sflag:s23], $0x100  }
0x459: {  	p0 =	sne.s32 s24, s16;
	[sflag:s23] =	ssyncset.done $0x0  }
.Ltmp17:
0x45a: {  	[sflag:s23] =	ssyncadd.s32 $0xFFFFFF00;
	(pc) =	sbr.rel @p0 .LBB2_1-.Ltmp17, $4  }
0x45b: {  	[hbm4b:s15+s21] =	stream.strided.scatter [tilespmem:s19], [sflag:$0x3], $0x100, s22, s21, $0x38;
	[tilespmem:$0x19000] =	vst v63  }
0x45c: {  	_ =	swait.ge [sflag:s23], $0x100  }
0x45d: {  	[sflag:s23] =	ssyncset.done $0x0  }
0x45e: {  	[sflag:s23] =	ssyncadd.s32 $0xFFFFFF00  }
0x45f: {  	_ =	sfence.sel $0x180000  }
0x460: {  	[bflag:$0x0] =	sbarrier.arrive $0xFFFF  }
0x461: {  	_ =	strace $0x90000047  }
0x462: {  	s0 =	stileid.u32;
	[bflag:$0x2] =	sbarrier.arrive $0xFFFF  }
0x463: {  	p0 =	sne.s32 s0, $0x0;
	s0 =	rddreg [dreg:$0x4]  }
0x464: {  	s0 =	sadd.s32 @!p0 $0x100000, s0  }
0x465: {  	[sflag:s0] =	ssyncadd.tile.s32 @!p0 $0x1;
	_ =	shalt  }
.Lfunc_end2:
_tile_overlayer_lowered:
.L_overlay_start_2:
0x466: {  	(tag) =	ssettag $0x2  }
0x467: {  	s0 =	rddreg [dreg:$0x0];
	s2 =	stileid.u32  }
0x468: {  	s1 =	rddreg [dreg:$0x1];
	p0 =	sne.s32 s2, $0x0  }
0x469: {  	s3 =	rddreg [dreg:$0x2];
	[bflag:$0x3] =	sbarrier.arrive $0xFFFF;
	s2 =	simm.s32 @!p0 $0x1C03  }
0x46a: {  	[timem:s3], [sflag:s2] =	dma.local @!p0 [hbm:s0], s1  }
0x46b: {  	s0 =	simm.s32 @!p0 $0x3  }
0x46c: {  	_ =	swait.ge @!p0 [sflag:s0], s1  }
0x46d: {  	s1 =	ssub.s32 @!p0 $0x0, s1;
	[sflag:s0] =	ssyncset.done @!p0 $0x0  }
0x46e: {  	[sflag:s0] =	ssyncadd.s32 @!p0 s1  }
0x46f: {  	[bflag:$0x3] =	sbarrier.arrive $0xFFFF  }
0x470: {  	_ =	shalt  }

</sc_bundles>
